<compile_context>
chip_gen: v7x
topology: tpu7x:2x2x1
jax: 0.10.2.dev20260603
libtpu: 0.0.44.dev20260713+nightly
codegen_flags: <defaults>
</compile_context>

<pallas_src>
import functools

import numpy as np
import jax
import jax.numpy as jnp
from jax import lax
from jax.experimental import pallas as pl
from jax.experimental.pallas import tpu as pltpu
from jax.experimental.pallas import tpu_sc as plsc

_OC, _IC, _ORD, _K = 384, 192, 4, 5
_ROW = _ORD * _K * _K
_NR_IN = _IC * _K * _K * _ORD
_NR_OUT = 4 * _NR_IN
_NW = 32
_RPW = _NR_OUT // _NW
_CH = 96
_NCH = _RPW // _CH


def _row_table() -> np.ndarray:
    a = np.arange(_ROW).reshape(_ORD, _K, _K)
    perms = [np.rot90(np.roll(a, shift=r, axis=0), k=r, axes=(-2, -1)).reshape(_ROW)
             for r in range(4)]
    r_, ic_, y_, x_, h_ = np.meshgrid(
        np.arange(4), np.arange(_IC), np.arange(_K), np.arange(_K),
        np.arange(_ORD), indexing="ij")
    j = (h_ * _K + y_) * _K + x_
    src = np.stack(perms)[r_.ravel(), j.ravel()].reshape(j.shape)
    hp = src // (_K * _K)
    yp = (src % (_K * _K)) // _K
    xp = src % _K
    tab = (((ic_ * _K + yp) * _K + xp) * _ORD + hp).reshape(-1)
    return tab.astype(np.int32).reshape(_NW, _NCH, _CH)


_TAB = _row_table()

_MESH = plsc.VectorSubcoreMesh(core_axis_name="c", subcore_axis_name="s",
                               num_cores=2, num_subcores=16)


@functools.partial(
    pl.kernel,
    out_type=jax.ShapeDtypeStruct((_NR_OUT // _ORD, _ORD, _OC), jnp.float32),
    mesh=_MESH,
    scratch_types=[
        pltpu.VMEM((_NCH, _CH), jnp.int32),
        pltpu.VMEM((3, _CH, _OC), jnp.float32),
        pltpu.SemaphoreType.DMA,
        pltpu.SemaphoreType.DMA,
        pltpu.SemaphoreType.DMA,
        pltpu.SemaphoreType.DMA,
        pltpu.SemaphoreType.DMA,
        pltpu.SemaphoreType.DMA,
    ],
    compiler_params=pltpu.CompilerParams(needs_layout_passes=False),
)
def _bank(in3_hbm, tab_hbm, out3_hbm, idx_v, buf, *sems):
    in_hbm = in3_hbm.reshape(_NR_IN, _OC)
    out_hbm = out3_hbm.reshape(_NR_OUT, _OC)
    wid = lax.axis_index("s") * 2 + lax.axis_index("c")
    base = wid * _RPW
    pltpu.sync_copy(tab_hbm.at[wid], idx_v)
    gsems = sems[:3]
    osems = sems[3:]

    def gather(c):
        return pltpu.async_copy(in_hbm.at[idx_v.at[c]], buf.at[c % 3],
                                gsems[c % 3])

    def put(c):
        return pltpu.async_copy(buf.at[c % 3],
                                out_hbm.at[pl.ds(base + c * _CH, _CH)],
                                osems[c % 3])

    gh = {0: gather(0), 1: gather(1)}
    oh = {}
    for c in range(_NCH):
        gh[c].wait()
        oh[c] = put(c)
        n = c + 2
        if n < _NCH:
            if n - 3 >= 0:
                oh[n - 3].wait()
            gh[n] = gather(n)
    for c in range(_NCH - 3, _NCH):
        oh[c].wait()


def kernel(weight):
    in3 = weight.transpose(1, 3, 4, 2, 0).reshape(_NR_IN // _ORD, _ORD, _OC)
    out3 = _bank(in3, jnp.asarray(_TAB))
    out6 = out3.reshape(4, _IC, _K, _K, _ORD, _OC)
    return out6.transpose(5, 0, 1, 4, 2, 3)

# --- scband reference (transcript-rebuilt; emitter-appended) ---
"""Pipeline reference for scband-group-kernel-28192165331358 (READ-ONLY COPY).

The authoritative reference and input builder live on the scoring server;
editing this copy changes nothing except your own understanding.
"""

import jax, jax.numpy as jnp
import numpy as np

ORDER = 4
OC = 384
IC = 192
K = 5


def setup_inputs(seed: int = 0) -> dict:
    key = jax.random.key(seed)
    # torch kaiming_uniform_(a=sqrt(5)) on a 5D weight: fan_in = IC * ORDER * K * K,
    # gain = sqrt(2/(1+5)) = sqrt(1/3), bound = gain*sqrt(3/fan_in) = 1/sqrt(fan_in)
    fan_in = IC * ORDER * K * K
    bound = 1.0 / float(np.sqrt(fan_in))
    weight = jax.random.uniform(key, (OC, IC, ORDER, K, K), dtype=jnp.float32,
                                minval=-bound, maxval=bound)
    return {"weight": weight}


def _left_action_c4(r, signal):
    # Left regular action of rotation element r in C4 on a group signal
    # signal: (OC*IC, ORDER, K, K)
    # group axis: new[h] = old[(h - r) mod ORDER]  -> jnp.roll by +r
    # spatial axes: rotate the kernel by r * 90 degrees
    rolled = jnp.roll(signal, shift=r, axis=1)
    return jnp.rot90(rolled, k=r, axes=(-2, -1))


def reference(weight):
    # GroupKernel.sample_group_filter_bank
    signal = weight.reshape((OC * IC, ORDER, K, K))
    bank = jnp.stack([_left_action_c4(r, signal) for r in range(ORDER)], axis=0)
    # (ORDER, OC*IC, ORDER, K, K) -> (ORDER, OC, IC, ORDER, K, K)
    bank = bank.reshape((ORDER, OC, IC, ORDER, K, K))
    # permute(1, 0, 2, 3, 4, 5) -> (OC, ORDER, IC, ORDER, K, K)
    return jnp.transpose(bank, (1, 0, 2, 3, 4, 5))

if __name__ == "__main__":
    import jax
    _d = setup_inputs()
    print(jax.jit(kernel)(*tuple(_d.values())))

</pallas_src>

<mosaic_0001>
#map = affine_map<(d0, d1) -> (0, 0, 0)>
module attributes {stable_mosaic.version = 14 : i64} {
  func.func @_bank(%arg0: i32, %arg1: i32, %arg2: memref<4800x4x384xf32, #tpu.memory_space<hbm>>, %arg3: memref<32x25x96xi32, #tpu.memory_space<hbm>>, %arg4: memref<19200x4x384xf32, #tpu.memory_space<hbm>>, %arg5: memref<25x96xi32, #tpu.memory_space<vmem>>, %arg6: memref<3x96x384xf32, #tpu.memory_space<vmem>>, %arg7: memref<!tpu.dma_semaphore, #tpu.memory_space<semaphore_mem>>, %arg8: memref<!tpu.dma_semaphore, #tpu.memory_space<semaphore_mem>>, %arg9: memref<!tpu.dma_semaphore, #tpu.memory_space<semaphore_mem>>, %arg10: memref<!tpu.dma_semaphore, #tpu.memory_space<semaphore_mem>>, %arg11: memref<!tpu.dma_semaphore, #tpu.memory_space<semaphore_mem>>, %arg12: memref<!tpu.dma_semaphore, #tpu.memory_space<semaphore_mem>>) attributes {dimension_semantics = [#tpu.dimension_semantics<core_parallel>, #tpu.dimension_semantics<subcore_parallel>], iteration_bounds = array<i64: 2, 16>, scalar_prefetch = 0 : i64, scratch_operands = 8 : i64, tpu.core_type = #tpu.core_type<sc_vector_subcore>, window_params = [{transform_indices = #map}, {transform_indices = #map}, {transform_indices = #map}]} {
    %mul3A = arith.constant 2 : i32
    %mul3A_0 = arith.muli %arg1, %mul3A : i32
    %add3A = arith.addi %mul3A_0, %arg0 : i32
    %mul3A_1 = arith.constant 2400 : i32
    %mul3A_2 = arith.muli %add3A, %mul3A_1 : i32
    "tpu.region"() ({
      %run_scoped3A = tpu.sem_alloc : memref<!tpu.dma_semaphore, #tpu.memory_space<semaphore_mem>>
      %dma_start3A_1451 = arith.constant 0 : i32
      %dma_start3A_1452 = arith.constant 0 : i32
      %dma_start3A_1453 = tpu.memref_slice %arg3[%add3A, %dma_start3A_1451, %dma_start3A_1452] : memref<32x25x96xi32, #tpu.memory_space<hbm>> -> memref<1x25x96xi32, #tpu.memory_space<hbm>>
      %dma_start3A_1454 = tpu.memref_squeeze %dma_start3A_1453 : memref<1x25x96xi32, #tpu.memory_space<hbm>> -> memref<25x96xi32, #tpu.memory_space<hbm>>
      %dma_start3A_1455 = arith.constant 0 : i32
      %dma_start3A_1456 = arith.constant 0 : i32
      %dma_start3A_1457 = tpu.memref_slice %arg3[%add3A, %dma_start3A_1455, %dma_start3A_1456] : memref<32x25x96xi32, #tpu.memory_space<hbm>> -> memref<1x25x96xi32, #tpu.memory_space<hbm>>
      %dma_start3A_1458 = tpu.memref_squeeze %dma_start3A_1457 : memref<1x25x96xi32, #tpu.memory_space<hbm>> -> memref<25x96xi32, #tpu.memory_space<hbm>>
      tpu.enqueue_dma source(%dma_start3A_1458 : memref<25x96xi32, #tpu.memory_space<hbm>>) target(%arg5 : memref<25x96xi32, #tpu.memory_space<vmem>>) target_semaphore(%run_scoped3A : memref<!tpu.dma_semaphore, #tpu.memory_space<semaphore_mem>>)
      %dma_wait3A_1459 = arith.constant 0 : i32
      %dma_wait3A_1460 = arith.constant 0 : i32
      %dma_wait3A_1461 = tpu.memref_slice %arg3[%add3A, %dma_wait3A_1459, %dma_wait3A_1460] : memref<32x25x96xi32, #tpu.memory_space<hbm>> -> memref<1x25x96xi32, #tpu.memory_space<hbm>>
      %dma_wait3A_1462 = tpu.memref_squeeze %dma_wait3A_1461 : memref<1x25x96xi32, #tpu.memory_space<hbm>> -> memref<25x96xi32, #tpu.memory_space<hbm>>
      %dma_wait3A_1463 = arith.constant 0 : i32
      %dma_wait3A_1464 = arith.constant 0 : i32
      %dma_wait3A_1465 = tpu.memref_slice %arg3[%add3A, %dma_wait3A_1463, %dma_wait3A_1464] : memref<32x25x96xi32, #tpu.memory_space<hbm>> -> memref<1x25x96xi32, #tpu.memory_space<hbm>>
      %dma_wait3A_1466 = tpu.memref_squeeze %dma_wait3A_1465 : memref<1x25x96xi32, #tpu.memory_space<hbm>> -> memref<25x96xi32, #tpu.memory_space<hbm>>
      tpu.wait_dma2 semaphore(%run_scoped3A : memref<!tpu.dma_semaphore, #tpu.memory_space<semaphore_mem>>) src(%dma_wait3A_1466 : memref<25x96xi32, #tpu.memory_space<hbm>>) dst(%arg5 : memref<25x96xi32, #tpu.memory_space<vmem>>)
      tpu.yield
    }) : () -> ()
    %dma_start3A = arith.constant 0 : i32
    %dma_start3A_3 = arith.constant 0 : i32
    %dma_start3A_4 = arith.constant 0 : i32
    %dma_start3A_5 = arith.constant 0 : i32
    %dma_start3A_6 = tpu.memref_slice %arg6[%dma_start3A_3, %dma_start3A_4, %dma_start3A_5] : memref<3x96x384xf32, #tpu.memory_space<vmem>> -> memref<1x96x384xf32, #tpu.memory_space<vmem>>
    %dma_start3A_7 = tpu.memref_squeeze %dma_start3A_6 : memref<1x96x384xf32, #tpu.memory_space<vmem>> -> memref<96x384xf32, #tpu.memory_space<vmem>>
    %dma_start3A_8 = arith.constant 0 : i32
    %dma_start3A_9 = tpu.memref_slice %arg5[%dma_start3A, %dma_start3A_8] : memref<25x96xi32, #tpu.memory_space<vmem>> -> memref<1x96xi32, #tpu.memory_space<vmem>>
    %dma_start3A_10 = tpu.memref_squeeze %dma_start3A_9 : memref<1x96xi32, #tpu.memory_space<vmem>> -> memref<96xi32, #tpu.memory_space<vmem>>
    %dma_start3A_11 = tpu.memref_reshape %arg2 : memref<4800x4x384xf32, #tpu.memory_space<hbm>> -> memref<19200x384xf32, #tpu.memory_space<hbm>>
    %dma_start3A_12 = arith.constant 0 : i32
    %dma_start3A_13 = arith.constant 0 : i32
    %dma_start3A_14 = tpu.memref_slice %dma_start3A_11[%dma_start3A_12, %dma_start3A_13] : memref<19200x384xf32, #tpu.memory_space<hbm>> -> memref<19200x384xf32, #tpu.memory_space<hbm>>
    tpu.enqueue_indirect_dma source(%dma_start3A_14 : memref<19200x384xf32, #tpu.memory_space<hbm>>) target(%dma_start3A_7 : memref<96x384xf32, #tpu.memory_space<vmem>>) offsets(%dma_start3A_10 : memref<96xi32, #tpu.memory_space<vmem>>) semaphore(%arg7 : memref<!tpu.dma_semaphore, #tpu.memory_space<semaphore_mem>>)
    %dma_start3A_15 = arith.constant 1 : i32
    %dma_start3A_16 = arith.constant 1 : i32
    %dma_start3A_17 = arith.constant 0 : i32
    %dma_start3A_18 = arith.constant 0 : i32
    %dma_start3A_19 = tpu.memref_slice %arg6[%dma_start3A_16, %dma_start3A_17, %dma_start3A_18] : memref<3x96x384xf32, #tpu.memory_space<vmem>> -> memref<1x96x384xf32, #tpu.memory_space<vmem>>
    %dma_start3A_20 = tpu.memref_squeeze %dma_start3A_19 : memref<1x96x384xf32, #tpu.memory_space<vmem>> -> memref<96x384xf32, #tpu.memory_space<vmem>>
    %dma_start3A_21 = arith.constant 0 : i32
    %dma_start3A_22 = tpu.memref_slice %arg5[%dma_start3A_15, %dma_start3A_21] : memref<25x96xi32, #tpu.memory_space<vmem>> -> memref<1x96xi32, #tpu.memory_space<vmem>>
    %dma_start3A_23 = tpu.memref_squeeze %dma_start3A_22 : memref<1x96xi32, #tpu.memory_space<vmem>> -> memref<96xi32, #tpu.memory_space<vmem>>
    %dma_start3A_24 = tpu.memref_reshape %arg2 : memref<4800x4x384xf32, #tpu.memory_space<hbm>> -> memref<19200x384xf32, #tpu.memory_space<hbm>>
    %dma_start3A_25 = arith.constant 0 : i32
    %dma_start3A_26 = arith.constant 0 : i32
    %dma_start3A_27 = tpu.memref_slice %dma_start3A_24[%dma_start3A_25, %dma_start3A_26] : memref<19200x384xf32, #tpu.memory_space<hbm>> -> memref<19200x384xf32, #tpu.memory_space<hbm>>
    tpu.enqueue_indirect_dma source(%dma_start3A_27 : memref<19200x384xf32, #tpu.memory_space<hbm>>) target(%dma_start3A_20 : memref<96x384xf32, #tpu.memory_space<vmem>>) offsets(%dma_start3A_23 : memref<96xi32, #tpu.memory_space<vmem>>) semaphore(%arg8 : memref<!tpu.dma_semaphore, #tpu.memory_space<semaphore_mem>>)
    %dma_wait3A = arith.constant 0 : i32
    %dma_wait3A_28 = arith.constant 0 : i32
    %dma_wait3A_29 = arith.constant 0 : i32
    %dma_wait3A_30 = arith.constant 0 : i32
    %dma_wait3A_31 = tpu.memref_slice %arg6[%dma_wait3A_28, %dma_wait3A_29, %dma_wait3A_30] : memref<3x96x384xf32, #tpu.memory_space<vmem>> -> memref<1x96x384xf32, #tpu.memory_space<vmem>>
    %dma_wait3A_32 = tpu.memref_squeeze %dma_wait3A_31 : memref<1x96x384xf32, #tpu.memory_space<vmem>> -> memref<96x384xf32, #tpu.memory_space<vmem>>
    %dma_wait3A_33 = arith.constant 0 : i32
    %dma_wait3A_34 = tpu.memref_slice %arg5[%dma_wait3A, %dma_wait3A_33] : memref<25x96xi32, #tpu.memory_space<vmem>> -> memref<1x96xi32, #tpu.memory_space<vmem>>
    %dma_wait3A_35 = tpu.memref_squeeze %dma_wait3A_34 : memref<1x96xi32, #tpu.memory_space<vmem>> -> memref<96xi32, #tpu.memory_space<vmem>>
    %dma_wait3A_36 = tpu.memref_reshape %arg2 : memref<4800x4x384xf32, #tpu.memory_space<hbm>> -> memref<19200x384xf32, #tpu.memory_space<hbm>>
    %dma_wait3A_37 = arith.constant 0 : i32
    %dma_wait3A_38 = arith.constant 0 : i32
    %dma_wait3A_39 = tpu.memref_slice %dma_wait3A_36[%dma_wait3A_37, %dma_wait3A_38] : memref<19200x384xf32, #tpu.memory_space<hbm>> -> memref<19200x384xf32, #tpu.memory_space<hbm>>
    tpu.wait_indirect_dma semaphore(%arg7 : memref<!tpu.dma_semaphore, #tpu.memory_space<semaphore_mem>>) src(%dma_wait3A_39 : memref<19200x384xf32, #tpu.memory_space<hbm>>) dst(%dma_wait3A_32 : memref<96x384xf32, #tpu.memory_space<vmem>>)
    %add3A_40 = arith.constant 0 : i32
    %add3A_41 = arith.addi %mul3A_2, %add3A_40 : i32
    %dma_start3A_42 = arith.constant 0 : i32
    %dma_start3A_43 = arith.constant 0 : i32
    %dma_start3A_44 = arith.constant 0 : i32
    %dma_start3A_45 = tpu.memref_slice %arg6[%dma_start3A_42, %dma_start3A_43, %dma_start3A_44] : memref<3x96x384xf32, #tpu.memory_space<vmem>> -> memref<1x96x384xf32, #tpu.memory_space<vmem>>
    %dma_start3A_46 = tpu.memref_squeeze %dma_start3A_45 : memref<1x96x384xf32, #tpu.memory_space<vmem>> -> memref<96x384xf32, #tpu.memory_space<vmem>>
    %dma_start3A_47 = tpu.memref_reshape %arg4 : memref<19200x4x384xf32, #tpu.memory_space<hbm>> -> memref<76800x384xf32, #tpu.memory_space<hbm>>
    %dma_start3A_48 = arith.constant 0 : i32
    %dma_start3A_49 = tpu.memref_slice %dma_start3A_47[%add3A_41, %dma_start3A_48] : memref<76800x384xf32, #tpu.memory_space<hbm>> -> memref<96x384xf32, #tpu.memory_space<hbm>>
    %dma_start3A_50 = tpu.memref_reshape %arg4 : memref<19200x4x384xf32, #tpu.memory_space<hbm>> -> memref<76800x384xf32, #tpu.memory_space<hbm>>
    %dma_start3A_51 = arith.constant 0 : i32
    %dma_start3A_52 = tpu.memref_slice %dma_start3A_50[%add3A_41, %dma_start3A_51] : memref<76800x384xf32, #tpu.memory_space<hbm>> -> memref<96x384xf32, #tpu.memory_space<hbm>>
    %dma_start3A_53 = arith.constant 0 : i32
    %dma_start3A_54 = arith.constant 0 : i32
    %dma_start3A_55 = tpu.memref_slice %arg6[%dma_start3A_42, %dma_start3A_53, %dma_start3A_54] : memref<3x96x384xf32, #tpu.memory_space<vmem>> -> memref<1x96x384xf32, #tpu.memory_space<vmem>>
    %dma_start3A_56 = tpu.memref_squeeze %dma_start3A_55 : memref<1x96x384xf32, #tpu.memory_space<vmem>> -> memref<96x384xf32, #tpu.memory_space<vmem>>
    tpu.enqueue_dma source(%dma_start3A_56 : memref<96x384xf32, #tpu.memory_space<vmem>>) target(%dma_start3A_52 : memref<96x384xf32, #tpu.memory_space<hbm>>) target_semaphore(%arg10 : memref<!tpu.dma_semaphore, #tpu.memory_space<semaphore_mem>>)
    %dma_start3A_57 = arith.constant 2 : i32
    %dma_start3A_58 = arith.constant 2 : i32
    %dma_start3A_59 = arith.constant 0 : i32
    %dma_start3A_60 = arith.constant 0 : i32
    %dma_start3A_61 = tpu.memref_slice %arg6[%dma_start3A_58, %dma_start3A_59, %dma_start3A_60] : memref<3x96x384xf32, #tpu.memory_space<vmem>> -> memref<1x96x384xf32, #tpu.memory_space<vmem>>
    %dma_start3A_62 = tpu.memref_squeeze %dma_start3A_61 : memref<1x96x384xf32, #tpu.memory_space<vmem>> -> memref<96x384xf32, #tpu.memory_space<vmem>>
    %dma_start3A_63 = arith.constant 0 : i32
    %dma_start3A_64 = tpu.memref_slice %arg5[%dma_start3A_57, %dma_start3A_63] : memref<25x96xi32, #tpu.memory_space<vmem>> -> memref<1x96xi32, #tpu.memory_space<vmem>>
    %dma_start3A_65 = tpu.memref_squeeze %dma_start3A_64 : memref<1x96xi32, #tpu.memory_space<vmem>> -> memref<96xi32, #tpu.memory_space<vmem>>
    %dma_start3A_66 = tpu.memref_reshape %arg2 : memref<4800x4x384xf32, #tpu.memory_space<hbm>> -> memref<19200x384xf32, #tpu.memory_space<hbm>>
    %dma_start3A_67 = arith.constant 0 : i32
    %dma_start3A_68 = arith.constant 0 : i32
    %dma_start3A_69 = tpu.memref_slice %dma_start3A_66[%dma_start3A_67, %dma_start3A_68] : memref<19200x384xf32, #tpu.memory_space<hbm>> -> memref<19200x384xf32, #tpu.memory_space<hbm>>
    tpu.enqueue_indirect_dma source(%dma_start3A_69 : memref<19200x384xf32, #tpu.memory_space<hbm>>) target(%dma_start3A_62 : memref<96x384xf32, #tpu.memory_space<vmem>>) offsets(%dma_start3A_65 : memref<96xi32, #tpu.memory_space<vmem>>) semaphore(%arg9 : memref<!tpu.dma_semaphore, #tpu.memory_space<semaphore_mem>>)
    %dma_wait3A_70 = arith.constant 1 : i32
    %dma_wait3A_71 = arith.constant 1 : i32
    %dma_wait3A_72 = arith.constant 0 : i32
    %dma_wait3A_73 = arith.constant 0 : i32
    %dma_wait3A_74 = tpu.memref_slice %arg6[%dma_wait3A_71, %dma_wait3A_72, %dma_wait3A_73] : memref<3x96x384xf32, #tpu.memory_space<vmem>> -> memref<1x96x384xf32, #tpu.memory_space<vmem>>
    %dma_wait3A_75 = tpu.memref_squeeze %dma_wait3A_74 : memref<1x96x384xf32, #tpu.memory_space<vmem>> -> memref<96x384xf32, #tpu.memory_space<vmem>>
    %dma_wait3A_76 = arith.constant 0 : i32
    %dma_wait3A_77 = tpu.memref_slice %arg5[%dma_wait3A_70, %dma_wait3A_76] : memref<25x96xi32, #tpu.memory_space<vmem>> -> memref<1x96xi32, #tpu.memory_space<vmem>>
    %dma_wait3A_78 = tpu.memref_squeeze %dma_wait3A_77 : memref<1x96xi32, #tpu.memory_space<vmem>> -> memref<96xi32, #tpu.memory_space<vmem>>
    %dma_wait3A_79 = tpu.memref_reshape %arg2 : memref<4800x4x384xf32, #tpu.memory_space<hbm>> -> memref<19200x384xf32, #tpu.memory_space<hbm>>
    %dma_wait3A_80 = arith.constant 0 : i32
    %dma_wait3A_81 = arith.constant 0 : i32
    %dma_wait3A_82 = tpu.memref_slice %dma_wait3A_79[%dma_wait3A_80, %dma_wait3A_81] : memref<19200x384xf32, #tpu.memory_space<hbm>> -> memref<19200x384xf32, #tpu.memory_space<hbm>>
    tpu.wait_indirect_dma semaphore(%arg8 : memref<!tpu.dma_semaphore, #tpu.memory_space<semaphore_mem>>) src(%dma_wait3A_82 : memref<19200x384xf32, #tpu.memory_space<hbm>>) dst(%dma_wait3A_75 : memref<96x384xf32, #tpu.memory_space<vmem>>)
    %add3A_83 = arith.constant 96 : i32
    %add3A_84 = arith.addi %mul3A_2, %add3A_83 : i32
    %dma_start3A_85 = arith.constant 1 : i32
    %dma_start3A_86 = arith.constant 0 : i32
    %dma_start3A_87 = arith.constant 0 : i32
    %dma_start3A_88 = tpu.memref_slice %arg6[%dma_start3A_85, %dma_start3A_86, %dma_start3A_87] : memref<3x96x384xf32, #tpu.memory_space<vmem>> -> memref<1x96x384xf32, #tpu.memory_space<vmem>>
    %dma_start3A_89 = tpu.memref_squeeze %dma_start3A_88 : memref<1x96x384xf32, #tpu.memory_space<vmem>> -> memref<96x384xf32, #tpu.memory_space<vmem>>
    %dma_start3A_90 = tpu.memref_reshape %arg4 : memref<19200x4x384xf32, #tpu.memory_space<hbm>> -> memref<76800x384xf32, #tpu.memory_space<hbm>>
    %dma_start3A_91 = arith.constant 0 : i32
    %dma_start3A_92 = tpu.memref_slice %dma_start3A_90[%add3A_84, %dma_start3A_91] : memref<76800x384xf32, #tpu.memory_space<hbm>> -> memref<96x384xf32, #tpu.memory_space<hbm>>
    %dma_start3A_93 = tpu.memref_reshape %arg4 : memref<19200x4x384xf32, #tpu.memory_space<hbm>> -> memref<76800x384xf32, #tpu.memory_space<hbm>>
    %dma_start3A_94 = arith.constant 0 : i32
    %dma_start3A_95 = tpu.memref_slice %dma_start3A_93[%add3A_84, %dma_start3A_94] : memref<76800x384xf32, #tpu.memory_space<hbm>> -> memref<96x384xf32, #tpu.memory_space<hbm>>
    %dma_start3A_96 = arith.constant 0 : i32
    %dma_start3A_97 = arith.constant 0 : i32
    %dma_start3A_98 = tpu.memref_slice %arg6[%dma_start3A_85, %dma_start3A_96, %dma_start3A_97] : memref<3x96x384xf32, #tpu.memory_space<vmem>> -> memref<1x96x384xf32, #tpu.memory_space<vmem>>
    %dma_start3A_99 = tpu.memref_squeeze %dma_start3A_98 : memref<1x96x384xf32, #tpu.memory_space<vmem>> -> memref<96x384xf32, #tpu.memory_space<vmem>>
    tpu.enqueue_dma source(%dma_start3A_99 : memref<96x384xf32, #tpu.memory_space<vmem>>) target(%dma_start3A_95 : memref<96x384xf32, #tpu.memory_space<hbm>>) target_semaphore(%arg11 : memref<!tpu.dma_semaphore, #tpu.memory_space<semaphore_mem>>)
    %dma_wait3A_100 = arith.constant 0 : i32
    %dma_wait3A_101 = arith.constant 0 : i32
    %dma_wait3A_102 = arith.constant 0 : i32
    %dma_wait3A_103 = tpu.memref_slice %arg6[%dma_wait3A_100, %dma_wait3A_101, %dma_wait3A_102] : memref<3x96x384xf32, #tpu.memory_space<vmem>> -> memref<1x96x384xf32, #tpu.memory_space<vmem>>
    %dma_wait3A_104 = tpu.memref_squeeze %dma_wait3A_103 : memref<1x96x384xf32, #tpu.memory_space<vmem>> -> memref<96x384xf32, #tpu.memory_space<vmem>>
    %dma_wait3A_105 = tpu.memref_reshape %arg4 : memref<19200x4x384xf32, #tpu.memory_space<hbm>> -> memref<76800x384xf32, #tpu.memory_space<hbm>>
    %dma_wait3A_106 = arith.constant 0 : i32
    %dma_wait3A_107 = tpu.memref_slice %dma_wait3A_105[%add3A_41, %dma_wait3A_106] : memref<76800x384xf32, #tpu.memory_space<hbm>> -> memref<96x384xf32, #tpu.memory_space<hbm>>
    %dma_wait3A_108 = tpu.memref_reshape %arg4 : memref<19200x4x384xf32, #tpu.memory_space<hbm>> -> memref<76800x384xf32, #tpu.memory_space<hbm>>
    %dma_wait3A_109 = arith.constant 0 : i32
    %dma_wait3A_110 = tpu.memref_slice %dma_wait3A_108[%add3A_41, %dma_wait3A_109] : memref<76800x384xf32, #tpu.memory_space<hbm>> -> memref<96x384xf32, #tpu.memory_space<hbm>>
    %dma_wait3A_111 = arith.constant 0 : i32
    %dma_wait3A_112 = arith.constant 0 : i32
    %dma_wait3A_113 = tpu.memref_slice %arg6[%dma_wait3A_100, %dma_wait3A_111, %dma_wait3A_112] : memref<3x96x384xf32, #tpu.memory_space<vmem>> -> memref<1x96x384xf32, #tpu.memory_space<vmem>>
    %dma_wait3A_114 = tpu.memref_squeeze %dma_wait3A_113 : memref<1x96x384xf32, #tpu.memory_space<vmem>> -> memref<96x384xf32, #tpu.memory_space<vmem>>
    tpu.wait_dma2 semaphore(%arg10 : memref<!tpu.dma_semaphore, #tpu.memory_space<semaphore_mem>>) src(%dma_wait3A_114 : memref<96x384xf32, #tpu.memory_space<vmem>>) dst(%dma_wait3A_110 : memref<96x384xf32, #tpu.memory_space<hbm>>)
    %dma_start3A_115 = arith.constant 3 : i32
    %dma_start3A_116 = arith.constant 0 : i32
    %dma_start3A_117 = arith.constant 0 : i32
    %dma_start3A_118 = arith.constant 0 : i32
    %dma_start3A_119 = tpu.memref_slice %arg6[%dma_start3A_116, %dma_start3A_117, %dma_start3A_118] : memref<3x96x384xf32, #tpu.memory_space<vmem>> -> memref<1x96x384xf32, #tpu.memory_space<vmem>>
    %dma_start3A_120 = tpu.memref_squeeze %dma_start3A_119 : memref<1x96x384xf32, #tpu.memory_space<vmem>> -> memref<96x384xf32, #tpu.memory_space<vmem>>
    %dma_start3A_121 = arith.constant 0 : i32
    %dma_start3A_122 = tpu.memref_slice %arg5[%dma_start3A_115, %dma_start3A_121] : memref<25x96xi32, #tpu.memory_space<vmem>> -> memref<1x96xi32, #tpu.memory_space<vmem>>
    %dma_start3A_123 = tpu.memref_squeeze %dma_start3A_122 : memref<1x96xi32, #tpu.memory_space<vmem>> -> memref<96xi32, #tpu.memory_space<vmem>>
    %dma_start3A_124 = tpu.memref_reshape %arg2 : memref<4800x4x384xf32, #tpu.memory_space<hbm>> -> memref<19200x384xf32, #tpu.memory_space<hbm>>
    %dma_start3A_125 = arith.constant 0 : i32
    %dma_start3A_126 = arith.constant 0 : i32
    %dma_start3A_127 = tpu.memref_slice %dma_start3A_124[%dma_start3A_125, %dma_start3A_126] : memref<19200x384xf32, #tpu.memory_space<hbm>> -> memref<19200x384xf32, #tpu.memory_space<hbm>>
    tpu.enqueue_indirect_dma source(%dma_start3A_127 : memref<19200x384xf32, #tpu.memory_space<hbm>>) target(%dma_start3A_120 : memref<96x384xf32, #tpu.memory_space<vmem>>) offsets(%dma_start3A_123 : memref<96xi32, #tpu.memory_space<vmem>>) semaphore(%arg7 : memref<!tpu.dma_semaphore, #tpu.memory_space<semaphore_mem>>)
    %dma_wait3A_128 = arith.constant 2 : i32
    %dma_wait3A_129 = arith.constant 2 : i32
    %dma_wait3A_130 = arith.constant 0 : i32
    %dma_wait3A_131 = arith.constant 0 : i32
    %dma_wait3A_132 = tpu.memref_slice %arg6[%dma_wait3A_129, %dma_wait3A_130, %dma_wait3A_131] : memref<3x96x384xf32, #tpu.memory_space<vmem>> -> memref<1x96x384xf32, #tpu.memory_space<vmem>>
    %dma_wait3A_133 = tpu.memref_squeeze %dma_wait3A_132 : memref<1x96x384xf32, #tpu.memory_space<vmem>> -> memref<96x384xf32, #tpu.memory_space<vmem>>
    %dma_wait3A_134 = arith.constant 0 : i32
    %dma_wait3A_135 = tpu.memref_slice %arg5[%dma_wait3A_128, %dma_wait3A_134] : memref<25x96xi32, #tpu.memory_space<vmem>> -> memref<1x96xi32, #tpu.memory_space<vmem>>
    %dma_wait3A_136 = tpu.memref_squeeze %dma_wait3A_135 : memref<1x96xi32, #tpu.memory_space<vmem>> -> memref<96xi32, #tpu.memory_space<vmem>>
    %dma_wait3A_137 = tpu.memref_reshape %arg2 : memref<4800x4x384xf32, #tpu.memory_space<hbm>> -> memref<19200x384xf32, #tpu.memory_space<hbm>>
    %dma_wait3A_138 = arith.constant 0 : i32
    %dma_wait3A_139 = arith.constant 0 : i32
    %dma_wait3A_140 = tpu.memref_slice %dma_wait3A_137[%dma_wait3A_138, %dma_wait3A_139] : memref<19200x384xf32, #tpu.memory_space<hbm>> -> memref<19200x384xf32, #tpu.memory_space<hbm>>
    tpu.wait_indirect_dma semaphore(%arg9 : memref<!tpu.dma_semaphore, #tpu.memory_space<semaphore_mem>>) src(%dma_wait3A_140 : memref<19200x384xf32, #tpu.memory_space<hbm>>) dst(%dma_wait3A_133 : memref<96x384xf32, #tpu.memory_space<vmem>>)
    %add3A_141 = arith.constant 192 : i32
    %add3A_142 = arith.addi %mul3A_2, %add3A_141 : i32
    %dma_start3A_143 = arith.constant 2 : i32
    %dma_start3A_144 = arith.constant 0 : i32
    %dma_start3A_145 = arith.constant 0 : i32
    %dma_start3A_146 = tpu.memref_slice %arg6[%dma_start3A_143, %dma_start3A_144, %dma_start3A_145] : memref<3x96x384xf32, #tpu.memory_space<vmem>> -> memref<1x96x384xf32, #tpu.memory_space<vmem>>
    %dma_start3A_147 = tpu.memref_squeeze %dma_start3A_146 : memref<1x96x384xf32, #tpu.memory_space<vmem>> -> memref<96x384xf32, #tpu.memory_space<vmem>>
    %dma_start3A_148 = tpu.memref_reshape %arg4 : memref<19200x4x384xf32, #tpu.memory_space<hbm>> -> memref<76800x384xf32, #tpu.memory_space<hbm>>
    %dma_start3A_149 = arith.constant 0 : i32
    %dma_start3A_150 = tpu.memref_slice %dma_start3A_148[%add3A_142, %dma_start3A_149] : memref<76800x384xf32, #tpu.memory_space<hbm>> -> memref<96x384xf32, #tpu.memory_space<hbm>>
    %dma_start3A_151 = tpu.memref_reshape %arg4 : memref<19200x4x384xf32, #tpu.memory_space<hbm>> -> memref<76800x384xf32, #tpu.memory_space<hbm>>
    %dma_start3A_152 = arith.constant 0 : i32
    %dma_start3A_153 = tpu.memref_slice %dma_start3A_151[%add3A_142, %dma_start3A_152] : memref<76800x384xf32, #tpu.memory_space<hbm>> -> memref<96x384xf32, #tpu.memory_space<hbm>>
    %dma_start3A_154 = arith.constant 0 : i32
    %dma_start3A_155 = arith.constant 0 : i32
    %dma_start3A_156 = tpu.memref_slice %arg6[%dma_start3A_143, %dma_start3A_154, %dma_start3A_155] : memref<3x96x384xf32, #tpu.memory_space<vmem>> -> memref<1x96x384xf32, #tpu.memory_space<vmem>>
    %dma_start3A_157 = tpu.memref_squeeze %dma_start3A_156 : memref<1x96x384xf32, #tpu.memory_space<vmem>> -> memref<96x384xf32, #tpu.memory_space<vmem>>
    tpu.enqueue_dma source(%dma_start3A_157 : memref<96x384xf32, #tpu.memory_space<vmem>>) target(%dma_start3A_153 : memref<96x384xf32, #tpu.memory_space<hbm>>) target_semaphore(%arg12 : memref<!tpu.dma_semaphore, #tpu.memory_space<semaphore_mem>>)
    %dma_wait3A_158 = arith.constant 1 : i32
    %dma_wait3A_159 = arith.constant 0 : i32
    %dma_wait3A_160 = arith.constant 0 : i32
    %dma_wait3A_161 = tpu.memref_slice %arg6[%dma_wait3A_158, %dma_wait3A_159, %dma_wait3A_160] : memref<3x96x384xf32, #tpu.memory_space<vmem>> -> memref<1x96x384xf32, #tpu.memory_space<vmem>>
    %dma_wait3A_162 = tpu.memref_squeeze %dma_wait3A_161 : memref<1x96x384xf32, #tpu.memory_space<vmem>> -> memref<96x384xf32, #tpu.memory_space<vmem>>
    %dma_wait3A_163 = tpu.memref_reshape %arg4 : memref<19200x4x384xf32, #tpu.memory_space<hbm>> -> memref<76800x384xf32, #tpu.memory_space<hbm>>
    %dma_wait3A_164 = arith.constant 0 : i32
    %dma_wait3A_165 = tpu.memref_slice %dma_wait3A_163[%add3A_84, %dma_wait3A_164] : memref<76800x384xf32, #tpu.memory_space<hbm>> -> memref<96x384xf32, #tpu.memory_space<hbm>>
    %dma_wait3A_166 = tpu.memref_reshape %arg4 : memref<19200x4x384xf32, #tpu.memory_space<hbm>> -> memref<76800x384xf32, #tpu.memory_space<hbm>>
    %dma_wait3A_167 = arith.constant 0 : i32
    %dma_wait3A_168 = tpu.memref_slice %dma_wait3A_166[%add3A_84, %dma_wait3A_167] : memref<76800x384xf32, #tpu.memory_space<hbm>> -> memref<96x384xf32, #tpu.memory_space<hbm>>
    %dma_wait3A_169 = arith.constant 0 : i32
    %dma_wait3A_170 = arith.constant 0 : i32
    %dma_wait3A_171 = tpu.memref_slice %arg6[%dma_wait3A_158, %dma_wait3A_169, %dma_wait3A_170] : memref<3x96x384xf32, #tpu.memory_space<vmem>> -> memref<1x96x384xf32, #tpu.memory_space<vmem>>
    %dma_wait3A_172 = tpu.memref_squeeze %dma_wait3A_171 : memref<1x96x384xf32, #tpu.memory_space<vmem>> -> memref<96x384xf32, #tpu.memory_space<vmem>>
    tpu.wait_dma2 semaphore(%arg11 : memref<!tpu.dma_semaphore, #tpu.memory_space<semaphore_mem>>) src(%dma_wait3A_172 : memref<96x384xf32, #tpu.memory_space<vmem>>) dst(%dma_wait3A_168 : memref<96x384xf32, #tpu.memory_space<hbm>>)
    %dma_start3A_173 = arith.constant 4 : i32
    %dma_start3A_174 = arith.constant 1 : i32
    %dma_start3A_175 = arith.constant 0 : i32
    %dma_start3A_176 = arith.constant 0 : i32
    %dma_start3A_177 = tpu.memref_slice %arg6[%dma_start3A_174, %dma_start3A_175, %dma_start3A_176] : memref<3x96x384xf32, #tpu.memory_space<vmem>> -> memref<1x96x384xf32, #tpu.memory_space<vmem>>
    %dma_start3A_178 = tpu.memref_squeeze %dma_start3A_177 : memref<1x96x384xf32, #tpu.memory_space<vmem>> -> memref<96x384xf32, #tpu.memory_space<vmem>>
    %dma_start3A_179 = arith.constant 0 : i32
    %dma_start3A_180 = tpu.memref_slice %arg5[%dma_start3A_173, %dma_start3A_179] : memref<25x96xi32, #tpu.memory_space<vmem>> -> memref<1x96xi32, #tpu.memory_space<vmem>>
    %dma_start3A_181 = tpu.memref_squeeze %dma_start3A_180 : memref<1x96xi32, #tpu.memory_space<vmem>> -> memref<96xi32, #tpu.memory_space<vmem>>
    %dma_start3A_182 = tpu.memref_reshape %arg2 : memref<4800x4x384xf32, #tpu.memory_space<hbm>> -> memref<19200x384xf32, #tpu.memory_space<hbm>>
    %dma_start3A_183 = arith.constant 0 : i32
    %dma_start3A_184 = arith.constant 0 : i32
    %dma_start3A_185 = tpu.memref_slice %dma_start3A_182[%dma_start3A_183, %dma_start3A_184] : memref<19200x384xf32, #tpu.memory_space<hbm>> -> memref<19200x384xf32, #tpu.memory_space<hbm>>
    tpu.enqueue_indirect_dma source(%dma_start3A_185 : memref<19200x384xf32, #tpu.memory_space<hbm>>) target(%dma_start3A_178 : memref<96x384xf32, #tpu.memory_space<vmem>>) offsets(%dma_start3A_181 : memref<96xi32, #tpu.memory_space<vmem>>) semaphore(%arg8 : memref<!tpu.dma_semaphore, #tpu.memory_space<semaphore_mem>>)
    %dma_wait3A_186 = arith.constant 3 : i32
    %dma_wait3A_187 = arith.constant 0 : i32
    %dma_wait3A_188 = arith.constant 0 : i32
    %dma_wait3A_189 = arith.constant 0 : i32
    %dma_wait3A_190 = tpu.memref_slice %arg6[%dma_wait3A_187, %dma_wait3A_188, %dma_wait3A_189] : memref<3x96x384xf32, #tpu.memory_space<vmem>> -> memref<1x96x384xf32, #tpu.memory_space<vmem>>
    %dma_wait3A_191 = tpu.memref_squeeze %dma_wait3A_190 : memref<1x96x384xf32, #tpu.memory_space<vmem>> -> memref<96x384xf32, #tpu.memory_space<vmem>>
    %dma_wait3A_192 = arith.constant 0 : i32
    %dma_wait3A_193 = tpu.memref_slice %arg5[%dma_wait3A_186, %dma_wait3A_192] : memref<25x96xi32, #tpu.memory_space<vmem>> -> memref<1x96xi32, #tpu.memory_space<vmem>>
    %dma_wait3A_194 = tpu.memref_squeeze %dma_wait3A_193 : memref<1x96xi32, #tpu.memory_space<vmem>> -> memref<96xi32, #tpu.memory_space<vmem>>
    %dma_wait3A_195 = tpu.memref_reshape %arg2 : memref<4800x4x384xf32, #tpu.memory_space<hbm>> -> memref<19200x384xf32, #tpu.memory_space<hbm>>
    %dma_wait3A_196 = arith.constant 0 : i32
    %dma_wait3A_197 = arith.constant 0 : i32
    %dma_wait3A_198 = tpu.memref_slice %dma_wait3A_195[%dma_wait3A_196, %dma_wait3A_197] : memref<19200x384xf32, #tpu.memory_space<hbm>> -> memref<19200x384xf32, #tpu.memory_space<hbm>>
    tpu.wait_indirect_dma semaphore(%arg7 : memref<!tpu.dma_semaphore, #tpu.memory_space<semaphore_mem>>) src(%dma_wait3A_198 : memref<19200x384xf32, #tpu.memory_space<hbm>>) dst(%dma_wait3A_191 : memref<96x384xf32, #tpu.memory_space<vmem>>)
    %add3A_199 = arith.constant 288 : i32
    %add3A_200 = arith.addi %mul3A_2, %add3A_199 : i32
    %dma_start3A_201 = arith.constant 0 : i32
    %dma_start3A_202 = arith.constant 0 : i32
    %dma_start3A_203 = arith.constant 0 : i32
    %dma_start3A_204 = tpu.memref_slice %arg6[%dma_start3A_201, %dma_start3A_202, %dma_start3A_203] : memref<3x96x384xf32, #tpu.memory_space<vmem>> -> memref<1x96x384xf32, #tpu.memory_space<vmem>>
    %dma_start3A_205 = tpu.memref_squeeze %dma_start3A_204 : memref<1x96x384xf32, #tpu.memory_space<vmem>> -> memref<96x384xf32, #tpu.memory_space<vmem>>
    %dma_start3A_206 = tpu.memref_reshape %arg4 : memref<19200x4x384xf32, #tpu.memory_space<hbm>> -> memref<76800x384xf32, #tpu.memory_space<hbm>>
    %dma_start3A_207 = arith.constant 0 : i32
    %dma_start3A_208 = tpu.memref_slice %dma_start3A_206[%add3A_200, %dma_start3A_207] : memref<76800x384xf32, #tpu.memory_space<hbm>> -> memref<96x384xf32, #tpu.memory_space<hbm>>
    %dma_start3A_209 = tpu.memref_reshape %arg4 : memref<19200x4x384xf32, #tpu.memory_space<hbm>> -> memref<76800x384xf32, #tpu.memory_space<hbm>>
    %dma_start3A_210 = arith.constant 0 : i32
    %dma_start3A_211 = tpu.memref_slice %dma_start3A_209[%add3A_200, %dma_start3A_210] : memref<76800x384xf32, #tpu.memory_space<hbm>> -> memref<96x384xf32, #tpu.memory_space<hbm>>
    %dma_start3A_212 = arith.constant 0 : i32
    %dma_start3A_213 = arith.constant 0 : i32
    %dma_start3A_214 = tpu.memref_slice %arg6[%dma_start3A_201, %dma_start3A_212, %dma_start3A_213] : memref<3x96x384xf32, #tpu.memory_space<vmem>> -> memref<1x96x384xf32, #tpu.memory_space<vmem>>
    %dma_start3A_215 = tpu.memref_squeeze %dma_start3A_214 : memref<1x96x384xf32, #tpu.memory_space<vmem>> -> memref<96x384xf32, #tpu.memory_space<vmem>>
    tpu.enqueue_dma source(%dma_start3A_215 : memref<96x384xf32, #tpu.memory_space<vmem>>) target(%dma_start3A_211 : memref<96x384xf32, #tpu.memory_space<hbm>>) target_semaphore(%arg10 : memref<!tpu.dma_semaphore, #tpu.memory_space<semaphore_mem>>)
    %dma_wait3A_216 = arith.constant 2 : i32
    %dma_wait3A_217 = arith.constant 0 : i32
    %dma_wait3A_218 = arith.constant 0 : i32
    %dma_wait3A_219 = tpu.memref_slice %arg6[%dma_wait3A_216, %dma_wait3A_217, %dma_wait3A_218] : memref<3x96x384xf32, #tpu.memory_space<vmem>> -> memref<1x96x384xf32, #tpu.memory_space<vmem>>
    %dma_wait3A_220 = tpu.memref_squeeze %dma_wait3A_219 : memref<1x96x384xf32, #tpu.memory_space<vmem>> -> memref<96x384xf32, #tpu.memory_space<vmem>>
    %dma_wait3A_221 = tpu.memref_reshape %arg4 : memref<19200x4x384xf32, #tpu.memory_space<hbm>> -> memref<76800x384xf32, #tpu.memory_space<hbm>>
    %dma_wait3A_222 = arith.constant 0 : i32
    %dma_wait3A_223 = tpu.memref_slice %dma_wait3A_221[%add3A_142, %dma_wait3A_222] : memref<76800x384xf32, #tpu.memory_space<hbm>> -> memref<96x384xf32, #tpu.memory_space<hbm>>
    %dma_wait3A_224 = tpu.memref_reshape %arg4 : memref<19200x4x384xf32, #tpu.memory_space<hbm>> -> memref<76800x384xf32, #tpu.memory_space<hbm>>
    %dma_wait3A_225 = arith.constant 0 : i32
    %dma_wait3A_226 = tpu.memref_slice %dma_wait3A_224[%add3A_142, %dma_wait3A_225] : memref<76800x384xf32, #tpu.memory_space<hbm>> -> memref<96x384xf32, #tpu.memory_space<hbm>>
    %dma_wait3A_227 = arith.constant 0 : i32
    %dma_wait3A_228 = arith.constant 0 : i32
    %dma_wait3A_229 = tpu.memref_slice %arg6[%dma_wait3A_216, %dma_wait3A_227, %dma_wait3A_228] : memref<3x96x384xf32, #tpu.memory_space<vmem>> -> memref<1x96x384xf32, #tpu.memory_space<vmem>>
    %dma_wait3A_230 = tpu.memref_squeeze %dma_wait3A_229 : memref<1x96x384xf32, #tpu.memory_space<vmem>> -> memref<96x384xf32, #tpu.memory_space<vmem>>
    tpu.wait_dma2 semaphore(%arg12 : memref<!tpu.dma_semaphore, #tpu.memory_space<semaphore_mem>>) src(%dma_wait3A_230 : memref<96x384xf32, #tpu.memory_space<vmem>>) dst(%dma_wait3A_226 : memref<96x384xf32, #tpu.memory_space<hbm>>)
    %dma_start3A_231 = arith.constant 5 : i32
    %dma_start3A_232 = arith.constant 2 : i32
    %dma_start3A_233 = arith.constant 0 : i32
    %dma_start3A_234 = arith.constant 0 : i32
    %dma_start3A_235 = tpu.memref_slice %arg6[%dma_start3A_232, %dma_start3A_233, %dma_start3A_234] : memref<3x96x384xf32, #tpu.memory_space<vmem>> -> memref<1x96x384xf32, #tpu.memory_space<vmem>>
    %dma_start3A_236 = tpu.memref_squeeze %dma_start3A_235 : memref<1x96x384xf32, #tpu.memory_space<vmem>> -> memref<96x384xf32, #tpu.memory_space<vmem>>
    %dma_start3A_237 = arith.constant 0 : i32
    %dma_start3A_238 = tpu.memref_slice %arg5[%dma_start3A_231, %dma_start3A_237] : memref<25x96xi32, #tpu.memory_space<vmem>> -> memref<1x96xi32, #tpu.memory_space<vmem>>
    %dma_start3A_239 = tpu.memref_squeeze %dma_start3A_238 : memref<1x96xi32, #tpu.memory_space<vmem>> -> memref<96xi32, #tpu.memory_space<vmem>>
    %dma_start3A_240 = tpu.memref_reshape %arg2 : memref<4800x4x384xf32, #tpu.memory_space<hbm>> -> memref<19200x384xf32, #tpu.memory_space<hbm>>
    %dma_start3A_241 = arith.constant 0 : i32
    %dma_start3A_242 = arith.constant 0 : i32
    %dma_start3A_243 = tpu.memref_slice %dma_start3A_240[%dma_start3A_241, %dma_start3A_242] : memref<19200x384xf32, #tpu.memory_space<hbm>> -> memref<19200x384xf32, #tpu.memory_space<hbm>>
    tpu.enqueue_indirect_dma source(%dma_start3A_243 : memref<19200x384xf32, #tpu.memory_space<hbm>>) target(%dma_start3A_236 : memref<96x384xf32, #tpu.memory_space<vmem>>) offsets(%dma_start3A_239 : memref<96xi32, #tpu.memory_space<vmem>>) semaphore(%arg9 : memref<!tpu.dma_semaphore, #tpu.memory_space<semaphore_mem>>)
    %dma_wait3A_244 = arith.constant 4 : i32
    %dma_wait3A_245 = arith.constant 1 : i32
    %dma_wait3A_246 = arith.constant 0 : i32
    %dma_wait3A_247 = arith.constant 0 : i32
    %dma_wait3A_248 = tpu.memref_slice %arg6[%dma_wait3A_245, %dma_wait3A_246, %dma_wait3A_247] : memref<3x96x384xf32, #tpu.memory_space<vmem>> -> memref<1x96x384xf32, #tpu.memory_space<vmem>>
    %dma_wait3A_249 = tpu.memref_squeeze %dma_wait3A_248 : memref<1x96x384xf32, #tpu.memory_space<vmem>> -> memref<96x384xf32, #tpu.memory_space<vmem>>
    %dma_wait3A_250 = arith.constant 0 : i32
    %dma_wait3A_251 = tpu.memref_slice %arg5[%dma_wait3A_244, %dma_wait3A_250] : memref<25x96xi32, #tpu.memory_space<vmem>> -> memref<1x96xi32, #tpu.memory_space<vmem>>
    %dma_wait3A_252 = tpu.memref_squeeze %dma_wait3A_251 : memref<1x96xi32, #tpu.memory_space<vmem>> -> memref<96xi32, #tpu.memory_space<vmem>>
    %dma_wait3A_253 = tpu.memref_reshape %arg2 : memref<4800x4x384xf32, #tpu.memory_space<hbm>> -> memref<19200x384xf32, #tpu.memory_space<hbm>>
    %dma_wait3A_254 = arith.constant 0 : i32
    %dma_wait3A_255 = arith.constant 0 : i32
    %dma_wait3A_256 = tpu.memref_slice %dma_wait3A_253[%dma_wait3A_254, %dma_wait3A_255] : memref<19200x384xf32, #tpu.memory_space<hbm>> -> memref<19200x384xf32, #tpu.memory_space<hbm>>
    tpu.wait_indirect_dma semaphore(%arg8 : memref<!tpu.dma_semaphore, #tpu.memory_space<semaphore_mem>>) src(%dma_wait3A_256 : memref<19200x384xf32, #tpu.memory_space<hbm>>) dst(%dma_wait3A_249 : memref<96x384xf32, #tpu.memory_space<vmem>>)
    %add3A_257 = arith.constant 384 : i32
    %add3A_258 = arith.addi %mul3A_2, %add3A_257 : i32
    %dma_start3A_259 = arith.constant 1 : i32
    %dma_start3A_260 = arith.constant 0 : i32
    %dma_start3A_261 = arith.constant 0 : i32
    %dma_start3A_262 = tpu.memref_slice %arg6[%dma_start3A_259, %dma_start3A_260, %dma_start3A_261] : memref<3x96x384xf32, #tpu.memory_space<vmem>> -> memref<1x96x384xf32, #tpu.memory_space<vmem>>
    %dma_start3A_263 = tpu.memref_squeeze %dma_start3A_262 : memref<1x96x384xf32, #tpu.memory_space<vmem>> -> memref<96x384xf32, #tpu.memory_space<vmem>>
    %dma_start3A_264 = tpu.memref_reshape %arg4 : memref<19200x4x384xf32, #tpu.memory_space<hbm>> -> memref<76800x384xf32, #tpu.memory_space<hbm>>
    %dma_start3A_265 = arith.constant 0 : i32
    %dma_start3A_266 = tpu.memref_slice %dma_start3A_264[%add3A_258, %dma_start3A_265] : memref<76800x384xf32, #tpu.memory_space<hbm>> -> memref<96x384xf32, #tpu.memory_space<hbm>>
    %dma_start3A_267 = tpu.memref_reshape %arg4 : memref<19200x4x384xf32, #tpu.memory_space<hbm>> -> memref<76800x384xf32, #tpu.memory_space<hbm>>
    %dma_start3A_268 = arith.constant 0 : i32
    %dma_start3A_269 = tpu.memref_slice %dma_start3A_267[%add3A_258, %dma_start3A_268] : memref<76800x384xf32, #tpu.memory_space<hbm>> -> memref<96x384xf32, #tpu.memory_space<hbm>>
    %dma_start3A_270 = arith.constant 0 : i32
    %dma_start3A_271 = arith.constant 0 : i32
    %dma_start3A_272 = tpu.memref_slice %arg6[%dma_start3A_259, %dma_start3A_270, %dma_start3A_271] : memref<3x96x384xf32, #tpu.memory_space<vmem>> -> memref<1x96x384xf32, #tpu.memory_space<vmem>>
    %dma_start3A_273 = tpu.memref_squeeze %dma_start3A_272 : memref<1x96x384xf32, #tpu.memory_space<vmem>> -> memref<96x384xf32, #tpu.memory_space<vmem>>
    tpu.enqueue_dma source(%dma_start3A_273 : memref<96x384xf32, #tpu.memory_space<vmem>>) target(%dma_start3A_269 : memref<96x384xf32, #tpu.memory_space<hbm>>) target_semaphore(%arg11 : memref<!tpu.dma_semaphore, #tpu.memory_space<semaphore_mem>>)
    %dma_wait3A_274 = arith.constant 0 : i32
    %dma_wait3A_275 = arith.constant 0 : i32
    %dma_wait3A_276 = arith.constant 0 : i32
    %dma_wait3A_277 = tpu.memref_slice %arg6[%dma_wait3A_274, %dma_wait3A_275, %dma_wait3A_276] : memref<3x96x384xf32, #tpu.memory_space<vmem>> -> memref<1x96x384xf32, #tpu.memory_space<vmem>>
    %dma_wait3A_278 = tpu.memref_squeeze %dma_wait3A_277 : memref<1x96x384xf32, #tpu.memory_space<vmem>> -> memref<96x384xf32, #tpu.memory_space<vmem>>
    %dma_wait3A_279 = tpu.memref_reshape %arg4 : memref<19200x4x384xf32, #tpu.memory_space<hbm>> -> memref<76800x384xf32, #tpu.memory_space<hbm>>
    %dma_wait3A_280 = arith.constant 0 : i32
    %dma_wait3A_281 = tpu.memref_slice %dma_wait3A_279[%add3A_200, %dma_wait3A_280] : memref<76800x384xf32, #tpu.memory_space<hbm>> -> memref<96x384xf32, #tpu.memory_space<hbm>>
    %dma_wait3A_282 = tpu.memref_reshape %arg4 : memref<19200x4x384xf32, #tpu.memory_space<hbm>> -> memref<76800x384xf32, #tpu.memory_space<hbm>>
    %dma_wait3A_283 = arith.constant 0 : i32
    %dma_wait3A_284 = tpu.memref_slice %dma_wait3A_282[%add3A_200, %dma_wait3A_283] : memref<76800x384xf32, #tpu.memory_space<hbm>> -> memref<96x384xf32, #tpu.memory_space<hbm>>
    %dma_wait3A_285 = arith.constant 0 : i32
    %dma_wait3A_286 = arith.constant 0 : i32
    %dma_wait3A_287 = tpu.memref_slice %arg6[%dma_wait3A_274, %dma_wait3A_285, %dma_wait3A_286] : memref<3x96x384xf32, #tpu.memory_space<vmem>> -> memref<1x96x384xf32, #tpu.memory_space<vmem>>
    %dma_wait3A_288 = tpu.memref_squeeze %dma_wait3A_287 : memref<1x96x384xf32, #tpu.memory_space<vmem>> -> memref<96x384xf32, #tpu.memory_space<vmem>>
    tpu.wait_dma2 semaphore(%arg10 : memref<!tpu.dma_semaphore, #tpu.memory_space<semaphore_mem>>) src(%dma_wait3A_288 : memref<96x384xf32, #tpu.memory_space<vmem>>) dst(%dma_wait3A_284 : memref<96x384xf32, #tpu.memory_space<hbm>>)
    %dma_start3A_289 = arith.constant 6 : i32
    %dma_start3A_290 = arith.constant 0 : i32
    %dma_start3A_291 = arith.constant 0 : i32
    %dma_start3A_292 = arith.constant 0 : i32
    %dma_start3A_293 = tpu.memref_slice %arg6[%dma_start3A_290, %dma_start3A_291, %dma_start3A_292] : memref<3x96x384xf32, #tpu.memory_space<vmem>> -> memref<1x96x384xf32, #tpu.memory_space<vmem>>
    %dma_start3A_294 = tpu.memref_squeeze %dma_start3A_293 : memref<1x96x384xf32, #tpu.memory_space<vmem>> -> memref<96x384xf32, #tpu.memory_space<vmem>>
    %dma_start3A_295 = arith.constant 0 : i32
    %dma_start3A_296 = tpu.memref_slice %arg5[%dma_start3A_289, %dma_start3A_295] : memref<25x96xi32, #tpu.memory_space<vmem>> -> memref<1x96xi32, #tpu.memory_space<vmem>>
    %dma_start3A_297 = tpu.memref_squeeze %dma_start3A_296 : memref<1x96xi32, #tpu.memory_space<vmem>> -> memref<96xi32, #tpu.memory_space<vmem>>
    %dma_start3A_298 = tpu.memref_reshape %arg2 : memref<4800x4x384xf32, #tpu.memory_space<hbm>> -> memref<19200x384xf32, #tpu.memory_space<hbm>>
    %dma_start3A_299 = arith.constant 0 : i32
    %dma_start3A_300 = arith.constant 0 : i32
    %dma_start3A_301 = tpu.memref_slice %dma_start3A_298[%dma_start3A_299, %dma_start3A_300] : memref<19200x384xf32, #tpu.memory_space<hbm>> -> memref<19200x384xf32, #tpu.memory_space<hbm>>
    tpu.enqueue_indirect_dma source(%dma_start3A_301 : memref<19200x384xf32, #tpu.memory_space<hbm>>) target(%dma_start3A_294 : memref<96x384xf32, #tpu.memory_space<vmem>>) offsets(%dma_start3A_297 : memref<96xi32, #tpu.memory_space<vmem>>) semaphore(%arg7 : memref<!tpu.dma_semaphore, #tpu.memory_space<semaphore_mem>>)
    %dma_wait3A_302 = arith.constant 5 : i32
    %dma_wait3A_303 = arith.constant 2 : i32
    %dma_wait3A_304 = arith.constant 0 : i32
    %dma_wait3A_305 = arith.constant 0 : i32
    %dma_wait3A_306 = tpu.memref_slice %arg6[%dma_wait3A_303, %dma_wait3A_304, %dma_wait3A_305] : memref<3x96x384xf32, #tpu.memory_space<vmem>> -> memref<1x96x384xf32, #tpu.memory_space<vmem>>
    %dma_wait3A_307 = tpu.memref_squeeze %dma_wait3A_306 : memref<1x96x384xf32, #tpu.memory_space<vmem>> -> memref<96x384xf32, #tpu.memory_space<vmem>>
    %dma_wait3A_308 = arith.constant 0 : i32
    %dma_wait3A_309 = tpu.memref_slice %arg5[%dma_wait3A_302, %dma_wait3A_308] : memref<25x96xi32, #tpu.memory_space<vmem>> -> memref<1x96xi32, #tpu.memory_space<vmem>>
    %dma_wait3A_310 = tpu.memref_squeeze %dma_wait3A_309 : memref<1x96xi32, #tpu.memory_space<vmem>> -> memref<96xi32, #tpu.memory_space<vmem>>
    %dma_wait3A_311 = tpu.memref_reshape %arg2 : memref<4800x4x384xf32, #tpu.memory_space<hbm>> -> memref<19200x384xf32, #tpu.memory_space<hbm>>
    %dma_wait3A_312 = arith.constant 0 : i32
    %dma_wait3A_313 = arith.constant 0 : i32
    %dma_wait3A_314 = tpu.memref_slice %dma_wait3A_311[%dma_wait3A_312, %dma_wait3A_313] : memref<19200x384xf32, #tpu.memory_space<hbm>> -> memref<19200x384xf32, #tpu.memory_space<hbm>>
    tpu.wait_indirect_dma semaphore(%arg9 : memref<!tpu.dma_semaphore, #tpu.memory_space<semaphore_mem>>) src(%dma_wait3A_314 : memref<19200x384xf32, #tpu.memory_space<hbm>>) dst(%dma_wait3A_307 : memref<96x384xf32, #tpu.memory_space<vmem>>)
    %add3A_315 = arith.constant 480 : i32
    %add3A_316 = arith.addi %mul3A_2, %add3A_315 : i32
    %dma_start3A_317 = arith.constant 2 : i32
    %dma_start3A_318 = arith.constant 0 : i32
    %dma_start3A_319 = arith.constant 0 : i32
    %dma_start3A_320 = tpu.memref_slice %arg6[%dma_start3A_317, %dma_start3A_318, %dma_start3A_319] : memref<3x96x384xf32, #tpu.memory_space<vmem>> -> memref<1x96x384xf32, #tpu.memory_space<vmem>>
    %dma_start3A_321 = tpu.memref_squeeze %dma_start3A_320 : memref<1x96x384xf32, #tpu.memory_space<vmem>> -> memref<96x384xf32, #tpu.memory_space<vmem>>
    %dma_start3A_322 = tpu.memref_reshape %arg4 : memref<19200x4x384xf32, #tpu.memory_space<hbm>> -> memref<76800x384xf32, #tpu.memory_space<hbm>>
    %dma_start3A_323 = arith.constant 0 : i32
    %dma_start3A_324 = tpu.memref_slice %dma_start3A_322[%add3A_316, %dma_start3A_323] : memref<76800x384xf32, #tpu.memory_space<hbm>> -> memref<96x384xf32, #tpu.memory_space<hbm>>
    %dma_start3A_325 = tpu.memref_reshape %arg4 : memref<19200x4x384xf32, #tpu.memory_space<hbm>> -> memref<76800x384xf32, #tpu.memory_space<hbm>>
    %dma_start3A_326 = arith.constant 0 : i32
    %dma_start3A_327 = tpu.memref_slice %dma_start3A_325[%add3A_316, %dma_start3A_326] : memref<76800x384xf32, #tpu.memory_space<hbm>> -> memref<96x384xf32, #tpu.memory_space<hbm>>
    %dma_start3A_328 = arith.constant 0 : i32
    %dma_start3A_329 = arith.constant 0 : i32
    %dma_start3A_330 = tpu.memref_slice %arg6[%dma_start3A_317, %dma_start3A_328, %dma_start3A_329] : memref<3x96x384xf32, #tpu.memory_space<vmem>> -> memref<1x96x384xf32, #tpu.memory_space<vmem>>
    %dma_start3A_331 = tpu.memref_squeeze %dma_start3A_330 : memref<1x96x384xf32, #tpu.memory_space<vmem>> -> memref<96x384xf32, #tpu.memory_space<vmem>>
    tpu.enqueue_dma source(%dma_start3A_331 : memref<96x384xf32, #tpu.memory_space<vmem>>) target(%dma_start3A_327 : memref<96x384xf32, #tpu.memory_space<hbm>>) target_semaphore(%arg12 : memref<!tpu.dma_semaphore, #tpu.memory_space<semaphore_mem>>)
    %dma_wait3A_332 = arith.constant 1 : i32
    %dma_wait3A_333 = arith.constant 0 : i32
    %dma_wait3A_334 = arith.constant 0 : i32
    %dma_wait3A_335 = tpu.memref_slice %arg6[%dma_wait3A_332, %dma_wait3A_333, %dma_wait3A_334] : memref<3x96x384xf32, #tpu.memory_space<vmem>> -> memref<1x96x384xf32, #tpu.memory_space<vmem>>
    %dma_wait3A_336 = tpu.memref_squeeze %dma_wait3A_335 : memref<1x96x384xf32, #tpu.memory_space<vmem>> -> memref<96x384xf32, #tpu.memory_space<vmem>>
    %dma_wait3A_337 = tpu.memref_reshape %arg4 : memref<19200x4x384xf32, #tpu.memory_space<hbm>> -> memref<76800x384xf32, #tpu.memory_space<hbm>>
    %dma_wait3A_338 = arith.constant 0 : i32
    %dma_wait3A_339 = tpu.memref_slice %dma_wait3A_337[%add3A_258, %dma_wait3A_338] : memref<76800x384xf32, #tpu.memory_space<hbm>> -> memref<96x384xf32, #tpu.memory_space<hbm>>
    %dma_wait3A_340 = tpu.memref_reshape %arg4 : memref<19200x4x384xf32, #tpu.memory_space<hbm>> -> memref<76800x384xf32, #tpu.memory_space<hbm>>
    %dma_wait3A_341 = arith.constant 0 : i32
    %dma_wait3A_342 = tpu.memref_slice %dma_wait3A_340[%add3A_258, %dma_wait3A_341] : memref<76800x384xf32, #tpu.memory_space<hbm>> -> memref<96x384xf32, #tpu.memory_space<hbm>>
    %dma_wait3A_343 = arith.constant 0 : i32
    %dma_wait3A_344 = arith.constant 0 : i32
    %dma_wait3A_345 = tpu.memref_slice %arg6[%dma_wait3A_332, %dma_wait3A_343, %dma_wait3A_344] : memref<3x96x384xf32, #tpu.memory_space<vmem>> -> memref<1x96x384xf32, #tpu.memory_space<vmem>>
    %dma_wait3A_346 = tpu.memref_squeeze %dma_wait3A_345 : memref<1x96x384xf32, #tpu.memory_space<vmem>> -> memref<96x384xf32, #tpu.memory_space<vmem>>
    tpu.wait_dma2 semaphore(%arg11 : memref<!tpu.dma_semaphore, #tpu.memory_space<semaphore_mem>>) src(%dma_wait3A_346 : memref<96x384xf32, #tpu.memory_space<vmem>>) dst(%dma_wait3A_342 : memref<96x384xf32, #tpu.memory_space<hbm>>)
    %dma_start3A_347 = arith.constant 7 : i32
    %dma_start3A_348 = arith.constant 1 : i32
    %dma_start3A_349 = arith.constant 0 : i32
    %dma_start3A_350 = arith.constant 0 : i32
    %dma_start3A_351 = tpu.memref_slice %arg6[%dma_start3A_348, %dma_start3A_349, %dma_start3A_350] : memref<3x96x384xf32, #tpu.memory_space<vmem>> -> memref<1x96x384xf32, #tpu.memory_space<vmem>>
    %dma_start3A_352 = tpu.memref_squeeze %dma_start3A_351 : memref<1x96x384xf32, #tpu.memory_space<vmem>> -> memref<96x384xf32, #tpu.memory_space<vmem>>
    %dma_start3A_353 = arith.constant 0 : i32
    %dma_start3A_354 = tpu.memref_slice %arg5[%dma_start3A_347, %dma_start3A_353] : memref<25x96xi32, #tpu.memory_space<vmem>> -> memref<1x96xi32, #tpu.memory_space<vmem>>
    %dma_start3A_355 = tpu.memref_squeeze %dma_start3A_354 : memref<1x96xi32, #tpu.memory_space<vmem>> -> memref<96xi32, #tpu.memory_space<vmem>>
    %dma_start3A_356 = tpu.memref_reshape %arg2 : memref<4800x4x384xf32, #tpu.memory_space<hbm>> -> memref<19200x384xf32, #tpu.memory_space<hbm>>
    %dma_start3A_357 = arith.constant 0 : i32
    %dma_start3A_358 = arith.constant 0 : i32
    %dma_start3A_359 = tpu.memref_slice %dma_start3A_356[%dma_start3A_357, %dma_start3A_358] : memref<19200x384xf32, #tpu.memory_space<hbm>> -> memref<19200x384xf32, #tpu.memory_space<hbm>>
    tpu.enqueue_indirect_dma source(%dma_start3A_359 : memref<19200x384xf32, #tpu.memory_space<hbm>>) target(%dma_start3A_352 : memref<96x384xf32, #tpu.memory_space<vmem>>) offsets(%dma_start3A_355 : memref<96xi32, #tpu.memory_space<vmem>>) semaphore(%arg8 : memref<!tpu.dma_semaphore, #tpu.memory_space<semaphore_mem>>)
    %dma_wait3A_360 = arith.constant 6 : i32
    %dma_wait3A_361 = arith.constant 0 : i32
    %dma_wait3A_362 = arith.constant 0 : i32
    %dma_wait3A_363 = arith.constant 0 : i32
    %dma_wait3A_364 = tpu.memref_slice %arg6[%dma_wait3A_361, %dma_wait3A_362, %dma_wait3A_363] : memref<3x96x384xf32, #tpu.memory_space<vmem>> -> memref<1x96x384xf32, #tpu.memory_space<vmem>>
    %dma_wait3A_365 = tpu.memref_squeeze %dma_wait3A_364 : memref<1x96x384xf32, #tpu.memory_space<vmem>> -> memref<96x384xf32, #tpu.memory_space<vmem>>
    %dma_wait3A_366 = arith.constant 0 : i32
    %dma_wait3A_367 = tpu.memref_slice %arg5[%dma_wait3A_360, %dma_wait3A_366] : memref<25x96xi32, #tpu.memory_space<vmem>> -> memref<1x96xi32, #tpu.memory_space<vmem>>
    %dma_wait3A_368 = tpu.memref_squeeze %dma_wait3A_367 : memref<1x96xi32, #tpu.memory_space<vmem>> -> memref<96xi32, #tpu.memory_space<vmem>>
    %dma_wait3A_369 = tpu.memref_reshape %arg2 : memref<4800x4x384xf32, #tpu.memory_space<hbm>> -> memref<19200x384xf32, #tpu.memory_space<hbm>>
    %dma_wait3A_370 = arith.constant 0 : i32
    %dma_wait3A_371 = arith.constant 0 : i32
    %dma_wait3A_372 = tpu.memref_slice %dma_wait3A_369[%dma_wait3A_370, %dma_wait3A_371] : memref<19200x384xf32, #tpu.memory_space<hbm>> -> memref<19200x384xf32, #tpu.memory_space<hbm>>
    tpu.wait_indirect_dma semaphore(%arg7 : memref<!tpu.dma_semaphore, #tpu.memory_space<semaphore_mem>>) src(%dma_wait3A_372 : memref<19200x384xf32, #tpu.memory_space<hbm>>) dst(%dma_wait3A_365 : memref<96x384xf32, #tpu.memory_space<vmem>>)
    %add3A_373 = arith.constant 576 : i32
    %add3A_374 = arith.addi %mul3A_2, %add3A_373 : i32
    %dma_start3A_375 = arith.constant 0 : i32
    %dma_start3A_376 = arith.constant 0 : i32
    %dma_start3A_377 = arith.constant 0 : i32
    %dma_start3A_378 = tpu.memref_slice %arg6[%dma_start3A_375, %dma_start3A_376, %dma_start3A_377] : memref<3x96x384xf32, #tpu.memory_space<vmem>> -> memref<1x96x384xf32, #tpu.memory_space<vmem>>
    %dma_start3A_379 = tpu.memref_squeeze %dma_start3A_378 : memref<1x96x384xf32, #tpu.memory_space<vmem>> -> memref<96x384xf32, #tpu.memory_space<vmem>>
    %dma_start3A_380 = tpu.memref_reshape %arg4 : memref<19200x4x384xf32, #tpu.memory_space<hbm>> -> memref<76800x384xf32, #tpu.memory_space<hbm>>
    %dma_start3A_381 = arith.constant 0 : i32
    %dma_start3A_382 = tpu.memref_slice %dma_start3A_380[%add3A_374, %dma_start3A_381] : memref<76800x384xf32, #tpu.memory_space<hbm>> -> memref<96x384xf32, #tpu.memory_space<hbm>>
    %dma_start3A_383 = tpu.memref_reshape %arg4 : memref<19200x4x384xf32, #tpu.memory_space<hbm>> -> memref<76800x384xf32, #tpu.memory_space<hbm>>
    %dma_start3A_384 = arith.constant 0 : i32
    %dma_start3A_385 = tpu.memref_slice %dma_start3A_383[%add3A_374, %dma_start3A_384] : memref<76800x384xf32, #tpu.memory_space<hbm>> -> memref<96x384xf32, #tpu.memory_space<hbm>>
    %dma_start3A_386 = arith.constant 0 : i32
    %dma_start3A_387 = arith.constant 0 : i32
    %dma_start3A_388 = tpu.memref_slice %arg6[%dma_start3A_375, %dma_start3A_386, %dma_start3A_387] : memref<3x96x384xf32, #tpu.memory_space<vmem>> -> memref<1x96x384xf32, #tpu.memory_space<vmem>>
    %dma_start3A_389 = tpu.memref_squeeze %dma_start3A_388 : memref<1x96x384xf32, #tpu.memory_space<vmem>> -> memref<96x384xf32, #tpu.memory_space<vmem>>
    tpu.enqueue_dma source(%dma_start3A_389 : memref<96x384xf32, #tpu.memory_space<vmem>>) target(%dma_start3A_385 : memref<96x384xf32, #tpu.memory_space<hbm>>) target_semaphore(%arg10 : memref<!tpu.dma_semaphore, #tpu.memory_space<semaphore_mem>>)
    %dma_wait3A_390 = arith.constant 2 : i32
    %dma_wait3A_391 = arith.constant 0 : i32
    %dma_wait3A_392 = arith.constant 0 : i32
    %dma_wait3A_393 = tpu.memref_slice %arg6[%dma_wait3A_390, %dma_wait3A_391, %dma_wait3A_392] : memref<3x96x384xf32, #tpu.memory_space<vmem>> -> memref<1x96x384xf32, #tpu.memory_space<vmem>>
    %dma_wait3A_394 = tpu.memref_squeeze %dma_wait3A_393 : memref<1x96x384xf32, #tpu.memory_space<vmem>> -> memref<96x384xf32, #tpu.memory_space<vmem>>
    %dma_wait3A_395 = tpu.memref_reshape %arg4 : memref<19200x4x384xf32, #tpu.memory_space<hbm>> -> memref<76800x384xf32, #tpu.memory_space<hbm>>
    %dma_wait3A_396 = arith.constant 0 : i32
    %dma_wait3A_397 = tpu.memref_slice %dma_wait3A_395[%add3A_316, %dma_wait3A_396] : memref<76800x384xf32, #tpu.memory_space<hbm>> -> memref<96x384xf32, #tpu.memory_space<hbm>>
    %dma_wait3A_398 = tpu.memref_reshape %arg4 : memref<19200x4x384xf32, #tpu.memory_space<hbm>> -> memref<76800x384xf32, #tpu.memory_space<hbm>>
    %dma_wait3A_399 = arith.constant 0 : i32
    %dma_wait3A_400 = tpu.memref_slice %dma_wait3A_398[%add3A_316, %dma_wait3A_399] : memref<76800x384xf32, #tpu.memory_space<hbm>> -> memref<96x384xf32, #tpu.memory_space<hbm>>
    %dma_wait3A_401 = arith.constant 0 : i32
    %dma_wait3A_402 = arith.constant 0 : i32
    %dma_wait3A_403 = tpu.memref_slice %arg6[%dma_wait3A_390, %dma_wait3A_401, %dma_wait3A_402] : memref<3x96x384xf32, #tpu.memory_space<vmem>> -> memref<1x96x384xf32, #tpu.memory_space<vmem>>
    %dma_wait3A_404 = tpu.memref_squeeze %dma_wait3A_403 : memref<1x96x384xf32, #tpu.memory_space<vmem>> -> memref<96x384xf32, #tpu.memory_space<vmem>>
    tpu.wait_dma2 semaphore(%arg12 : memref<!tpu.dma_semaphore, #tpu.memory_space<semaphore_mem>>) src(%dma_wait3A_404 : memref<96x384xf32, #tpu.memory_space<vmem>>) dst(%dma_wait3A_400 : memref<96x384xf32, #tpu.memory_space<hbm>>)
    %dma_start3A_405 = arith.constant 8 : i32
    %dma_start3A_406 = arith.constant 2 : i32
    %dma_start3A_407 = arith.constant 0 : i32
    %dma_start3A_408 = arith.constant 0 : i32
    %dma_start3A_409 = tpu.memref_slice %arg6[%dma_start3A_406, %dma_start3A_407, %dma_start3A_408] : memref<3x96x384xf32, #tpu.memory_space<vmem>> -> memref<1x96x384xf32, #tpu.memory_space<vmem>>
    %dma_start3A_410 = tpu.memref_squeeze %dma_start3A_409 : memref<1x96x384xf32, #tpu.memory_space<vmem>> -> memref<96x384xf32, #tpu.memory_space<vmem>>
    %dma_start3A_411 = arith.constant 0 : i32
    %dma_start3A_412 = tpu.memref_slice %arg5[%dma_start3A_405, %dma_start3A_411] : memref<25x96xi32, #tpu.memory_space<vmem>> -> memref<1x96xi32, #tpu.memory_space<vmem>>
    %dma_start3A_413 = tpu.memref_squeeze %dma_start3A_412 : memref<1x96xi32, #tpu.memory_space<vmem>> -> memref<96xi32, #tpu.memory_space<vmem>>
    %dma_start3A_414 = tpu.memref_reshape %arg2 : memref<4800x4x384xf32, #tpu.memory_space<hbm>> -> memref<19200x384xf32, #tpu.memory_space<hbm>>
    %dma_start3A_415 = arith.constant 0 : i32
    %dma_start3A_416 = arith.constant 0 : i32
    %dma_start3A_417 = tpu.memref_slice %dma_start3A_414[%dma_start3A_415, %dma_start3A_416] : memref<19200x384xf32, #tpu.memory_space<hbm>> -> memref<19200x384xf32, #tpu.memory_space<hbm>>
    tpu.enqueue_indirect_dma source(%dma_start3A_417 : memref<19200x384xf32, #tpu.memory_space<hbm>>) target(%dma_start3A_410 : memref<96x384xf32, #tpu.memory_space<vmem>>) offsets(%dma_start3A_413 : memref<96xi32, #tpu.memory_space<vmem>>) semaphore(%arg9 : memref<!tpu.dma_semaphore, #tpu.memory_space<semaphore_mem>>)
    %dma_wait3A_418 = arith.constant 7 : i32
    %dma_wait3A_419 = arith.constant 1 : i32
    %dma_wait3A_420 = arith.constant 0 : i32
    %dma_wait3A_421 = arith.constant 0 : i32
    %dma_wait3A_422 = tpu.memref_slice %arg6[%dma_wait3A_419, %dma_wait3A_420, %dma_wait3A_421] : memref<3x96x384xf32, #tpu.memory_space<vmem>> -> memref<1x96x384xf32, #tpu.memory_space<vmem>>
    %dma_wait3A_423 = tpu.memref_squeeze %dma_wait3A_422 : memref<1x96x384xf32, #tpu.memory_space<vmem>> -> memref<96x384xf32, #tpu.memory_space<vmem>>
    %dma_wait3A_424 = arith.constant 0 : i32
    %dma_wait3A_425 = tpu.memref_slice %arg5[%dma_wait3A_418, %dma_wait3A_424] : memref<25x96xi32, #tpu.memory_space<vmem>> -> memref<1x96xi32, #tpu.memory_space<vmem>>
    %dma_wait3A_426 = tpu.memref_squeeze %dma_wait3A_425 : memref<1x96xi32, #tpu.memory_space<vmem>> -> memref<96xi32, #tpu.memory_space<vmem>>
    %dma_wait3A_427 = tpu.memref_reshape %arg2 : memref<4800x4x384xf32, #tpu.memory_space<hbm>> -> memref<19200x384xf32, #tpu.memory_space<hbm>>
    %dma_wait3A_428 = arith.constant 0 : i32
    %dma_wait3A_429 = arith.constant 0 : i32
    %dma_wait3A_430 = tpu.memref_slice %dma_wait3A_427[%dma_wait3A_428, %dma_wait3A_429] : memref<19200x384xf32, #tpu.memory_space<hbm>> -> memref<19200x384xf32, #tpu.memory_space<hbm>>
    tpu.wait_indirect_dma semaphore(%arg8 : memref<!tpu.dma_semaphore, #tpu.memory_space<semaphore_mem>>) src(%dma_wait3A_430 : memref<19200x384xf32, #tpu.memory_space<hbm>>) dst(%dma_wait3A_423 : memref<96x384xf32, #tpu.memory_space<vmem>>)
    %add3A_431 = arith.constant 672 : i32
    %add3A_432 = arith.addi %mul3A_2, %add3A_431 : i32
    %dma_start3A_433 = arith.constant 1 : i32
    %dma_start3A_434 = arith.constant 0 : i32
    %dma_start3A_435 = arith.constant 0 : i32
    %dma_start3A_436 = tpu.memref_slice %arg6[%dma_start3A_433, %dma_start3A_434, %dma_start3A_435] : memref<3x96x384xf32, #tpu.memory_space<vmem>> -> memref<1x96x384xf32, #tpu.memory_space<vmem>>
    %dma_start3A_437 = tpu.memref_squeeze %dma_start3A_436 : memref<1x96x384xf32, #tpu.memory_space<vmem>> -> memref<96x384xf32, #tpu.memory_space<vmem>>
    %dma_start3A_438 = tpu.memref_reshape %arg4 : memref<19200x4x384xf32, #tpu.memory_space<hbm>> -> memref<76800x384xf32, #tpu.memory_space<hbm>>
    %dma_start3A_439 = arith.constant 0 : i32
    %dma_start3A_440 = tpu.memref_slice %dma_start3A_438[%add3A_432, %dma_start3A_439] : memref<76800x384xf32, #tpu.memory_space<hbm>> -> memref<96x384xf32, #tpu.memory_space<hbm>>
    %dma_start3A_441 = tpu.memref_reshape %arg4 : memref<19200x4x384xf32, #tpu.memory_space<hbm>> -> memref<76800x384xf32, #tpu.memory_space<hbm>>
    %dma_start3A_442 = arith.constant 0 : i32
    %dma_start3A_443 = tpu.memref_slice %dma_start3A_441[%add3A_432, %dma_start3A_442] : memref<76800x384xf32, #tpu.memory_space<hbm>> -> memref<96x384xf32, #tpu.memory_space<hbm>>
    %dma_start3A_444 = arith.constant 0 : i32
    %dma_start3A_445 = arith.constant 0 : i32
    %dma_start3A_446 = tpu.memref_slice %arg6[%dma_start3A_433, %dma_start3A_444, %dma_start3A_445] : memref<3x96x384xf32, #tpu.memory_space<vmem>> -> memref<1x96x384xf32, #tpu.memory_space<vmem>>
    %dma_start3A_447 = tpu.memref_squeeze %dma_start3A_446 : memref<1x96x384xf32, #tpu.memory_space<vmem>> -> memref<96x384xf32, #tpu.memory_space<vmem>>
    tpu.enqueue_dma source(%dma_start3A_447 : memref<96x384xf32, #tpu.memory_space<vmem>>) target(%dma_start3A_443 : memref<96x384xf32, #tpu.memory_space<hbm>>) target_semaphore(%arg11 : memref<!tpu.dma_semaphore, #tpu.memory_space<semaphore_mem>>)
    %dma_wait3A_448 = arith.constant 0 : i32
    %dma_wait3A_449 = arith.constant 0 : i32
    %dma_wait3A_450 = arith.constant 0 : i32
    %dma_wait3A_451 = tpu.memref_slice %arg6[%dma_wait3A_448, %dma_wait3A_449, %dma_wait3A_450] : memref<3x96x384xf32, #tpu.memory_space<vmem>> -> memref<1x96x384xf32, #tpu.memory_space<vmem>>
    %dma_wait3A_452 = tpu.memref_squeeze %dma_wait3A_451 : memref<1x96x384xf32, #tpu.memory_space<vmem>> -> memref<96x384xf32, #tpu.memory_space<vmem>>
    %dma_wait3A_453 = tpu.memref_reshape %arg4 : memref<19200x4x384xf32, #tpu.memory_space<hbm>> -> memref<76800x384xf32, #tpu.memory_space<hbm>>
    %dma_wait3A_454 = arith.constant 0 : i32
    %dma_wait3A_455 = tpu.memref_slice %dma_wait3A_453[%add3A_374, %dma_wait3A_454] : memref<76800x384xf32, #tpu.memory_space<hbm>> -> memref<96x384xf32, #tpu.memory_space<hbm>>
    %dma_wait3A_456 = tpu.memref_reshape %arg4 : memref<19200x4x384xf32, #tpu.memory_space<hbm>> -> memref<76800x384xf32, #tpu.memory_space<hbm>>
    %dma_wait3A_457 = arith.constant 0 : i32
    %dma_wait3A_458 = tpu.memref_slice %dma_wait3A_456[%add3A_374, %dma_wait3A_457] : memref<76800x384xf32, #tpu.memory_space<hbm>> -> memref<96x384xf32, #tpu.memory_space<hbm>>
    %dma_wait3A_459 = arith.constant 0 : i32
    %dma_wait3A_460 = arith.constant 0 : i32
    %dma_wait3A_461 = tpu.memref_slice %arg6[%dma_wait3A_448, %dma_wait3A_459, %dma_wait3A_460] : memref<3x96x384xf32, #tpu.memory_space<vmem>> -> memref<1x96x384xf32, #tpu.memory_space<vmem>>
    %dma_wait3A_462 = tpu.memref_squeeze %dma_wait3A_461 : memref<1x96x384xf32, #tpu.memory_space<vmem>> -> memref<96x384xf32, #tpu.memory_space<vmem>>
    tpu.wait_dma2 semaphore(%arg10 : memref<!tpu.dma_semaphore, #tpu.memory_space<semaphore_mem>>) src(%dma_wait3A_462 : memref<96x384xf32, #tpu.memory_space<vmem>>) dst(%dma_wait3A_458 : memref<96x384xf32, #tpu.memory_space<hbm>>)
    %dma_start3A_463 = arith.constant 9 : i32
    %dma_start3A_464 = arith.constant 0 : i32
    %dma_start3A_465 = arith.constant 0 : i32
    %dma_start3A_466 = arith.constant 0 : i32
    %dma_start3A_467 = tpu.memref_slice %arg6[%dma_start3A_464, %dma_start3A_465, %dma_start3A_466] : memref<3x96x384xf32, #tpu.memory_space<vmem>> -> memref<1x96x384xf32, #tpu.memory_space<vmem>>
    %dma_start3A_468 = tpu.memref_squeeze %dma_start3A_467 : memref<1x96x384xf32, #tpu.memory_space<vmem>> -> memref<96x384xf32, #tpu.memory_space<vmem>>
    %dma_start3A_469 = arith.constant 0 : i32
    %dma_start3A_470 = tpu.memref_slice %arg5[%dma_start3A_463, %dma_start3A_469] : memref<25x96xi32, #tpu.memory_space<vmem>> -> memref<1x96xi32, #tpu.memory_space<vmem>>
    %dma_start3A_471 = tpu.memref_squeeze %dma_start3A_470 : memref<1x96xi32, #tpu.memory_space<vmem>> -> memref<96xi32, #tpu.memory_space<vmem>>
    %dma_start3A_472 = tpu.memref_reshape %arg2 : memref<4800x4x384xf32, #tpu.memory_space<hbm>> -> memref<19200x384xf32, #tpu.memory_space<hbm>>
    %dma_start3A_473 = arith.constant 0 : i32
    %dma_start3A_474 = arith.constant 0 : i32
    %dma_start3A_475 = tpu.memref_slice %dma_start3A_472[%dma_start3A_473, %dma_start3A_474] : memref<19200x384xf32, #tpu.memory_space<hbm>> -> memref<19200x384xf32, #tpu.memory_space<hbm>>
    tpu.enqueue_indirect_dma source(%dma_start3A_475 : memref<19200x384xf32, #tpu.memory_space<hbm>>) target(%dma_start3A_468 : memref<96x384xf32, #tpu.memory_space<vmem>>) offsets(%dma_start3A_471 : memref<96xi32, #tpu.memory_space<vmem>>) semaphore(%arg7 : memref<!tpu.dma_semaphore, #tpu.memory_space<semaphore_mem>>)
    %dma_wait3A_476 = arith.constant 8 : i32
    %dma_wait3A_477 = arith.constant 2 : i32
    %dma_wait3A_478 = arith.constant 0 : i32
    %dma_wait3A_479 = arith.constant 0 : i32
    %dma_wait3A_480 = tpu.memref_slice %arg6[%dma_wait3A_477, %dma_wait3A_478, %dma_wait3A_479] : memref<3x96x384xf32, #tpu.memory_space<vmem>> -> memref<1x96x384xf32, #tpu.memory_space<vmem>>
    %dma_wait3A_481 = tpu.memref_squeeze %dma_wait3A_480 : memref<1x96x384xf32, #tpu.memory_space<vmem>> -> memref<96x384xf32, #tpu.memory_space<vmem>>
    %dma_wait3A_482 = arith.constant 0 : i32
    %dma_wait3A_483 = tpu.memref_slice %arg5[%dma_wait3A_476, %dma_wait3A_482] : memref<25x96xi32, #tpu.memory_space<vmem>> -> memref<1x96xi32, #tpu.memory_space<vmem>>
    %dma_wait3A_484 = tpu.memref_squeeze %dma_wait3A_483 : memref<1x96xi32, #tpu.memory_space<vmem>> -> memref<96xi32, #tpu.memory_space<vmem>>
    %dma_wait3A_485 = tpu.memref_reshape %arg2 : memref<4800x4x384xf32, #tpu.memory_space<hbm>> -> memref<19200x384xf32, #tpu.memory_space<hbm>>
    %dma_wait3A_486 = arith.constant 0 : i32
    %dma_wait3A_487 = arith.constant 0 : i32
    %dma_wait3A_488 = tpu.memref_slice %dma_wait3A_485[%dma_wait3A_486, %dma_wait3A_487] : memref<19200x384xf32, #tpu.memory_space<hbm>> -> memref<19200x384xf32, #tpu.memory_space<hbm>>
    tpu.wait_indirect_dma semaphore(%arg9 : memref<!tpu.dma_semaphore, #tpu.memory_space<semaphore_mem>>) src(%dma_wait3A_488 : memref<19200x384xf32, #tpu.memory_space<hbm>>) dst(%dma_wait3A_481 : memref<96x384xf32, #tpu.memory_space<vmem>>)
    %add3A_489 = arith.constant 768 : i32
    %add3A_490 = arith.addi %mul3A_2, %add3A_489 : i32
    %dma_start3A_491 = arith.constant 2 : i32
    %dma_start3A_492 = arith.constant 0 : i32
    %dma_start3A_493 = arith.constant 0 : i32
    %dma_start3A_494 = tpu.memref_slice %arg6[%dma_start3A_491, %dma_start3A_492, %dma_start3A_493] : memref<3x96x384xf32, #tpu.memory_space<vmem>> -> memref<1x96x384xf32, #tpu.memory_space<vmem>>
    %dma_start3A_495 = tpu.memref_squeeze %dma_start3A_494 : memref<1x96x384xf32, #tpu.memory_space<vmem>> -> memref<96x384xf32, #tpu.memory_space<vmem>>
    %dma_start3A_496 = tpu.memref_reshape %arg4 : memref<19200x4x384xf32, #tpu.memory_space<hbm>> -> memref<76800x384xf32, #tpu.memory_space<hbm>>
    %dma_start3A_497 = arith.constant 0 : i32
    %dma_start3A_498 = tpu.memref_slice %dma_start3A_496[%add3A_490, %dma_start3A_497] : memref<76800x384xf32, #tpu.memory_space<hbm>> -> memref<96x384xf32, #tpu.memory_space<hbm>>
    %dma_start3A_499 = tpu.memref_reshape %arg4 : memref<19200x4x384xf32, #tpu.memory_space<hbm>> -> memref<76800x384xf32, #tpu.memory_space<hbm>>
    %dma_start3A_500 = arith.constant 0 : i32
    %dma_start3A_501 = tpu.memref_slice %dma_start3A_499[%add3A_490, %dma_start3A_500] : memref<76800x384xf32, #tpu.memory_space<hbm>> -> memref<96x384xf32, #tpu.memory_space<hbm>>
    %dma_start3A_502 = arith.constant 0 : i32
    %dma_start3A_503 = arith.constant 0 : i32
    %dma_start3A_504 = tpu.memref_slice %arg6[%dma_start3A_491, %dma_start3A_502, %dma_start3A_503] : memref<3x96x384xf32, #tpu.memory_space<vmem>> -> memref<1x96x384xf32, #tpu.memory_space<vmem>>
    %dma_start3A_505 = tpu.memref_squeeze %dma_start3A_504 : memref<1x96x384xf32, #tpu.memory_space<vmem>> -> memref<96x384xf32, #tpu.memory_space<vmem>>
    tpu.enqueue_dma source(%dma_start3A_505 : memref<96x384xf32, #tpu.memory_space<vmem>>) target(%dma_start3A_501 : memref<96x384xf32, #tpu.memory_space<hbm>>) target_semaphore(%arg12 : memref<!tpu.dma_semaphore, #tpu.memory_space<semaphore_mem>>)
    %dma_wait3A_506 = arith.constant 1 : i32
    %dma_wait3A_507 = arith.constant 0 : i32
    %dma_wait3A_508 = arith.constant 0 : i32
    %dma_wait3A_509 = tpu.memref_slice %arg6[%dma_wait3A_506, %dma_wait3A_507, %dma_wait3A_508] : memref<3x96x384xf32, #tpu.memory_space<vmem>> -> memref<1x96x384xf32, #tpu.memory_space<vmem>>
    %dma_wait3A_510 = tpu.memref_squeeze %dma_wait3A_509 : memref<1x96x384xf32, #tpu.memory_space<vmem>> -> memref<96x384xf32, #tpu.memory_space<vmem>>
    %dma_wait3A_511 = tpu.memref_reshape %arg4 : memref<19200x4x384xf32, #tpu.memory_space<hbm>> -> memref<76800x384xf32, #tpu.memory_space<hbm>>
    %dma_wait3A_512 = arith.constant 0 : i32
    %dma_wait3A_513 = tpu.memref_slice %dma_wait3A_511[%add3A_432, %dma_wait3A_512] : memref<76800x384xf32, #tpu.memory_space<hbm>> -> memref<96x384xf32, #tpu.memory_space<hbm>>
    %dma_wait3A_514 = tpu.memref_reshape %arg4 : memref<19200x4x384xf32, #tpu.memory_space<hbm>> -> memref<76800x384xf32, #tpu.memory_space<hbm>>
    %dma_wait3A_515 = arith.constant 0 : i32
    %dma_wait3A_516 = tpu.memref_slice %dma_wait3A_514[%add3A_432, %dma_wait3A_515] : memref<76800x384xf32, #tpu.memory_space<hbm>> -> memref<96x384xf32, #tpu.memory_space<hbm>>
    %dma_wait3A_517 = arith.constant 0 : i32
    %dma_wait3A_518 = arith.constant 0 : i32
    %dma_wait3A_519 = tpu.memref_slice %arg6[%dma_wait3A_506, %dma_wait3A_517, %dma_wait3A_518] : memref<3x96x384xf32, #tpu.memory_space<vmem>> -> memref<1x96x384xf32, #tpu.memory_space<vmem>>
    %dma_wait3A_520 = tpu.memref_squeeze %dma_wait3A_519 : memref<1x96x384xf32, #tpu.memory_space<vmem>> -> memref<96x384xf32, #tpu.memory_space<vmem>>
    tpu.wait_dma2 semaphore(%arg11 : memref<!tpu.dma_semaphore, #tpu.memory_space<semaphore_mem>>) src(%dma_wait3A_520 : memref<96x384xf32, #tpu.memory_space<vmem>>) dst(%dma_wait3A_516 : memref<96x384xf32, #tpu.memory_space<hbm>>)
    %dma_start3A_521 = arith.constant 10 : i32
    %dma_start3A_522 = arith.constant 1 : i32
    %dma_start3A_523 = arith.constant 0 : i32
    %dma_start3A_524 = arith.constant 0 : i32
    %dma_start3A_525 = tpu.memref_slice %arg6[%dma_start3A_522, %dma_start3A_523, %dma_start3A_524] : memref<3x96x384xf32, #tpu.memory_space<vmem>> -> memref<1x96x384xf32, #tpu.memory_space<vmem>>
    %dma_start3A_526 = tpu.memref_squeeze %dma_start3A_525 : memref<1x96x384xf32, #tpu.memory_space<vmem>> -> memref<96x384xf32, #tpu.memory_space<vmem>>
    %dma_start3A_527 = arith.constant 0 : i32
    %dma_start3A_528 = tpu.memref_slice %arg5[%dma_start3A_521, %dma_start3A_527] : memref<25x96xi32, #tpu.memory_space<vmem>> -> memref<1x96xi32, #tpu.memory_space<vmem>>
    %dma_start3A_529 = tpu.memref_squeeze %dma_start3A_528 : memref<1x96xi32, #tpu.memory_space<vmem>> -> memref<96xi32, #tpu.memory_space<vmem>>
    %dma_start3A_530 = tpu.memref_reshape %arg2 : memref<4800x4x384xf32, #tpu.memory_space<hbm>> -> memref<19200x384xf32, #tpu.memory_space<hbm>>
    %dma_start3A_531 = arith.constant 0 : i32
    %dma_start3A_532 = arith.constant 0 : i32
    %dma_start3A_533 = tpu.memref_slice %dma_start3A_530[%dma_start3A_531, %dma_start3A_532] : memref<19200x384xf32, #tpu.memory_space<hbm>> -> memref<19200x384xf32, #tpu.memory_space<hbm>>
    tpu.enqueue_indirect_dma source(%dma_start3A_533 : memref<19200x384xf32, #tpu.memory_space<hbm>>) target(%dma_start3A_526 : memref<96x384xf32, #tpu.memory_space<vmem>>) offsets(%dma_start3A_529 : memref<96xi32, #tpu.memory_space<vmem>>) semaphore(%arg8 : memref<!tpu.dma_semaphore, #tpu.memory_space<semaphore_mem>>)
    %dma_wait3A_534 = arith.constant 9 : i32
    %dma_wait3A_535 = arith.constant 0 : i32
    %dma_wait3A_536 = arith.constant 0 : i32
    %dma_wait3A_537 = arith.constant 0 : i32
    %dma_wait3A_538 = tpu.memref_slice %arg6[%dma_wait3A_535, %dma_wait3A_536, %dma_wait3A_537] : memref<3x96x384xf32, #tpu.memory_space<vmem>> -> memref<1x96x384xf32, #tpu.memory_space<vmem>>
    %dma_wait3A_539 = tpu.memref_squeeze %dma_wait3A_538 : memref<1x96x384xf32, #tpu.memory_space<vmem>> -> memref<96x384xf32, #tpu.memory_space<vmem>>
    %dma_wait3A_540 = arith.constant 0 : i32
    %dma_wait3A_541 = tpu.memref_slice %arg5[%dma_wait3A_534, %dma_wait3A_540] : memref<25x96xi32, #tpu.memory_space<vmem>> -> memref<1x96xi32, #tpu.memory_space<vmem>>
    %dma_wait3A_542 = tpu.memref_squeeze %dma_wait3A_541 : memref<1x96xi32, #tpu.memory_space<vmem>> -> memref<96xi32, #tpu.memory_space<vmem>>
    %dma_wait3A_543 = tpu.memref_reshape %arg2 : memref<4800x4x384xf32, #tpu.memory_space<hbm>> -> memref<19200x384xf32, #tpu.memory_space<hbm>>
    %dma_wait3A_544 = arith.constant 0 : i32
    %dma_wait3A_545 = arith.constant 0 : i32
    %dma_wait3A_546 = tpu.memref_slice %dma_wait3A_543[%dma_wait3A_544, %dma_wait3A_545] : memref<19200x384xf32, #tpu.memory_space<hbm>> -> memref<19200x384xf32, #tpu.memory_space<hbm>>
    tpu.wait_indirect_dma semaphore(%arg7 : memref<!tpu.dma_semaphore, #tpu.memory_space<semaphore_mem>>) src(%dma_wait3A_546 : memref<19200x384xf32, #tpu.memory_space<hbm>>) dst(%dma_wait3A_539 : memref<96x384xf32, #tpu.memory_space<vmem>>)
    %add3A_547 = arith.constant 864 : i32
    %add3A_548 = arith.addi %mul3A_2, %add3A_547 : i32
    %dma_start3A_549 = arith.constant 0 : i32
    %dma_start3A_550 = arith.constant 0 : i32
    %dma_start3A_551 = arith.constant 0 : i32
    %dma_start3A_552 = tpu.memref_slice %arg6[%dma_start3A_549, %dma_start3A_550, %dma_start3A_551] : memref<3x96x384xf32, #tpu.memory_space<vmem>> -> memref<1x96x384xf32, #tpu.memory_space<vmem>>
    %dma_start3A_553 = tpu.memref_squeeze %dma_start3A_552 : memref<1x96x384xf32, #tpu.memory_space<vmem>> -> memref<96x384xf32, #tpu.memory_space<vmem>>
    %dma_start3A_554 = tpu.memref_reshape %arg4 : memref<19200x4x384xf32, #tpu.memory_space<hbm>> -> memref<76800x384xf32, #tpu.memory_space<hbm>>
    %dma_start3A_555 = arith.constant 0 : i32
    %dma_start3A_556 = tpu.memref_slice %dma_start3A_554[%add3A_548, %dma_start3A_555] : memref<76800x384xf32, #tpu.memory_space<hbm>> -> memref<96x384xf32, #tpu.memory_space<hbm>>
    %dma_start3A_557 = tpu.memref_reshape %arg4 : memref<19200x4x384xf32, #tpu.memory_space<hbm>> -> memref<76800x384xf32, #tpu.memory_space<hbm>>
    %dma_start3A_558 = arith.constant 0 : i32
    %dma_start3A_559 = tpu.memref_slice %dma_start3A_557[%add3A_548, %dma_start3A_558] : memref<76800x384xf32, #tpu.memory_space<hbm>> -> memref<96x384xf32, #tpu.memory_space<hbm>>
    %dma_start3A_560 = arith.constant 0 : i32
    %dma_start3A_561 = arith.constant 0 : i32
    %dma_start3A_562 = tpu.memref_slice %arg6[%dma_start3A_549, %dma_start3A_560, %dma_start3A_561] : memref<3x96x384xf32, #tpu.memory_space<vmem>> -> memref<1x96x384xf32, #tpu.memory_space<vmem>>
    %dma_start3A_563 = tpu.memref_squeeze %dma_start3A_562 : memref<1x96x384xf32, #tpu.memory_space<vmem>> -> memref<96x384xf32, #tpu.memory_space<vmem>>
    tpu.enqueue_dma source(%dma_start3A_563 : memref<96x384xf32, #tpu.memory_space<vmem>>) target(%dma_start3A_559 : memref<96x384xf32, #tpu.memory_space<hbm>>) target_semaphore(%arg10 : memref<!tpu.dma_semaphore, #tpu.memory_space<semaphore_mem>>)
    %dma_wait3A_564 = arith.constant 2 : i32
    %dma_wait3A_565 = arith.constant 0 : i32
    %dma_wait3A_566 = arith.constant 0 : i32
    %dma_wait3A_567 = tpu.memref_slice %arg6[%dma_wait3A_564, %dma_wait3A_565, %dma_wait3A_566] : memref<3x96x384xf32, #tpu.memory_space<vmem>> -> memref<1x96x384xf32, #tpu.memory_space<vmem>>
    %dma_wait3A_568 = tpu.memref_squeeze %dma_wait3A_567 : memref<1x96x384xf32, #tpu.memory_space<vmem>> -> memref<96x384xf32, #tpu.memory_space<vmem>>
    %dma_wait3A_569 = tpu.memref_reshape %arg4 : memref<19200x4x384xf32, #tpu.memory_space<hbm>> -> memref<76800x384xf32, #tpu.memory_space<hbm>>
    %dma_wait3A_570 = arith.constant 0 : i32
    %dma_wait3A_571 = tpu.memref_slice %dma_wait3A_569[%add3A_490, %dma_wait3A_570] : memref<76800x384xf32, #tpu.memory_space<hbm>> -> memref<96x384xf32, #tpu.memory_space<hbm>>
    %dma_wait3A_572 = tpu.memref_reshape %arg4 : memref<19200x4x384xf32, #tpu.memory_space<hbm>> -> memref<76800x384xf32, #tpu.memory_space<hbm>>
    %dma_wait3A_573 = arith.constant 0 : i32
    %dma_wait3A_574 = tpu.memref_slice %dma_wait3A_572[%add3A_490, %dma_wait3A_573] : memref<76800x384xf32, #tpu.memory_space<hbm>> -> memref<96x384xf32, #tpu.memory_space<hbm>>
    %dma_wait3A_575 = arith.constant 0 : i32
    %dma_wait3A_576 = arith.constant 0 : i32
    %dma_wait3A_577 = tpu.memref_slice %arg6[%dma_wait3A_564, %dma_wait3A_575, %dma_wait3A_576] : memref<3x96x384xf32, #tpu.memory_space<vmem>> -> memref<1x96x384xf32, #tpu.memory_space<vmem>>
    %dma_wait3A_578 = tpu.memref_squeeze %dma_wait3A_577 : memref<1x96x384xf32, #tpu.memory_space<vmem>> -> memref<96x384xf32, #tpu.memory_space<vmem>>
    tpu.wait_dma2 semaphore(%arg12 : memref<!tpu.dma_semaphore, #tpu.memory_space<semaphore_mem>>) src(%dma_wait3A_578 : memref<96x384xf32, #tpu.memory_space<vmem>>) dst(%dma_wait3A_574 : memref<96x384xf32, #tpu.memory_space<hbm>>)
    %dma_start3A_579 = arith.constant 11 : i32
    %dma_start3A_580 = arith.constant 2 : i32
    %dma_start3A_581 = arith.constant 0 : i32
    %dma_start3A_582 = arith.constant 0 : i32
    %dma_start3A_583 = tpu.memref_slice %arg6[%dma_start3A_580, %dma_start3A_581, %dma_start3A_582] : memref<3x96x384xf32, #tpu.memory_space<vmem>> -> memref<1x96x384xf32, #tpu.memory_space<vmem>>
    %dma_start3A_584 = tpu.memref_squeeze %dma_start3A_583 : memref<1x96x384xf32, #tpu.memory_space<vmem>> -> memref<96x384xf32, #tpu.memory_space<vmem>>
    %dma_start3A_585 = arith.constant 0 : i32
    %dma_start3A_586 = tpu.memref_slice %arg5[%dma_start3A_579, %dma_start3A_585] : memref<25x96xi32, #tpu.memory_space<vmem>> -> memref<1x96xi32, #tpu.memory_space<vmem>>
    %dma_start3A_587 = tpu.memref_squeeze %dma_start3A_586 : memref<1x96xi32, #tpu.memory_space<vmem>> -> memref<96xi32, #tpu.memory_space<vmem>>
    %dma_start3A_588 = tpu.memref_reshape %arg2 : memref<4800x4x384xf32, #tpu.memory_space<hbm>> -> memref<19200x384xf32, #tpu.memory_space<hbm>>
    %dma_start3A_589 = arith.constant 0 : i32
    %dma_start3A_590 = arith.constant 0 : i32
    %dma_start3A_591 = tpu.memref_slice %dma_start3A_588[%dma_start3A_589, %dma_start3A_590] : memref<19200x384xf32, #tpu.memory_space<hbm>> -> memref<19200x384xf32, #tpu.memory_space<hbm>>
    tpu.enqueue_indirect_dma source(%dma_start3A_591 : memref<19200x384xf32, #tpu.memory_space<hbm>>) target(%dma_start3A_584 : memref<96x384xf32, #tpu.memory_space<vmem>>) offsets(%dma_start3A_587 : memref<96xi32, #tpu.memory_space<vmem>>) semaphore(%arg9 : memref<!tpu.dma_semaphore, #tpu.memory_space<semaphore_mem>>)
    %dma_wait3A_592 = arith.constant 10 : i32
    %dma_wait3A_593 = arith.constant 1 : i32
    %dma_wait3A_594 = arith.constant 0 : i32
    %dma_wait3A_595 = arith.constant 0 : i32
    %dma_wait3A_596 = tpu.memref_slice %arg6[%dma_wait3A_593, %dma_wait3A_594, %dma_wait3A_595] : memref<3x96x384xf32, #tpu.memory_space<vmem>> -> memref<1x96x384xf32, #tpu.memory_space<vmem>>
    %dma_wait3A_597 = tpu.memref_squeeze %dma_wait3A_596 : memref<1x96x384xf32, #tpu.memory_space<vmem>> -> memref<96x384xf32, #tpu.memory_space<vmem>>
    %dma_wait3A_598 = arith.constant 0 : i32
    %dma_wait3A_599 = tpu.memref_slice %arg5[%dma_wait3A_592, %dma_wait3A_598] : memref<25x96xi32, #tpu.memory_space<vmem>> -> memref<1x96xi32, #tpu.memory_space<vmem>>
    %dma_wait3A_600 = tpu.memref_squeeze %dma_wait3A_599 : memref<1x96xi32, #tpu.memory_space<vmem>> -> memref<96xi32, #tpu.memory_space<vmem>>
    %dma_wait3A_601 = tpu.memref_reshape %arg2 : memref<4800x4x384xf32, #tpu.memory_space<hbm>> -> memref<19200x384xf32, #tpu.memory_space<hbm>>
    %dma_wait3A_602 = arith.constant 0 : i32
    %dma_wait3A_603 = arith.constant 0 : i32
    %dma_wait3A_604 = tpu.memref_slice %dma_wait3A_601[%dma_wait3A_602, %dma_wait3A_603] : memref<19200x384xf32, #tpu.memory_space<hbm>> -> memref<19200x384xf32, #tpu.memory_space<hbm>>
    tpu.wait_indirect_dma semaphore(%arg8 : memref<!tpu.dma_semaphore, #tpu.memory_space<semaphore_mem>>) src(%dma_wait3A_604 : memref<19200x384xf32, #tpu.memory_space<hbm>>) dst(%dma_wait3A_597 : memref<96x384xf32, #tpu.memory_space<vmem>>)
    %add3A_605 = arith.constant 960 : i32
    %add3A_606 = arith.addi %mul3A_2, %add3A_605 : i32
    %dma_start3A_607 = arith.constant 1 : i32
    %dma_start3A_608 = arith.constant 0 : i32
    %dma_start3A_609 = arith.constant 0 : i32
    %dma_start3A_610 = tpu.memref_slice %arg6[%dma_start3A_607, %dma_start3A_608, %dma_start3A_609] : memref<3x96x384xf32, #tpu.memory_space<vmem>> -> memref<1x96x384xf32, #tpu.memory_space<vmem>>
    %dma_start3A_611 = tpu.memref_squeeze %dma_start3A_610 : memref<1x96x384xf32, #tpu.memory_space<vmem>> -> memref<96x384xf32, #tpu.memory_space<vmem>>
    %dma_start3A_612 = tpu.memref_reshape %arg4 : memref<19200x4x384xf32, #tpu.memory_space<hbm>> -> memref<76800x384xf32, #tpu.memory_space<hbm>>
    %dma_start3A_613 = arith.constant 0 : i32
    %dma_start3A_614 = tpu.memref_slice %dma_start3A_612[%add3A_606, %dma_start3A_613] : memref<76800x384xf32, #tpu.memory_space<hbm>> -> memref<96x384xf32, #tpu.memory_space<hbm>>
    %dma_start3A_615 = tpu.memref_reshape %arg4 : memref<19200x4x384xf32, #tpu.memory_space<hbm>> -> memref<76800x384xf32, #tpu.memory_space<hbm>>
    %dma_start3A_616 = arith.constant 0 : i32
    %dma_start3A_617 = tpu.memref_slice %dma_start3A_615[%add3A_606, %dma_start3A_616] : memref<76800x384xf32, #tpu.memory_space<hbm>> -> memref<96x384xf32, #tpu.memory_space<hbm>>
    %dma_start3A_618 = arith.constant 0 : i32
    %dma_start3A_619 = arith.constant 0 : i32
    %dma_start3A_620 = tpu.memref_slice %arg6[%dma_start3A_607, %dma_start3A_618, %dma_start3A_619] : memref<3x96x384xf32, #tpu.memory_space<vmem>> -> memref<1x96x384xf32, #tpu.memory_space<vmem>>
    %dma_start3A_621 = tpu.memref_squeeze %dma_start3A_620 : memref<1x96x384xf32, #tpu.memory_space<vmem>> -> memref<96x384xf32, #tpu.memory_space<vmem>>
    tpu.enqueue_dma source(%dma_start3A_621 : memref<96x384xf32, #tpu.memory_space<vmem>>) target(%dma_start3A_617 : memref<96x384xf32, #tpu.memory_space<hbm>>) target_semaphore(%arg11 : memref<!tpu.dma_semaphore, #tpu.memory_space<semaphore_mem>>)
    %dma_wait3A_622 = arith.constant 0 : i32
    %dma_wait3A_623 = arith.constant 0 : i32
    %dma_wait3A_624 = arith.constant 0 : i32
    %dma_wait3A_625 = tpu.memref_slice %arg6[%dma_wait3A_622, %dma_wait3A_623, %dma_wait3A_624] : memref<3x96x384xf32, #tpu.memory_space<vmem>> -> memref<1x96x384xf32, #tpu.memory_space<vmem>>
    %dma_wait3A_626 = tpu.memref_squeeze %dma_wait3A_625 : memref<1x96x384xf32, #tpu.memory_space<vmem>> -> memref<96x384xf32, #tpu.memory_space<vmem>>
    %dma_wait3A_627 = tpu.memref_reshape %arg4 : memref<19200x4x384xf32, #tpu.memory_space<hbm>> -> memref<76800x384xf32, #tpu.memory_space<hbm>>
    %dma_wait3A_628 = arith.constant 0 : i32
    %dma_wait3A_629 = tpu.memref_slice %dma_wait3A_627[%add3A_548, %dma_wait3A_628] : memref<76800x384xf32, #tpu.memory_space<hbm>> -> memref<96x384xf32, #tpu.memory_space<hbm>>
    %dma_wait3A_630 = tpu.memref_reshape %arg4 : memref<19200x4x384xf32, #tpu.memory_space<hbm>> -> memref<76800x384xf32, #tpu.memory_space<hbm>>
    %dma_wait3A_631 = arith.constant 0 : i32
    %dma_wait3A_632 = tpu.memref_slice %dma_wait3A_630[%add3A_548, %dma_wait3A_631] : memref<76800x384xf32, #tpu.memory_space<hbm>> -> memref<96x384xf32, #tpu.memory_space<hbm>>
    %dma_wait3A_633 = arith.constant 0 : i32
    %dma_wait3A_634 = arith.constant 0 : i32
    %dma_wait3A_635 = tpu.memref_slice %arg6[%dma_wait3A_622, %dma_wait3A_633, %dma_wait3A_634] : memref<3x96x384xf32, #tpu.memory_space<vmem>> -> memref<1x96x384xf32, #tpu.memory_space<vmem>>
    %dma_wait3A_636 = tpu.memref_squeeze %dma_wait3A_635 : memref<1x96x384xf32, #tpu.memory_space<vmem>> -> memref<96x384xf32, #tpu.memory_space<vmem>>
    tpu.wait_dma2 semaphore(%arg10 : memref<!tpu.dma_semaphore, #tpu.memory_space<semaphore_mem>>) src(%dma_wait3A_636 : memref<96x384xf32, #tpu.memory_space<vmem>>) dst(%dma_wait3A_632 : memref<96x384xf32, #tpu.memory_space<hbm>>)
    %dma_start3A_637 = arith.constant 12 : i32
    %dma_start3A_638 = arith.constant 0 : i32
    %dma_start3A_639 = arith.constant 0 : i32
    %dma_start3A_640 = arith.constant 0 : i32
    %dma_start3A_641 = tpu.memref_slice %arg6[%dma_start3A_638, %dma_start3A_639, %dma_start3A_640] : memref<3x96x384xf32, #tpu.memory_space<vmem>> -> memref<1x96x384xf32, #tpu.memory_space<vmem>>
    %dma_start3A_642 = tpu.memref_squeeze %dma_start3A_641 : memref<1x96x384xf32, #tpu.memory_space<vmem>> -> memref<96x384xf32, #tpu.memory_space<vmem>>
    %dma_start3A_643 = arith.constant 0 : i32
    %dma_start3A_644 = tpu.memref_slice %arg5[%dma_start3A_637, %dma_start3A_643] : memref<25x96xi32, #tpu.memory_space<vmem>> -> memref<1x96xi32, #tpu.memory_space<vmem>>
    %dma_start3A_645 = tpu.memref_squeeze %dma_start3A_644 : memref<1x96xi32, #tpu.memory_space<vmem>> -> memref<96xi32, #tpu.memory_space<vmem>>
    %dma_start3A_646 = tpu.memref_reshape %arg2 : memref<4800x4x384xf32, #tpu.memory_space<hbm>> -> memref<19200x384xf32, #tpu.memory_space<hbm>>
    %dma_start3A_647 = arith.constant 0 : i32
    %dma_start3A_648 = arith.constant 0 : i32
    %dma_start3A_649 = tpu.memref_slice %dma_start3A_646[%dma_start3A_647, %dma_start3A_648] : memref<19200x384xf32, #tpu.memory_space<hbm>> -> memref<19200x384xf32, #tpu.memory_space<hbm>>
    tpu.enqueue_indirect_dma source(%dma_start3A_649 : memref<19200x384xf32, #tpu.memory_space<hbm>>) target(%dma_start3A_642 : memref<96x384xf32, #tpu.memory_space<vmem>>) offsets(%dma_start3A_645 : memref<96xi32, #tpu.memory_space<vmem>>) semaphore(%arg7 : memref<!tpu.dma_semaphore, #tpu.memory_space<semaphore_mem>>)
    %dma_wait3A_650 = arith.constant 11 : i32
    %dma_wait3A_651 = arith.constant 2 : i32
    %dma_wait3A_652 = arith.constant 0 : i32
    %dma_wait3A_653 = arith.constant 0 : i32
    %dma_wait3A_654 = tpu.memref_slice %arg6[%dma_wait3A_651, %dma_wait3A_652, %dma_wait3A_653] : memref<3x96x384xf32, #tpu.memory_space<vmem>> -> memref<1x96x384xf32, #tpu.memory_space<vmem>>
    %dma_wait3A_655 = tpu.memref_squeeze %dma_wait3A_654 : memref<1x96x384xf32, #tpu.memory_space<vmem>> -> memref<96x384xf32, #tpu.memory_space<vmem>>
    %dma_wait3A_656 = arith.constant 0 : i32
    %dma_wait3A_657 = tpu.memref_slice %arg5[%dma_wait3A_650, %dma_wait3A_656] : memref<25x96xi32, #tpu.memory_space<vmem>> -> memref<1x96xi32, #tpu.memory_space<vmem>>
    %dma_wait3A_658 = tpu.memref_squeeze %dma_wait3A_657 : memref<1x96xi32, #tpu.memory_space<vmem>> -> memref<96xi32, #tpu.memory_space<vmem>>
    %dma_wait3A_659 = tpu.memref_reshape %arg2 : memref<4800x4x384xf32, #tpu.memory_space<hbm>> -> memref<19200x384xf32, #tpu.memory_space<hbm>>
    %dma_wait3A_660 = arith.constant 0 : i32
    %dma_wait3A_661 = arith.constant 0 : i32
    %dma_wait3A_662 = tpu.memref_slice %dma_wait3A_659[%dma_wait3A_660, %dma_wait3A_661] : memref<19200x384xf32, #tpu.memory_space<hbm>> -> memref<19200x384xf32, #tpu.memory_space<hbm>>
    tpu.wait_indirect_dma semaphore(%arg9 : memref<!tpu.dma_semaphore, #tpu.memory_space<semaphore_mem>>) src(%dma_wait3A_662 : memref<19200x384xf32, #tpu.memory_space<hbm>>) dst(%dma_wait3A_655 : memref<96x384xf32, #tpu.memory_space<vmem>>)
    %add3A_663 = arith.constant 1056 : i32
    %add3A_664 = arith.addi %mul3A_2, %add3A_663 : i32
    %dma_start3A_665 = arith.constant 2 : i32
    %dma_start3A_666 = arith.constant 0 : i32
    %dma_start3A_667 = arith.constant 0 : i32
    %dma_start3A_668 = tpu.memref_slice %arg6[%dma_start3A_665, %dma_start3A_666, %dma_start3A_667] : memref<3x96x384xf32, #tpu.memory_space<vmem>> -> memref<1x96x384xf32, #tpu.memory_space<vmem>>
    %dma_start3A_669 = tpu.memref_squeeze %dma_start3A_668 : memref<1x96x384xf32, #tpu.memory_space<vmem>> -> memref<96x384xf32, #tpu.memory_space<vmem>>
    %dma_start3A_670 = tpu.memref_reshape %arg4 : memref<19200x4x384xf32, #tpu.memory_space<hbm>> -> memref<76800x384xf32, #tpu.memory_space<hbm>>
    %dma_start3A_671 = arith.constant 0 : i32
    %dma_start3A_672 = tpu.memref_slice %dma_start3A_670[%add3A_664, %dma_start3A_671] : memref<76800x384xf32, #tpu.memory_space<hbm>> -> memref<96x384xf32, #tpu.memory_space<hbm>>
    %dma_start3A_673 = tpu.memref_reshape %arg4 : memref<19200x4x384xf32, #tpu.memory_space<hbm>> -> memref<76800x384xf32, #tpu.memory_space<hbm>>
    %dma_start3A_674 = arith.constant 0 : i32
    %dma_start3A_675 = tpu.memref_slice %dma_start3A_673[%add3A_664, %dma_start3A_674] : memref<76800x384xf32, #tpu.memory_space<hbm>> -> memref<96x384xf32, #tpu.memory_space<hbm>>
    %dma_start3A_676 = arith.constant 0 : i32
    %dma_start3A_677 = arith.constant 0 : i32
    %dma_start3A_678 = tpu.memref_slice %arg6[%dma_start3A_665, %dma_start3A_676, %dma_start3A_677] : memref<3x96x384xf32, #tpu.memory_space<vmem>> -> memref<1x96x384xf32, #tpu.memory_space<vmem>>
    %dma_start3A_679 = tpu.memref_squeeze %dma_start3A_678 : memref<1x96x384xf32, #tpu.memory_space<vmem>> -> memref<96x384xf32, #tpu.memory_space<vmem>>
    tpu.enqueue_dma source(%dma_start3A_679 : memref<96x384xf32, #tpu.memory_space<vmem>>) target(%dma_start3A_675 : memref<96x384xf32, #tpu.memory_space<hbm>>) target_semaphore(%arg12 : memref<!tpu.dma_semaphore, #tpu.memory_space<semaphore_mem>>)
    %dma_wait3A_680 = arith.constant 1 : i32
    %dma_wait3A_681 = arith.constant 0 : i32
    %dma_wait3A_682 = arith.constant 0 : i32
    %dma_wait3A_683 = tpu.memref_slice %arg6[%dma_wait3A_680, %dma_wait3A_681, %dma_wait3A_682] : memref<3x96x384xf32, #tpu.memory_space<vmem>> -> memref<1x96x384xf32, #tpu.memory_space<vmem>>
    %dma_wait3A_684 = tpu.memref_squeeze %dma_wait3A_683 : memref<1x96x384xf32, #tpu.memory_space<vmem>> -> memref<96x384xf32, #tpu.memory_space<vmem>>
    %dma_wait3A_685 = tpu.memref_reshape %arg4 : memref<19200x4x384xf32, #tpu.memory_space<hbm>> -> memref<76800x384xf32, #tpu.memory_space<hbm>>
    %dma_wait3A_686 = arith.constant 0 : i32
    %dma_wait3A_687 = tpu.memref_slice %dma_wait3A_685[%add3A_606, %dma_wait3A_686] : memref<76800x384xf32, #tpu.memory_space<hbm>> -> memref<96x384xf32, #tpu.memory_space<hbm>>
    %dma_wait3A_688 = tpu.memref_reshape %arg4 : memref<19200x4x384xf32, #tpu.memory_space<hbm>> -> memref<76800x384xf32, #tpu.memory_space<hbm>>
    %dma_wait3A_689 = arith.constant 0 : i32
    %dma_wait3A_690 = tpu.memref_slice %dma_wait3A_688[%add3A_606, %dma_wait3A_689] : memref<76800x384xf32, #tpu.memory_space<hbm>> -> memref<96x384xf32, #tpu.memory_space<hbm>>
    %dma_wait3A_691 = arith.constant 0 : i32
    %dma_wait3A_692 = arith.constant 0 : i32
    %dma_wait3A_693 = tpu.memref_slice %arg6[%dma_wait3A_680, %dma_wait3A_691, %dma_wait3A_692] : memref<3x96x384xf32, #tpu.memory_space<vmem>> -> memref<1x96x384xf32, #tpu.memory_space<vmem>>
    %dma_wait3A_694 = tpu.memref_squeeze %dma_wait3A_693 : memref<1x96x384xf32, #tpu.memory_space<vmem>> -> memref<96x384xf32, #tpu.memory_space<vmem>>
    tpu.wait_dma2 semaphore(%arg11 : memref<!tpu.dma_semaphore, #tpu.memory_space<semaphore_mem>>) src(%dma_wait3A_694 : memref<96x384xf32, #tpu.memory_space<vmem>>) dst(%dma_wait3A_690 : memref<96x384xf32, #tpu.memory_space<hbm>>)
    %dma_start3A_695 = arith.constant 13 : i32
    %dma_start3A_696 = arith.constant 1 : i32
    %dma_start3A_697 = arith.constant 0 : i32
    %dma_start3A_698 = arith.constant 0 : i32
    %dma_start3A_699 = tpu.memref_slice %arg6[%dma_start3A_696, %dma_start3A_697, %dma_start3A_698] : memref<3x96x384xf32, #tpu.memory_space<vmem>> -> memref<1x96x384xf32, #tpu.memory_space<vmem>>
    %dma_start3A_700 = tpu.memref_squeeze %dma_start3A_699 : memref<1x96x384xf32, #tpu.memory_space<vmem>> -> memref<96x384xf32, #tpu.memory_space<vmem>>
    %dma_start3A_701 = arith.constant 0 : i32
    %dma_start3A_702 = tpu.memref_slice %arg5[%dma_start3A_695, %dma_start3A_701] : memref<25x96xi32, #tpu.memory_space<vmem>> -> memref<1x96xi32, #tpu.memory_space<vmem>>
    %dma_start3A_703 = tpu.memref_squeeze %dma_start3A_702 : memref<1x96xi32, #tpu.memory_space<vmem>> -> memref<96xi32, #tpu.memory_space<vmem>>
    %dma_start3A_704 = tpu.memref_reshape %arg2 : memref<4800x4x384xf32, #tpu.memory_space<hbm>> -> memref<19200x384xf32, #tpu.memory_space<hbm>>
    %dma_start3A_705 = arith.constant 0 : i32
    %dma_start3A_706 = arith.constant 0 : i32
    %dma_start3A_707 = tpu.memref_slice %dma_start3A_704[%dma_start3A_705, %dma_start3A_706] : memref<19200x384xf32, #tpu.memory_space<hbm>> -> memref<19200x384xf32, #tpu.memory_space<hbm>>
    tpu.enqueue_indirect_dma source(%dma_start3A_707 : memref<19200x384xf32, #tpu.memory_space<hbm>>) target(%dma_start3A_700 : memref<96x384xf32, #tpu.memory_space<vmem>>) offsets(%dma_start3A_703 : memref<96xi32, #tpu.memory_space<vmem>>) semaphore(%arg8 : memref<!tpu.dma_semaphore, #tpu.memory_space<semaphore_mem>>)
    %dma_wait3A_708 = arith.constant 12 : i32
    %dma_wait3A_709 = arith.constant 0 : i32
    %dma_wait3A_710 = arith.constant 0 : i32
    %dma_wait3A_711 = arith.constant 0 : i32
    %dma_wait3A_712 = tpu.memref_slice %arg6[%dma_wait3A_709, %dma_wait3A_710, %dma_wait3A_711] : memref<3x96x384xf32, #tpu.memory_space<vmem>> -> memref<1x96x384xf32, #tpu.memory_space<vmem>>
    %dma_wait3A_713 = tpu.memref_squeeze %dma_wait3A_712 : memref<1x96x384xf32, #tpu.memory_space<vmem>> -> memref<96x384xf32, #tpu.memory_space<vmem>>
    %dma_wait3A_714 = arith.constant 0 : i32
    %dma_wait3A_715 = tpu.memref_slice %arg5[%dma_wait3A_708, %dma_wait3A_714] : memref<25x96xi32, #tpu.memory_space<vmem>> -> memref<1x96xi32, #tpu.memory_space<vmem>>
    %dma_wait3A_716 = tpu.memref_squeeze %dma_wait3A_715 : memref<1x96xi32, #tpu.memory_space<vmem>> -> memref<96xi32, #tpu.memory_space<vmem>>
    %dma_wait3A_717 = tpu.memref_reshape %arg2 : memref<4800x4x384xf32, #tpu.memory_space<hbm>> -> memref<19200x384xf32, #tpu.memory_space<hbm>>
    %dma_wait3A_718 = arith.constant 0 : i32
    %dma_wait3A_719 = arith.constant 0 : i32
    %dma_wait3A_720 = tpu.memref_slice %dma_wait3A_717[%dma_wait3A_718, %dma_wait3A_719] : memref<19200x384xf32, #tpu.memory_space<hbm>> -> memref<19200x384xf32, #tpu.memory_space<hbm>>
    tpu.wait_indirect_dma semaphore(%arg7 : memref<!tpu.dma_semaphore, #tpu.memory_space<semaphore_mem>>) src(%dma_wait3A_720 : memref<19200x384xf32, #tpu.memory_space<hbm>>) dst(%dma_wait3A_713 : memref<96x384xf32, #tpu.memory_space<vmem>>)
    %add3A_721 = arith.constant 1152 : i32
    %add3A_722 = arith.addi %mul3A_2, %add3A_721 : i32
    %dma_start3A_723 = arith.constant 0 : i32
    %dma_start3A_724 = arith.constant 0 : i32
    %dma_start3A_725 = arith.constant 0 : i32
    %dma_start3A_726 = tpu.memref_slice %arg6[%dma_start3A_723, %dma_start3A_724, %dma_start3A_725] : memref<3x96x384xf32, #tpu.memory_space<vmem>> -> memref<1x96x384xf32, #tpu.memory_space<vmem>>
    %dma_start3A_727 = tpu.memref_squeeze %dma_start3A_726 : memref<1x96x384xf32, #tpu.memory_space<vmem>> -> memref<96x384xf32, #tpu.memory_space<vmem>>
    %dma_start3A_728 = tpu.memref_reshape %arg4 : memref<19200x4x384xf32, #tpu.memory_space<hbm>> -> memref<76800x384xf32, #tpu.memory_space<hbm>>
    %dma_start3A_729 = arith.constant 0 : i32
    %dma_start3A_730 = tpu.memref_slice %dma_start3A_728[%add3A_722, %dma_start3A_729] : memref<76800x384xf32, #tpu.memory_space<hbm>> -> memref<96x384xf32, #tpu.memory_space<hbm>>
    %dma_start3A_731 = tpu.memref_reshape %arg4 : memref<19200x4x384xf32, #tpu.memory_space<hbm>> -> memref<76800x384xf32, #tpu.memory_space<hbm>>
    %dma_start3A_732 = arith.constant 0 : i32
    %dma_start3A_733 = tpu.memref_slice %dma_start3A_731[%add3A_722, %dma_start3A_732] : memref<76800x384xf32, #tpu.memory_space<hbm>> -> memref<96x384xf32, #tpu.memory_space<hbm>>
    %dma_start3A_734 = arith.constant 0 : i32
    %dma_start3A_735 = arith.constant 0 : i32
    %dma_start3A_736 = tpu.memref_slice %arg6[%dma_start3A_723, %dma_start3A_734, %dma_start3A_735] : memref<3x96x384xf32, #tpu.memory_space<vmem>> -> memref<1x96x384xf32, #tpu.memory_space<vmem>>
    %dma_start3A_737 = tpu.memref_squeeze %dma_start3A_736 : memref<1x96x384xf32, #tpu.memory_space<vmem>> -> memref<96x384xf32, #tpu.memory_space<vmem>>
    tpu.enqueue_dma source(%dma_start3A_737 : memref<96x384xf32, #tpu.memory_space<vmem>>) target(%dma_start3A_733 : memref<96x384xf32, #tpu.memory_space<hbm>>) target_semaphore(%arg10 : memref<!tpu.dma_semaphore, #tpu.memory_space<semaphore_mem>>)
    %dma_wait3A_738 = arith.constant 2 : i32
    %dma_wait3A_739 = arith.constant 0 : i32
    %dma_wait3A_740 = arith.constant 0 : i32
    %dma_wait3A_741 = tpu.memref_slice %arg6[%dma_wait3A_738, %dma_wait3A_739, %dma_wait3A_740] : memref<3x96x384xf32, #tpu.memory_space<vmem>> -> memref<1x96x384xf32, #tpu.memory_space<vmem>>
    %dma_wait3A_742 = tpu.memref_squeeze %dma_wait3A_741 : memref<1x96x384xf32, #tpu.memory_space<vmem>> -> memref<96x384xf32, #tpu.memory_space<vmem>>
    %dma_wait3A_743 = tpu.memref_reshape %arg4 : memref<19200x4x384xf32, #tpu.memory_space<hbm>> -> memref<76800x384xf32, #tpu.memory_space<hbm>>
    %dma_wait3A_744 = arith.constant 0 : i32
    %dma_wait3A_745 = tpu.memref_slice %dma_wait3A_743[%add3A_664, %dma_wait3A_744] : memref<76800x384xf32, #tpu.memory_space<hbm>> -> memref<96x384xf32, #tpu.memory_space<hbm>>
    %dma_wait3A_746 = tpu.memref_reshape %arg4 : memref<19200x4x384xf32, #tpu.memory_space<hbm>> -> memref<76800x384xf32, #tpu.memory_space<hbm>>
    %dma_wait3A_747 = arith.constant 0 : i32
    %dma_wait3A_748 = tpu.memref_slice %dma_wait3A_746[%add3A_664, %dma_wait3A_747] : memref<76800x384xf32, #tpu.memory_space<hbm>> -> memref<96x384xf32, #tpu.memory_space<hbm>>
    %dma_wait3A_749 = arith.constant 0 : i32
    %dma_wait3A_750 = arith.constant 0 : i32
    %dma_wait3A_751 = tpu.memref_slice %arg6[%dma_wait3A_738, %dma_wait3A_749, %dma_wait3A_750] : memref<3x96x384xf32, #tpu.memory_space<vmem>> -> memref<1x96x384xf32, #tpu.memory_space<vmem>>
    %dma_wait3A_752 = tpu.memref_squeeze %dma_wait3A_751 : memref<1x96x384xf32, #tpu.memory_space<vmem>> -> memref<96x384xf32, #tpu.memory_space<vmem>>
    tpu.wait_dma2 semaphore(%arg12 : memref<!tpu.dma_semaphore, #tpu.memory_space<semaphore_mem>>) src(%dma_wait3A_752 : memref<96x384xf32, #tpu.memory_space<vmem>>) dst(%dma_wait3A_748 : memref<96x384xf32, #tpu.memory_space<hbm>>)
    %dma_start3A_753 = arith.constant 14 : i32
    %dma_start3A_754 = arith.constant 2 : i32
    %dma_start3A_755 = arith.constant 0 : i32
    %dma_start3A_756 = arith.constant 0 : i32
    %dma_start3A_757 = tpu.memref_slice %arg6[%dma_start3A_754, %dma_start3A_755, %dma_start3A_756] : memref<3x96x384xf32, #tpu.memory_space<vmem>> -> memref<1x96x384xf32, #tpu.memory_space<vmem>>
    %dma_start3A_758 = tpu.memref_squeeze %dma_start3A_757 : memref<1x96x384xf32, #tpu.memory_space<vmem>> -> memref<96x384xf32, #tpu.memory_space<vmem>>
    %dma_start3A_759 = arith.constant 0 : i32
    %dma_start3A_760 = tpu.memref_slice %arg5[%dma_start3A_753, %dma_start3A_759] : memref<25x96xi32, #tpu.memory_space<vmem>> -> memref<1x96xi32, #tpu.memory_space<vmem>>
    %dma_start3A_761 = tpu.memref_squeeze %dma_start3A_760 : memref<1x96xi32, #tpu.memory_space<vmem>> -> memref<96xi32, #tpu.memory_space<vmem>>
    %dma_start3A_762 = tpu.memref_reshape %arg2 : memref<4800x4x384xf32, #tpu.memory_space<hbm>> -> memref<19200x384xf32, #tpu.memory_space<hbm>>
    %dma_start3A_763 = arith.constant 0 : i32
    %dma_start3A_764 = arith.constant 0 : i32
    %dma_start3A_765 = tpu.memref_slice %dma_start3A_762[%dma_start3A_763, %dma_start3A_764] : memref<19200x384xf32, #tpu.memory_space<hbm>> -> memref<19200x384xf32, #tpu.memory_space<hbm>>
    tpu.enqueue_indirect_dma source(%dma_start3A_765 : memref<19200x384xf32, #tpu.memory_space<hbm>>) target(%dma_start3A_758 : memref<96x384xf32, #tpu.memory_space<vmem>>) offsets(%dma_start3A_761 : memref<96xi32, #tpu.memory_space<vmem>>) semaphore(%arg9 : memref<!tpu.dma_semaphore, #tpu.memory_space<semaphore_mem>>)
    %dma_wait3A_766 = arith.constant 13 : i32
    %dma_wait3A_767 = arith.constant 1 : i32
    %dma_wait3A_768 = arith.constant 0 : i32
    %dma_wait3A_769 = arith.constant 0 : i32
    %dma_wait3A_770 = tpu.memref_slice %arg6[%dma_wait3A_767, %dma_wait3A_768, %dma_wait3A_769] : memref<3x96x384xf32, #tpu.memory_space<vmem>> -> memref<1x96x384xf32, #tpu.memory_space<vmem>>
    %dma_wait3A_771 = tpu.memref_squeeze %dma_wait3A_770 : memref<1x96x384xf32, #tpu.memory_space<vmem>> -> memref<96x384xf32, #tpu.memory_space<vmem>>
    %dma_wait3A_772 = arith.constant 0 : i32
    %dma_wait3A_773 = tpu.memref_slice %arg5[%dma_wait3A_766, %dma_wait3A_772] : memref<25x96xi32, #tpu.memory_space<vmem>> -> memref<1x96xi32, #tpu.memory_space<vmem>>
    %dma_wait3A_774 = tpu.memref_squeeze %dma_wait3A_773 : memref<1x96xi32, #tpu.memory_space<vmem>> -> memref<96xi32, #tpu.memory_space<vmem>>
    %dma_wait3A_775 = tpu.memref_reshape %arg2 : memref<4800x4x384xf32, #tpu.memory_space<hbm>> -> memref<19200x384xf32, #tpu.memory_space<hbm>>
    %dma_wait3A_776 = arith.constant 0 : i32
    %dma_wait3A_777 = arith.constant 0 : i32
    %dma_wait3A_778 = tpu.memref_slice %dma_wait3A_775[%dma_wait3A_776, %dma_wait3A_777] : memref<19200x384xf32, #tpu.memory_space<hbm>> -> memref<19200x384xf32, #tpu.memory_space<hbm>>
    tpu.wait_indirect_dma semaphore(%arg8 : memref<!tpu.dma_semaphore, #tpu.memory_space<semaphore_mem>>) src(%dma_wait3A_778 : memref<19200x384xf32, #tpu.memory_space<hbm>>) dst(%dma_wait3A_771 : memref<96x384xf32, #tpu.memory_space<vmem>>)
    %add3A_779 = arith.constant 1248 : i32
    %add3A_780 = arith.addi %mul3A_2, %add3A_779 : i32
    %dma_start3A_781 = arith.constant 1 : i32
    %dma_start3A_782 = arith.constant 0 : i32
    %dma_start3A_783 = arith.constant 0 : i32
    %dma_start3A_784 = tpu.memref_slice %arg6[%dma_start3A_781, %dma_start3A_782, %dma_start3A_783] : memref<3x96x384xf32, #tpu.memory_space<vmem>> -> memref<1x96x384xf32, #tpu.memory_space<vmem>>
    %dma_start3A_785 = tpu.memref_squeeze %dma_start3A_784 : memref<1x96x384xf32, #tpu.memory_space<vmem>> -> memref<96x384xf32, #tpu.memory_space<vmem>>
    %dma_start3A_786 = tpu.memref_reshape %arg4 : memref<19200x4x384xf32, #tpu.memory_space<hbm>> -> memref<76800x384xf32, #tpu.memory_space<hbm>>
    %dma_start3A_787 = arith.constant 0 : i32
    %dma_start3A_788 = tpu.memref_slice %dma_start3A_786[%add3A_780, %dma_start3A_787] : memref<76800x384xf32, #tpu.memory_space<hbm>> -> memref<96x384xf32, #tpu.memory_space<hbm>>
    %dma_start3A_789 = tpu.memref_reshape %arg4 : memref<19200x4x384xf32, #tpu.memory_space<hbm>> -> memref<76800x384xf32, #tpu.memory_space<hbm>>
    %dma_start3A_790 = arith.constant 0 : i32
    %dma_start3A_791 = tpu.memref_slice %dma_start3A_789[%add3A_780, %dma_start3A_790] : memref<76800x384xf32, #tpu.memory_space<hbm>> -> memref<96x384xf32, #tpu.memory_space<hbm>>
    %dma_start3A_792 = arith.constant 0 : i32
    %dma_start3A_793 = arith.constant 0 : i32
    %dma_start3A_794 = tpu.memref_slice %arg6[%dma_start3A_781, %dma_start3A_792, %dma_start3A_793] : memref<3x96x384xf32, #tpu.memory_space<vmem>> -> memref<1x96x384xf32, #tpu.memory_space<vmem>>
    %dma_start3A_795 = tpu.memref_squeeze %dma_start3A_794 : memref<1x96x384xf32, #tpu.memory_space<vmem>> -> memref<96x384xf32, #tpu.memory_space<vmem>>
    tpu.enqueue_dma source(%dma_start3A_795 : memref<96x384xf32, #tpu.memory_space<vmem>>) target(%dma_start3A_791 : memref<96x384xf32, #tpu.memory_space<hbm>>) target_semaphore(%arg11 : memref<!tpu.dma_semaphore, #tpu.memory_space<semaphore_mem>>)
    %dma_wait3A_796 = arith.constant 0 : i32
    %dma_wait3A_797 = arith.constant 0 : i32
    %dma_wait3A_798 = arith.constant 0 : i32
    %dma_wait3A_799 = tpu.memref_slice %arg6[%dma_wait3A_796, %dma_wait3A_797, %dma_wait3A_798] : memref<3x96x384xf32, #tpu.memory_space<vmem>> -> memref<1x96x384xf32, #tpu.memory_space<vmem>>
    %dma_wait3A_800 = tpu.memref_squeeze %dma_wait3A_799 : memref<1x96x384xf32, #tpu.memory_space<vmem>> -> memref<96x384xf32, #tpu.memory_space<vmem>>
    %dma_wait3A_801 = tpu.memref_reshape %arg4 : memref<19200x4x384xf32, #tpu.memory_space<hbm>> -> memref<76800x384xf32, #tpu.memory_space<hbm>>
    %dma_wait3A_802 = arith.constant 0 : i32
    %dma_wait3A_803 = tpu.memref_slice %dma_wait3A_801[%add3A_722, %dma_wait3A_802] : memref<76800x384xf32, #tpu.memory_space<hbm>> -> memref<96x384xf32, #tpu.memory_space<hbm>>
    %dma_wait3A_804 = tpu.memref_reshape %arg4 : memref<19200x4x384xf32, #tpu.memory_space<hbm>> -> memref<76800x384xf32, #tpu.memory_space<hbm>>
    %dma_wait3A_805 = arith.constant 0 : i32
    %dma_wait3A_806 = tpu.memref_slice %dma_wait3A_804[%add3A_722, %dma_wait3A_805] : memref<76800x384xf32, #tpu.memory_space<hbm>> -> memref<96x384xf32, #tpu.memory_space<hbm>>
    %dma_wait3A_807 = arith.constant 0 : i32
    %dma_wait3A_808 = arith.constant 0 : i32
    %dma_wait3A_809 = tpu.memref_slice %arg6[%dma_wait3A_796, %dma_wait3A_807, %dma_wait3A_808] : memref<3x96x384xf32, #tpu.memory_space<vmem>> -> memref<1x96x384xf32, #tpu.memory_space<vmem>>
    %dma_wait3A_810 = tpu.memref_squeeze %dma_wait3A_809 : memref<1x96x384xf32, #tpu.memory_space<vmem>> -> memref<96x384xf32, #tpu.memory_space<vmem>>
    tpu.wait_dma2 semaphore(%arg10 : memref<!tpu.dma_semaphore, #tpu.memory_space<semaphore_mem>>) src(%dma_wait3A_810 : memref<96x384xf32, #tpu.memory_space<vmem>>) dst(%dma_wait3A_806 : memref<96x384xf32, #tpu.memory_space<hbm>>)
    %dma_start3A_811 = arith.constant 15 : i32
    %dma_start3A_812 = arith.constant 0 : i32
    %dma_start3A_813 = arith.constant 0 : i32
    %dma_start3A_814 = arith.constant 0 : i32
    %dma_start3A_815 = tpu.memref_slice %arg6[%dma_start3A_812, %dma_start3A_813, %dma_start3A_814] : memref<3x96x384xf32, #tpu.memory_space<vmem>> -> memref<1x96x384xf32, #tpu.memory_space<vmem>>
    %dma_start3A_816 = tpu.memref_squeeze %dma_start3A_815 : memref<1x96x384xf32, #tpu.memory_space<vmem>> -> memref<96x384xf32, #tpu.memory_space<vmem>>
    %dma_start3A_817 = arith.constant 0 : i32
    %dma_start3A_818 = tpu.memref_slice %arg5[%dma_start3A_811, %dma_start3A_817] : memref<25x96xi32, #tpu.memory_space<vmem>> -> memref<1x96xi32, #tpu.memory_space<vmem>>
    %dma_start3A_819 = tpu.memref_squeeze %dma_start3A_818 : memref<1x96xi32, #tpu.memory_space<vmem>> -> memref<96xi32, #tpu.memory_space<vmem>>
    %dma_start3A_820 = tpu.memref_reshape %arg2 : memref<4800x4x384xf32, #tpu.memory_space<hbm>> -> memref<19200x384xf32, #tpu.memory_space<hbm>>
    %dma_start3A_821 = arith.constant 0 : i32
    %dma_start3A_822 = arith.constant 0 : i32
    %dma_start3A_823 = tpu.memref_slice %dma_start3A_820[%dma_start3A_821, %dma_start3A_822] : memref<19200x384xf32, #tpu.memory_space<hbm>> -> memref<19200x384xf32, #tpu.memory_space<hbm>>
    tpu.enqueue_indirect_dma source(%dma_start3A_823 : memref<19200x384xf32, #tpu.memory_space<hbm>>) target(%dma_start3A_816 : memref<96x384xf32, #tpu.memory_space<vmem>>) offsets(%dma_start3A_819 : memref<96xi32, #tpu.memory_space<vmem>>) semaphore(%arg7 : memref<!tpu.dma_semaphore, #tpu.memory_space<semaphore_mem>>)
    %dma_wait3A_824 = arith.constant 14 : i32
    %dma_wait3A_825 = arith.constant 2 : i32
    %dma_wait3A_826 = arith.constant 0 : i32
    %dma_wait3A_827 = arith.constant 0 : i32
    %dma_wait3A_828 = tpu.memref_slice %arg6[%dma_wait3A_825, %dma_wait3A_826, %dma_wait3A_827] : memref<3x96x384xf32, #tpu.memory_space<vmem>> -> memref<1x96x384xf32, #tpu.memory_space<vmem>>
    %dma_wait3A_829 = tpu.memref_squeeze %dma_wait3A_828 : memref<1x96x384xf32, #tpu.memory_space<vmem>> -> memref<96x384xf32, #tpu.memory_space<vmem>>
    %dma_wait3A_830 = arith.constant 0 : i32
    %dma_wait3A_831 = tpu.memref_slice %arg5[%dma_wait3A_824, %dma_wait3A_830] : memref<25x96xi32, #tpu.memory_space<vmem>> -> memref<1x96xi32, #tpu.memory_space<vmem>>
    %dma_wait3A_832 = tpu.memref_squeeze %dma_wait3A_831 : memref<1x96xi32, #tpu.memory_space<vmem>> -> memref<96xi32, #tpu.memory_space<vmem>>
    %dma_wait3A_833 = tpu.memref_reshape %arg2 : memref<4800x4x384xf32, #tpu.memory_space<hbm>> -> memref<19200x384xf32, #tpu.memory_space<hbm>>
    %dma_wait3A_834 = arith.constant 0 : i32
    %dma_wait3A_835 = arith.constant 0 : i32
    %dma_wait3A_836 = tpu.memref_slice %dma_wait3A_833[%dma_wait3A_834, %dma_wait3A_835] : memref<19200x384xf32, #tpu.memory_space<hbm>> -> memref<19200x384xf32, #tpu.memory_space<hbm>>
    tpu.wait_indirect_dma semaphore(%arg9 : memref<!tpu.dma_semaphore, #tpu.memory_space<semaphore_mem>>) src(%dma_wait3A_836 : memref<19200x384xf32, #tpu.memory_space<hbm>>) dst(%dma_wait3A_829 : memref<96x384xf32, #tpu.memory_space<vmem>>)
    %add3A_837 = arith.constant 1344 : i32
    %add3A_838 = arith.addi %mul3A_2, %add3A_837 : i32
    %dma_start3A_839 = arith.constant 2 : i32
    %dma_start3A_840 = arith.constant 0 : i32
    %dma_start3A_841 = arith.constant 0 : i32
    %dma_start3A_842 = tpu.memref_slice %arg6[%dma_start3A_839, %dma_start3A_840, %dma_start3A_841] : memref<3x96x384xf32, #tpu.memory_space<vmem>> -> memref<1x96x384xf32, #tpu.memory_space<vmem>>
    %dma_start3A_843 = tpu.memref_squeeze %dma_start3A_842 : memref<1x96x384xf32, #tpu.memory_space<vmem>> -> memref<96x384xf32, #tpu.memory_space<vmem>>
    %dma_start3A_844 = tpu.memref_reshape %arg4 : memref<19200x4x384xf32, #tpu.memory_space<hbm>> -> memref<76800x384xf32, #tpu.memory_space<hbm>>
    %dma_start3A_845 = arith.constant 0 : i32
    %dma_start3A_846 = tpu.memref_slice %dma_start3A_844[%add3A_838, %dma_start3A_845] : memref<76800x384xf32, #tpu.memory_space<hbm>> -> memref<96x384xf32, #tpu.memory_space<hbm>>
    %dma_start3A_847 = tpu.memref_reshape %arg4 : memref<19200x4x384xf32, #tpu.memory_space<hbm>> -> memref<76800x384xf32, #tpu.memory_space<hbm>>
    %dma_start3A_848 = arith.constant 0 : i32
    %dma_start3A_849 = tpu.memref_slice %dma_start3A_847[%add3A_838, %dma_start3A_848] : memref<76800x384xf32, #tpu.memory_space<hbm>> -> memref<96x384xf32, #tpu.memory_space<hbm>>
    %dma_start3A_850 = arith.constant 0 : i32
    %dma_start3A_851 = arith.constant 0 : i32
    %dma_start3A_852 = tpu.memref_slice %arg6[%dma_start3A_839, %dma_start3A_850, %dma_start3A_851] : memref<3x96x384xf32, #tpu.memory_space<vmem>> -> memref<1x96x384xf32, #tpu.memory_space<vmem>>
    %dma_start3A_853 = tpu.memref_squeeze %dma_start3A_852 : memref<1x96x384xf32, #tpu.memory_space<vmem>> -> memref<96x384xf32, #tpu.memory_space<vmem>>
    tpu.enqueue_dma source(%dma_start3A_853 : memref<96x384xf32, #tpu.memory_space<vmem>>) target(%dma_start3A_849 : memref<96x384xf32, #tpu.memory_space<hbm>>) target_semaphore(%arg12 : memref<!tpu.dma_semaphore, #tpu.memory_space<semaphore_mem>>)
    %dma_wait3A_854 = arith.constant 1 : i32
    %dma_wait3A_855 = arith.constant 0 : i32
    %dma_wait3A_856 = arith.constant 0 : i32
    %dma_wait3A_857 = tpu.memref_slice %arg6[%dma_wait3A_854, %dma_wait3A_855, %dma_wait3A_856] : memref<3x96x384xf32, #tpu.memory_space<vmem>> -> memref<1x96x384xf32, #tpu.memory_space<vmem>>
    %dma_wait3A_858 = tpu.memref_squeeze %dma_wait3A_857 : memref<1x96x384xf32, #tpu.memory_space<vmem>> -> memref<96x384xf32, #tpu.memory_space<vmem>>
    %dma_wait3A_859 = tpu.memref_reshape %arg4 : memref<19200x4x384xf32, #tpu.memory_space<hbm>> -> memref<76800x384xf32, #tpu.memory_space<hbm>>
    %dma_wait3A_860 = arith.constant 0 : i32
    %dma_wait3A_861 = tpu.memref_slice %dma_wait3A_859[%add3A_780, %dma_wait3A_860] : memref<76800x384xf32, #tpu.memory_space<hbm>> -> memref<96x384xf32, #tpu.memory_space<hbm>>
    %dma_wait3A_862 = tpu.memref_reshape %arg4 : memref<19200x4x384xf32, #tpu.memory_space<hbm>> -> memref<76800x384xf32, #tpu.memory_space<hbm>>
    %dma_wait3A_863 = arith.constant 0 : i32
    %dma_wait3A_864 = tpu.memref_slice %dma_wait3A_862[%add3A_780, %dma_wait3A_863] : memref<76800x384xf32, #tpu.memory_space<hbm>> -> memref<96x384xf32, #tpu.memory_space<hbm>>
    %dma_wait3A_865 = arith.constant 0 : i32
    %dma_wait3A_866 = arith.constant 0 : i32
    %dma_wait3A_867 = tpu.memref_slice %arg6[%dma_wait3A_854, %dma_wait3A_865, %dma_wait3A_866] : memref<3x96x384xf32, #tpu.memory_space<vmem>> -> memref<1x96x384xf32, #tpu.memory_space<vmem>>
    %dma_wait3A_868 = tpu.memref_squeeze %dma_wait3A_867 : memref<1x96x384xf32, #tpu.memory_space<vmem>> -> memref<96x384xf32, #tpu.memory_space<vmem>>
    tpu.wait_dma2 semaphore(%arg11 : memref<!tpu.dma_semaphore, #tpu.memory_space<semaphore_mem>>) src(%dma_wait3A_868 : memref<96x384xf32, #tpu.memory_space<vmem>>) dst(%dma_wait3A_864 : memref<96x384xf32, #tpu.memory_space<hbm>>)
    %dma_start3A_869 = arith.constant 16 : i32
    %dma_start3A_870 = arith.constant 1 : i32
    %dma_start3A_871 = arith.constant 0 : i32
    %dma_start3A_872 = arith.constant 0 : i32
    %dma_start3A_873 = tpu.memref_slice %arg6[%dma_start3A_870, %dma_start3A_871, %dma_start3A_872] : memref<3x96x384xf32, #tpu.memory_space<vmem>> -> memref<1x96x384xf32, #tpu.memory_space<vmem>>
    %dma_start3A_874 = tpu.memref_squeeze %dma_start3A_873 : memref<1x96x384xf32, #tpu.memory_space<vmem>> -> memref<96x384xf32, #tpu.memory_space<vmem>>
    %dma_start3A_875 = arith.constant 0 : i32
    %dma_start3A_876 = tpu.memref_slice %arg5[%dma_start3A_869, %dma_start3A_875] : memref<25x96xi32, #tpu.memory_space<vmem>> -> memref<1x96xi32, #tpu.memory_space<vmem>>
    %dma_start3A_877 = tpu.memref_squeeze %dma_start3A_876 : memref<1x96xi32, #tpu.memory_space<vmem>> -> memref<96xi32, #tpu.memory_space<vmem>>
    %dma_start3A_878 = tpu.memref_reshape %arg2 : memref<4800x4x384xf32, #tpu.memory_space<hbm>> -> memref<19200x384xf32, #tpu.memory_space<hbm>>
    %dma_start3A_879 = arith.constant 0 : i32
    %dma_start3A_880 = arith.constant 0 : i32
    %dma_start3A_881 = tpu.memref_slice %dma_start3A_878[%dma_start3A_879, %dma_start3A_880] : memref<19200x384xf32, #tpu.memory_space<hbm>> -> memref<19200x384xf32, #tpu.memory_space<hbm>>
    tpu.enqueue_indirect_dma source(%dma_start3A_881 : memref<19200x384xf32, #tpu.memory_space<hbm>>) target(%dma_start3A_874 : memref<96x384xf32, #tpu.memory_space<vmem>>) offsets(%dma_start3A_877 : memref<96xi32, #tpu.memory_space<vmem>>) semaphore(%arg8 : memref<!tpu.dma_semaphore, #tpu.memory_space<semaphore_mem>>)
    %dma_wait3A_882 = arith.constant 15 : i32
    %dma_wait3A_883 = arith.constant 0 : i32
    %dma_wait3A_884 = arith.constant 0 : i32
    %dma_wait3A_885 = arith.constant 0 : i32
    %dma_wait3A_886 = tpu.memref_slice %arg6[%dma_wait3A_883, %dma_wait3A_884, %dma_wait3A_885] : memref<3x96x384xf32, #tpu.memory_space<vmem>> -> memref<1x96x384xf32, #tpu.memory_space<vmem>>
    %dma_wait3A_887 = tpu.memref_squeeze %dma_wait3A_886 : memref<1x96x384xf32, #tpu.memory_space<vmem>> -> memref<96x384xf32, #tpu.memory_space<vmem>>
    %dma_wait3A_888 = arith.constant 0 : i32
    %dma_wait3A_889 = tpu.memref_slice %arg5[%dma_wait3A_882, %dma_wait3A_888] : memref<25x96xi32, #tpu.memory_space<vmem>> -> memref<1x96xi32, #tpu.memory_space<vmem>>
    %dma_wait3A_890 = tpu.memref_squeeze %dma_wait3A_889 : memref<1x96xi32, #tpu.memory_space<vmem>> -> memref<96xi32, #tpu.memory_space<vmem>>
    %dma_wait3A_891 = tpu.memref_reshape %arg2 : memref<4800x4x384xf32, #tpu.memory_space<hbm>> -> memref<19200x384xf32, #tpu.memory_space<hbm>>
    %dma_wait3A_892 = arith.constant 0 : i32
    %dma_wait3A_893 = arith.constant 0 : i32
    %dma_wait3A_894 = tpu.memref_slice %dma_wait3A_891[%dma_wait3A_892, %dma_wait3A_893] : memref<19200x384xf32, #tpu.memory_space<hbm>> -> memref<19200x384xf32, #tpu.memory_space<hbm>>
    tpu.wait_indirect_dma semaphore(%arg7 : memref<!tpu.dma_semaphore, #tpu.memory_space<semaphore_mem>>) src(%dma_wait3A_894 : memref<19200x384xf32, #tpu.memory_space<hbm>>) dst(%dma_wait3A_887 : memref<96x384xf32, #tpu.memory_space<vmem>>)
    %add3A_895 = arith.constant 1440 : i32
    %add3A_896 = arith.addi %mul3A_2, %add3A_895 : i32
    %dma_start3A_897 = arith.constant 0 : i32
    %dma_start3A_898 = arith.constant 0 : i32
    %dma_start3A_899 = arith.constant 0 : i32
    %dma_start3A_900 = tpu.memref_slice %arg6[%dma_start3A_897, %dma_start3A_898, %dma_start3A_899] : memref<3x96x384xf32, #tpu.memory_space<vmem>> -> memref<1x96x384xf32, #tpu.memory_space<vmem>>
    %dma_start3A_901 = tpu.memref_squeeze %dma_start3A_900 : memref<1x96x384xf32, #tpu.memory_space<vmem>> -> memref<96x384xf32, #tpu.memory_space<vmem>>
    %dma_start3A_902 = tpu.memref_reshape %arg4 : memref<19200x4x384xf32, #tpu.memory_space<hbm>> -> memref<76800x384xf32, #tpu.memory_space<hbm>>
    %dma_start3A_903 = arith.constant 0 : i32
    %dma_start3A_904 = tpu.memref_slice %dma_start3A_902[%add3A_896, %dma_start3A_903] : memref<76800x384xf32, #tpu.memory_space<hbm>> -> memref<96x384xf32, #tpu.memory_space<hbm>>
    %dma_start3A_905 = tpu.memref_reshape %arg4 : memref<19200x4x384xf32, #tpu.memory_space<hbm>> -> memref<76800x384xf32, #tpu.memory_space<hbm>>
    %dma_start3A_906 = arith.constant 0 : i32
    %dma_start3A_907 = tpu.memref_slice %dma_start3A_905[%add3A_896, %dma_start3A_906] : memref<76800x384xf32, #tpu.memory_space<hbm>> -> memref<96x384xf32, #tpu.memory_space<hbm>>
    %dma_start3A_908 = arith.constant 0 : i32
    %dma_start3A_909 = arith.constant 0 : i32
    %dma_start3A_910 = tpu.memref_slice %arg6[%dma_start3A_897, %dma_start3A_908, %dma_start3A_909] : memref<3x96x384xf32, #tpu.memory_space<vmem>> -> memref<1x96x384xf32, #tpu.memory_space<vmem>>
    %dma_start3A_911 = tpu.memref_squeeze %dma_start3A_910 : memref<1x96x384xf32, #tpu.memory_space<vmem>> -> memref<96x384xf32, #tpu.memory_space<vmem>>
    tpu.enqueue_dma source(%dma_start3A_911 : memref<96x384xf32, #tpu.memory_space<vmem>>) target(%dma_start3A_907 : memref<96x384xf32, #tpu.memory_space<hbm>>) target_semaphore(%arg10 : memref<!tpu.dma_semaphore, #tpu.memory_space<semaphore_mem>>)
    %dma_wait3A_912 = arith.constant 2 : i32
    %dma_wait3A_913 = arith.constant 0 : i32
    %dma_wait3A_914 = arith.constant 0 : i32
    %dma_wait3A_915 = tpu.memref_slice %arg6[%dma_wait3A_912, %dma_wait3A_913, %dma_wait3A_914] : memref<3x96x384xf32, #tpu.memory_space<vmem>> -> memref<1x96x384xf32, #tpu.memory_space<vmem>>
    %dma_wait3A_916 = tpu.memref_squeeze %dma_wait3A_915 : memref<1x96x384xf32, #tpu.memory_space<vmem>> -> memref<96x384xf32, #tpu.memory_space<vmem>>
    %dma_wait3A_917 = tpu.memref_reshape %arg4 : memref<19200x4x384xf32, #tpu.memory_space<hbm>> -> memref<76800x384xf32, #tpu.memory_space<hbm>>
    %dma_wait3A_918 = arith.constant 0 : i32
    %dma_wait3A_919 = tpu.memref_slice %dma_wait3A_917[%add3A_838, %dma_wait3A_918] : memref<76800x384xf32, #tpu.memory_space<hbm>> -> memref<96x384xf32, #tpu.memory_space<hbm>>
    %dma_wait3A_920 = tpu.memref_reshape %arg4 : memref<19200x4x384xf32, #tpu.memory_space<hbm>> -> memref<76800x384xf32, #tpu.memory_space<hbm>>
    %dma_wait3A_921 = arith.constant 0 : i32
    %dma_wait3A_922 = tpu.memref_slice %dma_wait3A_920[%add3A_838, %dma_wait3A_921] : memref<76800x384xf32, #tpu.memory_space<hbm>> -> memref<96x384xf32, #tpu.memory_space<hbm>>
    %dma_wait3A_923 = arith.constant 0 : i32
    %dma_wait3A_924 = arith.constant 0 : i32
    %dma_wait3A_925 = tpu.memref_slice %arg6[%dma_wait3A_912, %dma_wait3A_923, %dma_wait3A_924] : memref<3x96x384xf32, #tpu.memory_space<vmem>> -> memref<1x96x384xf32, #tpu.memory_space<vmem>>
    %dma_wait3A_926 = tpu.memref_squeeze %dma_wait3A_925 : memref<1x96x384xf32, #tpu.memory_space<vmem>> -> memref<96x384xf32, #tpu.memory_space<vmem>>
    tpu.wait_dma2 semaphore(%arg12 : memref<!tpu.dma_semaphore, #tpu.memory_space<semaphore_mem>>) src(%dma_wait3A_926 : memref<96x384xf32, #tpu.memory_space<vmem>>) dst(%dma_wait3A_922 : memref<96x384xf32, #tpu.memory_space<hbm>>)
    %dma_start3A_927 = arith.constant 17 : i32
    %dma_start3A_928 = arith.constant 2 : i32
    %dma_start3A_929 = arith.constant 0 : i32
    %dma_start3A_930 = arith.constant 0 : i32
    %dma_start3A_931 = tpu.memref_slice %arg6[%dma_start3A_928, %dma_start3A_929, %dma_start3A_930] : memref<3x96x384xf32, #tpu.memory_space<vmem>> -> memref<1x96x384xf32, #tpu.memory_space<vmem>>
    %dma_start3A_932 = tpu.memref_squeeze %dma_start3A_931 : memref<1x96x384xf32, #tpu.memory_space<vmem>> -> memref<96x384xf32, #tpu.memory_space<vmem>>
    %dma_start3A_933 = arith.constant 0 : i32
    %dma_start3A_934 = tpu.memref_slice %arg5[%dma_start3A_927, %dma_start3A_933] : memref<25x96xi32, #tpu.memory_space<vmem>> -> memref<1x96xi32, #tpu.memory_space<vmem>>
    %dma_start3A_935 = tpu.memref_squeeze %dma_start3A_934 : memref<1x96xi32, #tpu.memory_space<vmem>> -> memref<96xi32, #tpu.memory_space<vmem>>
    %dma_start3A_936 = tpu.memref_reshape %arg2 : memref<4800x4x384xf32, #tpu.memory_space<hbm>> -> memref<19200x384xf32, #tpu.memory_space<hbm>>
    %dma_start3A_937 = arith.constant 0 : i32
    %dma_start3A_938 = arith.constant 0 : i32
    %dma_start3A_939 = tpu.memref_slice %dma_start3A_936[%dma_start3A_937, %dma_start3A_938] : memref<19200x384xf32, #tpu.memory_space<hbm>> -> memref<19200x384xf32, #tpu.memory_space<hbm>>
    tpu.enqueue_indirect_dma source(%dma_start3A_939 : memref<19200x384xf32, #tpu.memory_space<hbm>>) target(%dma_start3A_932 : memref<96x384xf32, #tpu.memory_space<vmem>>) offsets(%dma_start3A_935 : memref<96xi32, #tpu.memory_space<vmem>>) semaphore(%arg9 : memref<!tpu.dma_semaphore, #tpu.memory_space<semaphore_mem>>)
    %dma_wait3A_940 = arith.constant 16 : i32
    %dma_wait3A_941 = arith.constant 1 : i32
    %dma_wait3A_942 = arith.constant 0 : i32
    %dma_wait3A_943 = arith.constant 0 : i32
    %dma_wait3A_944 = tpu.memref_slice %arg6[%dma_wait3A_941, %dma_wait3A_942, %dma_wait3A_943] : memref<3x96x384xf32, #tpu.memory_space<vmem>> -> memref<1x96x384xf32, #tpu.memory_space<vmem>>
    %dma_wait3A_945 = tpu.memref_squeeze %dma_wait3A_944 : memref<1x96x384xf32, #tpu.memory_space<vmem>> -> memref<96x384xf32, #tpu.memory_space<vmem>>
    %dma_wait3A_946 = arith.constant 0 : i32
    %dma_wait3A_947 = tpu.memref_slice %arg5[%dma_wait3A_940, %dma_wait3A_946] : memref<25x96xi32, #tpu.memory_space<vmem>> -> memref<1x96xi32, #tpu.memory_space<vmem>>
    %dma_wait3A_948 = tpu.memref_squeeze %dma_wait3A_947 : memref<1x96xi32, #tpu.memory_space<vmem>> -> memref<96xi32, #tpu.memory_space<vmem>>
    %dma_wait3A_949 = tpu.memref_reshape %arg2 : memref<4800x4x384xf32, #tpu.memory_space<hbm>> -> memref<19200x384xf32, #tpu.memory_space<hbm>>
    %dma_wait3A_950 = arith.constant 0 : i32
    %dma_wait3A_951 = arith.constant 0 : i32
    %dma_wait3A_952 = tpu.memref_slice %dma_wait3A_949[%dma_wait3A_950, %dma_wait3A_951] : memref<19200x384xf32, #tpu.memory_space<hbm>> -> memref<19200x384xf32, #tpu.memory_space<hbm>>
    tpu.wait_indirect_dma semaphore(%arg8 : memref<!tpu.dma_semaphore, #tpu.memory_space<semaphore_mem>>) src(%dma_wait3A_952 : memref<19200x384xf32, #tpu.memory_space<hbm>>) dst(%dma_wait3A_945 : memref<96x384xf32, #tpu.memory_space<vmem>>)
    %add3A_953 = arith.constant 1536 : i32
    %add3A_954 = arith.addi %mul3A_2, %add3A_953 : i32
    %dma_start3A_955 = arith.constant 1 : i32
    %dma_start3A_956 = arith.constant 0 : i32
    %dma_start3A_957 = arith.constant 0 : i32
    %dma_start3A_958 = tpu.memref_slice %arg6[%dma_start3A_955, %dma_start3A_956, %dma_start3A_957] : memref<3x96x384xf32, #tpu.memory_space<vmem>> -> memref<1x96x384xf32, #tpu.memory_space<vmem>>
    %dma_start3A_959 = tpu.memref_squeeze %dma_start3A_958 : memref<1x96x384xf32, #tpu.memory_space<vmem>> -> memref<96x384xf32, #tpu.memory_space<vmem>>
    %dma_start3A_960 = tpu.memref_reshape %arg4 : memref<19200x4x384xf32, #tpu.memory_space<hbm>> -> memref<76800x384xf32, #tpu.memory_space<hbm>>
    %dma_start3A_961 = arith.constant 0 : i32
    %dma_start3A_962 = tpu.memref_slice %dma_start3A_960[%add3A_954, %dma_start3A_961] : memref<76800x384xf32, #tpu.memory_space<hbm>> -> memref<96x384xf32, #tpu.memory_space<hbm>>
    %dma_start3A_963 = tpu.memref_reshape %arg4 : memref<19200x4x384xf32, #tpu.memory_space<hbm>> -> memref<76800x384xf32, #tpu.memory_space<hbm>>
    %dma_start3A_964 = arith.constant 0 : i32
    %dma_start3A_965 = tpu.memref_slice %dma_start3A_963[%add3A_954, %dma_start3A_964] : memref<76800x384xf32, #tpu.memory_space<hbm>> -> memref<96x384xf32, #tpu.memory_space<hbm>>
    %dma_start3A_966 = arith.constant 0 : i32
    %dma_start3A_967 = arith.constant 0 : i32
    %dma_start3A_968 = tpu.memref_slice %arg6[%dma_start3A_955, %dma_start3A_966, %dma_start3A_967] : memref<3x96x384xf32, #tpu.memory_space<vmem>> -> memref<1x96x384xf32, #tpu.memory_space<vmem>>
    %dma_start3A_969 = tpu.memref_squeeze %dma_start3A_968 : memref<1x96x384xf32, #tpu.memory_space<vmem>> -> memref<96x384xf32, #tpu.memory_space<vmem>>
    tpu.enqueue_dma source(%dma_start3A_969 : memref<96x384xf32, #tpu.memory_space<vmem>>) target(%dma_start3A_965 : memref<96x384xf32, #tpu.memory_space<hbm>>) target_semaphore(%arg11 : memref<!tpu.dma_semaphore, #tpu.memory_space<semaphore_mem>>)
    %dma_wait3A_970 = arith.constant 0 : i32
    %dma_wait3A_971 = arith.constant 0 : i32
    %dma_wait3A_972 = arith.constant 0 : i32
    %dma_wait3A_973 = tpu.memref_slice %arg6[%dma_wait3A_970, %dma_wait3A_971, %dma_wait3A_972] : memref<3x96x384xf32, #tpu.memory_space<vmem>> -> memref<1x96x384xf32, #tpu.memory_space<vmem>>
    %dma_wait3A_974 = tpu.memref_squeeze %dma_wait3A_973 : memref<1x96x384xf32, #tpu.memory_space<vmem>> -> memref<96x384xf32, #tpu.memory_space<vmem>>
    %dma_wait3A_975 = tpu.memref_reshape %arg4 : memref<19200x4x384xf32, #tpu.memory_space<hbm>> -> memref<76800x384xf32, #tpu.memory_space<hbm>>
    %dma_wait3A_976 = arith.constant 0 : i32
    %dma_wait3A_977 = tpu.memref_slice %dma_wait3A_975[%add3A_896, %dma_wait3A_976] : memref<76800x384xf32, #tpu.memory_space<hbm>> -> memref<96x384xf32, #tpu.memory_space<hbm>>
    %dma_wait3A_978 = tpu.memref_reshape %arg4 : memref<19200x4x384xf32, #tpu.memory_space<hbm>> -> memref<76800x384xf32, #tpu.memory_space<hbm>>
    %dma_wait3A_979 = arith.constant 0 : i32
    %dma_wait3A_980 = tpu.memref_slice %dma_wait3A_978[%add3A_896, %dma_wait3A_979] : memref<76800x384xf32, #tpu.memory_space<hbm>> -> memref<96x384xf32, #tpu.memory_space<hbm>>
    %dma_wait3A_981 = arith.constant 0 : i32
    %dma_wait3A_982 = arith.constant 0 : i32
    %dma_wait3A_983 = tpu.memref_slice %arg6[%dma_wait3A_970, %dma_wait3A_981, %dma_wait3A_982] : memref<3x96x384xf32, #tpu.memory_space<vmem>> -> memref<1x96x384xf32, #tpu.memory_space<vmem>>
    %dma_wait3A_984 = tpu.memref_squeeze %dma_wait3A_983 : memref<1x96x384xf32, #tpu.memory_space<vmem>> -> memref<96x384xf32, #tpu.memory_space<vmem>>
    tpu.wait_dma2 semaphore(%arg10 : memref<!tpu.dma_semaphore, #tpu.memory_space<semaphore_mem>>) src(%dma_wait3A_984 : memref<96x384xf32, #tpu.memory_space<vmem>>) dst(%dma_wait3A_980 : memref<96x384xf32, #tpu.memory_space<hbm>>)
    %dma_start3A_985 = arith.constant 18 : i32
    %dma_start3A_986 = arith.constant 0 : i32
    %dma_start3A_987 = arith.constant 0 : i32
    %dma_start3A_988 = arith.constant 0 : i32
    %dma_start3A_989 = tpu.memref_slice %arg6[%dma_start3A_986, %dma_start3A_987, %dma_start3A_988] : memref<3x96x384xf32, #tpu.memory_space<vmem>> -> memref<1x96x384xf32, #tpu.memory_space<vmem>>
    %dma_start3A_990 = tpu.memref_squeeze %dma_start3A_989 : memref<1x96x384xf32, #tpu.memory_space<vmem>> -> memref<96x384xf32, #tpu.memory_space<vmem>>
    %dma_start3A_991 = arith.constant 0 : i32
    %dma_start3A_992 = tpu.memref_slice %arg5[%dma_start3A_985, %dma_start3A_991] : memref<25x96xi32, #tpu.memory_space<vmem>> -> memref<1x96xi32, #tpu.memory_space<vmem>>
    %dma_start3A_993 = tpu.memref_squeeze %dma_start3A_992 : memref<1x96xi32, #tpu.memory_space<vmem>> -> memref<96xi32, #tpu.memory_space<vmem>>
    %dma_start3A_994 = tpu.memref_reshape %arg2 : memref<4800x4x384xf32, #tpu.memory_space<hbm>> -> memref<19200x384xf32, #tpu.memory_space<hbm>>
    %dma_start3A_995 = arith.constant 0 : i32
    %dma_start3A_996 = arith.constant 0 : i32
    %dma_start3A_997 = tpu.memref_slice %dma_start3A_994[%dma_start3A_995, %dma_start3A_996] : memref<19200x384xf32, #tpu.memory_space<hbm>> -> memref<19200x384xf32, #tpu.memory_space<hbm>>
    tpu.enqueue_indirect_dma source(%dma_start3A_997 : memref<19200x384xf32, #tpu.memory_space<hbm>>) target(%dma_start3A_990 : memref<96x384xf32, #tpu.memory_space<vmem>>) offsets(%dma_start3A_993 : memref<96xi32, #tpu.memory_space<vmem>>) semaphore(%arg7 : memref<!tpu.dma_semaphore, #tpu.memory_space<semaphore_mem>>)
    %dma_wait3A_998 = arith.constant 17 : i32
    %dma_wait3A_999 = arith.constant 2 : i32
    %dma_wait3A_1000 = arith.constant 0 : i32
    %dma_wait3A_1001 = arith.constant 0 : i32
    %dma_wait3A_1002 = tpu.memref_slice %arg6[%dma_wait3A_999, %dma_wait3A_1000, %dma_wait3A_1001] : memref<3x96x384xf32, #tpu.memory_space<vmem>> -> memref<1x96x384xf32, #tpu.memory_space<vmem>>
    %dma_wait3A_1003 = tpu.memref_squeeze %dma_wait3A_1002 : memref<1x96x384xf32, #tpu.memory_space<vmem>> -> memref<96x384xf32, #tpu.memory_space<vmem>>
    %dma_wait3A_1004 = arith.constant 0 : i32
    %dma_wait3A_1005 = tpu.memref_slice %arg5[%dma_wait3A_998, %dma_wait3A_1004] : memref<25x96xi32, #tpu.memory_space<vmem>> -> memref<1x96xi32, #tpu.memory_space<vmem>>
    %dma_wait3A_1006 = tpu.memref_squeeze %dma_wait3A_1005 : memref<1x96xi32, #tpu.memory_space<vmem>> -> memref<96xi32, #tpu.memory_space<vmem>>
    %dma_wait3A_1007 = tpu.memref_reshape %arg2 : memref<4800x4x384xf32, #tpu.memory_space<hbm>> -> memref<19200x384xf32, #tpu.memory_space<hbm>>
    %dma_wait3A_1008 = arith.constant 0 : i32
    %dma_wait3A_1009 = arith.constant 0 : i32
    %dma_wait3A_1010 = tpu.memref_slice %dma_wait3A_1007[%dma_wait3A_1008, %dma_wait3A_1009] : memref<19200x384xf32, #tpu.memory_space<hbm>> -> memref<19200x384xf32, #tpu.memory_space<hbm>>
    tpu.wait_indirect_dma semaphore(%arg9 : memref<!tpu.dma_semaphore, #tpu.memory_space<semaphore_mem>>) src(%dma_wait3A_1010 : memref<19200x384xf32, #tpu.memory_space<hbm>>) dst(%dma_wait3A_1003 : memref<96x384xf32, #tpu.memory_space<vmem>>)
    %add3A_1011 = arith.constant 1632 : i32
    %add3A_1012 = arith.addi %mul3A_2, %add3A_1011 : i32
    %dma_start3A_1013 = arith.constant 2 : i32
    %dma_start3A_1014 = arith.constant 0 : i32
    %dma_start3A_1015 = arith.constant 0 : i32
    %dma_start3A_1016 = tpu.memref_slice %arg6[%dma_start3A_1013, %dma_start3A_1014, %dma_start3A_1015] : memref<3x96x384xf32, #tpu.memory_space<vmem>> -> memref<1x96x384xf32, #tpu.memory_space<vmem>>
    %dma_start3A_1017 = tpu.memref_squeeze %dma_start3A_1016 : memref<1x96x384xf32, #tpu.memory_space<vmem>> -> memref<96x384xf32, #tpu.memory_space<vmem>>
    %dma_start3A_1018 = tpu.memref_reshape %arg4 : memref<19200x4x384xf32, #tpu.memory_space<hbm>> -> memref<76800x384xf32, #tpu.memory_space<hbm>>
    %dma_start3A_1019 = arith.constant 0 : i32
    %dma_start3A_1020 = tpu.memref_slice %dma_start3A_1018[%add3A_1012, %dma_start3A_1019] : memref<76800x384xf32, #tpu.memory_space<hbm>> -> memref<96x384xf32, #tpu.memory_space<hbm>>
    %dma_start3A_1021 = tpu.memref_reshape %arg4 : memref<19200x4x384xf32, #tpu.memory_space<hbm>> -> memref<76800x384xf32, #tpu.memory_space<hbm>>
    %dma_start3A_1022 = arith.constant 0 : i32
    %dma_start3A_1023 = tpu.memref_slice %dma_start3A_1021[%add3A_1012, %dma_start3A_1022] : memref<76800x384xf32, #tpu.memory_space<hbm>> -> memref<96x384xf32, #tpu.memory_space<hbm>>
    %dma_start3A_1024 = arith.constant 0 : i32
    %dma_start3A_1025 = arith.constant 0 : i32
    %dma_start3A_1026 = tpu.memref_slice %arg6[%dma_start3A_1013, %dma_start3A_1024, %dma_start3A_1025] : memref<3x96x384xf32, #tpu.memory_space<vmem>> -> memref<1x96x384xf32, #tpu.memory_space<vmem>>
    %dma_start3A_1027 = tpu.memref_squeeze %dma_start3A_1026 : memref<1x96x384xf32, #tpu.memory_space<vmem>> -> memref<96x384xf32, #tpu.memory_space<vmem>>
    tpu.enqueue_dma source(%dma_start3A_1027 : memref<96x384xf32, #tpu.memory_space<vmem>>) target(%dma_start3A_1023 : memref<96x384xf32, #tpu.memory_space<hbm>>) target_semaphore(%arg12 : memref<!tpu.dma_semaphore, #tpu.memory_space<semaphore_mem>>)
    %dma_wait3A_1028 = arith.constant 1 : i32
    %dma_wait3A_1029 = arith.constant 0 : i32
    %dma_wait3A_1030 = arith.constant 0 : i32
    %dma_wait3A_1031 = tpu.memref_slice %arg6[%dma_wait3A_1028, %dma_wait3A_1029, %dma_wait3A_1030] : memref<3x96x384xf32, #tpu.memory_space<vmem>> -> memref<1x96x384xf32, #tpu.memory_space<vmem>>
    %dma_wait3A_1032 = tpu.memref_squeeze %dma_wait3A_1031 : memref<1x96x384xf32, #tpu.memory_space<vmem>> -> memref<96x384xf32, #tpu.memory_space<vmem>>
    %dma_wait3A_1033 = tpu.memref_reshape %arg4 : memref<19200x4x384xf32, #tpu.memory_space<hbm>> -> memref<76800x384xf32, #tpu.memory_space<hbm>>
    %dma_wait3A_1034 = arith.constant 0 : i32
    %dma_wait3A_1035 = tpu.memref_slice %dma_wait3A_1033[%add3A_954, %dma_wait3A_1034] : memref<76800x384xf32, #tpu.memory_space<hbm>> -> memref<96x384xf32, #tpu.memory_space<hbm>>
    %dma_wait3A_1036 = tpu.memref_reshape %arg4 : memref<19200x4x384xf32, #tpu.memory_space<hbm>> -> memref<76800x384xf32, #tpu.memory_space<hbm>>
    %dma_wait3A_1037 = arith.constant 0 : i32
    %dma_wait3A_1038 = tpu.memref_slice %dma_wait3A_1036[%add3A_954, %dma_wait3A_1037] : memref<76800x384xf32, #tpu.memory_space<hbm>> -> memref<96x384xf32, #tpu.memory_space<hbm>>
    %dma_wait3A_1039 = arith.constant 0 : i32
    %dma_wait3A_1040 = arith.constant 0 : i32
    %dma_wait3A_1041 = tpu.memref_slice %arg6[%dma_wait3A_1028, %dma_wait3A_1039, %dma_wait3A_1040] : memref<3x96x384xf32, #tpu.memory_space<vmem>> -> memref<1x96x384xf32, #tpu.memory_space<vmem>>
    %dma_wait3A_1042 = tpu.memref_squeeze %dma_wait3A_1041 : memref<1x96x384xf32, #tpu.memory_space<vmem>> -> memref<96x384xf32, #tpu.memory_space<vmem>>
    tpu.wait_dma2 semaphore(%arg11 : memref<!tpu.dma_semaphore, #tpu.memory_space<semaphore_mem>>) src(%dma_wait3A_1042 : memref<96x384xf32, #tpu.memory_space<vmem>>) dst(%dma_wait3A_1038 : memref<96x384xf32, #tpu.memory_space<hbm>>)
    %dma_start3A_1043 = arith.constant 19 : i32
    %dma_start3A_1044 = arith.constant 1 : i32
    %dma_start3A_1045 = arith.constant 0 : i32
    %dma_start3A_1046 = arith.constant 0 : i32
    %dma_start3A_1047 = tpu.memref_slice %arg6[%dma_start3A_1044, %dma_start3A_1045, %dma_start3A_1046] : memref<3x96x384xf32, #tpu.memory_space<vmem>> -> memref<1x96x384xf32, #tpu.memory_space<vmem>>
    %dma_start3A_1048 = tpu.memref_squeeze %dma_start3A_1047 : memref<1x96x384xf32, #tpu.memory_space<vmem>> -> memref<96x384xf32, #tpu.memory_space<vmem>>
    %dma_start3A_1049 = arith.constant 0 : i32
    %dma_start3A_1050 = tpu.memref_slice %arg5[%dma_start3A_1043, %dma_start3A_1049] : memref<25x96xi32, #tpu.memory_space<vmem>> -> memref<1x96xi32, #tpu.memory_space<vmem>>
    %dma_start3A_1051 = tpu.memref_squeeze %dma_start3A_1050 : memref<1x96xi32, #tpu.memory_space<vmem>> -> memref<96xi32, #tpu.memory_space<vmem>>
    %dma_start3A_1052 = tpu.memref_reshape %arg2 : memref<4800x4x384xf32, #tpu.memory_space<hbm>> -> memref<19200x384xf32, #tpu.memory_space<hbm>>
    %dma_start3A_1053 = arith.constant 0 : i32
    %dma_start3A_1054 = arith.constant 0 : i32
    %dma_start3A_1055 = tpu.memref_slice %dma_start3A_1052[%dma_start3A_1053, %dma_start3A_1054] : memref<19200x384xf32, #tpu.memory_space<hbm>> -> memref<19200x384xf32, #tpu.memory_space<hbm>>
    tpu.enqueue_indirect_dma source(%dma_start3A_1055 : memref<19200x384xf32, #tpu.memory_space<hbm>>) target(%dma_start3A_1048 : memref<96x384xf32, #tpu.memory_space<vmem>>) offsets(%dma_start3A_1051 : memref<96xi32, #tpu.memory_space<vmem>>) semaphore(%arg8 : memref<!tpu.dma_semaphore, #tpu.memory_space<semaphore_mem>>)
    %dma_wait3A_1056 = arith.constant 18 : i32
    %dma_wait3A_1057 = arith.constant 0 : i32
    %dma_wait3A_1058 = arith.constant 0 : i32
    %dma_wait3A_1059 = arith.constant 0 : i32
    %dma_wait3A_1060 = tpu.memref_slice %arg6[%dma_wait3A_1057, %dma_wait3A_1058, %dma_wait3A_1059] : memref<3x96x384xf32, #tpu.memory_space<vmem>> -> memref<1x96x384xf32, #tpu.memory_space<vmem>>
    %dma_wait3A_1061 = tpu.memref_squeeze %dma_wait3A_1060 : memref<1x96x384xf32, #tpu.memory_space<vmem>> -> memref<96x384xf32, #tpu.memory_space<vmem>>
    %dma_wait3A_1062 = arith.constant 0 : i32
    %dma_wait3A_1063 = tpu.memref_slice %arg5[%dma_wait3A_1056, %dma_wait3A_1062] : memref<25x96xi32, #tpu.memory_space<vmem>> -> memref<1x96xi32, #tpu.memory_space<vmem>>
    %dma_wait3A_1064 = tpu.memref_squeeze %dma_wait3A_1063 : memref<1x96xi32, #tpu.memory_space<vmem>> -> memref<96xi32, #tpu.memory_space<vmem>>
    %dma_wait3A_1065 = tpu.memref_reshape %arg2 : memref<4800x4x384xf32, #tpu.memory_space<hbm>> -> memref<19200x384xf32, #tpu.memory_space<hbm>>
    %dma_wait3A_1066 = arith.constant 0 : i32
    %dma_wait3A_1067 = arith.constant 0 : i32
    %dma_wait3A_1068 = tpu.memref_slice %dma_wait3A_1065[%dma_wait3A_1066, %dma_wait3A_1067] : memref<19200x384xf32, #tpu.memory_space<hbm>> -> memref<19200x384xf32, #tpu.memory_space<hbm>>
    tpu.wait_indirect_dma semaphore(%arg7 : memref<!tpu.dma_semaphore, #tpu.memory_space<semaphore_mem>>) src(%dma_wait3A_1068 : memref<19200x384xf32, #tpu.memory_space<hbm>>) dst(%dma_wait3A_1061 : memref<96x384xf32, #tpu.memory_space<vmem>>)
    %add3A_1069 = arith.constant 1728 : i32
    %add3A_1070 = arith.addi %mul3A_2, %add3A_1069 : i32
    %dma_start3A_1071 = arith.constant 0 : i32
    %dma_start3A_1072 = arith.constant 0 : i32
    %dma_start3A_1073 = arith.constant 0 : i32
    %dma_start3A_1074 = tpu.memref_slice %arg6[%dma_start3A_1071, %dma_start3A_1072, %dma_start3A_1073] : memref<3x96x384xf32, #tpu.memory_space<vmem>> -> memref<1x96x384xf32, #tpu.memory_space<vmem>>
    %dma_start3A_1075 = tpu.memref_squeeze %dma_start3A_1074 : memref<1x96x384xf32, #tpu.memory_space<vmem>> -> memref<96x384xf32, #tpu.memory_space<vmem>>
    %dma_start3A_1076 = tpu.memref_reshape %arg4 : memref<19200x4x384xf32, #tpu.memory_space<hbm>> -> memref<76800x384xf32, #tpu.memory_space<hbm>>
    %dma_start3A_1077 = arith.constant 0 : i32
    %dma_start3A_1078 = tpu.memref_slice %dma_start3A_1076[%add3A_1070, %dma_start3A_1077] : memref<76800x384xf32, #tpu.memory_space<hbm>> -> memref<96x384xf32, #tpu.memory_space<hbm>>
    %dma_start3A_1079 = tpu.memref_reshape %arg4 : memref<19200x4x384xf32, #tpu.memory_space<hbm>> -> memref<76800x384xf32, #tpu.memory_space<hbm>>
    %dma_start3A_1080 = arith.constant 0 : i32
    %dma_start3A_1081 = tpu.memref_slice %dma_start3A_1079[%add3A_1070, %dma_start3A_1080] : memref<76800x384xf32, #tpu.memory_space<hbm>> -> memref<96x384xf32, #tpu.memory_space<hbm>>
    %dma_start3A_1082 = arith.constant 0 : i32
    %dma_start3A_1083 = arith.constant 0 : i32
    %dma_start3A_1084 = tpu.memref_slice %arg6[%dma_start3A_1071, %dma_start3A_1082, %dma_start3A_1083] : memref<3x96x384xf32, #tpu.memory_space<vmem>> -> memref<1x96x384xf32, #tpu.memory_space<vmem>>
    %dma_start3A_1085 = tpu.memref_squeeze %dma_start3A_1084 : memref<1x96x384xf32, #tpu.memory_space<vmem>> -> memref<96x384xf32, #tpu.memory_space<vmem>>
    tpu.enqueue_dma source(%dma_start3A_1085 : memref<96x384xf32, #tpu.memory_space<vmem>>) target(%dma_start3A_1081 : memref<96x384xf32, #tpu.memory_space<hbm>>) target_semaphore(%arg10 : memref<!tpu.dma_semaphore, #tpu.memory_space<semaphore_mem>>)
    %dma_wait3A_1086 = arith.constant 2 : i32
    %dma_wait3A_1087 = arith.constant 0 : i32
    %dma_wait3A_1088 = arith.constant 0 : i32
    %dma_wait3A_1089 = tpu.memref_slice %arg6[%dma_wait3A_1086, %dma_wait3A_1087, %dma_wait3A_1088] : memref<3x96x384xf32, #tpu.memory_space<vmem>> -> memref<1x96x384xf32, #tpu.memory_space<vmem>>
    %dma_wait3A_1090 = tpu.memref_squeeze %dma_wait3A_1089 : memref<1x96x384xf32, #tpu.memory_space<vmem>> -> memref<96x384xf32, #tpu.memory_space<vmem>>
    %dma_wait3A_1091 = tpu.memref_reshape %arg4 : memref<19200x4x384xf32, #tpu.memory_space<hbm>> -> memref<76800x384xf32, #tpu.memory_space<hbm>>
    %dma_wait3A_1092 = arith.constant 0 : i32
    %dma_wait3A_1093 = tpu.memref_slice %dma_wait3A_1091[%add3A_1012, %dma_wait3A_1092] : memref<76800x384xf32, #tpu.memory_space<hbm>> -> memref<96x384xf32, #tpu.memory_space<hbm>>
    %dma_wait3A_1094 = tpu.memref_reshape %arg4 : memref<19200x4x384xf32, #tpu.memory_space<hbm>> -> memref<76800x384xf32, #tpu.memory_space<hbm>>
    %dma_wait3A_1095 = arith.constant 0 : i32
    %dma_wait3A_1096 = tpu.memref_slice %dma_wait3A_1094[%add3A_1012, %dma_wait3A_1095] : memref<76800x384xf32, #tpu.memory_space<hbm>> -> memref<96x384xf32, #tpu.memory_space<hbm>>
    %dma_wait3A_1097 = arith.constant 0 : i32
    %dma_wait3A_1098 = arith.constant 0 : i32
    %dma_wait3A_1099 = tpu.memref_slice %arg6[%dma_wait3A_1086, %dma_wait3A_1097, %dma_wait3A_1098] : memref<3x96x384xf32, #tpu.memory_space<vmem>> -> memref<1x96x384xf32, #tpu.memory_space<vmem>>
    %dma_wait3A_1100 = tpu.memref_squeeze %dma_wait3A_1099 : memref<1x96x384xf32, #tpu.memory_space<vmem>> -> memref<96x384xf32, #tpu.memory_space<vmem>>
    tpu.wait_dma2 semaphore(%arg12 : memref<!tpu.dma_semaphore, #tpu.memory_space<semaphore_mem>>) src(%dma_wait3A_1100 : memref<96x384xf32, #tpu.memory_space<vmem>>) dst(%dma_wait3A_1096 : memref<96x384xf32, #tpu.memory_space<hbm>>)
    %dma_start3A_1101 = arith.constant 20 : i32
    %dma_start3A_1102 = arith.constant 2 : i32
    %dma_start3A_1103 = arith.constant 0 : i32
    %dma_start3A_1104 = arith.constant 0 : i32
    %dma_start3A_1105 = tpu.memref_slice %arg6[%dma_start3A_1102, %dma_start3A_1103, %dma_start3A_1104] : memref<3x96x384xf32, #tpu.memory_space<vmem>> -> memref<1x96x384xf32, #tpu.memory_space<vmem>>
    %dma_start3A_1106 = tpu.memref_squeeze %dma_start3A_1105 : memref<1x96x384xf32, #tpu.memory_space<vmem>> -> memref<96x384xf32, #tpu.memory_space<vmem>>
    %dma_start3A_1107 = arith.constant 0 : i32
    %dma_start3A_1108 = tpu.memref_slice %arg5[%dma_start3A_1101, %dma_start3A_1107] : memref<25x96xi32, #tpu.memory_space<vmem>> -> memref<1x96xi32, #tpu.memory_space<vmem>>
    %dma_start3A_1109 = tpu.memref_squeeze %dma_start3A_1108 : memref<1x96xi32, #tpu.memory_space<vmem>> -> memref<96xi32, #tpu.memory_space<vmem>>
    %dma_start3A_1110 = tpu.memref_reshape %arg2 : memref<4800x4x384xf32, #tpu.memory_space<hbm>> -> memref<19200x384xf32, #tpu.memory_space<hbm>>
    %dma_start3A_1111 = arith.constant 0 : i32
    %dma_start3A_1112 = arith.constant 0 : i32
    %dma_start3A_1113 = tpu.memref_slice %dma_start3A_1110[%dma_start3A_1111, %dma_start3A_1112] : memref<19200x384xf32, #tpu.memory_space<hbm>> -> memref<19200x384xf32, #tpu.memory_space<hbm>>
    tpu.enqueue_indirect_dma source(%dma_start3A_1113 : memref<19200x384xf32, #tpu.memory_space<hbm>>) target(%dma_start3A_1106 : memref<96x384xf32, #tpu.memory_space<vmem>>) offsets(%dma_start3A_1109 : memref<96xi32, #tpu.memory_space<vmem>>) semaphore(%arg9 : memref<!tpu.dma_semaphore, #tpu.memory_space<semaphore_mem>>)
    %dma_wait3A_1114 = arith.constant 19 : i32
    %dma_wait3A_1115 = arith.constant 1 : i32
    %dma_wait3A_1116 = arith.constant 0 : i32
    %dma_wait3A_1117 = arith.constant 0 : i32
    %dma_wait3A_1118 = tpu.memref_slice %arg6[%dma_wait3A_1115, %dma_wait3A_1116, %dma_wait3A_1117] : memref<3x96x384xf32, #tpu.memory_space<vmem>> -> memref<1x96x384xf32, #tpu.memory_space<vmem>>
    %dma_wait3A_1119 = tpu.memref_squeeze %dma_wait3A_1118 : memref<1x96x384xf32, #tpu.memory_space<vmem>> -> memref<96x384xf32, #tpu.memory_space<vmem>>
    %dma_wait3A_1120 = arith.constant 0 : i32
    %dma_wait3A_1121 = tpu.memref_slice %arg5[%dma_wait3A_1114, %dma_wait3A_1120] : memref<25x96xi32, #tpu.memory_space<vmem>> -> memref<1x96xi32, #tpu.memory_space<vmem>>
    %dma_wait3A_1122 = tpu.memref_squeeze %dma_wait3A_1121 : memref<1x96xi32, #tpu.memory_space<vmem>> -> memref<96xi32, #tpu.memory_space<vmem>>
    %dma_wait3A_1123 = tpu.memref_reshape %arg2 : memref<4800x4x384xf32, #tpu.memory_space<hbm>> -> memref<19200x384xf32, #tpu.memory_space<hbm>>
    %dma_wait3A_1124 = arith.constant 0 : i32
    %dma_wait3A_1125 = arith.constant 0 : i32
    %dma_wait3A_1126 = tpu.memref_slice %dma_wait3A_1123[%dma_wait3A_1124, %dma_wait3A_1125] : memref<19200x384xf32, #tpu.memory_space<hbm>> -> memref<19200x384xf32, #tpu.memory_space<hbm>>
    tpu.wait_indirect_dma semaphore(%arg8 : memref<!tpu.dma_semaphore, #tpu.memory_space<semaphore_mem>>) src(%dma_wait3A_1126 : memref<19200x384xf32, #tpu.memory_space<hbm>>) dst(%dma_wait3A_1119 : memref<96x384xf32, #tpu.memory_space<vmem>>)
    %add3A_1127 = arith.constant 1824 : i32
    %add3A_1128 = arith.addi %mul3A_2, %add3A_1127 : i32
    %dma_start3A_1129 = arith.constant 1 : i32
    %dma_start3A_1130 = arith.constant 0 : i32
    %dma_start3A_1131 = arith.constant 0 : i32
    %dma_start3A_1132 = tpu.memref_slice %arg6[%dma_start3A_1129, %dma_start3A_1130, %dma_start3A_1131] : memref<3x96x384xf32, #tpu.memory_space<vmem>> -> memref<1x96x384xf32, #tpu.memory_space<vmem>>
    %dma_start3A_1133 = tpu.memref_squeeze %dma_start3A_1132 : memref<1x96x384xf32, #tpu.memory_space<vmem>> -> memref<96x384xf32, #tpu.memory_space<vmem>>
    %dma_start3A_1134 = tpu.memref_reshape %arg4 : memref<19200x4x384xf32, #tpu.memory_space<hbm>> -> memref<76800x384xf32, #tpu.memory_space<hbm>>
    %dma_start3A_1135 = arith.constant 0 : i32
    %dma_start3A_1136 = tpu.memref_slice %dma_start3A_1134[%add3A_1128, %dma_start3A_1135] : memref<76800x384xf32, #tpu.memory_space<hbm>> -> memref<96x384xf32, #tpu.memory_space<hbm>>
    %dma_start3A_1137 = tpu.memref_reshape %arg4 : memref<19200x4x384xf32, #tpu.memory_space<hbm>> -> memref<76800x384xf32, #tpu.memory_space<hbm>>
    %dma_start3A_1138 = arith.constant 0 : i32
    %dma_start3A_1139 = tpu.memref_slice %dma_start3A_1137[%add3A_1128, %dma_start3A_1138] : memref<76800x384xf32, #tpu.memory_space<hbm>> -> memref<96x384xf32, #tpu.memory_space<hbm>>
    %dma_start3A_1140 = arith.constant 0 : i32
    %dma_start3A_1141 = arith.constant 0 : i32
    %dma_start3A_1142 = tpu.memref_slice %arg6[%dma_start3A_1129, %dma_start3A_1140, %dma_start3A_1141] : memref<3x96x384xf32, #tpu.memory_space<vmem>> -> memref<1x96x384xf32, #tpu.memory_space<vmem>>
    %dma_start3A_1143 = tpu.memref_squeeze %dma_start3A_1142 : memref<1x96x384xf32, #tpu.memory_space<vmem>> -> memref<96x384xf32, #tpu.memory_space<vmem>>
    tpu.enqueue_dma source(%dma_start3A_1143 : memref<96x384xf32, #tpu.memory_space<vmem>>) target(%dma_start3A_1139 : memref<96x384xf32, #tpu.memory_space<hbm>>) target_semaphore(%arg11 : memref<!tpu.dma_semaphore, #tpu.memory_space<semaphore_mem>>)
    %dma_wait3A_1144 = arith.constant 0 : i32
    %dma_wait3A_1145 = arith.constant 0 : i32
    %dma_wait3A_1146 = arith.constant 0 : i32
    %dma_wait3A_1147 = tpu.memref_slice %arg6[%dma_wait3A_1144, %dma_wait3A_1145, %dma_wait3A_1146] : memref<3x96x384xf32, #tpu.memory_space<vmem>> -> memref<1x96x384xf32, #tpu.memory_space<vmem>>
    %dma_wait3A_1148 = tpu.memref_squeeze %dma_wait3A_1147 : memref<1x96x384xf32, #tpu.memory_space<vmem>> -> memref<96x384xf32, #tpu.memory_space<vmem>>
    %dma_wait3A_1149 = tpu.memref_reshape %arg4 : memref<19200x4x384xf32, #tpu.memory_space<hbm>> -> memref<76800x384xf32, #tpu.memory_space<hbm>>
    %dma_wait3A_1150 = arith.constant 0 : i32
    %dma_wait3A_1151 = tpu.memref_slice %dma_wait3A_1149[%add3A_1070, %dma_wait3A_1150] : memref<76800x384xf32, #tpu.memory_space<hbm>> -> memref<96x384xf32, #tpu.memory_space<hbm>>
    %dma_wait3A_1152 = tpu.memref_reshape %arg4 : memref<19200x4x384xf32, #tpu.memory_space<hbm>> -> memref<76800x384xf32, #tpu.memory_space<hbm>>
    %dma_wait3A_1153 = arith.constant 0 : i32
    %dma_wait3A_1154 = tpu.memref_slice %dma_wait3A_1152[%add3A_1070, %dma_wait3A_1153] : memref<76800x384xf32, #tpu.memory_space<hbm>> -> memref<96x384xf32, #tpu.memory_space<hbm>>
    %dma_wait3A_1155 = arith.constant 0 : i32
    %dma_wait3A_1156 = arith.constant 0 : i32
    %dma_wait3A_1157 = tpu.memref_slice %arg6[%dma_wait3A_1144, %dma_wait3A_1155, %dma_wait3A_1156] : memref<3x96x384xf32, #tpu.memory_space<vmem>> -> memref<1x96x384xf32, #tpu.memory_space<vmem>>
    %dma_wait3A_1158 = tpu.memref_squeeze %dma_wait3A_1157 : memref<1x96x384xf32, #tpu.memory_space<vmem>> -> memref<96x384xf32, #tpu.memory_space<vmem>>
    tpu.wait_dma2 semaphore(%arg10 : memref<!tpu.dma_semaphore, #tpu.memory_space<semaphore_mem>>) src(%dma_wait3A_1158 : memref<96x384xf32, #tpu.memory_space<vmem>>) dst(%dma_wait3A_1154 : memref<96x384xf32, #tpu.memory_space<hbm>>)
    %dma_start3A_1159 = arith.constant 21 : i32
    %dma_start3A_1160 = arith.constant 0 : i32
    %dma_start3A_1161 = arith.constant 0 : i32
    %dma_start3A_1162 = arith.constant 0 : i32
    %dma_start3A_1163 = tpu.memref_slice %arg6[%dma_start3A_1160, %dma_start3A_1161, %dma_start3A_1162] : memref<3x96x384xf32, #tpu.memory_space<vmem>> -> memref<1x96x384xf32, #tpu.memory_space<vmem>>
    %dma_start3A_1164 = tpu.memref_squeeze %dma_start3A_1163 : memref<1x96x384xf32, #tpu.memory_space<vmem>> -> memref<96x384xf32, #tpu.memory_space<vmem>>
    %dma_start3A_1165 = arith.constant 0 : i32
    %dma_start3A_1166 = tpu.memref_slice %arg5[%dma_start3A_1159, %dma_start3A_1165] : memref<25x96xi32, #tpu.memory_space<vmem>> -> memref<1x96xi32, #tpu.memory_space<vmem>>
    %dma_start3A_1167 = tpu.memref_squeeze %dma_start3A_1166 : memref<1x96xi32, #tpu.memory_space<vmem>> -> memref<96xi32, #tpu.memory_space<vmem>>
    %dma_start3A_1168 = tpu.memref_reshape %arg2 : memref<4800x4x384xf32, #tpu.memory_space<hbm>> -> memref<19200x384xf32, #tpu.memory_space<hbm>>
    %dma_start3A_1169 = arith.constant 0 : i32
    %dma_start3A_1170 = arith.constant 0 : i32
    %dma_start3A_1171 = tpu.memref_slice %dma_start3A_1168[%dma_start3A_1169, %dma_start3A_1170] : memref<19200x384xf32, #tpu.memory_space<hbm>> -> memref<19200x384xf32, #tpu.memory_space<hbm>>
    tpu.enqueue_indirect_dma source(%dma_start3A_1171 : memref<19200x384xf32, #tpu.memory_space<hbm>>) target(%dma_start3A_1164 : memref<96x384xf32, #tpu.memory_space<vmem>>) offsets(%dma_start3A_1167 : memref<96xi32, #tpu.memory_space<vmem>>) semaphore(%arg7 : memref<!tpu.dma_semaphore, #tpu.memory_space<semaphore_mem>>)
    %dma_wait3A_1172 = arith.constant 20 : i32
    %dma_wait3A_1173 = arith.constant 2 : i32
    %dma_wait3A_1174 = arith.constant 0 : i32
    %dma_wait3A_1175 = arith.constant 0 : i32
    %dma_wait3A_1176 = tpu.memref_slice %arg6[%dma_wait3A_1173, %dma_wait3A_1174, %dma_wait3A_1175] : memref<3x96x384xf32, #tpu.memory_space<vmem>> -> memref<1x96x384xf32, #tpu.memory_space<vmem>>
    %dma_wait3A_1177 = tpu.memref_squeeze %dma_wait3A_1176 : memref<1x96x384xf32, #tpu.memory_space<vmem>> -> memref<96x384xf32, #tpu.memory_space<vmem>>
    %dma_wait3A_1178 = arith.constant 0 : i32
    %dma_wait3A_1179 = tpu.memref_slice %arg5[%dma_wait3A_1172, %dma_wait3A_1178] : memref<25x96xi32, #tpu.memory_space<vmem>> -> memref<1x96xi32, #tpu.memory_space<vmem>>
    %dma_wait3A_1180 = tpu.memref_squeeze %dma_wait3A_1179 : memref<1x96xi32, #tpu.memory_space<vmem>> -> memref<96xi32, #tpu.memory_space<vmem>>
    %dma_wait3A_1181 = tpu.memref_reshape %arg2 : memref<4800x4x384xf32, #tpu.memory_space<hbm>> -> memref<19200x384xf32, #tpu.memory_space<hbm>>
    %dma_wait3A_1182 = arith.constant 0 : i32
    %dma_wait3A_1183 = arith.constant 0 : i32
    %dma_wait3A_1184 = tpu.memref_slice %dma_wait3A_1181[%dma_wait3A_1182, %dma_wait3A_1183] : memref<19200x384xf32, #tpu.memory_space<hbm>> -> memref<19200x384xf32, #tpu.memory_space<hbm>>
    tpu.wait_indirect_dma semaphore(%arg9 : memref<!tpu.dma_semaphore, #tpu.memory_space<semaphore_mem>>) src(%dma_wait3A_1184 : memref<19200x384xf32, #tpu.memory_space<hbm>>) dst(%dma_wait3A_1177 : memref<96x384xf32, #tpu.memory_space<vmem>>)
    %add3A_1185 = arith.constant 1920 : i32
    %add3A_1186 = arith.addi %mul3A_2, %add3A_1185 : i32
    %dma_start3A_1187 = arith.constant 2 : i32
    %dma_start3A_1188 = arith.constant 0 : i32
    %dma_start3A_1189 = arith.constant 0 : i32
    %dma_start3A_1190 = tpu.memref_slice %arg6[%dma_start3A_1187, %dma_start3A_1188, %dma_start3A_1189] : memref<3x96x384xf32, #tpu.memory_space<vmem>> -> memref<1x96x384xf32, #tpu.memory_space<vmem>>
    %dma_start3A_1191 = tpu.memref_squeeze %dma_start3A_1190 : memref<1x96x384xf32, #tpu.memory_space<vmem>> -> memref<96x384xf32, #tpu.memory_space<vmem>>
    %dma_start3A_1192 = tpu.memref_reshape %arg4 : memref<19200x4x384xf32, #tpu.memory_space<hbm>> -> memref<76800x384xf32, #tpu.memory_space<hbm>>
    %dma_start3A_1193 = arith.constant 0 : i32
    %dma_start3A_1194 = tpu.memref_slice %dma_start3A_1192[%add3A_1186, %dma_start3A_1193] : memref<76800x384xf32, #tpu.memory_space<hbm>> -> memref<96x384xf32, #tpu.memory_space<hbm>>
    %dma_start3A_1195 = tpu.memref_reshape %arg4 : memref<19200x4x384xf32, #tpu.memory_space<hbm>> -> memref<76800x384xf32, #tpu.memory_space<hbm>>
    %dma_start3A_1196 = arith.constant 0 : i32
    %dma_start3A_1197 = tpu.memref_slice %dma_start3A_1195[%add3A_1186, %dma_start3A_1196] : memref<76800x384xf32, #tpu.memory_space<hbm>> -> memref<96x384xf32, #tpu.memory_space<hbm>>
    %dma_start3A_1198 = arith.constant 0 : i32
    %dma_start3A_1199 = arith.constant 0 : i32
    %dma_start3A_1200 = tpu.memref_slice %arg6[%dma_start3A_1187, %dma_start3A_1198, %dma_start3A_1199] : memref<3x96x384xf32, #tpu.memory_space<vmem>> -> memref<1x96x384xf32, #tpu.memory_space<vmem>>
    %dma_start3A_1201 = tpu.memref_squeeze %dma_start3A_1200 : memref<1x96x384xf32, #tpu.memory_space<vmem>> -> memref<96x384xf32, #tpu.memory_space<vmem>>
    tpu.enqueue_dma source(%dma_start3A_1201 : memref<96x384xf32, #tpu.memory_space<vmem>>) target(%dma_start3A_1197 : memref<96x384xf32, #tpu.memory_space<hbm>>) target_semaphore(%arg12 : memref<!tpu.dma_semaphore, #tpu.memory_space<semaphore_mem>>)
    %dma_wait3A_1202 = arith.constant 1 : i32
    %dma_wait3A_1203 = arith.constant 0 : i32
    %dma_wait3A_1204 = arith.constant 0 : i32
    %dma_wait3A_1205 = tpu.memref_slice %arg6[%dma_wait3A_1202, %dma_wait3A_1203, %dma_wait3A_1204] : memref<3x96x384xf32, #tpu.memory_space<vmem>> -> memref<1x96x384xf32, #tpu.memory_space<vmem>>
    %dma_wait3A_1206 = tpu.memref_squeeze %dma_wait3A_1205 : memref<1x96x384xf32, #tpu.memory_space<vmem>> -> memref<96x384xf32, #tpu.memory_space<vmem>>
    %dma_wait3A_1207 = tpu.memref_reshape %arg4 : memref<19200x4x384xf32, #tpu.memory_space<hbm>> -> memref<76800x384xf32, #tpu.memory_space<hbm>>
    %dma_wait3A_1208 = arith.constant 0 : i32
    %dma_wait3A_1209 = tpu.memref_slice %dma_wait3A_1207[%add3A_1128, %dma_wait3A_1208] : memref<76800x384xf32, #tpu.memory_space<hbm>> -> memref<96x384xf32, #tpu.memory_space<hbm>>
    %dma_wait3A_1210 = tpu.memref_reshape %arg4 : memref<19200x4x384xf32, #tpu.memory_space<hbm>> -> memref<76800x384xf32, #tpu.memory_space<hbm>>
    %dma_wait3A_1211 = arith.constant 0 : i32
    %dma_wait3A_1212 = tpu.memref_slice %dma_wait3A_1210[%add3A_1128, %dma_wait3A_1211] : memref<76800x384xf32, #tpu.memory_space<hbm>> -> memref<96x384xf32, #tpu.memory_space<hbm>>
    %dma_wait3A_1213 = arith.constant 0 : i32
    %dma_wait3A_1214 = arith.constant 0 : i32
    %dma_wait3A_1215 = tpu.memref_slice %arg6[%dma_wait3A_1202, %dma_wait3A_1213, %dma_wait3A_1214] : memref<3x96x384xf32, #tpu.memory_space<vmem>> -> memref<1x96x384xf32, #tpu.memory_space<vmem>>
    %dma_wait3A_1216 = tpu.memref_squeeze %dma_wait3A_1215 : memref<1x96x384xf32, #tpu.memory_space<vmem>> -> memref<96x384xf32, #tpu.memory_space<vmem>>
    tpu.wait_dma2 semaphore(%arg11 : memref<!tpu.dma_semaphore, #tpu.memory_space<semaphore_mem>>) src(%dma_wait3A_1216 : memref<96x384xf32, #tpu.memory_space<vmem>>) dst(%dma_wait3A_1212 : memref<96x384xf32, #tpu.memory_space<hbm>>)
    %dma_start3A_1217 = arith.constant 22 : i32
    %dma_start3A_1218 = arith.constant 1 : i32
    %dma_start3A_1219 = arith.constant 0 : i32
    %dma_start3A_1220 = arith.constant 0 : i32
    %dma_start3A_1221 = tpu.memref_slice %arg6[%dma_start3A_1218, %dma_start3A_1219, %dma_start3A_1220] : memref<3x96x384xf32, #tpu.memory_space<vmem>> -> memref<1x96x384xf32, #tpu.memory_space<vmem>>
    %dma_start3A_1222 = tpu.memref_squeeze %dma_start3A_1221 : memref<1x96x384xf32, #tpu.memory_space<vmem>> -> memref<96x384xf32, #tpu.memory_space<vmem>>
    %dma_start3A_1223 = arith.constant 0 : i32
    %dma_start3A_1224 = tpu.memref_slice %arg5[%dma_start3A_1217, %dma_start3A_1223] : memref<25x96xi32, #tpu.memory_space<vmem>> -> memref<1x96xi32, #tpu.memory_space<vmem>>
    %dma_start3A_1225 = tpu.memref_squeeze %dma_start3A_1224 : memref<1x96xi32, #tpu.memory_space<vmem>> -> memref<96xi32, #tpu.memory_space<vmem>>
    %dma_start3A_1226 = tpu.memref_reshape %arg2 : memref<4800x4x384xf32, #tpu.memory_space<hbm>> -> memref<19200x384xf32, #tpu.memory_space<hbm>>
    %dma_start3A_1227 = arith.constant 0 : i32
    %dma_start3A_1228 = arith.constant 0 : i32
    %dma_start3A_1229 = tpu.memref_slice %dma_start3A_1226[%dma_start3A_1227, %dma_start3A_1228] : memref<19200x384xf32, #tpu.memory_space<hbm>> -> memref<19200x384xf32, #tpu.memory_space<hbm>>
    tpu.enqueue_indirect_dma source(%dma_start3A_1229 : memref<19200x384xf32, #tpu.memory_space<hbm>>) target(%dma_start3A_1222 : memref<96x384xf32, #tpu.memory_space<vmem>>) offsets(%dma_start3A_1225 : memref<96xi32, #tpu.memory_space<vmem>>) semaphore(%arg8 : memref<!tpu.dma_semaphore, #tpu.memory_space<semaphore_mem>>)
    %dma_wait3A_1230 = arith.constant 21 : i32
    %dma_wait3A_1231 = arith.constant 0 : i32
    %dma_wait3A_1232 = arith.constant 0 : i32
    %dma_wait3A_1233 = arith.constant 0 : i32
    %dma_wait3A_1234 = tpu.memref_slice %arg6[%dma_wait3A_1231, %dma_wait3A_1232, %dma_wait3A_1233] : memref<3x96x384xf32, #tpu.memory_space<vmem>> -> memref<1x96x384xf32, #tpu.memory_space<vmem>>
    %dma_wait3A_1235 = tpu.memref_squeeze %dma_wait3A_1234 : memref<1x96x384xf32, #tpu.memory_space<vmem>> -> memref<96x384xf32, #tpu.memory_space<vmem>>
    %dma_wait3A_1236 = arith.constant 0 : i32
    %dma_wait3A_1237 = tpu.memref_slice %arg5[%dma_wait3A_1230, %dma_wait3A_1236] : memref<25x96xi32, #tpu.memory_space<vmem>> -> memref<1x96xi32, #tpu.memory_space<vmem>>
    %dma_wait3A_1238 = tpu.memref_squeeze %dma_wait3A_1237 : memref<1x96xi32, #tpu.memory_space<vmem>> -> memref<96xi32, #tpu.memory_space<vmem>>
    %dma_wait3A_1239 = tpu.memref_reshape %arg2 : memref<4800x4x384xf32, #tpu.memory_space<hbm>> -> memref<19200x384xf32, #tpu.memory_space<hbm>>
    %dma_wait3A_1240 = arith.constant 0 : i32
    %dma_wait3A_1241 = arith.constant 0 : i32
    %dma_wait3A_1242 = tpu.memref_slice %dma_wait3A_1239[%dma_wait3A_1240, %dma_wait3A_1241] : memref<19200x384xf32, #tpu.memory_space<hbm>> -> memref<19200x384xf32, #tpu.memory_space<hbm>>
    tpu.wait_indirect_dma semaphore(%arg7 : memref<!tpu.dma_semaphore, #tpu.memory_space<semaphore_mem>>) src(%dma_wait3A_1242 : memref<19200x384xf32, #tpu.memory_space<hbm>>) dst(%dma_wait3A_1235 : memref<96x384xf32, #tpu.memory_space<vmem>>)
    %add3A_1243 = arith.constant 2016 : i32
    %add3A_1244 = arith.addi %mul3A_2, %add3A_1243 : i32
    %dma_start3A_1245 = arith.constant 0 : i32
    %dma_start3A_1246 = arith.constant 0 : i32
    %dma_start3A_1247 = arith.constant 0 : i32
    %dma_start3A_1248 = tpu.memref_slice %arg6[%dma_start3A_1245, %dma_start3A_1246, %dma_start3A_1247] : memref<3x96x384xf32, #tpu.memory_space<vmem>> -> memref<1x96x384xf32, #tpu.memory_space<vmem>>
    %dma_start3A_1249 = tpu.memref_squeeze %dma_start3A_1248 : memref<1x96x384xf32, #tpu.memory_space<vmem>> -> memref<96x384xf32, #tpu.memory_space<vmem>>
    %dma_start3A_1250 = tpu.memref_reshape %arg4 : memref<19200x4x384xf32, #tpu.memory_space<hbm>> -> memref<76800x384xf32, #tpu.memory_space<hbm>>
    %dma_start3A_1251 = arith.constant 0 : i32
    %dma_start3A_1252 = tpu.memref_slice %dma_start3A_1250[%add3A_1244, %dma_start3A_1251] : memref<76800x384xf32, #tpu.memory_space<hbm>> -> memref<96x384xf32, #tpu.memory_space<hbm>>
    %dma_start3A_1253 = tpu.memref_reshape %arg4 : memref<19200x4x384xf32, #tpu.memory_space<hbm>> -> memref<76800x384xf32, #tpu.memory_space<hbm>>
    %dma_start3A_1254 = arith.constant 0 : i32
    %dma_start3A_1255 = tpu.memref_slice %dma_start3A_1253[%add3A_1244, %dma_start3A_1254] : memref<76800x384xf32, #tpu.memory_space<hbm>> -> memref<96x384xf32, #tpu.memory_space<hbm>>
    %dma_start3A_1256 = arith.constant 0 : i32
    %dma_start3A_1257 = arith.constant 0 : i32
    %dma_start3A_1258 = tpu.memref_slice %arg6[%dma_start3A_1245, %dma_start3A_1256, %dma_start3A_1257] : memref<3x96x384xf32, #tpu.memory_space<vmem>> -> memref<1x96x384xf32, #tpu.memory_space<vmem>>
    %dma_start3A_1259 = tpu.memref_squeeze %dma_start3A_1258 : memref<1x96x384xf32, #tpu.memory_space<vmem>> -> memref<96x384xf32, #tpu.memory_space<vmem>>
    tpu.enqueue_dma source(%dma_start3A_1259 : memref<96x384xf32, #tpu.memory_space<vmem>>) target(%dma_start3A_1255 : memref<96x384xf32, #tpu.memory_space<hbm>>) target_semaphore(%arg10 : memref<!tpu.dma_semaphore, #tpu.memory_space<semaphore_mem>>)
    %dma_wait3A_1260 = arith.constant 2 : i32
    %dma_wait3A_1261 = arith.constant 0 : i32
    %dma_wait3A_1262 = arith.constant 0 : i32
    %dma_wait3A_1263 = tpu.memref_slice %arg6[%dma_wait3A_1260, %dma_wait3A_1261, %dma_wait3A_1262] : memref<3x96x384xf32, #tpu.memory_space<vmem>> -> memref<1x96x384xf32, #tpu.memory_space<vmem>>
    %dma_wait3A_1264 = tpu.memref_squeeze %dma_wait3A_1263 : memref<1x96x384xf32, #tpu.memory_space<vmem>> -> memref<96x384xf32, #tpu.memory_space<vmem>>
    %dma_wait3A_1265 = tpu.memref_reshape %arg4 : memref<19200x4x384xf32, #tpu.memory_space<hbm>> -> memref<76800x384xf32, #tpu.memory_space<hbm>>
    %dma_wait3A_1266 = arith.constant 0 : i32
    %dma_wait3A_1267 = tpu.memref_slice %dma_wait3A_1265[%add3A_1186, %dma_wait3A_1266] : memref<76800x384xf32, #tpu.memory_space<hbm>> -> memref<96x384xf32, #tpu.memory_space<hbm>>
    %dma_wait3A_1268 = tpu.memref_reshape %arg4 : memref<19200x4x384xf32, #tpu.memory_space<hbm>> -> memref<76800x384xf32, #tpu.memory_space<hbm>>
    %dma_wait3A_1269 = arith.constant 0 : i32
    %dma_wait3A_1270 = tpu.memref_slice %dma_wait3A_1268[%add3A_1186, %dma_wait3A_1269] : memref<76800x384xf32, #tpu.memory_space<hbm>> -> memref<96x384xf32, #tpu.memory_space<hbm>>
    %dma_wait3A_1271 = arith.constant 0 : i32
    %dma_wait3A_1272 = arith.constant 0 : i32
    %dma_wait3A_1273 = tpu.memref_slice %arg6[%dma_wait3A_1260, %dma_wait3A_1271, %dma_wait3A_1272] : memref<3x96x384xf32, #tpu.memory_space<vmem>> -> memref<1x96x384xf32, #tpu.memory_space<vmem>>
    %dma_wait3A_1274 = tpu.memref_squeeze %dma_wait3A_1273 : memref<1x96x384xf32, #tpu.memory_space<vmem>> -> memref<96x384xf32, #tpu.memory_space<vmem>>
    tpu.wait_dma2 semaphore(%arg12 : memref<!tpu.dma_semaphore, #tpu.memory_space<semaphore_mem>>) src(%dma_wait3A_1274 : memref<96x384xf32, #tpu.memory_space<vmem>>) dst(%dma_wait3A_1270 : memref<96x384xf32, #tpu.memory_space<hbm>>)
    %dma_start3A_1275 = arith.constant 23 : i32
    %dma_start3A_1276 = arith.constant 2 : i32
    %dma_start3A_1277 = arith.constant 0 : i32
    %dma_start3A_1278 = arith.constant 0 : i32
    %dma_start3A_1279 = tpu.memref_slice %arg6[%dma_start3A_1276, %dma_start3A_1277, %dma_start3A_1278] : memref<3x96x384xf32, #tpu.memory_space<vmem>> -> memref<1x96x384xf32, #tpu.memory_space<vmem>>
    %dma_start3A_1280 = tpu.memref_squeeze %dma_start3A_1279 : memref<1x96x384xf32, #tpu.memory_space<vmem>> -> memref<96x384xf32, #tpu.memory_space<vmem>>
    %dma_start3A_1281 = arith.constant 0 : i32
    %dma_start3A_1282 = tpu.memref_slice %arg5[%dma_start3A_1275, %dma_start3A_1281] : memref<25x96xi32, #tpu.memory_space<vmem>> -> memref<1x96xi32, #tpu.memory_space<vmem>>
    %dma_start3A_1283 = tpu.memref_squeeze %dma_start3A_1282 : memref<1x96xi32, #tpu.memory_space<vmem>> -> memref<96xi32, #tpu.memory_space<vmem>>
    %dma_start3A_1284 = tpu.memref_reshape %arg2 : memref<4800x4x384xf32, #tpu.memory_space<hbm>> -> memref<19200x384xf32, #tpu.memory_space<hbm>>
    %dma_start3A_1285 = arith.constant 0 : i32
    %dma_start3A_1286 = arith.constant 0 : i32
    %dma_start3A_1287 = tpu.memref_slice %dma_start3A_1284[%dma_start3A_1285, %dma_start3A_1286] : memref<19200x384xf32, #tpu.memory_space<hbm>> -> memref<19200x384xf32, #tpu.memory_space<hbm>>
    tpu.enqueue_indirect_dma source(%dma_start3A_1287 : memref<19200x384xf32, #tpu.memory_space<hbm>>) target(%dma_start3A_1280 : memref<96x384xf32, #tpu.memory_space<vmem>>) offsets(%dma_start3A_1283 : memref<96xi32, #tpu.memory_space<vmem>>) semaphore(%arg9 : memref<!tpu.dma_semaphore, #tpu.memory_space<semaphore_mem>>)
    %dma_wait3A_1288 = arith.constant 22 : i32
    %dma_wait3A_1289 = arith.constant 1 : i32
    %dma_wait3A_1290 = arith.constant 0 : i32
    %dma_wait3A_1291 = arith.constant 0 : i32
    %dma_wait3A_1292 = tpu.memref_slice %arg6[%dma_wait3A_1289, %dma_wait3A_1290, %dma_wait3A_1291] : memref<3x96x384xf32, #tpu.memory_space<vmem>> -> memref<1x96x384xf32, #tpu.memory_space<vmem>>
    %dma_wait3A_1293 = tpu.memref_squeeze %dma_wait3A_1292 : memref<1x96x384xf32, #tpu.memory_space<vmem>> -> memref<96x384xf32, #tpu.memory_space<vmem>>
    %dma_wait3A_1294 = arith.constant 0 : i32
    %dma_wait3A_1295 = tpu.memref_slice %arg5[%dma_wait3A_1288, %dma_wait3A_1294] : memref<25x96xi32, #tpu.memory_space<vmem>> -> memref<1x96xi32, #tpu.memory_space<vmem>>
    %dma_wait3A_1296 = tpu.memref_squeeze %dma_wait3A_1295 : memref<1x96xi32, #tpu.memory_space<vmem>> -> memref<96xi32, #tpu.memory_space<vmem>>
    %dma_wait3A_1297 = tpu.memref_reshape %arg2 : memref<4800x4x384xf32, #tpu.memory_space<hbm>> -> memref<19200x384xf32, #tpu.memory_space<hbm>>
    %dma_wait3A_1298 = arith.constant 0 : i32
    %dma_wait3A_1299 = arith.constant 0 : i32
    %dma_wait3A_1300 = tpu.memref_slice %dma_wait3A_1297[%dma_wait3A_1298, %dma_wait3A_1299] : memref<19200x384xf32, #tpu.memory_space<hbm>> -> memref<19200x384xf32, #tpu.memory_space<hbm>>
    tpu.wait_indirect_dma semaphore(%arg8 : memref<!tpu.dma_semaphore, #tpu.memory_space<semaphore_mem>>) src(%dma_wait3A_1300 : memref<19200x384xf32, #tpu.memory_space<hbm>>) dst(%dma_wait3A_1293 : memref<96x384xf32, #tpu.memory_space<vmem>>)
    %add3A_1301 = arith.constant 2112 : i32
    %add3A_1302 = arith.addi %mul3A_2, %add3A_1301 : i32
    %dma_start3A_1303 = arith.constant 1 : i32
    %dma_start3A_1304 = arith.constant 0 : i32
    %dma_start3A_1305 = arith.constant 0 : i32
    %dma_start3A_1306 = tpu.memref_slice %arg6[%dma_start3A_1303, %dma_start3A_1304, %dma_start3A_1305] : memref<3x96x384xf32, #tpu.memory_space<vmem>> -> memref<1x96x384xf32, #tpu.memory_space<vmem>>
    %dma_start3A_1307 = tpu.memref_squeeze %dma_start3A_1306 : memref<1x96x384xf32, #tpu.memory_space<vmem>> -> memref<96x384xf32, #tpu.memory_space<vmem>>
    %dma_start3A_1308 = tpu.memref_reshape %arg4 : memref<19200x4x384xf32, #tpu.memory_space<hbm>> -> memref<76800x384xf32, #tpu.memory_space<hbm>>
    %dma_start3A_1309 = arith.constant 0 : i32
    %dma_start3A_1310 = tpu.memref_slice %dma_start3A_1308[%add3A_1302, %dma_start3A_1309] : memref<76800x384xf32, #tpu.memory_space<hbm>> -> memref<96x384xf32, #tpu.memory_space<hbm>>
    %dma_start3A_1311 = tpu.memref_reshape %arg4 : memref<19200x4x384xf32, #tpu.memory_space<hbm>> -> memref<76800x384xf32, #tpu.memory_space<hbm>>
    %dma_start3A_1312 = arith.constant 0 : i32
    %dma_start3A_1313 = tpu.memref_slice %dma_start3A_1311[%add3A_1302, %dma_start3A_1312] : memref<76800x384xf32, #tpu.memory_space<hbm>> -> memref<96x384xf32, #tpu.memory_space<hbm>>
    %dma_start3A_1314 = arith.constant 0 : i32
    %dma_start3A_1315 = arith.constant 0 : i32
    %dma_start3A_1316 = tpu.memref_slice %arg6[%dma_start3A_1303, %dma_start3A_1314, %dma_start3A_1315] : memref<3x96x384xf32, #tpu.memory_space<vmem>> -> memref<1x96x384xf32, #tpu.memory_space<vmem>>
    %dma_start3A_1317 = tpu.memref_squeeze %dma_start3A_1316 : memref<1x96x384xf32, #tpu.memory_space<vmem>> -> memref<96x384xf32, #tpu.memory_space<vmem>>
    tpu.enqueue_dma source(%dma_start3A_1317 : memref<96x384xf32, #tpu.memory_space<vmem>>) target(%dma_start3A_1313 : memref<96x384xf32, #tpu.memory_space<hbm>>) target_semaphore(%arg11 : memref<!tpu.dma_semaphore, #tpu.memory_space<semaphore_mem>>)
    %dma_wait3A_1318 = arith.constant 0 : i32
    %dma_wait3A_1319 = arith.constant 0 : i32
    %dma_wait3A_1320 = arith.constant 0 : i32
    %dma_wait3A_1321 = tpu.memref_slice %arg6[%dma_wait3A_1318, %dma_wait3A_1319, %dma_wait3A_1320] : memref<3x96x384xf32, #tpu.memory_space<vmem>> -> memref<1x96x384xf32, #tpu.memory_space<vmem>>
    %dma_wait3A_1322 = tpu.memref_squeeze %dma_wait3A_1321 : memref<1x96x384xf32, #tpu.memory_space<vmem>> -> memref<96x384xf32, #tpu.memory_space<vmem>>
    %dma_wait3A_1323 = tpu.memref_reshape %arg4 : memref<19200x4x384xf32, #tpu.memory_space<hbm>> -> memref<76800x384xf32, #tpu.memory_space<hbm>>
    %dma_wait3A_1324 = arith.constant 0 : i32
    %dma_wait3A_1325 = tpu.memref_slice %dma_wait3A_1323[%add3A_1244, %dma_wait3A_1324] : memref<76800x384xf32, #tpu.memory_space<hbm>> -> memref<96x384xf32, #tpu.memory_space<hbm>>
    %dma_wait3A_1326 = tpu.memref_reshape %arg4 : memref<19200x4x384xf32, #tpu.memory_space<hbm>> -> memref<76800x384xf32, #tpu.memory_space<hbm>>
    %dma_wait3A_1327 = arith.constant 0 : i32
    %dma_wait3A_1328 = tpu.memref_slice %dma_wait3A_1326[%add3A_1244, %dma_wait3A_1327] : memref<76800x384xf32, #tpu.memory_space<hbm>> -> memref<96x384xf32, #tpu.memory_space<hbm>>
    %dma_wait3A_1329 = arith.constant 0 : i32
    %dma_wait3A_1330 = arith.constant 0 : i32
    %dma_wait3A_1331 = tpu.memref_slice %arg6[%dma_wait3A_1318, %dma_wait3A_1329, %dma_wait3A_1330] : memref<3x96x384xf32, #tpu.memory_space<vmem>> -> memref<1x96x384xf32, #tpu.memory_space<vmem>>
    %dma_wait3A_1332 = tpu.memref_squeeze %dma_wait3A_1331 : memref<1x96x384xf32, #tpu.memory_space<vmem>> -> memref<96x384xf32, #tpu.memory_space<vmem>>
    tpu.wait_dma2 semaphore(%arg10 : memref<!tpu.dma_semaphore, #tpu.memory_space<semaphore_mem>>) src(%dma_wait3A_1332 : memref<96x384xf32, #tpu.memory_space<vmem>>) dst(%dma_wait3A_1328 : memref<96x384xf32, #tpu.memory_space<hbm>>)
    %dma_start3A_1333 = arith.constant 24 : i32
    %dma_start3A_1334 = arith.constant 0 : i32
    %dma_start3A_1335 = arith.constant 0 : i32
    %dma_start3A_1336 = arith.constant 0 : i32
    %dma_start3A_1337 = tpu.memref_slice %arg6[%dma_start3A_1334, %dma_start3A_1335, %dma_start3A_1336] : memref<3x96x384xf32, #tpu.memory_space<vmem>> -> memref<1x96x384xf32, #tpu.memory_space<vmem>>
    %dma_start3A_1338 = tpu.memref_squeeze %dma_start3A_1337 : memref<1x96x384xf32, #tpu.memory_space<vmem>> -> memref<96x384xf32, #tpu.memory_space<vmem>>
    %dma_start3A_1339 = arith.constant 0 : i32
    %dma_start3A_1340 = tpu.memref_slice %arg5[%dma_start3A_1333, %dma_start3A_1339] : memref<25x96xi32, #tpu.memory_space<vmem>> -> memref<1x96xi32, #tpu.memory_space<vmem>>
    %dma_start3A_1341 = tpu.memref_squeeze %dma_start3A_1340 : memref<1x96xi32, #tpu.memory_space<vmem>> -> memref<96xi32, #tpu.memory_space<vmem>>
    %dma_start3A_1342 = tpu.memref_reshape %arg2 : memref<4800x4x384xf32, #tpu.memory_space<hbm>> -> memref<19200x384xf32, #tpu.memory_space<hbm>>
    %dma_start3A_1343 = arith.constant 0 : i32
    %dma_start3A_1344 = arith.constant 0 : i32
    %dma_start3A_1345 = tpu.memref_slice %dma_start3A_1342[%dma_start3A_1343, %dma_start3A_1344] : memref<19200x384xf32, #tpu.memory_space<hbm>> -> memref<19200x384xf32, #tpu.memory_space<hbm>>
    tpu.enqueue_indirect_dma source(%dma_start3A_1345 : memref<19200x384xf32, #tpu.memory_space<hbm>>) target(%dma_start3A_1338 : memref<96x384xf32, #tpu.memory_space<vmem>>) offsets(%dma_start3A_1341 : memref<96xi32, #tpu.memory_space<vmem>>) semaphore(%arg7 : memref<!tpu.dma_semaphore, #tpu.memory_space<semaphore_mem>>)
    %dma_wait3A_1346 = arith.constant 23 : i32
    %dma_wait3A_1347 = arith.constant 2 : i32
    %dma_wait3A_1348 = arith.constant 0 : i32
    %dma_wait3A_1349 = arith.constant 0 : i32
    %dma_wait3A_1350 = tpu.memref_slice %arg6[%dma_wait3A_1347, %dma_wait3A_1348, %dma_wait3A_1349] : memref<3x96x384xf32, #tpu.memory_space<vmem>> -> memref<1x96x384xf32, #tpu.memory_space<vmem>>
    %dma_wait3A_1351 = tpu.memref_squeeze %dma_wait3A_1350 : memref<1x96x384xf32, #tpu.memory_space<vmem>> -> memref<96x384xf32, #tpu.memory_space<vmem>>
    %dma_wait3A_1352 = arith.constant 0 : i32
    %dma_wait3A_1353 = tpu.memref_slice %arg5[%dma_wait3A_1346, %dma_wait3A_1352] : memref<25x96xi32, #tpu.memory_space<vmem>> -> memref<1x96xi32, #tpu.memory_space<vmem>>
    %dma_wait3A_1354 = tpu.memref_squeeze %dma_wait3A_1353 : memref<1x96xi32, #tpu.memory_space<vmem>> -> memref<96xi32, #tpu.memory_space<vmem>>
    %dma_wait3A_1355 = tpu.memref_reshape %arg2 : memref<4800x4x384xf32, #tpu.memory_space<hbm>> -> memref<19200x384xf32, #tpu.memory_space<hbm>>
    %dma_wait3A_1356 = arith.constant 0 : i32
    %dma_wait3A_1357 = arith.constant 0 : i32
    %dma_wait3A_1358 = tpu.memref_slice %dma_wait3A_1355[%dma_wait3A_1356, %dma_wait3A_1357] : memref<19200x384xf32, #tpu.memory_space<hbm>> -> memref<19200x384xf32, #tpu.memory_space<hbm>>
    tpu.wait_indirect_dma semaphore(%arg9 : memref<!tpu.dma_semaphore, #tpu.memory_space<semaphore_mem>>) src(%dma_wait3A_1358 : memref<19200x384xf32, #tpu.memory_space<hbm>>) dst(%dma_wait3A_1351 : memref<96x384xf32, #tpu.memory_space<vmem>>)
    %add3A_1359 = arith.constant 2208 : i32
    %add3A_1360 = arith.addi %mul3A_2, %add3A_1359 : i32
    %dma_start3A_1361 = arith.constant 2 : i32
    %dma_start3A_1362 = arith.constant 0 : i32
    %dma_start3A_1363 = arith.constant 0 : i32
    %dma_start3A_1364 = tpu.memref_slice %arg6[%dma_start3A_1361, %dma_start3A_1362, %dma_start3A_1363] : memref<3x96x384xf32, #tpu.memory_space<vmem>> -> memref<1x96x384xf32, #tpu.memory_space<vmem>>
    %dma_start3A_1365 = tpu.memref_squeeze %dma_start3A_1364 : memref<1x96x384xf32, #tpu.memory_space<vmem>> -> memref<96x384xf32, #tpu.memory_space<vmem>>
    %dma_start3A_1366 = tpu.memref_reshape %arg4 : memref<19200x4x384xf32, #tpu.memory_space<hbm>> -> memref<76800x384xf32, #tpu.memory_space<hbm>>
    %dma_start3A_1367 = arith.constant 0 : i32
    %dma_start3A_1368 = tpu.memref_slice %dma_start3A_1366[%add3A_1360, %dma_start3A_1367] : memref<76800x384xf32, #tpu.memory_space<hbm>> -> memref<96x384xf32, #tpu.memory_space<hbm>>
    %dma_start3A_1369 = tpu.memref_reshape %arg4 : memref<19200x4x384xf32, #tpu.memory_space<hbm>> -> memref<76800x384xf32, #tpu.memory_space<hbm>>
    %dma_start3A_1370 = arith.constant 0 : i32
    %dma_start3A_1371 = tpu.memref_slice %dma_start3A_1369[%add3A_1360, %dma_start3A_1370] : memref<76800x384xf32, #tpu.memory_space<hbm>> -> memref<96x384xf32, #tpu.memory_space<hbm>>
    %dma_start3A_1372 = arith.constant 0 : i32
    %dma_start3A_1373 = arith.constant 0 : i32
    %dma_start3A_1374 = tpu.memref_slice %arg6[%dma_start3A_1361, %dma_start3A_1372, %dma_start3A_1373] : memref<3x96x384xf32, #tpu.memory_space<vmem>> -> memref<1x96x384xf32, #tpu.memory_space<vmem>>
    %dma_start3A_1375 = tpu.memref_squeeze %dma_start3A_1374 : memref<1x96x384xf32, #tpu.memory_space<vmem>> -> memref<96x384xf32, #tpu.memory_space<vmem>>
    tpu.enqueue_dma source(%dma_start3A_1375 : memref<96x384xf32, #tpu.memory_space<vmem>>) target(%dma_start3A_1371 : memref<96x384xf32, #tpu.memory_space<hbm>>) target_semaphore(%arg12 : memref<!tpu.dma_semaphore, #tpu.memory_space<semaphore_mem>>)
    %dma_wait3A_1376 = arith.constant 24 : i32
    %dma_wait3A_1377 = arith.constant 0 : i32
    %dma_wait3A_1378 = arith.constant 0 : i32
    %dma_wait3A_1379 = arith.constant 0 : i32
    %dma_wait3A_1380 = tpu.memref_slice %arg6[%dma_wait3A_1377, %dma_wait3A_1378, %dma_wait3A_1379] : memref<3x96x384xf32, #tpu.memory_space<vmem>> -> memref<1x96x384xf32, #tpu.memory_space<vmem>>
    %dma_wait3A_1381 = tpu.memref_squeeze %dma_wait3A_1380 : memref<1x96x384xf32, #tpu.memory_space<vmem>> -> memref<96x384xf32, #tpu.memory_space<vmem>>
    %dma_wait3A_1382 = arith.constant 0 : i32
    %dma_wait3A_1383 = tpu.memref_slice %arg5[%dma_wait3A_1376, %dma_wait3A_1382] : memref<25x96xi32, #tpu.memory_space<vmem>> -> memref<1x96xi32, #tpu.memory_space<vmem>>
    %dma_wait3A_1384 = tpu.memref_squeeze %dma_wait3A_1383 : memref<1x96xi32, #tpu.memory_space<vmem>> -> memref<96xi32, #tpu.memory_space<vmem>>
    %dma_wait3A_1385 = tpu.memref_reshape %arg2 : memref<4800x4x384xf32, #tpu.memory_space<hbm>> -> memref<19200x384xf32, #tpu.memory_space<hbm>>
    %dma_wait3A_1386 = arith.constant 0 : i32
    %dma_wait3A_1387 = arith.constant 0 : i32
    %dma_wait3A_1388 = tpu.memref_slice %dma_wait3A_1385[%dma_wait3A_1386, %dma_wait3A_1387] : memref<19200x384xf32, #tpu.memory_space<hbm>> -> memref<19200x384xf32, #tpu.memory_space<hbm>>
    tpu.wait_indirect_dma semaphore(%arg7 : memref<!tpu.dma_semaphore, #tpu.memory_space<semaphore_mem>>) src(%dma_wait3A_1388 : memref<19200x384xf32, #tpu.memory_space<hbm>>) dst(%dma_wait3A_1381 : memref<96x384xf32, #tpu.memory_space<vmem>>)
    %add3A_1389 = arith.constant 2304 : i32
    %add3A_1390 = arith.addi %mul3A_2, %add3A_1389 : i32
    %dma_start3A_1391 = arith.constant 0 : i32
    %dma_start3A_1392 = arith.constant 0 : i32
    %dma_start3A_1393 = arith.constant 0 : i32
    %dma_start3A_1394 = tpu.memref_slice %arg6[%dma_start3A_1391, %dma_start3A_1392, %dma_start3A_1393] : memref<3x96x384xf32, #tpu.memory_space<vmem>> -> memref<1x96x384xf32, #tpu.memory_space<vmem>>
    %dma_start3A_1395 = tpu.memref_squeeze %dma_start3A_1394 : memref<1x96x384xf32, #tpu.memory_space<vmem>> -> memref<96x384xf32, #tpu.memory_space<vmem>>
    %dma_start3A_1396 = tpu.memref_reshape %arg4 : memref<19200x4x384xf32, #tpu.memory_space<hbm>> -> memref<76800x384xf32, #tpu.memory_space<hbm>>
    %dma_start3A_1397 = arith.constant 0 : i32
    %dma_start3A_1398 = tpu.memref_slice %dma_start3A_1396[%add3A_1390, %dma_start3A_1397] : memref<76800x384xf32, #tpu.memory_space<hbm>> -> memref<96x384xf32, #tpu.memory_space<hbm>>
    %dma_start3A_1399 = tpu.memref_reshape %arg4 : memref<19200x4x384xf32, #tpu.memory_space<hbm>> -> memref<76800x384xf32, #tpu.memory_space<hbm>>
    %dma_start3A_1400 = arith.constant 0 : i32
    %dma_start3A_1401 = tpu.memref_slice %dma_start3A_1399[%add3A_1390, %dma_start3A_1400] : memref<76800x384xf32, #tpu.memory_space<hbm>> -> memref<96x384xf32, #tpu.memory_space<hbm>>
    %dma_start3A_1402 = arith.constant 0 : i32
    %dma_start3A_1403 = arith.constant 0 : i32
    %dma_start3A_1404 = tpu.memref_slice %arg6[%dma_start3A_1391, %dma_start3A_1402, %dma_start3A_1403] : memref<3x96x384xf32, #tpu.memory_space<vmem>> -> memref<1x96x384xf32, #tpu.memory_space<vmem>>
    %dma_start3A_1405 = tpu.memref_squeeze %dma_start3A_1404 : memref<1x96x384xf32, #tpu.memory_space<vmem>> -> memref<96x384xf32, #tpu.memory_space<vmem>>
    tpu.enqueue_dma source(%dma_start3A_1405 : memref<96x384xf32, #tpu.memory_space<vmem>>) target(%dma_start3A_1401 : memref<96x384xf32, #tpu.memory_space<hbm>>) target_semaphore(%arg10 : memref<!tpu.dma_semaphore, #tpu.memory_space<semaphore_mem>>)
    %dma_wait3A_1406 = arith.constant 1 : i32
    %dma_wait3A_1407 = arith.constant 0 : i32
    %dma_wait3A_1408 = arith.constant 0 : i32
    %dma_wait3A_1409 = tpu.memref_slice %arg6[%dma_wait3A_1406, %dma_wait3A_1407, %dma_wait3A_1408] : memref<3x96x384xf32, #tpu.memory_space<vmem>> -> memref<1x96x384xf32, #tpu.memory_space<vmem>>
    %dma_wait3A_1410 = tpu.memref_squeeze %dma_wait3A_1409 : memref<1x96x384xf32, #tpu.memory_space<vmem>> -> memref<96x384xf32, #tpu.memory_space<vmem>>
    %dma_wait3A_1411 = tpu.memref_reshape %arg4 : memref<19200x4x384xf32, #tpu.memory_space<hbm>> -> memref<76800x384xf32, #tpu.memory_space<hbm>>
    %dma_wait3A_1412 = arith.constant 0 : i32
    %dma_wait3A_1413 = tpu.memref_slice %dma_wait3A_1411[%add3A_1302, %dma_wait3A_1412] : memref<76800x384xf32, #tpu.memory_space<hbm>> -> memref<96x384xf32, #tpu.memory_space<hbm>>
    %dma_wait3A_1414 = tpu.memref_reshape %arg4 : memref<19200x4x384xf32, #tpu.memory_space<hbm>> -> memref<76800x384xf32, #tpu.memory_space<hbm>>
    %dma_wait3A_1415 = arith.constant 0 : i32
    %dma_wait3A_1416 = tpu.memref_slice %dma_wait3A_1414[%add3A_1302, %dma_wait3A_1415] : memref<76800x384xf32, #tpu.memory_space<hbm>> -> memref<96x384xf32, #tpu.memory_space<hbm>>
    %dma_wait3A_1417 = arith.constant 0 : i32
    %dma_wait3A_1418 = arith.constant 0 : i32
    %dma_wait3A_1419 = tpu.memref_slice %arg6[%dma_wait3A_1406, %dma_wait3A_1417, %dma_wait3A_1418] : memref<3x96x384xf32, #tpu.memory_space<vmem>> -> memref<1x96x384xf32, #tpu.memory_space<vmem>>
    %dma_wait3A_1420 = tpu.memref_squeeze %dma_wait3A_1419 : memref<1x96x384xf32, #tpu.memory_space<vmem>> -> memref<96x384xf32, #tpu.memory_space<vmem>>
    tpu.wait_dma2 semaphore(%arg11 : memref<!tpu.dma_semaphore, #tpu.memory_space<semaphore_mem>>) src(%dma_wait3A_1420 : memref<96x384xf32, #tpu.memory_space<vmem>>) dst(%dma_wait3A_1416 : memref<96x384xf32, #tpu.memory_space<hbm>>)
    %dma_wait3A_1421 = arith.constant 2 : i32
    %dma_wait3A_1422 = arith.constant 0 : i32
    %dma_wait3A_1423 = arith.constant 0 : i32
    %dma_wait3A_1424 = tpu.memref_slice %arg6[%dma_wait3A_1421, %dma_wait3A_1422, %dma_wait3A_1423] : memref<3x96x384xf32, #tpu.memory_space<vmem>> -> memref<1x96x384xf32, #tpu.memory_space<vmem>>
    %dma_wait3A_1425 = tpu.memref_squeeze %dma_wait3A_1424 : memref<1x96x384xf32, #tpu.memory_space<vmem>> -> memref<96x384xf32, #tpu.memory_space<vmem>>
    %dma_wait3A_1426 = tpu.memref_reshape %arg4 : memref<19200x4x384xf32, #tpu.memory_space<hbm>> -> memref<76800x384xf32, #tpu.memory_space<hbm>>
    %dma_wait3A_1427 = arith.constant 0 : i32
    %dma_wait3A_1428 = tpu.memref_slice %dma_wait3A_1426[%add3A_1360, %dma_wait3A_1427] : memref<76800x384xf32, #tpu.memory_space<hbm>> -> memref<96x384xf32, #tpu.memory_space<hbm>>
    %dma_wait3A_1429 = tpu.memref_reshape %arg4 : memref<19200x4x384xf32, #tpu.memory_space<hbm>> -> memref<76800x384xf32, #tpu.memory_space<hbm>>
    %dma_wait3A_1430 = arith.constant 0 : i32
    %dma_wait3A_1431 = tpu.memref_slice %dma_wait3A_1429[%add3A_1360, %dma_wait3A_1430] : memref<76800x384xf32, #tpu.memory_space<hbm>> -> memref<96x384xf32, #tpu.memory_space<hbm>>
    %dma_wait3A_1432 = arith.constant 0 : i32
    %dma_wait3A_1433 = arith.constant 0 : i32
    %dma_wait3A_1434 = tpu.memref_slice %arg6[%dma_wait3A_1421, %dma_wait3A_1432, %dma_wait3A_1433] : memref<3x96x384xf32, #tpu.memory_space<vmem>> -> memref<1x96x384xf32, #tpu.memory_space<vmem>>
    %dma_wait3A_1435 = tpu.memref_squeeze %dma_wait3A_1434 : memref<1x96x384xf32, #tpu.memory_space<vmem>> -> memref<96x384xf32, #tpu.memory_space<vmem>>
    tpu.wait_dma2 semaphore(%arg12 : memref<!tpu.dma_semaphore, #tpu.memory_space<semaphore_mem>>) src(%dma_wait3A_1435 : memref<96x384xf32, #tpu.memory_space<vmem>>) dst(%dma_wait3A_1431 : memref<96x384xf32, #tpu.memory_space<hbm>>)
    %dma_wait3A_1436 = arith.constant 0 : i32
    %dma_wait3A_1437 = arith.constant 0 : i32
    %dma_wait3A_1438 = arith.constant 0 : i32
    %dma_wait3A_1439 = tpu.memref_slice %arg6[%dma_wait3A_1436, %dma_wait3A_1437, %dma_wait3A_1438] : memref<3x96x384xf32, #tpu.memory_space<vmem>> -> memref<1x96x384xf32, #tpu.memory_space<vmem>>
    %dma_wait3A_1440 = tpu.memref_squeeze %dma_wait3A_1439 : memref<1x96x384xf32, #tpu.memory_space<vmem>> -> memref<96x384xf32, #tpu.memory_space<vmem>>
    %dma_wait3A_1441 = tpu.memref_reshape %arg4 : memref<19200x4x384xf32, #tpu.memory_space<hbm>> -> memref<76800x384xf32, #tpu.memory_space<hbm>>
    %dma_wait3A_1442 = arith.constant 0 : i32
    %dma_wait3A_1443 = tpu.memref_slice %dma_wait3A_1441[%add3A_1390, %dma_wait3A_1442] : memref<76800x384xf32, #tpu.memory_space<hbm>> -> memref<96x384xf32, #tpu.memory_space<hbm>>
    %dma_wait3A_1444 = tpu.memref_reshape %arg4 : memref<19200x4x384xf32, #tpu.memory_space<hbm>> -> memref<76800x384xf32, #tpu.memory_space<hbm>>
    %dma_wait3A_1445 = arith.constant 0 : i32
    %dma_wait3A_1446 = tpu.memref_slice %dma_wait3A_1444[%add3A_1390, %dma_wait3A_1445] : memref<76800x384xf32, #tpu.memory_space<hbm>> -> memref<96x384xf32, #tpu.memory_space<hbm>>
    %dma_wait3A_1447 = arith.constant 0 : i32
    %dma_wait3A_1448 = arith.constant 0 : i32
    %dma_wait3A_1449 = tpu.memref_slice %arg6[%dma_wait3A_1436, %dma_wait3A_1447, %dma_wait3A_1448] : memref<3x96x384xf32, #tpu.memory_space<vmem>> -> memref<1x96x384xf32, #tpu.memory_space<vmem>>
    %dma_wait3A_1450 = tpu.memref_squeeze %dma_wait3A_1449 : memref<1x96x384xf32, #tpu.memory_space<vmem>> -> memref<96x384xf32, #tpu.memory_space<vmem>>
    tpu.wait_dma2 semaphore(%arg10 : memref<!tpu.dma_semaphore, #tpu.memory_space<semaphore_mem>>) src(%dma_wait3A_1450 : memref<96x384xf32, #tpu.memory_space<vmem>>) dst(%dma_wait3A_1446 : memref<96x384xf32, #tpu.memory_space<hbm>>)
    return
  }
}

</mosaic_0001>

<sc_bundles>
// kernel: kernel.3.cloned.1.call-start
scs
__scs_entry_jumppad:
0x0: {  	(pc) =	sbr.rel $0x88, $3  }
0x1: {  	(tag) =	ssettag $0x0;
	lr =	simm.s32 $0x1  }
0x2: {  	[smem:$0x3FA0] =	sst lr;
	_ =	strace $0xD0000000  }
0x3: {  	_ = 	snop  }
0x4: {  	_ = 	snop  }
0x5: {  	_ = 	snop  }
0x6: {  	_ = 	snop  }
0x7: {  	_ = 	snop  }
__scs_overlays_trampoline_lowered:
0x8: {  	[smem:$0x3FAF] =	sst s0  }
0x9: {  	[smem:$0x3FB0] =	sst s1  }
0xa: {  	[smem:$0x3FB1] =	sst s2  }
0xb: {  	[smem:$0x3FB2] =	sst s3  }
0xc: {  	[smem:$0x3FB3] =	sst s4  }
0xd: {  	[smem:$0x3FB4] =	sst s5  }
0xe: {  	[smem:$0x3FB5] =	sst s6  }
0xf: {  	[smem:$0x3FB6] =	sst s7  }
0x10: {  	[smem:$0x3FB7] =	sst s8  }
0x11: {  	[smem:$0x3FB8] =	sst s9;
	s0 =	simm.s32 @!p0 $0x0  }
0x12: {  	s1 =	sld [smem:$0x3F9E];
	s0 =	simm.s32 @p0 $0x1  }
0x13: {  	[smem:$0x3FB9] =	sst s0;
	s0 =	simm.s32 @!p1 $0x0  }
0x14: {  	s2 =	sld [smem:$0x3F9D];
	s0 =	simm.s32 @p1 $0x1  }
0x15: {  	[smem:$0x3FBA] =	sst s0;
	s0 =	simm.s32 @!p2 $0x0  }
0x16: {  	s3 =	sld [smem:$0x3FDB];
	s0 =	simm.s32 @p2 $0x1  }
0x17: {  	s4 =	simm.s32 $0x1BF5;
	[smem:$0x3FBC] =	sst s0  }
0x18: {  	s0 =	sld [smem:$0x3F9F];
	_ =	swait.ge [sflag:s4], $0x0  }
0x19: {  	s7 =	sld [smem:$0x3FA0]  }
0x1a: {  	s8 =	sadd.s32 $0xFFFFE003, lr  }
0x1b: {  	s9 =	sadd.s32 $0xFFFFFEF7, lr;
	s5 =	simm.s32 $0xFFFFFFFF;
	p2 =	slt.u32 s8, $0xFFFFF086  }
0x1c: {  	p1 =	slt.u32 s9, $0xF7A;
	s5 =	simm.s32 @!p2 $0x0  }
0x1d: {  	s5 =	simm.s32 @p1 $0x1;
	p0 =	seq.s32 s7, s2  }
0x1e: {  	s7 =	smul.u32 @!p0 $0xF7A, s2;
	p2 =	seq.s32 @!p0 s5, $0x0  }
0x1f: {  	s9 =	smul.u32 $0xF7A, s1;
	s8 =	simm.s32 @!p0 $0x1BF5;
	p2 =	por !p2, p0  }
0x20: {  	[sflag:s8] =	ssyncset.s32 @!p0 $0xFFFFF086;
	s6 =	sadd.s32 @!p0 s3, s7;
	s7 =	simm.s32 @!p0 $0x108  }
0x21: {  	s3 =	sadd.s32 s3, s9;
	s6 =	sadd.s32 @!p0 $0x88, s6;
	s7 =	simm.s32 @p2 $0x1082  }
0x22: {  	[simem:s7], [sflag:s8] =	dma.local @!p0 [hbm:s6], $0xF7A  }
0x23: {  	s9 =	sor.u32 $0xD0000000, s2;
	s6 =	simm.s32 $0x108;
	_ =	swait.ge @!p0 [sflag:s8], $0x0  }
0x24: {  	s3 =	sadd.s32 $0x88, s3;
	s6 =	simm.s32 @!p1 $0x1082;
	[sflag:s4] =	ssyncset.s32 $0xFFFFF086  }
0x25: {  	[simem:s6], [sflag:s4] =	dma.local [hbm:s3], $0xF7A  }
0x26: {  	[smem:$0x3FA0] =	sst s1;
	(tag) =	ssettag s2;
	_ =	strace s9  }
0x27: {  	s1 =	sld [smem:$0x3FB0]  }
0x28: {  	s2 =	sld [smem:$0x3FB1]  }
0x29: {  	s4 =	sld [smem:$0x3FB3]  }
0x2a: {  	p0 =	seq.s32 s5, $0x0;
	s5 =	sld [smem:$0x3FB4]  }
0x2b: {  	s6 =	sld [smem:$0x3FB5]  }
0x2c: {  	s7 =	sld [smem:$0x3FB6]  }
0x2d: {  	s3 =	simm.s32 $0x108;
	s8 =	sld [smem:$0x3FB7]  }
0x2e: {  	s3 =	simm.s32 @!p0 $0x1082;
	s9 =	sld [smem:$0x3FB8]  }
0x2f: {  	lr =	sadd.s32 s0, s3;
	s0 =	sld [smem:$0x3FAF]  }
0x30: {  	s3 =	sld [smem:$0x3FB2]  }
0x31: {  	[smem:$0x3FBB] =	sst s10  }
0x32: {  	s10 =	sld [smem:$0x3FB9];
	_ =	sdelay $0x3  }
0x33: {  	p0 =	seq.s32 s10, $0x1;
	s10 =	sld [smem:$0x3FBB];
	_ =	sdelay $0x3  }
0x34: {  	[smem:$0x3FBB] =	sst s10  }
0x35: {  	s10 =	sld [smem:$0x3FBA];
	_ =	sdelay $0x3  }
0x36: {  	p1 =	seq.s32 s10, $0x1;
	s10 =	sld [smem:$0x3FBB];
	_ =	sdelay $0x3  }
0x37: {  	[smem:$0x3FBB] =	sst s10  }
0x38: {  	s10 =	sld [smem:$0x3FBC]  }
0x39: {  	_ = 	snop;
	(pc) =	sbr.ind lr, $3  }
0x3a: {  	_ = 	snop  }
0x3b: {  	_ = 	snop  }
0x3c: {  	p2 =	seq.s32 s10, $0x1;
	s10 =	sld [smem:$0x3FBB]  }
0x3d: {  	_ =	shalt  }
0x3e: {  	_ =	shalt  }
0x3f: {  	_ =	shalt  }
0x40: {  	_ =	shalt  }
0x41: {  	_ =	shalt  }
0x42: {  	_ =	shalt  }
0x43: {  	_ =	shalt  }
0x44: {  	_ =	shalt  }
0x45: {  	_ =	shalt  }
0x46: {  	_ =	shalt  }
0x47: {  	_ =	shalt  }
0x48: {  	_ =	shalt  }
0x49: {  	_ =	shalt  }
0x4a: {  	_ =	shalt  }
0x4b: {  	_ =	shalt  }
0x4c: {  	_ =	shalt  }
0x4d: {  	_ =	shalt  }
0x4e: {  	_ =	shalt  }
0x4f: {  	_ =	shalt  }
0x50: {  	_ =	shalt  }
0x51: {  	_ =	shalt  }
0x52: {  	_ =	shalt  }
0x53: {  	_ =	shalt  }
0x54: {  	_ =	shalt  }
0x55: {  	_ =	shalt  }
0x56: {  	_ =	shalt  }
0x57: {  	_ =	shalt  }
0x58: {  	_ =	shalt  }
0x59: {  	_ =	shalt  }
0x5a: {  	_ =	shalt  }
0x5b: {  	_ =	shalt  }
0x5c: {  	_ =	shalt  }
0x5d: {  	_ =	shalt  }
0x5e: {  	_ =	shalt  }
0x5f: {  	_ =	shalt  }
0x60: {  	_ =	shalt  }
0x61: {  	_ =	shalt  }
0x62: {  	_ =	shalt  }
0x63: {  	_ =	shalt  }
0x64: {  	_ =	shalt  }
0x65: {  	_ =	shalt  }
0x66: {  	_ =	shalt  }
0x67: {  	_ =	shalt  }
0x68: {  	_ =	shalt  }
0x69: {  	_ =	shalt  }
0x6a: {  	_ =	shalt  }
0x6b: {  	_ =	shalt  }
0x6c: {  	_ =	shalt  }
0x6d: {  	_ =	shalt  }
0x6e: {  	_ =	shalt  }
0x6f: {  	_ =	shalt  }
0x70: {  	_ =	shalt  }
0x71: {  	_ =	shalt  }
0x72: {  	_ =	shalt  }
0x73: {  	_ =	shalt  }
0x74: {  	_ =	shalt  }
0x75: {  	_ =	shalt  }
0x76: {  	_ =	shalt  }
0x77: {  	_ =	shalt  }
0x78: {  	_ =	shalt  }
0x79: {  	_ =	shalt  }
0x7a: {  	_ =	shalt  }
0x7b: {  	_ =	shalt  }
0x7c: {  	_ =	shalt  }
0x7d: {  	_ =	shalt  }
0x7e: {  	_ =	shalt  }
0x7f: {  	_ =	shalt  }
0x80: {  	_ =	shalt  }
0x81: {  	_ =	shalt  }
0x82: {  	_ =	shalt  }
0x83: {  	_ =	shalt  }
0x84: {  	_ =	shalt  }
0x85: {  	_ =	shalt  }
0x86: {  	_ =	shalt  }
0x87: {  	_ =	shalt  }
.Lfunc_end0:
.L_simem_size_0:
called_computation_lowered:
.L_overlay_start_0:
0x88: {  	s2 =	sld [smem:$0x3FD9]  }
0x89: {  	s3 =	sld [smem:$0x3FFE];
	_ =	sdelay $0x1  }
0x8a: {  	s1 =	srdreg.scid  }
0x8b: {  	s0 =	sand.u32 $0x1, s1  }
0x8c: {  	s17 =	sshll.u32 s0, $0xA;
	s2 =	sadd.s32 s3, s2  }
0x8d: {  	s2 =	sadd.s32 s2, s17  }
0x8e: {  	[smem:$0x3FC7] =	sst s2  }
0x8f: {  	_ = 	snop  }
0x90: {  	s2 =	sld [smem:$0x3FC9]  }
0x91: {  	s18 =	sld [smem:$0x3FD0];
	(tm) =	ssettm $0x1  }
0x92: {  	s4 =	sld [smem:$0x3FFB];
	_ =	sdelay $0x3  }
0x93: {  	_ =	strace s4  }
0x94: {  	s4 =	sld [smem:$0x3FFC];
	_ =	sdelay $0x3  }
0x95: {  	_ =	strace s4  }
0x96: {  	s4 =	sld [smem:$0x3FFD];
	_ =	sdelay $0x3  }
0x97: {  	_ =	strace s4  }
0x98: {  	_ =	strace $0x8FFFFFFF  }
0x99: {  	s19 =	sld [smem:$0x3FDB];
	_ =	sdelay $0x1  }
0x9a: {  	s5 =	simm.s32 $_scs_section_size  }
0x9b: {  	s6 =	simm.s32 $_size__tile_overlayer_lowered;
	s7 =	simm.s32 $_tile_overlayer_lowered  }
0x9c: {  	s22 =	simm.s32 $0x1BFF;
	s21 =	sshll.u32 s7, $0x1;
	s4 =	sadd.s32 s5, s19  }
0x9d: {  	s8 =	simm.s32 $0x0;
	s20 =	sshll.u32 s6, $0x1;
	s6 =	sadd.s32 s21, s4  }
0x9e: {  	[timem:s8], [sflag:s22] =	dma.local [hbm:s6], s20  }
0x9f: {  	_ =	swait.ge [sflag:s22], s20  }
0xa0: {  	s5 =	ssub.s32 $0x0, s20;
	[sflag:s22] =	ssyncset.done $0x0  }
0xa1: {  	[sflag:s22] =	ssyncadd.s32 s5;
	_ =	sdelay $0x1  }
0xa2: {  	s23 =	simm.s32 $0x1B8B  }
0xa3: {  	_ =	swait.ge [sflag:s23], $0x1  }
0xa4: {  	[sflag:s23] =	ssyncset.done $0x0  }
0xa5: {  	s25 =	simm.s32 $0x1B8E;
	s24 =	sld [smem:$0x3FFE];
	[sflag:s23] =	ssyncadd.s32 $0xFFFFFFFF  }
0xa6: {  	s26 =	simm.s32 $execute0_lowered;
	[smem:$0x3FD2] =	sst s25  }
0xa7: {  	s6 =	sshll.u32 s26, $0x1;
	_ =	strace $0x80000046;
	[dreg:$0x1] =	wrdreg $0xFFFFFFFF  }
0xa8: {  	s28 =	simm.s32 $_size_execute0_lowered;
	s4 =	sadd.s32 s4, s6;
	[dreg:$0x0] =	wrdreg $0x0  }
0xa9: {  	s6 =	sshll.u32 s28, $0x1;
	[dreg:$0x2] =	wrdreg s4  }
0xaa: {  	[dreg:$0x3] =	wrdreg s6  }
0xab: {  	[dreg:$0x4] =	wrdreg $0xC0  }
0xac: {  	_ =	task [dreg:s8], $0x5FFFF  }
0xad: {  	[dreg:$0x1] =	wrdreg $0xFFFFFFFF  }
0xae: {  	[dreg:$0x0] =	wrdreg $0x60  }
0xaf: {  	[dreg:$0x2] =	wrdreg s2  }
0xb0: {  	[dreg:$0x3] =	wrdreg s24  }
0xb1: {  	[dreg:$0x4] =	wrdreg s18  }
0xb2: {  	[dreg:$0x5] =	wrdreg $0x9  }
0xb3: {  	_ =	task.clear_ibuf [dreg:s8], $0x6FFFF;
	_ =	strace $0x90000046  }
0xb4: {  	s29 =	simm.s32 $0x9;
	_ =	strace $0x80000048  }
0xb5: {  	_ =	swait.ge [sflag:s29], $0x1  }
0xb6: {  	[sflag:s29] =	ssyncadd.s32 $0xFFFFFFFF  }
0xb7: {  	_ =	strace $0x90000048  }
0xb8: {  	_ =	sfence  }
0xb9: {  	s30 =	sld [smem:$0x0];
	_ =	sdelay $0x2  }
0xba: {  	s31 =	sshll.u32 s1, $0xD;
	s1 =	sshrl.u32 s1, $0x2  }
0xbb: {  	s3 =	sand.u32 $0x4000, s31;
	s1 =	sadd.s32 s1, s30  }
0xbc: {  	s0 =	sor.u32 s3, s0;
	s1 =	sshll.u32 s1, $0x11  }
0xbd: {  	s0 =	sor.u32 s1, s0  }
0xbe: {  	s0 =	sadd.s32 $0x8F2B, s0  }
0xbf: {  	[sflag:s0] =	ssyncadd.remote.s32 $0x1  }
0xc0: {  	_ =	sfence.sel $0xFFFF  }
0xc1: {  	[dreg:$0x0] =	wrdreg $0xFFFFFFFF;
	(pc) =	sbr.abs _section_cstart, $3  }
0xc2: {  	[dreg:$0x1] =	wrdreg $0xFFFFFFFF  }
0xc3: {  	_ =	task.clear_ibuf [dreg:s8], $0x2FFFF;
	_ =	strace $0x9FFFFFFF  }
0xc4: {  	(tm) =	ssettm $0x7FFFFFFF  }
0xc5: {  	_ =	shalt  }
tec
execute0_lowered:
.L_overlay_start_1:
0x0: {  	(tag) =	ssettag $0x1  }
0x1: {  	s6 =	rddreg [dreg:$0x0]  }
0x2: {  	s0 =	srdreg.scid;
	s2 =	rddreg [dreg:$0x1]  }
0x3: {  	s1 =	stileid.u32;
	s3 =	rddreg [dreg:$0x2]  }
0x4: {  	s5 =	simm.s32 $0x0;
	s0 =	sand.u32 $0x1, s0;
	s1 =	sshll.u32 s1, $0x1  }
0x5: {  	[smem:$0x7FF] =	sst s5;
	s1 =	sor.u32 s0, s1  }
0x6: {  	s25 =	sadd.s32 $0x80, s6;
	s0 =	ssub.s32 $0x2, s0;
	s4 =	smul.u32 $0x960, s1  }
0x7: {  	_ =	strace $0x80000047;
	[dreg:$0x5] =	wrdreg s25;
	s1 =	sshll.u32 s1, $0x9  }
0x8: {  	s24 =	sshrl.u32 s0, $0x1;
	s1 =	sadd.s32 s1, s2;
	s4 =	sshrl.u32 s4, $0x2  }
0x9: {  	s0 =	ssub.s32 s0, s24;
	s1 =	sadd.s32 $0x400, s1;
	s4 =	smul.u32 $0xC0, s4  }
0xa: {  	s25 =	simm.s32 $0x600;
	s0 =	smax.u32 s0, $0x1;
	[dreg:$0x4] =	wrdreg s1  }
0xb: {  	[dreg:$0x8] =	wrdreg s0;
	s5 =	sadd.s32 s3, s4;
	s4 =	simm.s32 $0x200  }
0xc: {  	s3 =	simm.s32 $0x0;
	s26 =	sadd.s32 $0x1200, s5;
	s8 =	sadd.s32 $0x2400, s5  }
0xd: {  	s9 =	sadd.s32 $0x3600, s5;
	s10 =	sadd.s32 $0x4800, s5;
	s11 =	sadd.s32 $0x5A00, s5  }
0xe: {  	s12 =	sadd.s32 $0x6C00, s5;
	s13 =	sadd.s32 $0x7E00, s5;
	s14 =	sadd.s32 $0x9000, s5  }
0xf: {  	s15 =	sadd.s32 $0xA200, s5;
	s16 =	sadd.s32 $0xB400, s5;
	s17 =	sadd.s32 $0xC600, s5  }
0x10: {  	s18 =	sadd.s32 $0xD800, s5;
	s19 =	sadd.s32 $0xEA00, s5;
	s20 =	sadd.s32 $0xFC00, s5  }
0x11: {  	s21 =	sadd.s32 $0x10E00, s5;
	s22 =	sadd.s32 $0x12000, s5;
	s23 =	sadd.s32 $0x13200, s5  }
0x12: {  	v2 =	vlaneseq.u32;
	s24 =	sadd.s32 $0x14400, s5;
	s28 =	sadd.s32 $0x16800, s5;
	s29 =	sadd.s32 $0x17A00, s5  }
0x13: {  	vm0 =	vmmov $0xffff;
	vm1 =	vmmov $0xff;
	v1 =	vshrl.u32 v2, $0x3;
	s30 =	sadd.s32 $0x18C00, s5;
	s31 =	sadd.s32 $0x19E00, s5;
	[dreg:$0x7] =	wrdreg s5  }
0x14: {  	v0 =	vand.u32 $0x7, v2;
	v2 =	vor.u32 $0x8, v2;
	v1 =	vmul.u32 $0x4, v1;
	s2 =	sadd.s32 $0x1B000, s5;
	[dreg:$0x6] =	wrdreg s26;
	s26 =	sadd.s32 $0x15600, s5  }
.LBB2_1:
0x15: {  	[dreg:$0x9] =	wrdreg s3  }
0x16: {  	s1 =	simm.s32 $0x0;
	s0 =	rddreg [dreg:$0x4];
	s3 =	simm.s32 $0x7  }
0x17: {  	[tilespmem:s1], [sflag:$0x7] =	stream.linear.gather [hbm4b:s0+s1], $0xC80, $0x38;
	[tilespmem:$0x1C000] =	vst v63  }
0x18: {  	_ =	swait.ge [sflag:s3], $0xC80  }
0x19: {  	[sflag:s3] =	ssyncset.done $0x0  }
0x1a: {  	[sflag:s3] =	ssyncadd.s32 $0xFFFFF380  }
0x1b: {  	v3 =	vld [tilespmem:$0x0];
	_ =	sdelay $0x4  }
0x1c: {  	v4 =	vshrl.u32 v3, $0x2  }
0x1d: {  	v4 =	vmul.u32 $0xC, v4  }
0x1e: {  	v3 =	vand.u32 $0x3, v3  }
0x1f: {  	v3 =	vor.u32 v3, v4  }
0x20: {  	v4 =	vperm.xlane v3, v0;
	_ =	sdelay $0x1  }
0x21: {  	v4 =	vadd.s32 v1, v4;
	_ =	sdelay $0x1  }
0x22: {  	v3 =	vperm.xlane v3, v2;
	_ =	sdelay $0x1  }
0x23: {  	s7 =	simm.s32 $0x1000;
	s0 =	rddreg [dreg:$0x0];
	v3 =	vadd.s32 v1, v3  }
0x24: {  	[tilespmem:s7], [sflag:$0x1] =	stream.indirect_vreg.gather [hbm4b:s0+s1], $0x80, v4, vm0, $0xb8;
	[tilespmem:$0x1C000] =	vst v63  }
0x25: {  	s6 =	simm.s32 $0x1800;
	s3 =	rddreg [dreg:$0x5]  }
0x26: {  	[tilespmem:s6], [sflag:$0x1] =	stream.indirect_vreg.gather [hbm4b:s3+s1], $0x80, v4, vm1, $0xb8;
	[tilespmem:$0x1C000] =	vst v63  }
0x27: {  	s6 =	simm.s32 $0x1C00  }
0x28: {  	[tilespmem:s6], [sflag:$0x1] =	stream.indirect_vreg.gather [hbm4b:s0+s1], $0x80, v3, vm0, $0xb8;
	[tilespmem:$0x1C000] =	vst v63  }
0x29: {  	s6 =	simm.s32 $0x2400  }
0x2a: {  	[tilespmem:s6], [sflag:$0x1] =	stream.indirect_vreg.gather [hbm4b:s3+s1], $0x80, v3, vm1, $0xb8;
	[tilespmem:$0x1C000] =	vst v63  }
0x2b: {  	v3 =	vld [tilespmem:$0x10];
	_ =	sdelay $0x4  }
0x2c: {  	v53 =	vshrl.u32 v3, $0x2  }
0x2d: {  	v4 =	vmul.u32 $0xC, v53  }
0x2e: {  	v3 =	vand.u32 $0x3, v3  }
0x2f: {  	v3 =	vor.u32 v3, v4  }
0x30: {  	v4 =	vperm.xlane v3, v0;
	_ =	sdelay $0x1  }
0x31: {  	v4 =	vadd.s32 v1, v4;
	_ =	sdelay $0x1  }
0x32: {  	v3 =	vperm.xlane v3, v2;
	_ =	sdelay $0x1  }
0x33: {  	s6 =	simm.s32 $0x2800;
	v3 =	vadd.s32 v1, v3  }
0x34: {  	[tilespmem:s6], [sflag:$0x1] =	stream.indirect_vreg.gather [hbm4b:s0+s1], $0x80, v4, vm0, $0xb8;
	[tilespmem:$0x1C000] =	vst v63  }
0x35: {  	s6 =	simm.s32 $0x3000  }
0x36: {  	[tilespmem:s6], [sflag:$0x1] =	stream.indirect_vreg.gather [hbm4b:s3+s1], $0x80, v4, vm1, $0xb8;
	[tilespmem:$0x1C000] =	vst v63  }
0x37: {  	s6 =	simm.s32 $0x3400  }
0x38: {  	[tilespmem:s6], [sflag:$0x1] =	stream.indirect_vreg.gather [hbm4b:s0+s1], $0x80, v3, vm0, $0xb8;
	[tilespmem:$0x1C000] =	vst v63  }
0x39: {  	s6 =	simm.s32 $0x3C00  }
0x3a: {  	[tilespmem:s6], [sflag:$0x1] =	stream.indirect_vreg.gather [hbm4b:s3+s1], $0x80, v3, vm1, $0xb8;
	[tilespmem:$0x1C000] =	vst v63  }
0x3b: {  	v3 =	vld [tilespmem:$0x20];
	_ =	sdelay $0x4  }
0x3c: {  	v54 =	vshrl.u32 v3, $0x2  }
0x3d: {  	v4 =	vmul.u32 $0xC, v54  }
0x3e: {  	v3 =	vand.u32 $0x3, v3  }
0x3f: {  	v3 =	vor.u32 v3, v4  }
0x40: {  	v4 =	vperm.xlane v3, v0;
	_ =	sdelay $0x1  }
0x41: {  	v4 =	vadd.s32 v1, v4;
	_ =	sdelay $0x1  }
0x42: {  	v3 =	vperm.xlane v3, v2;
	_ =	sdelay $0x1  }
0x43: {  	s6 =	simm.s32 $0x4000;
	v3 =	vadd.s32 v1, v3  }
0x44: {  	[tilespmem:s6], [sflag:$0x1] =	stream.indirect_vreg.gather [hbm4b:s0+s1], $0x80, v4, vm0, $0xb8;
	[tilespmem:$0x1C000] =	vst v63  }
0x45: {  	s6 =	simm.s32 $0x4800  }
0x46: {  	[tilespmem:s6], [sflag:$0x1] =	stream.indirect_vreg.gather [hbm4b:s3+s1], $0x80, v4, vm1, $0xb8;
	[tilespmem:$0x1C000] =	vst v63  }
0x47: {  	s6 =	simm.s32 $0x4C00  }
0x48: {  	[tilespmem:s6], [sflag:$0x1] =	stream.indirect_vreg.gather [hbm4b:s0+s1], $0x80, v3, vm0, $0xb8;
	[tilespmem:$0x1C000] =	vst v63  }
0x49: {  	s6 =	simm.s32 $0x5400  }
0x4a: {  	[tilespmem:s6], [sflag:$0x1] =	stream.indirect_vreg.gather [hbm4b:s3+s1], $0x80, v3, vm1, $0xb8;
	[tilespmem:$0x1C000] =	vst v63  }
0x4b: {  	v3 =	vld [tilespmem:$0x30];
	_ =	sdelay $0x4  }
0x4c: {  	v55 =	vshrl.u32 v3, $0x2  }
0x4d: {  	v4 =	vmul.u32 $0xC, v55  }
0x4e: {  	v3 =	vand.u32 $0x3, v3  }
0x4f: {  	v3 =	vor.u32 v3, v4  }
0x50: {  	v4 =	vperm.xlane v3, v0;
	_ =	sdelay $0x1  }
0x51: {  	v4 =	vadd.s32 v1, v4;
	_ =	sdelay $0x1  }
0x52: {  	v3 =	vperm.xlane v3, v2;
	_ =	sdelay $0x1  }
0x53: {  	s6 =	simm.s32 $0x5800;
	v3 =	vadd.s32 v1, v3  }
0x54: {  	[tilespmem:s6], [sflag:$0x1] =	stream.indirect_vreg.gather [hbm4b:s0+s1], $0x80, v4, vm0, $0xb8;
	[tilespmem:$0x1C000] =	vst v63  }
0x55: {  	s6 =	simm.s32 $0x6000  }
0x56: {  	[tilespmem:s6], [sflag:$0x1] =	stream.indirect_vreg.gather [hbm4b:s3+s1], $0x80, v4, vm1, $0xb8;
	[tilespmem:$0x1C000] =	vst v63  }
0x57: {  	s6 =	simm.s32 $0x6400  }
0x58: {  	[tilespmem:s6], [sflag:$0x1] =	stream.indirect_vreg.gather [hbm4b:s0+s1], $0x80, v3, vm0, $0xb8;
	[tilespmem:$0x1C000] =	vst v63  }
0x59: {  	s6 =	simm.s32 $0x6C00  }
0x5a: {  	[tilespmem:s6], [sflag:$0x1] =	stream.indirect_vreg.gather [hbm4b:s3+s1], $0x80, v3, vm1, $0xb8;
	[tilespmem:$0x1C000] =	vst v63  }
0x5b: {  	v3 =	vld [tilespmem:$0x40];
	_ =	sdelay $0x4  }
0x5c: {  	v56 =	vshrl.u32 v3, $0x2  }
0x5d: {  	v4 =	vmul.u32 $0xC, v56  }
0x5e: {  	v3 =	vand.u32 $0x3, v3  }
0x5f: {  	v3 =	vor.u32 v3, v4  }
0x60: {  	v4 =	vperm.xlane v3, v0;
	_ =	sdelay $0x1  }
0x61: {  	v4 =	vadd.s32 v1, v4;
	_ =	sdelay $0x1  }
0x62: {  	v3 =	vperm.xlane v3, v2;
	_ =	sdelay $0x1  }
0x63: {  	s6 =	simm.s32 $0x7000;
	v3 =	vadd.s32 v1, v3  }
0x64: {  	[tilespmem:s6], [sflag:$0x1] =	stream.indirect_vreg.gather [hbm4b:s0+s1], $0x80, v4, vm0, $0xb8;
	[tilespmem:$0x1C000] =	vst v63  }
0x65: {  	s6 =	simm.s32 $0x7800  }
0x66: {  	[tilespmem:s6], [sflag:$0x1] =	stream.indirect_vreg.gather [hbm4b:s3+s1], $0x80, v4, vm1, $0xb8;
	[tilespmem:$0x1C000] =	vst v63  }
0x67: {  	s6 =	simm.s32 $0x7C00  }
0x68: {  	[tilespmem:s6], [sflag:$0x1] =	stream.indirect_vreg.gather [hbm4b:s0+s1], $0x80, v3, vm0, $0xb8;
	[tilespmem:$0x1C000] =	vst v63  }
0x69: {  	s6 =	simm.s32 $0x8400  }
0x6a: {  	[tilespmem:s6], [sflag:$0x1] =	stream.indirect_vreg.gather [hbm4b:s3+s1], $0x80, v3, vm1, $0xb8;
	[tilespmem:$0x1C000] =	vst v63  }
0x6b: {  	v3 =	vld [tilespmem:$0x50];
	_ =	sdelay $0x4  }
0x6c: {  	v57 =	vshrl.u32 v3, $0x2  }
0x6d: {  	v4 =	vmul.u32 $0xC, v57  }
0x6e: {  	v3 =	vand.u32 $0x3, v3  }
0x6f: {  	v3 =	vor.u32 v3, v4  }
0x70: {  	v4 =	vperm.xlane v3, v0;
	_ =	sdelay $0x1  }
0x71: {  	v4 =	vadd.s32 v1, v4;
	_ =	sdelay $0x1  }
0x72: {  	v3 =	vperm.xlane v3, v2;
	_ =	sdelay $0x1  }
0x73: {  	s6 =	simm.s32 $0x8800;
	v3 =	vadd.s32 v1, v3  }
0x74: {  	[tilespmem:s6], [sflag:$0x1] =	stream.indirect_vreg.gather [hbm4b:s0+s1], $0x80, v4, vm0, $0xb8;
	[tilespmem:$0x1C000] =	vst v63  }
0x75: {  	s6 =	simm.s32 $0x9000  }
0x76: {  	[tilespmem:s6], [sflag:$0x1] =	stream.indirect_vreg.gather [hbm4b:s3+s1], $0x80, v4, vm1, $0xb8;
	[tilespmem:$0x1C000] =	vst v63  }
0x77: {  	s6 =	simm.s32 $0x9400  }
0x78: {  	[tilespmem:s6], [sflag:$0x1] =	stream.indirect_vreg.gather [hbm4b:s0+s1], $0x80, v3, vm0, $0xb8;
	[tilespmem:$0x1C000] =	vst v63  }
0x79: {  	s6 =	simm.s32 $0x9C00  }
0x7a: {  	[tilespmem:s6], [sflag:$0x1] =	stream.indirect_vreg.gather [hbm4b:s3+s1], $0x80, v3, vm1, $0xb8;
	[tilespmem:$0x1C000] =	vst v63  }
0x7b: {  	v3 =	vld [tilespmem:$0x80];
	_ =	sdelay $0x4  }
0x7c: {  	v58 =	vshrl.u32 v3, $0x2  }
0x7d: {  	v4 =	vmul.u32 $0xC, v58  }
0x7e: {  	v3 =	vand.u32 $0x3, v3  }
0x7f: {  	v3 =	vor.u32 v3, v4  }
0x80: {  	v4 =	vperm.xlane v3, v0;
	_ =	sdelay $0x1  }
0x81: {  	v4 =	vadd.s32 v1, v4;
	_ =	sdelay $0x1  }
0x82: {  	v3 =	vperm.xlane v3, v2;
	_ =	sdelay $0x1  }
0x83: {  	s6 =	simm.s32 $0xA000;
	v3 =	vadd.s32 v1, v3  }
0x84: {  	[tilespmem:s6], [sflag:$0x2] =	stream.indirect_vreg.gather [hbm4b:s0+s1], $0x80, v4, vm0, $0xb8;
	[tilespmem:$0x1C000] =	vst v63  }
0x85: {  	s6 =	simm.s32 $0xA800  }
0x86: {  	[tilespmem:s6], [sflag:$0x2] =	stream.indirect_vreg.gather [hbm4b:s3+s1], $0x80, v4, vm1, $0xb8;
	[tilespmem:$0x1C000] =	vst v63  }
0x87: {  	s6 =	simm.s32 $0xAC00  }
0x88: {  	[tilespmem:s6], [sflag:$0x2] =	stream.indirect_vreg.gather [hbm4b:s0+s1], $0x80, v3, vm0, $0xb8;
	[tilespmem:$0x1C000] =	vst v63  }
0x89: {  	s6 =	simm.s32 $0xB400  }
0x8a: {  	[tilespmem:s6], [sflag:$0x2] =	stream.indirect_vreg.gather [hbm4b:s3+s1], $0x80, v3, vm1, $0xb8;
	[tilespmem:$0x1C000] =	vst v63  }
0x8b: {  	v3 =	vld [tilespmem:$0x90];
	_ =	sdelay $0x4  }
0x8c: {  	v59 =	vshrl.u32 v3, $0x2  }
0x8d: {  	v4 =	vmul.u32 $0xC, v59  }
0x8e: {  	v3 =	vand.u32 $0x3, v3  }
0x8f: {  	v3 =	vor.u32 v3, v4  }
0x90: {  	v4 =	vperm.xlane v3, v0;
	_ =	sdelay $0x1  }
0x91: {  	v4 =	vadd.s32 v1, v4;
	_ =	sdelay $0x1  }
0x92: {  	v3 =	vperm.xlane v3, v2;
	_ =	sdelay $0x1  }
0x93: {  	s6 =	simm.s32 $0xB800;
	v3 =	vadd.s32 v1, v3  }
0x94: {  	[tilespmem:s6], [sflag:$0x2] =	stream.indirect_vreg.gather [hbm4b:s0+s1], $0x80, v4, vm0, $0xb8;
	[tilespmem:$0x1C000] =	vst v63  }
0x95: {  	s6 =	simm.s32 $0xC000  }
0x96: {  	[tilespmem:s6], [sflag:$0x2] =	stream.indirect_vreg.gather [hbm4b:s3+s1], $0x80, v4, vm1, $0xb8;
	[tilespmem:$0x1C000] =	vst v63  }
0x97: {  	s6 =	simm.s32 $0xC400  }
0x98: {  	[tilespmem:s6], [sflag:$0x2] =	stream.indirect_vreg.gather [hbm4b:s0+s1], $0x80, v3, vm0, $0xb8;
	[tilespmem:$0x1C000] =	vst v63  }
0x99: {  	s6 =	simm.s32 $0xCC00  }
0x9a: {  	[tilespmem:s6], [sflag:$0x2] =	stream.indirect_vreg.gather [hbm4b:s3+s1], $0x80, v3, vm1, $0xb8;
	[tilespmem:$0x1C000] =	vst v63  }
0x9b: {  	v3 =	vld [tilespmem:$0xA0];
	_ =	sdelay $0x4  }
0x9c: {  	v60 =	vshrl.u32 v3, $0x2  }
0x9d: {  	v4 =	vmul.u32 $0xC, v60  }
0x9e: {  	v3 =	vand.u32 $0x3, v3  }
0x9f: {  	v3 =	vor.u32 v3, v4  }
0xa0: {  	v4 =	vperm.xlane v3, v0;
	_ =	sdelay $0x1  }
0xa1: {  	v4 =	vadd.s32 v1, v4;
	_ =	sdelay $0x1  }
0xa2: {  	v3 =	vperm.xlane v3, v2;
	_ =	sdelay $0x1  }
0xa3: {  	s6 =	simm.s32 $0xD000;
	v3 =	vadd.s32 v1, v3  }
0xa4: {  	[tilespmem:s6], [sflag:$0x2] =	stream.indirect_vreg.gather [hbm4b:s0+s1], $0x80, v4, vm0, $0xb8;
	[tilespmem:$0x1C000] =	vst v63  }
0xa5: {  	s6 =	simm.s32 $0xD800  }
0xa6: {  	[tilespmem:s6], [sflag:$0x2] =	stream.indirect_vreg.gather [hbm4b:s3+s1], $0x80, v4, vm1, $0xb8;
	[tilespmem:$0x1C000] =	vst v63  }
0xa7: {  	s6 =	simm.s32 $0xDC00  }
0xa8: {  	[tilespmem:s6], [sflag:$0x2] =	stream.indirect_vreg.gather [hbm4b:s0+s1], $0x80, v3, vm0, $0xb8;
	[tilespmem:$0x1C000] =	vst v63  }
0xa9: {  	s6 =	simm.s32 $0xE400  }
0xaa: {  	[tilespmem:s6], [sflag:$0x2] =	stream.indirect_vreg.gather [hbm4b:s3+s1], $0x80, v3, vm1, $0xb8;
	[tilespmem:$0x1C000] =	vst v63  }
0xab: {  	v3 =	vld [tilespmem:$0xB0];
	_ =	sdelay $0x4  }
0xac: {  	v61 =	vshrl.u32 v3, $0x2  }
0xad: {  	v4 =	vmul.u32 $0xC, v61  }
0xae: {  	v3 =	vand.u32 $0x3, v3  }
0xaf: {  	v3 =	vor.u32 v3, v4  }
0xb0: {  	v4 =	vperm.xlane v3, v0;
	_ =	sdelay $0x1  }
0xb1: {  	v4 =	vadd.s32 v1, v4;
	_ =	sdelay $0x1  }
0xb2: {  	v3 =	vperm.xlane v3, v2;
	_ =	sdelay $0x1  }
0xb3: {  	s6 =	simm.s32 $0xE800;
	v3 =	vadd.s32 v1, v3  }
0xb4: {  	[tilespmem:s6], [sflag:$0x2] =	stream.indirect_vreg.gather [hbm4b:s0+s1], $0x80, v4, vm0, $0xb8;
	[tilespmem:$0x1C000] =	vst v63  }
0xb5: {  	s6 =	simm.s32 $0xF000  }
0xb6: {  	[tilespmem:s6], [sflag:$0x2] =	stream.indirect_vreg.gather [hbm4b:s3+s1], $0x80, v4, vm1, $0xb8;
	[tilespmem:$0x1C000] =	vst v63  }
0xb7: {  	s6 =	simm.s32 $0xF400  }
0xb8: {  	[tilespmem:s6], [sflag:$0x2] =	stream.indirect_vreg.gather [hbm4b:s0+s1], $0x80, v3, vm0, $0xb8;
	[tilespmem:$0x1C000] =	vst v63  }
0xb9: {  	s6 =	simm.s32 $0xFC00  }
0xba: {  	[tilespmem:s6], [sflag:$0x2] =	stream.indirect_vreg.gather [hbm4b:s3+s1], $0x80, v3, vm1, $0xb8;
	[tilespmem:$0x1C000] =	vst v63  }
0xbb: {  	v3 =	vld [tilespmem:$0xC0];
	_ =	sdelay $0x4  }
0xbc: {  	v62 =	vshrl.u32 v3, $0x2  }
0xbd: {  	v4 =	vmul.u32 $0xC, v62  }
0xbe: {  	v3 =	vand.u32 $0x3, v3  }
0xbf: {  	v3 =	vor.u32 v3, v4  }
0xc0: {  	v4 =	vperm.xlane v3, v0;
	_ =	sdelay $0x1  }
0xc1: {  	v4 =	vadd.s32 v1, v4;
	_ =	sdelay $0x1  }
0xc2: {  	v3 =	vperm.xlane v3, v2;
	_ =	sdelay $0x1  }
0xc3: {  	s6 =	simm.s32 $0x10000;
	v3 =	vadd.s32 v1, v3  }
0xc4: {  	[tilespmem:s6], [sflag:$0x2] =	stream.indirect_vreg.gather [hbm4b:s0+s1], $0x80, v4, vm0, $0xb8;
	[tilespmem:$0x1C000] =	vst v63  }
0xc5: {  	s6 =	simm.s32 $0x10800  }
0xc6: {  	[tilespmem:s6], [sflag:$0x2] =	stream.indirect_vreg.gather [hbm4b:s3+s1], $0x80, v4, vm1, $0xb8;
	[tilespmem:$0x1C000] =	vst v63  }
0xc7: {  	s6 =	simm.s32 $0x10C00  }
0xc8: {  	[tilespmem:s6], [sflag:$0x2] =	stream.indirect_vreg.gather [hbm4b:s0+s1], $0x80, v3, vm0, $0xb8;
	[tilespmem:$0x1C000] =	vst v63  }
0xc9: {  	s6 =	simm.s32 $0x11400  }
0xca: {  	[tilespmem:s6], [sflag:$0x2] =	stream.indirect_vreg.gather [hbm4b:s3+s1], $0x80, v3, vm1, $0xb8;
	[tilespmem:$0x1C000] =	vst v63  }
0xcb: {  	v3 =	vld [tilespmem:$0xD0];
	_ =	sdelay $0x4  }
0xcc: {  	v63 =	vshrl.u32 v3, $0x2  }
0xcd: {  	v4 =	vmul.u32 $0xC, v63  }
0xce: {  	v3 =	vand.u32 $0x3, v3  }
0xcf: {  	v3 =	vor.u32 v3, v4  }
0xd0: {  	v4 =	vperm.xlane v3, v0;
	_ =	sdelay $0x1  }
0xd1: {  	v4 =	vadd.s32 v1, v4;
	_ =	sdelay $0x1  }
0xd2: {  	v3 =	vperm.xlane v3, v2;
	_ =	sdelay $0x1  }
0xd3: {  	s6 =	simm.s32 $0x11800;
	v3 =	vadd.s32 v1, v3  }
0xd4: {  	[tilespmem:s6], [sflag:$0x2] =	stream.indirect_vreg.gather [hbm4b:s0+s1], $0x80, v4, vm0, $0xb8;
	[tilespmem:$0x1C000] =	vst v63  }
0xd5: {  	s6 =	simm.s32 $0x12000  }
0xd6: {  	[tilespmem:s6], [sflag:$0x2] =	stream.indirect_vreg.gather [hbm4b:s3+s1], $0x80, v4, vm1, $0xb8;
	[tilespmem:$0x1C000] =	vst v63  }
0xd7: {  	s6 =	simm.s32 $0x12400  }
0xd8: {  	[tilespmem:s6], [sflag:$0x2] =	stream.indirect_vreg.gather [hbm4b:s0+s1], $0x80, v3, vm0, $0xb8;
	[tilespmem:$0x1C000] =	vst v63  }
0xd9: {  	s6 =	simm.s32 $0x12C00  }
0xda: {  	[tilespmem:s6], [sflag:$0x2] =	stream.indirect_vreg.gather [hbm4b:s3+s1], $0x80, v3, vm1, $0xb8;
	[tilespmem:$0x1C000] =	vst v63  }
0xdb: {  	s3 =	simm.s32 $0x1  }
0xdc: {  	_ =	swait.ge [sflag:s3], $0x9000  }
0xdd: {  	[sflag:s3] =	ssyncset.done $0x0  }
0xde: {  	[sflag:s3] =	ssyncadd.s32 $0xFFFF7000;
	s3 =	sadd.s32 $0x0, s5  }
0xdf: {  	[hbm4b:s3+s4] =	stream.strided.scatter [tilespmem:s7], [sflag:$0x4], $0x400, s25, s4, $0x38;
	[tilespmem:$0x1C000] =	vst v63  }
0xe0: {  	s0 =	simm.s32 $0x180;
	s6 =	simm.s32 $0x1400;
	s7 =	sadd.s32 $0x40, s3  }
0xe1: {  	[hbm4b:s7+s4] =	stream.strided.scatter [tilespmem:s6], [sflag:$0x4], $0x400, s25, s4, $0x38;
	[tilespmem:$0x1C000] =	vst v63  }
0xe2: {  	s1 =	simm.s32 $0x1800;
	s6 =	sadd.s32 $0x80, s3;
	s3 =	simm.s32 $0x1C00  }
.LBB2_2:
0xe3: {  	[hbm4b:s6+s4] =	stream.strided.scatter [tilespmem:s1], [sflag:$0x4], $0x400, s25, s4, $0x38;
	[tilespmem:$0x1C000] =	vst v63  }
0xe4: {  	p0 =	sne.s32 s0, $0x1080  }
.Ltmp0:
0xe5: {  	s6 =	sadd.s32 s0, s5;
	(pc) =	sbr.rel @p0 .LBB2_2-.Ltmp0, $4  }
0xe6: {  	[hbm4b:s6+s4] =	stream.strided.scatter [tilespmem:s3], [sflag:$0x4], $0x400, s25, s4, $0x38;
	[tilespmem:$0x1C000] =	vst v63  }
0xe7: {  	s1 =	sadd.s32 $0x400, s3;
	s0 =	sadd.s32 $0x180, s0;
	s7 =	sadd.s32 $0x40, s6  }
0xe8: {  	[hbm4b:s7+s4] =	stream.strided.scatter [tilespmem:s1], [sflag:$0x4], $0x400, s25, s4, $0x38;
	[tilespmem:$0x1C000] =	vst v63  }
0xe9: {  	s6 =	sadd.s32 $0x80, s6;
	s1 =	sadd.s32 $0x800, s3;
	s3 =	sadd.s32 $0xC00, s3  }
0xea: {  	[hbm4b:s6+s4] =	stream.strided.scatter [tilespmem:s1], [sflag:$0x4], $0x400, s25, s4, $0x38;
	[tilespmem:$0x1C000] =	vst v63  }
0xeb: {  	v3 =	vld [tilespmem:$0x100];
	_ =	sdelay $0x4  }
0xec: {  	v4 =	vshrl.u32 v3, $0x2  }
0xed: {  	v4 =	vmul.u32 $0xC, v4  }
0xee: {  	v3 =	vand.u32 $0x3, v3  }
0xef: {  	v3 =	vor.u32 v3, v4  }
0xf0: {  	v4 =	vperm.xlane v3, v0;
	_ =	sdelay $0x1  }
0xf1: {  	v4 =	vadd.s32 v1, v4;
	_ =	sdelay $0x1  }
0xf2: {  	v3 =	vperm.xlane v3, v2;
	_ =	sdelay $0x1  }
0xf3: {  	s0 =	simm.s32 $0x0;
	s1 =	rddreg [dreg:$0x0];
	s3 =	simm.s32 $0x13000;
	v3 =	vadd.s32 v1, v3  }
0xf4: {  	[tilespmem:s3], [sflag:$0x3] =	stream.indirect_vreg.gather [hbm4b:s1+s0], $0x80, v4, vm0, $0xb8;
	[tilespmem:$0x1C000] =	vst v63  }
0xf5: {  	s5 =	simm.s32 $0x13800;
	s3 =	rddreg [dreg:$0x5]  }
0xf6: {  	[tilespmem:s5], [sflag:$0x3] =	stream.indirect_vreg.gather [hbm4b:s3+s0], $0x80, v4, vm1, $0xb8;
	[tilespmem:$0x1C000] =	vst v63  }
0xf7: {  	s7 =	simm.s32 $0x13C00  }
0xf8: {  	[tilespmem:s7], [sflag:$0x3] =	stream.indirect_vreg.gather [hbm4b:s1+s0], $0x80, v3, vm0, $0xb8;
	[tilespmem:$0x1C000] =	vst v63  }
0xf9: {  	s6 =	simm.s32 $0x14400  }
0xfa: {  	[tilespmem:s6], [sflag:$0x3] =	stream.indirect_vreg.gather [hbm4b:s3+s0], $0x80, v3, vm1, $0xb8;
	[tilespmem:$0x1C000] =	vst v63  }
0xfb: {  	v3 =	vld [tilespmem:$0x110];
	_ =	sdelay $0x4  }
0xfc: {  	v59 =	vshrl.u32 v3, $0x2  }
0xfd: {  	v4 =	vmul.u32 $0xC, v59  }
0xfe: {  	v3 =	vand.u32 $0x3, v3  }
0xff: {  	v3 =	vor.u32 v3, v4  }
0x100: {  	v4 =	vperm.xlane v3, v0;
	_ =	sdelay $0x1  }
0x101: {  	v4 =	vadd.s32 v1, v4;
	_ =	sdelay $0x1  }
0x102: {  	v3 =	vperm.xlane v3, v2;
	_ =	sdelay $0x1  }
0x103: {  	s7 =	simm.s32 $0x14800;
	v3 =	vadd.s32 v1, v3  }
0x104: {  	[tilespmem:s7], [sflag:$0x3] =	stream.indirect_vreg.gather [hbm4b:s1+s0], $0x80, v4, vm0, $0xb8;
	[tilespmem:$0x1C000] =	vst v63  }
0x105: {  	s6 =	simm.s32 $0x15000  }
0x106: {  	[tilespmem:s6], [sflag:$0x3] =	stream.indirect_vreg.gather [hbm4b:s3+s0], $0x80, v4, vm1, $0xb8;
	[tilespmem:$0x1C000] =	vst v63  }
0x107: {  	s7 =	simm.s32 $0x15400  }
0x108: {  	[tilespmem:s7], [sflag:$0x3] =	stream.indirect_vreg.gather [hbm4b:s1+s0], $0x80, v3, vm0, $0xb8;
	[tilespmem:$0x1C000] =	vst v63  }
0x109: {  	s6 =	simm.s32 $0x15C00  }
0x10a: {  	[tilespmem:s6], [sflag:$0x3] =	stream.indirect_vreg.gather [hbm4b:s3+s0], $0x80, v3, vm1, $0xb8;
	[tilespmem:$0x1C000] =	vst v63  }
0x10b: {  	v3 =	vld [tilespmem:$0x120];
	_ =	sdelay $0x4  }
0x10c: {  	v60 =	vshrl.u32 v3, $0x2  }
0x10d: {  	v4 =	vmul.u32 $0xC, v60  }
0x10e: {  	v3 =	vand.u32 $0x3, v3  }
0x10f: {  	v3 =	vor.u32 v3, v4  }
0x110: {  	v4 =	vperm.xlane v3, v0;
	_ =	sdelay $0x1  }
0x111: {  	v4 =	vadd.s32 v1, v4;
	_ =	sdelay $0x1  }
0x112: {  	v3 =	vperm.xlane v3, v2;
	_ =	sdelay $0x1  }
0x113: {  	s7 =	simm.s32 $0x16000;
	v3 =	vadd.s32 v1, v3  }
0x114: {  	[tilespmem:s7], [sflag:$0x3] =	stream.indirect_vreg.gather [hbm4b:s1+s0], $0x80, v4, vm0, $0xb8;
	[tilespmem:$0x1C000] =	vst v63  }
0x115: {  	s6 =	simm.s32 $0x16800  }
0x116: {  	[tilespmem:s6], [sflag:$0x3] =	stream.indirect_vreg.gather [hbm4b:s3+s0], $0x80, v4, vm1, $0xb8;
	[tilespmem:$0x1C000] =	vst v63  }
0x117: {  	s7 =	simm.s32 $0x16C00  }
0x118: {  	[tilespmem:s7], [sflag:$0x3] =	stream.indirect_vreg.gather [hbm4b:s1+s0], $0x80, v3, vm0, $0xb8;
	[tilespmem:$0x1C000] =	vst v63  }
0x119: {  	s6 =	simm.s32 $0x17400  }
0x11a: {  	[tilespmem:s6], [sflag:$0x3] =	stream.indirect_vreg.gather [hbm4b:s3+s0], $0x80, v3, vm1, $0xb8;
	[tilespmem:$0x1C000] =	vst v63  }
0x11b: {  	v3 =	vld [tilespmem:$0x130];
	_ =	sdelay $0x4  }
0x11c: {  	v61 =	vshrl.u32 v3, $0x2  }
0x11d: {  	v4 =	vmul.u32 $0xC, v61  }
0x11e: {  	v3 =	vand.u32 $0x3, v3  }
0x11f: {  	v3 =	vor.u32 v3, v4  }
0x120: {  	v4 =	vperm.xlane v3, v0;
	_ =	sdelay $0x1  }
0x121: {  	v4 =	vadd.s32 v1, v4;
	_ =	sdelay $0x1  }
0x122: {  	v3 =	vperm.xlane v3, v2;
	_ =	sdelay $0x1  }
0x123: {  	s7 =	simm.s32 $0x17800;
	v3 =	vadd.s32 v1, v3  }
0x124: {  	[tilespmem:s7], [sflag:$0x3] =	stream.indirect_vreg.gather [hbm4b:s1+s0], $0x80, v4, vm0, $0xb8;
	[tilespmem:$0x1C000] =	vst v63  }
0x125: {  	s6 =	simm.s32 $0x18000  }
0x126: {  	[tilespmem:s6], [sflag:$0x3] =	stream.indirect_vreg.gather [hbm4b:s3+s0], $0x80, v4, vm1, $0xb8;
	[tilespmem:$0x1C000] =	vst v63  }
0x127: {  	s7 =	simm.s32 $0x18400  }
0x128: {  	[tilespmem:s7], [sflag:$0x3] =	stream.indirect_vreg.gather [hbm4b:s1+s0], $0x80, v3, vm0, $0xb8;
	[tilespmem:$0x1C000] =	vst v63  }
0x129: {  	s6 =	simm.s32 $0x18C00  }
0x12a: {  	[tilespmem:s6], [sflag:$0x3] =	stream.indirect_vreg.gather [hbm4b:s3+s0], $0x80, v3, vm1, $0xb8;
	[tilespmem:$0x1C000] =	vst v63  }
0x12b: {  	v3 =	vld [tilespmem:$0x140];
	_ =	sdelay $0x4  }
0x12c: {  	v62 =	vshrl.u32 v3, $0x2  }
0x12d: {  	v4 =	vmul.u32 $0xC, v62  }
0x12e: {  	v3 =	vand.u32 $0x3, v3  }
0x12f: {  	v3 =	vor.u32 v3, v4  }
0x130: {  	v4 =	vperm.xlane v3, v0;
	_ =	sdelay $0x1  }
0x131: {  	v4 =	vadd.s32 v1, v4;
	_ =	sdelay $0x1  }
0x132: {  	v3 =	vperm.xlane v3, v2;
	_ =	sdelay $0x1  }
0x133: {  	s7 =	simm.s32 $0x19000;
	v3 =	vadd.s32 v1, v3  }
0x134: {  	[tilespmem:s7], [sflag:$0x3] =	stream.indirect_vreg.gather [hbm4b:s1+s0], $0x80, v4, vm0, $0xb8;
	[tilespmem:$0x1C000] =	vst v63  }
0x135: {  	s6 =	simm.s32 $0x19800  }
0x136: {  	[tilespmem:s6], [sflag:$0x3] =	stream.indirect_vreg.gather [hbm4b:s3+s0], $0x80, v4, vm1, $0xb8;
	[tilespmem:$0x1C000] =	vst v63  }
0x137: {  	s7 =	simm.s32 $0x19C00  }
0x138: {  	[tilespmem:s7], [sflag:$0x3] =	stream.indirect_vreg.gather [hbm4b:s1+s0], $0x80, v3, vm0, $0xb8;
	[tilespmem:$0x1C000] =	vst v63  }
0x139: {  	s6 =	simm.s32 $0x1A400  }
0x13a: {  	[tilespmem:s6], [sflag:$0x3] =	stream.indirect_vreg.gather [hbm4b:s3+s0], $0x80, v3, vm1, $0xb8;
	[tilespmem:$0x1C000] =	vst v63  }
0x13b: {  	v3 =	vld [tilespmem:$0x150];
	_ =	sdelay $0x4  }
0x13c: {  	v63 =	vshrl.u32 v3, $0x2  }
0x13d: {  	v4 =	vmul.u32 $0xC, v63  }
0x13e: {  	v3 =	vand.u32 $0x3, v3  }
0x13f: {  	v3 =	vor.u32 v3, v4  }
0x140: {  	v4 =	vperm.xlane v3, v0;
	_ =	sdelay $0x1  }
0x141: {  	v4 =	vadd.s32 v1, v4;
	_ =	sdelay $0x1  }
0x142: {  	v3 =	vperm.xlane v3, v2;
	_ =	sdelay $0x1  }
0x143: {  	s7 =	simm.s32 $0x1A800;
	v3 =	vadd.s32 v1, v3  }
0x144: {  	[tilespmem:s7], [sflag:$0x3] =	stream.indirect_vreg.gather [hbm4b:s1+s0], $0x80, v4, vm0, $0xb8;
	[tilespmem:$0x1C000] =	vst v63  }
0x145: {  	s6 =	simm.s32 $0x1B000  }
0x146: {  	[tilespmem:s6], [sflag:$0x3] =	stream.indirect_vreg.gather [hbm4b:s3+s0], $0x80, v4, vm1, $0xb8;
	[tilespmem:$0x1C000] =	vst v63  }
0x147: {  	s7 =	simm.s32 $0x1B400  }
0x148: {  	[tilespmem:s7], [sflag:$0x3] =	stream.indirect_vreg.gather [hbm4b:s1+s0], $0x80, v3, vm0, $0xb8;
	[tilespmem:$0x1C000] =	vst v63  }
0x149: {  	s6 =	simm.s32 $0x1BC00;
	s7 =	simm.s32 $0x2  }
0x14a: {  	[tilespmem:s6], [sflag:$0x3] =	stream.indirect_vreg.gather [hbm4b:s3+s0], $0x80, v3, vm1, $0xb8;
	[tilespmem:$0x1C000] =	vst v63  }
0x14b: {  	_ =	swait.ge [sflag:s7], $0x9000  }
0x14c: {  	[sflag:s7] =	ssyncset.done $0x0;
	s5 =	rddreg [dreg:$0x6]  }
0x14d: {  	s1 =	simm.s32 $0xA000;
	[sflag:s7] =	ssyncadd.s32 $0xFFFF7000;
	s3 =	sadd.s32 $0x0, s5  }
0x14e: {  	[hbm4b:s3+s4] =	stream.strided.scatter [tilespmem:s1], [sflag:$0x5], $0x400, s25, s4, $0x38;
	[tilespmem:$0x1C000] =	vst v63  }
0x14f: {  	s6 =	simm.s32 $0xA400;
	s0 =	simm.s32 $0x180;
	s7 =	sadd.s32 $0x40, s3  }
0x150: {  	[hbm4b:s7+s4] =	stream.strided.scatter [tilespmem:s6], [sflag:$0x5], $0x400, s25, s4, $0x38;
	[tilespmem:$0x1C000] =	vst v63  }
0x151: {  	s1 =	simm.s32 $0xA800;
	s6 =	sadd.s32 $0x80, s3;
	s3 =	simm.s32 $0xAC00  }
.LBB2_4:
0x152: {  	[hbm4b:s6+s4] =	stream.strided.scatter [tilespmem:s1], [sflag:$0x5], $0x400, s25, s4, $0x38;
	[tilespmem:$0x1C000] =	vst v63  }
0x153: {  	p0 =	sne.s32 s0, $0x1080  }
.Ltmp1:
0x154: {  	s6 =	sadd.s32 s0, s5;
	(pc) =	sbr.rel @p0 .LBB2_4-.Ltmp1, $4  }
0x155: {  	[hbm4b:s6+s4] =	stream.strided.scatter [tilespmem:s3], [sflag:$0x5], $0x400, s25, s4, $0x38;
	[tilespmem:$0x1C000] =	vst v63  }
0x156: {  	s1 =	sadd.s32 $0x400, s3;
	s0 =	sadd.s32 $0x180, s0;
	s7 =	sadd.s32 $0x40, s6  }
0x157: {  	[hbm4b:s7+s4] =	stream.strided.scatter [tilespmem:s1], [sflag:$0x5], $0x400, s25, s4, $0x38;
	[tilespmem:$0x1C000] =	vst v63  }
0x158: {  	s6 =	sadd.s32 $0x80, s6;
	s1 =	sadd.s32 $0x800, s3;
	s3 =	sadd.s32 $0xC00, s3  }
0x159: {  	[hbm4b:s6+s4] =	stream.strided.scatter [tilespmem:s1], [sflag:$0x5], $0x400, s25, s4, $0x38;
	[tilespmem:$0x1C000] =	vst v63  }
0x15a: {  	s0 =	simm.s32 $0x4  }
0x15b: {  	_ =	swait.ge [sflag:s0], $0x9000  }
0x15c: {  	[sflag:s0] =	ssyncset.done $0x0  }
0x15d: {  	[sflag:s0] =	ssyncadd.s32 $0xFFFF7000  }
0x15e: {  	v3 =	vld [tilespmem:$0x180];
	_ =	sdelay $0x4  }
0x15f: {  	v4 =	vshrl.u32 v3, $0x2  }
0x160: {  	v4 =	vmul.u32 $0xC, v4  }
0x161: {  	v3 =	vand.u32 $0x3, v3  }
0x162: {  	v3 =	vor.u32 v3, v4  }
0x163: {  	v4 =	vperm.xlane v3, v0;
	_ =	sdelay $0x1  }
0x164: {  	v4 =	vadd.s32 v1, v4;
	_ =	sdelay $0x1  }
0x165: {  	v3 =	vperm.xlane v3, v2;
	_ =	sdelay $0x1  }
0x166: {  	s3 =	simm.s32 $0x1000;
	s0 =	simm.s32 $0x0;
	s1 =	rddreg [dreg:$0x0];
	v3 =	vadd.s32 v1, v3  }
0x167: {  	[tilespmem:s3], [sflag:$0x1] =	stream.indirect_vreg.gather [hbm4b:s1+s0], $0x80, v4, vm0, $0xb8;
	[tilespmem:$0x1C000] =	vst v63  }
0x168: {  	s5 =	simm.s32 $0x1800;
	s3 =	rddreg [dreg:$0x5]  }
0x169: {  	[tilespmem:s5], [sflag:$0x1] =	stream.indirect_vreg.gather [hbm4b:s3+s0], $0x80, v4, vm1, $0xb8;
	[tilespmem:$0x1C000] =	vst v63  }
0x16a: {  	s6 =	simm.s32 $0x1C00  }
0x16b: {  	[tilespmem:s6], [sflag:$0x1] =	stream.indirect_vreg.gather [hbm4b:s1+s0], $0x80, v3, vm0, $0xb8;
	[tilespmem:$0x1C000] =	vst v63  }
0x16c: {  	s7 =	simm.s32 $0x2400  }
0x16d: {  	[tilespmem:s7], [sflag:$0x1] =	stream.indirect_vreg.gather [hbm4b:s3+s0], $0x80, v3, vm1, $0xb8;
	[tilespmem:$0x1C000] =	vst v63  }
0x16e: {  	v3 =	vld [tilespmem:$0x190];
	_ =	sdelay $0x4  }
0x16f: {  	v59 =	vshrl.u32 v3, $0x2  }
0x170: {  	v4 =	vmul.u32 $0xC, v59  }
0x171: {  	v3 =	vand.u32 $0x3, v3  }
0x172: {  	v3 =	vor.u32 v3, v4  }
0x173: {  	v4 =	vperm.xlane v3, v0;
	_ =	sdelay $0x1  }
0x174: {  	v4 =	vadd.s32 v1, v4;
	_ =	sdelay $0x1  }
0x175: {  	v3 =	vperm.xlane v3, v2;
	_ =	sdelay $0x1  }
0x176: {  	s6 =	simm.s32 $0x2800;
	v3 =	vadd.s32 v1, v3  }
0x177: {  	[tilespmem:s6], [sflag:$0x1] =	stream.indirect_vreg.gather [hbm4b:s1+s0], $0x80, v4, vm0, $0xb8;
	[tilespmem:$0x1C000] =	vst v63  }
0x178: {  	s7 =	simm.s32 $0x3000  }
0x179: {  	[tilespmem:s7], [sflag:$0x1] =	stream.indirect_vreg.gather [hbm4b:s3+s0], $0x80, v4, vm1, $0xb8;
	[tilespmem:$0x1C000] =	vst v63  }
0x17a: {  	s6 =	simm.s32 $0x3400  }
0x17b: {  	[tilespmem:s6], [sflag:$0x1] =	stream.indirect_vreg.gather [hbm4b:s1+s0], $0x80, v3, vm0, $0xb8;
	[tilespmem:$0x1C000] =	vst v63  }
0x17c: {  	s7 =	simm.s32 $0x3C00  }
0x17d: {  	[tilespmem:s7], [sflag:$0x1] =	stream.indirect_vreg.gather [hbm4b:s3+s0], $0x80, v3, vm1, $0xb8;
	[tilespmem:$0x1C000] =	vst v63  }
0x17e: {  	v3 =	vld [tilespmem:$0x1A0];
	_ =	sdelay $0x4  }
0x17f: {  	v60 =	vshrl.u32 v3, $0x2  }
0x180: {  	v4 =	vmul.u32 $0xC, v60  }
0x181: {  	v3 =	vand.u32 $0x3, v3  }
0x182: {  	v3 =	vor.u32 v3, v4  }
0x183: {  	v4 =	vperm.xlane v3, v0;
	_ =	sdelay $0x1  }
0x184: {  	v4 =	vadd.s32 v1, v4;
	_ =	sdelay $0x1  }
0x185: {  	v3 =	vperm.xlane v3, v2;
	_ =	sdelay $0x1  }
0x186: {  	s6 =	simm.s32 $0x4000;
	v3 =	vadd.s32 v1, v3  }
0x187: {  	[tilespmem:s6], [sflag:$0x1] =	stream.indirect_vreg.gather [hbm4b:s1+s0], $0x80, v4, vm0, $0xb8;
	[tilespmem:$0x1C000] =	vst v63  }
0x188: {  	s7 =	simm.s32 $0x4800  }
0x189: {  	[tilespmem:s7], [sflag:$0x1] =	stream.indirect_vreg.gather [hbm4b:s3+s0], $0x80, v4, vm1, $0xb8;
	[tilespmem:$0x1C000] =	vst v63  }
0x18a: {  	s6 =	simm.s32 $0x4C00  }
0x18b: {  	[tilespmem:s6], [sflag:$0x1] =	stream.indirect_vreg.gather [hbm4b:s1+s0], $0x80, v3, vm0, $0xb8;
	[tilespmem:$0x1C000] =	vst v63  }
0x18c: {  	s7 =	simm.s32 $0x5400  }
0x18d: {  	[tilespmem:s7], [sflag:$0x1] =	stream.indirect_vreg.gather [hbm4b:s3+s0], $0x80, v3, vm1, $0xb8;
	[tilespmem:$0x1C000] =	vst v63  }
0x18e: {  	v3 =	vld [tilespmem:$0x1B0];
	_ =	sdelay $0x4  }
0x18f: {  	v61 =	vshrl.u32 v3, $0x2  }
0x190: {  	v4 =	vmul.u32 $0xC, v61  }
0x191: {  	v3 =	vand.u32 $0x3, v3  }
0x192: {  	v3 =	vor.u32 v3, v4  }
0x193: {  	v4 =	vperm.xlane v3, v0;
	_ =	sdelay $0x1  }
0x194: {  	v4 =	vadd.s32 v1, v4;
	_ =	sdelay $0x1  }
0x195: {  	v3 =	vperm.xlane v3, v2;
	_ =	sdelay $0x1  }
0x196: {  	s6 =	simm.s32 $0x5800;
	v3 =	vadd.s32 v1, v3  }
0x197: {  	[tilespmem:s6], [sflag:$0x1] =	stream.indirect_vreg.gather [hbm4b:s1+s0], $0x80, v4, vm0, $0xb8;
	[tilespmem:$0x1C000] =	vst v63  }
0x198: {  	s7 =	simm.s32 $0x6000  }
0x199: {  	[tilespmem:s7], [sflag:$0x1] =	stream.indirect_vreg.gather [hbm4b:s3+s0], $0x80, v4, vm1, $0xb8;
	[tilespmem:$0x1C000] =	vst v63  }
0x19a: {  	s6 =	simm.s32 $0x6400  }
0x19b: {  	[tilespmem:s6], [sflag:$0x1] =	stream.indirect_vreg.gather [hbm4b:s1+s0], $0x80, v3, vm0, $0xb8;
	[tilespmem:$0x1C000] =	vst v63  }
0x19c: {  	s7 =	simm.s32 $0x6C00  }
0x19d: {  	[tilespmem:s7], [sflag:$0x1] =	stream.indirect_vreg.gather [hbm4b:s3+s0], $0x80, v3, vm1, $0xb8;
	[tilespmem:$0x1C000] =	vst v63  }
0x19e: {  	v3 =	vld [tilespmem:$0x1C0];
	_ =	sdelay $0x4  }
0x19f: {  	v62 =	vshrl.u32 v3, $0x2  }
0x1a0: {  	v4 =	vmul.u32 $0xC, v62  }
0x1a1: {  	v3 =	vand.u32 $0x3, v3  }
0x1a2: {  	v3 =	vor.u32 v3, v4  }
0x1a3: {  	v4 =	vperm.xlane v3, v0;
	_ =	sdelay $0x1  }
0x1a4: {  	v4 =	vadd.s32 v1, v4;
	_ =	sdelay $0x1  }
0x1a5: {  	v3 =	vperm.xlane v3, v2;
	_ =	sdelay $0x1  }
0x1a6: {  	s6 =	simm.s32 $0x7000;
	v3 =	vadd.s32 v1, v3  }
0x1a7: {  	[tilespmem:s6], [sflag:$0x1] =	stream.indirect_vreg.gather [hbm4b:s1+s0], $0x80, v4, vm0, $0xb8;
	[tilespmem:$0x1C000] =	vst v63  }
0x1a8: {  	s7 =	simm.s32 $0x7800  }
0x1a9: {  	[tilespmem:s7], [sflag:$0x1] =	stream.indirect_vreg.gather [hbm4b:s3+s0], $0x80, v4, vm1, $0xb8;
	[tilespmem:$0x1C000] =	vst v63  }
0x1aa: {  	s6 =	simm.s32 $0x7C00  }
0x1ab: {  	[tilespmem:s6], [sflag:$0x1] =	stream.indirect_vreg.gather [hbm4b:s1+s0], $0x80, v3, vm0, $0xb8;
	[tilespmem:$0x1C000] =	vst v63  }
0x1ac: {  	s7 =	simm.s32 $0x8400  }
0x1ad: {  	[tilespmem:s7], [sflag:$0x1] =	stream.indirect_vreg.gather [hbm4b:s3+s0], $0x80, v3, vm1, $0xb8;
	[tilespmem:$0x1C000] =	vst v63  }
0x1ae: {  	v3 =	vld [tilespmem:$0x1D0];
	_ =	sdelay $0x4  }
0x1af: {  	v63 =	vshrl.u32 v3, $0x2  }
0x1b0: {  	v4 =	vmul.u32 $0xC, v63  }
0x1b1: {  	v3 =	vand.u32 $0x3, v3  }
0x1b2: {  	v3 =	vor.u32 v3, v4  }
0x1b3: {  	v4 =	vperm.xlane v3, v0;
	_ =	sdelay $0x1  }
0x1b4: {  	v4 =	vadd.s32 v1, v4;
	_ =	sdelay $0x1  }
0x1b5: {  	v3 =	vperm.xlane v3, v2;
	_ =	sdelay $0x1  }
0x1b6: {  	s6 =	simm.s32 $0x8800;
	v3 =	vadd.s32 v1, v3  }
0x1b7: {  	[tilespmem:s6], [sflag:$0x1] =	stream.indirect_vreg.gather [hbm4b:s1+s0], $0x80, v4, vm0, $0xb8;
	[tilespmem:$0x1C000] =	vst v63  }
0x1b8: {  	s7 =	simm.s32 $0x9000  }
0x1b9: {  	[tilespmem:s7], [sflag:$0x1] =	stream.indirect_vreg.gather [hbm4b:s3+s0], $0x80, v4, vm1, $0xb8;
	[tilespmem:$0x1C000] =	vst v63  }
0x1ba: {  	s6 =	simm.s32 $0x9400  }
0x1bb: {  	[tilespmem:s6], [sflag:$0x1] =	stream.indirect_vreg.gather [hbm4b:s1+s0], $0x80, v3, vm0, $0xb8;
	[tilespmem:$0x1C000] =	vst v63  }
0x1bc: {  	s7 =	simm.s32 $0x9C00;
	s1 =	simm.s32 $0x3  }
0x1bd: {  	[tilespmem:s7], [sflag:$0x1] =	stream.indirect_vreg.gather [hbm4b:s3+s0], $0x80, v3, vm1, $0xb8;
	[tilespmem:$0x1C000] =	vst v63  }
0x1be: {  	_ =	swait.ge [sflag:s1], $0x9000  }
0x1bf: {  	[sflag:s1] =	ssyncset.done $0x0  }
0x1c0: {  	s5 =	sadd.s32 $0x0, s8;
	s3 =	simm.s32 $0x13000;
	[sflag:s1] =	ssyncadd.s32 $0xFFFF7000  }
0x1c1: {  	[hbm4b:s5+s4] =	stream.strided.scatter [tilespmem:s3], [sflag:$0x6], $0x400, s25, s4, $0x38;
	[tilespmem:$0x1C000] =	vst v63  }
0x1c2: {  	s6 =	simm.s32 $0x13400;
	s7 =	sadd.s32 $0x40, s5;
	s0 =	simm.s32 $0x180  }
0x1c3: {  	[hbm4b:s7+s4] =	stream.strided.scatter [tilespmem:s6], [sflag:$0x6], $0x400, s25, s4, $0x38;
	[tilespmem:$0x1C000] =	vst v63  }
0x1c4: {  	s1 =	simm.s32 $0x13800;
	s3 =	simm.s32 $0x13C00;
	s6 =	sadd.s32 $0x80, s5  }
.LBB2_6:
0x1c5: {  	[hbm4b:s6+s4] =	stream.strided.scatter [tilespmem:s1], [sflag:$0x6], $0x400, s25, s4, $0x38;
	[tilespmem:$0x1C000] =	vst v63  }
0x1c6: {  	p0 =	sne.s32 s0, $0x1080  }
.Ltmp2:
0x1c7: {  	s6 =	sadd.s32 s0, s8;
	(pc) =	sbr.rel @p0 .LBB2_6-.Ltmp2, $4  }
0x1c8: {  	[hbm4b:s6+s4] =	stream.strided.scatter [tilespmem:s3], [sflag:$0x6], $0x400, s25, s4, $0x38;
	[tilespmem:$0x1C000] =	vst v63  }
0x1c9: {  	s1 =	sadd.s32 $0x400, s3;
	s0 =	sadd.s32 $0x180, s0;
	s7 =	sadd.s32 $0x40, s6  }
0x1ca: {  	[hbm4b:s7+s4] =	stream.strided.scatter [tilespmem:s1], [sflag:$0x6], $0x400, s25, s4, $0x38;
	[tilespmem:$0x1C000] =	vst v63  }
0x1cb: {  	s6 =	sadd.s32 $0x80, s6;
	s1 =	sadd.s32 $0x800, s3;
	s3 =	sadd.s32 $0xC00, s3  }
0x1cc: {  	[hbm4b:s6+s4] =	stream.strided.scatter [tilespmem:s1], [sflag:$0x6], $0x400, s25, s4, $0x38;
	[tilespmem:$0x1C000] =	vst v63  }
0x1cd: {  	s0 =	simm.s32 $0x5  }
0x1ce: {  	_ =	swait.ge [sflag:s0], $0x9000  }
0x1cf: {  	[sflag:s0] =	ssyncset.done $0x0  }
0x1d0: {  	[sflag:s0] =	ssyncadd.s32 $0xFFFF7000  }
0x1d1: {  	v3 =	vld [tilespmem:$0x200];
	_ =	sdelay $0x4  }
0x1d2: {  	v4 =	vshrl.u32 v3, $0x2  }
0x1d3: {  	v4 =	vmul.u32 $0xC, v4  }
0x1d4: {  	v3 =	vand.u32 $0x3, v3  }
0x1d5: {  	v3 =	vor.u32 v3, v4  }
0x1d6: {  	v4 =	vperm.xlane v3, v0;
	_ =	sdelay $0x1  }
0x1d7: {  	v4 =	vadd.s32 v1, v4;
	_ =	sdelay $0x1  }
0x1d8: {  	v3 =	vperm.xlane v3, v2;
	_ =	sdelay $0x1  }
0x1d9: {  	s3 =	simm.s32 $0xA000;
	s0 =	simm.s32 $0x0;
	s1 =	rddreg [dreg:$0x0];
	v3 =	vadd.s32 v1, v3  }
0x1da: {  	[tilespmem:s3], [sflag:$0x2] =	stream.indirect_vreg.gather [hbm4b:s1+s0], $0x80, v4, vm0, $0xb8;
	[tilespmem:$0x1C000] =	vst v63  }
0x1db: {  	s5 =	simm.s32 $0xA800;
	s3 =	rddreg [dreg:$0x5]  }
0x1dc: {  	[tilespmem:s5], [sflag:$0x2] =	stream.indirect_vreg.gather [hbm4b:s3+s0], $0x80, v4, vm1, $0xb8;
	[tilespmem:$0x1C000] =	vst v63  }
0x1dd: {  	s6 =	simm.s32 $0xAC00  }
0x1de: {  	[tilespmem:s6], [sflag:$0x2] =	stream.indirect_vreg.gather [hbm4b:s1+s0], $0x80, v3, vm0, $0xb8;
	[tilespmem:$0x1C000] =	vst v63  }
0x1df: {  	s7 =	simm.s32 $0xB400  }
0x1e0: {  	[tilespmem:s7], [sflag:$0x2] =	stream.indirect_vreg.gather [hbm4b:s3+s0], $0x80, v3, vm1, $0xb8;
	[tilespmem:$0x1C000] =	vst v63  }
0x1e1: {  	v3 =	vld [tilespmem:$0x210];
	_ =	sdelay $0x4  }
0x1e2: {  	v59 =	vshrl.u32 v3, $0x2  }
0x1e3: {  	v4 =	vmul.u32 $0xC, v59  }
0x1e4: {  	v3 =	vand.u32 $0x3, v3  }
0x1e5: {  	v3 =	vor.u32 v3, v4  }
0x1e6: {  	v4 =	vperm.xlane v3, v0;
	_ =	sdelay $0x1  }
0x1e7: {  	v4 =	vadd.s32 v1, v4;
	_ =	sdelay $0x1  }
0x1e8: {  	v3 =	vperm.xlane v3, v2;
	_ =	sdelay $0x1  }
0x1e9: {  	s6 =	simm.s32 $0xB800;
	v3 =	vadd.s32 v1, v3  }
0x1ea: {  	[tilespmem:s6], [sflag:$0x2] =	stream.indirect_vreg.gather [hbm4b:s1+s0], $0x80, v4, vm0, $0xb8;
	[tilespmem:$0x1C000] =	vst v63  }
0x1eb: {  	s7 =	simm.s32 $0xC000  }
0x1ec: {  	[tilespmem:s7], [sflag:$0x2] =	stream.indirect_vreg.gather [hbm4b:s3+s0], $0x80, v4, vm1, $0xb8;
	[tilespmem:$0x1C000] =	vst v63  }
0x1ed: {  	s6 =	simm.s32 $0xC400  }
0x1ee: {  	[tilespmem:s6], [sflag:$0x2] =	stream.indirect_vreg.gather [hbm4b:s1+s0], $0x80, v3, vm0, $0xb8;
	[tilespmem:$0x1C000] =	vst v63  }
0x1ef: {  	s7 =	simm.s32 $0xCC00  }
0x1f0: {  	[tilespmem:s7], [sflag:$0x2] =	stream.indirect_vreg.gather [hbm4b:s3+s0], $0x80, v3, vm1, $0xb8;
	[tilespmem:$0x1C000] =	vst v63  }
0x1f1: {  	v3 =	vld [tilespmem:$0x220];
	_ =	sdelay $0x4  }
0x1f2: {  	v60 =	vshrl.u32 v3, $0x2  }
0x1f3: {  	v4 =	vmul.u32 $0xC, v60  }
0x1f4: {  	v3 =	vand.u32 $0x3, v3  }
0x1f5: {  	v3 =	vor.u32 v3, v4  }
0x1f6: {  	v4 =	vperm.xlane v3, v0;
	_ =	sdelay $0x1  }
0x1f7: {  	v4 =	vadd.s32 v1, v4;
	_ =	sdelay $0x1  }
0x1f8: {  	v3 =	vperm.xlane v3, v2;
	_ =	sdelay $0x1  }
0x1f9: {  	s6 =	simm.s32 $0xD000;
	v3 =	vadd.s32 v1, v3  }
0x1fa: {  	[tilespmem:s6], [sflag:$0x2] =	stream.indirect_vreg.gather [hbm4b:s1+s0], $0x80, v4, vm0, $0xb8;
	[tilespmem:$0x1C000] =	vst v63  }
0x1fb: {  	s7 =	simm.s32 $0xD800  }
0x1fc: {  	[tilespmem:s7], [sflag:$0x2] =	stream.indirect_vreg.gather [hbm4b:s3+s0], $0x80, v4, vm1, $0xb8;
	[tilespmem:$0x1C000] =	vst v63  }
0x1fd: {  	s6 =	simm.s32 $0xDC00  }
0x1fe: {  	[tilespmem:s6], [sflag:$0x2] =	stream.indirect_vreg.gather [hbm4b:s1+s0], $0x80, v3, vm0, $0xb8;
	[tilespmem:$0x1C000] =	vst v63  }
0x1ff: {  	s7 =	simm.s32 $0xE400  }
0x200: {  	[tilespmem:s7], [sflag:$0x2] =	stream.indirect_vreg.gather [hbm4b:s3+s0], $0x80, v3, vm1, $0xb8;
	[tilespmem:$0x1C000] =	vst v63  }
0x201: {  	v3 =	vld [tilespmem:$0x230];
	_ =	sdelay $0x4  }
0x202: {  	v61 =	vshrl.u32 v3, $0x2  }
0x203: {  	v4 =	vmul.u32 $0xC, v61  }
0x204: {  	v3 =	vand.u32 $0x3, v3  }
0x205: {  	v3 =	vor.u32 v3, v4  }
0x206: {  	v4 =	vperm.xlane v3, v0;
	_ =	sdelay $0x1  }
0x207: {  	v4 =	vadd.s32 v1, v4;
	_ =	sdelay $0x1  }
0x208: {  	v3 =	vperm.xlane v3, v2;
	_ =	sdelay $0x1  }
0x209: {  	s6 =	simm.s32 $0xE800;
	v3 =	vadd.s32 v1, v3  }
0x20a: {  	[tilespmem:s6], [sflag:$0x2] =	stream.indirect_vreg.gather [hbm4b:s1+s0], $0x80, v4, vm0, $0xb8;
	[tilespmem:$0x1C000] =	vst v63  }
0x20b: {  	s7 =	simm.s32 $0xF000  }
0x20c: {  	[tilespmem:s7], [sflag:$0x2] =	stream.indirect_vreg.gather [hbm4b:s3+s0], $0x80, v4, vm1, $0xb8;
	[tilespmem:$0x1C000] =	vst v63  }
0x20d: {  	s6 =	simm.s32 $0xF400  }
0x20e: {  	[tilespmem:s6], [sflag:$0x2] =	stream.indirect_vreg.gather [hbm4b:s1+s0], $0x80, v3, vm0, $0xb8;
	[tilespmem:$0x1C000] =	vst v63  }
0x20f: {  	s7 =	simm.s32 $0xFC00  }
0x210: {  	[tilespmem:s7], [sflag:$0x2] =	stream.indirect_vreg.gather [hbm4b:s3+s0], $0x80, v3, vm1, $0xb8;
	[tilespmem:$0x1C000] =	vst v63  }
0x211: {  	v3 =	vld [tilespmem:$0x240];
	_ =	sdelay $0x4  }
0x212: {  	v62 =	vshrl.u32 v3, $0x2  }
0x213: {  	v4 =	vmul.u32 $0xC, v62  }
0x214: {  	v3 =	vand.u32 $0x3, v3  }
0x215: {  	v3 =	vor.u32 v3, v4  }
0x216: {  	v4 =	vperm.xlane v3, v0;
	_ =	sdelay $0x1  }
0x217: {  	v4 =	vadd.s32 v1, v4;
	_ =	sdelay $0x1  }
0x218: {  	v3 =	vperm.xlane v3, v2;
	_ =	sdelay $0x1  }
0x219: {  	s6 =	simm.s32 $0x10000;
	v3 =	vadd.s32 v1, v3  }
0x21a: {  	[tilespmem:s6], [sflag:$0x2] =	stream.indirect_vreg.gather [hbm4b:s1+s0], $0x80, v4, vm0, $0xb8;
	[tilespmem:$0x1C000] =	vst v63  }
0x21b: {  	s7 =	simm.s32 $0x10800  }
0x21c: {  	[tilespmem:s7], [sflag:$0x2] =	stream.indirect_vreg.gather [hbm4b:s3+s0], $0x80, v4, vm1, $0xb8;
	[tilespmem:$0x1C000] =	vst v63  }
0x21d: {  	s6 =	simm.s32 $0x10C00  }
0x21e: {  	[tilespmem:s6], [sflag:$0x2] =	stream.indirect_vreg.gather [hbm4b:s1+s0], $0x80, v3, vm0, $0xb8;
	[tilespmem:$0x1C000] =	vst v63  }
0x21f: {  	s7 =	simm.s32 $0x11400  }
0x220: {  	[tilespmem:s7], [sflag:$0x2] =	stream.indirect_vreg.gather [hbm4b:s3+s0], $0x80, v3, vm1, $0xb8;
	[tilespmem:$0x1C000] =	vst v63  }
0x221: {  	v3 =	vld [tilespmem:$0x250];
	_ =	sdelay $0x4  }
0x222: {  	v63 =	vshrl.u32 v3, $0x2  }
0x223: {  	v4 =	vmul.u32 $0xC, v63  }
0x224: {  	v3 =	vand.u32 $0x3, v3  }
0x225: {  	v3 =	vor.u32 v3, v4  }
0x226: {  	v4 =	vperm.xlane v3, v0;
	_ =	sdelay $0x1  }
0x227: {  	v4 =	vadd.s32 v1, v4;
	_ =	sdelay $0x1  }
0x228: {  	v3 =	vperm.xlane v3, v2;
	_ =	sdelay $0x1  }
0x229: {  	s6 =	simm.s32 $0x11800;
	v3 =	vadd.s32 v1, v3  }
0x22a: {  	[tilespmem:s6], [sflag:$0x2] =	stream.indirect_vreg.gather [hbm4b:s1+s0], $0x80, v4, vm0, $0xb8;
	[tilespmem:$0x1C000] =	vst v63  }
0x22b: {  	s7 =	simm.s32 $0x12000  }
0x22c: {  	[tilespmem:s7], [sflag:$0x2] =	stream.indirect_vreg.gather [hbm4b:s3+s0], $0x80, v4, vm1, $0xb8;
	[tilespmem:$0x1C000] =	vst v63  }
0x22d: {  	s6 =	simm.s32 $0x12400  }
0x22e: {  	[tilespmem:s6], [sflag:$0x2] =	stream.indirect_vreg.gather [hbm4b:s1+s0], $0x80, v3, vm0, $0xb8;
	[tilespmem:$0x1C000] =	vst v63  }
0x22f: {  	s7 =	simm.s32 $0x12C00;
	s1 =	simm.s32 $0x1  }
0x230: {  	[tilespmem:s7], [sflag:$0x2] =	stream.indirect_vreg.gather [hbm4b:s3+s0], $0x80, v3, vm1, $0xb8;
	[tilespmem:$0x1C000] =	vst v63  }
0x231: {  	_ =	swait.ge [sflag:s1], $0x9000  }
0x232: {  	s5 =	sadd.s32 $0x0, s9;
	[sflag:s1] =	ssyncset.done $0x0  }
0x233: {  	s6 =	simm.s32 $0x1400;
	s3 =	simm.s32 $0x1000;
	[sflag:s1] =	ssyncadd.s32 $0xFFFF7000  }
0x234: {  	[hbm4b:s5+s4] =	stream.strided.scatter [tilespmem:s3], [sflag:$0x4], $0x400, s25, s4, $0x38;
	[tilespmem:$0x1C000] =	vst v63  }
0x235: {  	s7 =	sadd.s32 $0x40, s5;
	s0 =	simm.s32 $0x180;
	s1 =	simm.s32 $0x1800  }
0x236: {  	[hbm4b:s7+s4] =	stream.strided.scatter [tilespmem:s6], [sflag:$0x4], $0x400, s25, s4, $0x38;
	[tilespmem:$0x1C000] =	vst v63  }
0x237: {  	s3 =	simm.s32 $0x1C00;
	s6 =	sadd.s32 $0x80, s5;
	s5 =	rddreg [dreg:$0x7]  }
.LBB2_8:
0x238: {  	[hbm4b:s6+s4] =	stream.strided.scatter [tilespmem:s1], [sflag:$0x4], $0x400, s25, s4, $0x38;
	[tilespmem:$0x1C000] =	vst v63  }
0x239: {  	p0 =	sne.s32 s0, $0x1080  }
.Ltmp3:
0x23a: {  	s6 =	sadd.s32 s0, s9;
	(pc) =	sbr.rel @p0 .LBB2_8-.Ltmp3, $4  }
0x23b: {  	[hbm4b:s6+s4] =	stream.strided.scatter [tilespmem:s3], [sflag:$0x4], $0x400, s25, s4, $0x38;
	[tilespmem:$0x1C000] =	vst v63  }
0x23c: {  	s1 =	sadd.s32 $0x400, s3;
	s0 =	sadd.s32 $0x180, s0;
	s7 =	sadd.s32 $0x40, s6  }
0x23d: {  	[hbm4b:s7+s4] =	stream.strided.scatter [tilespmem:s1], [sflag:$0x4], $0x400, s25, s4, $0x38;
	[tilespmem:$0x1C000] =	vst v63  }
0x23e: {  	s6 =	sadd.s32 $0x80, s6;
	s1 =	sadd.s32 $0x800, s3;
	s3 =	sadd.s32 $0xC00, s3  }
0x23f: {  	[hbm4b:s6+s4] =	stream.strided.scatter [tilespmem:s1], [sflag:$0x4], $0x400, s25, s4, $0x38;
	[tilespmem:$0x1C000] =	vst v63  }
0x240: {  	s0 =	simm.s32 $0x6  }
0x241: {  	_ =	swait.ge [sflag:s0], $0x9000  }
0x242: {  	[sflag:s0] =	ssyncset.done $0x0  }
0x243: {  	[sflag:s0] =	ssyncadd.s32 $0xFFFF7000  }
0x244: {  	v3 =	vld [tilespmem:$0x280];
	_ =	sdelay $0x4  }
0x245: {  	v4 =	vshrl.u32 v3, $0x2  }
0x246: {  	v4 =	vmul.u32 $0xC, v4  }
0x247: {  	v3 =	vand.u32 $0x3, v3  }
0x248: {  	v3 =	vor.u32 v3, v4  }
0x249: {  	v4 =	vperm.xlane v3, v0;
	_ =	sdelay $0x1  }
0x24a: {  	v4 =	vadd.s32 v1, v4;
	_ =	sdelay $0x1  }
0x24b: {  	v3 =	vperm.xlane v3, v2;
	_ =	sdelay $0x1  }
0x24c: {  	s3 =	simm.s32 $0x13000;
	s0 =	simm.s32 $0x0;
	s1 =	rddreg [dreg:$0x0];
	v3 =	vadd.s32 v1, v3  }
0x24d: {  	[tilespmem:s3], [sflag:$0x3] =	stream.indirect_vreg.gather [hbm4b:s1+s0], $0x80, v4, vm0, $0xb8;
	[tilespmem:$0x1C000] =	vst v63  }
0x24e: {  	s7 =	simm.s32 $0x13800;
	s3 =	rddreg [dreg:$0x5]  }
0x24f: {  	[tilespmem:s7], [sflag:$0x3] =	stream.indirect_vreg.gather [hbm4b:s3+s0], $0x80, v4, vm1, $0xb8;
	[tilespmem:$0x1C000] =	vst v63  }
0x250: {  	s7 =	simm.s32 $0x13C00  }
0x251: {  	[tilespmem:s7], [sflag:$0x3] =	stream.indirect_vreg.gather [hbm4b:s1+s0], $0x80, v3, vm0, $0xb8;
	[tilespmem:$0x1C000] =	vst v63  }
0x252: {  	s7 =	simm.s32 $0x14400  }
0x253: {  	[tilespmem:s7], [sflag:$0x3] =	stream.indirect_vreg.gather [hbm4b:s3+s0], $0x80, v3, vm1, $0xb8;
	[tilespmem:$0x1C000] =	vst v63  }
0x254: {  	v3 =	vld [tilespmem:$0x290];
	_ =	sdelay $0x4  }
0x255: {  	v59 =	vshrl.u32 v3, $0x2  }
0x256: {  	v4 =	vmul.u32 $0xC, v59  }
0x257: {  	v3 =	vand.u32 $0x3, v3  }
0x258: {  	v3 =	vor.u32 v3, v4  }
0x259: {  	v4 =	vperm.xlane v3, v0;
	_ =	sdelay $0x1  }
0x25a: {  	v4 =	vadd.s32 v1, v4;
	_ =	sdelay $0x1  }
0x25b: {  	v3 =	vperm.xlane v3, v2;
	_ =	sdelay $0x1  }
0x25c: {  	s7 =	simm.s32 $0x14800;
	v3 =	vadd.s32 v1, v3  }
0x25d: {  	[tilespmem:s7], [sflag:$0x3] =	stream.indirect_vreg.gather [hbm4b:s1+s0], $0x80, v4, vm0, $0xb8;
	[tilespmem:$0x1C000] =	vst v63  }
0x25e: {  	s7 =	simm.s32 $0x15000  }
0x25f: {  	[tilespmem:s7], [sflag:$0x3] =	stream.indirect_vreg.gather [hbm4b:s3+s0], $0x80, v4, vm1, $0xb8;
	[tilespmem:$0x1C000] =	vst v63  }
0x260: {  	s7 =	simm.s32 $0x15400  }
0x261: {  	[tilespmem:s7], [sflag:$0x3] =	stream.indirect_vreg.gather [hbm4b:s1+s0], $0x80, v3, vm0, $0xb8;
	[tilespmem:$0x1C000] =	vst v63  }
0x262: {  	s7 =	simm.s32 $0x15C00  }
0x263: {  	[tilespmem:s7], [sflag:$0x3] =	stream.indirect_vreg.gather [hbm4b:s3+s0], $0x80, v3, vm1, $0xb8;
	[tilespmem:$0x1C000] =	vst v63  }
0x264: {  	v3 =	vld [tilespmem:$0x2A0];
	_ =	sdelay $0x4  }
0x265: {  	v60 =	vshrl.u32 v3, $0x2  }
0x266: {  	v4 =	vmul.u32 $0xC, v60  }
0x267: {  	v3 =	vand.u32 $0x3, v3  }
0x268: {  	v3 =	vor.u32 v3, v4  }
0x269: {  	v4 =	vperm.xlane v3, v0;
	_ =	sdelay $0x1  }
0x26a: {  	v4 =	vadd.s32 v1, v4;
	_ =	sdelay $0x1  }
0x26b: {  	v3 =	vperm.xlane v3, v2;
	_ =	sdelay $0x1  }
0x26c: {  	s7 =	simm.s32 $0x16000;
	v3 =	vadd.s32 v1, v3  }
0x26d: {  	[tilespmem:s7], [sflag:$0x3] =	stream.indirect_vreg.gather [hbm4b:s1+s0], $0x80, v4, vm0, $0xb8;
	[tilespmem:$0x1C000] =	vst v63  }
0x26e: {  	s7 =	simm.s32 $0x16800  }
0x26f: {  	[tilespmem:s7], [sflag:$0x3] =	stream.indirect_vreg.gather [hbm4b:s3+s0], $0x80, v4, vm1, $0xb8;
	[tilespmem:$0x1C000] =	vst v63  }
0x270: {  	s7 =	simm.s32 $0x16C00  }
0x271: {  	[tilespmem:s7], [sflag:$0x3] =	stream.indirect_vreg.gather [hbm4b:s1+s0], $0x80, v3, vm0, $0xb8;
	[tilespmem:$0x1C000] =	vst v63  }
0x272: {  	s7 =	simm.s32 $0x17400  }
0x273: {  	[tilespmem:s7], [sflag:$0x3] =	stream.indirect_vreg.gather [hbm4b:s3+s0], $0x80, v3, vm1, $0xb8;
	[tilespmem:$0x1C000] =	vst v63  }
0x274: {  	v3 =	vld [tilespmem:$0x2B0];
	_ =	sdelay $0x4  }
0x275: {  	v61 =	vshrl.u32 v3, $0x2  }
0x276: {  	v4 =	vmul.u32 $0xC, v61  }
0x277: {  	v3 =	vand.u32 $0x3, v3  }
0x278: {  	v3 =	vor.u32 v3, v4  }
0x279: {  	v4 =	vperm.xlane v3, v0;
	_ =	sdelay $0x1  }
0x27a: {  	v4 =	vadd.s32 v1, v4;
	_ =	sdelay $0x1  }
0x27b: {  	v3 =	vperm.xlane v3, v2;
	_ =	sdelay $0x1  }
0x27c: {  	s7 =	simm.s32 $0x17800;
	v3 =	vadd.s32 v1, v3  }
0x27d: {  	[tilespmem:s7], [sflag:$0x3] =	stream.indirect_vreg.gather [hbm4b:s1+s0], $0x80, v4, vm0, $0xb8;
	[tilespmem:$0x1C000] =	vst v63  }
0x27e: {  	s7 =	simm.s32 $0x18000  }
0x27f: {  	[tilespmem:s7], [sflag:$0x3] =	stream.indirect_vreg.gather [hbm4b:s3+s0], $0x80, v4, vm1, $0xb8;
	[tilespmem:$0x1C000] =	vst v63  }
0x280: {  	s7 =	simm.s32 $0x18400  }
0x281: {  	[tilespmem:s7], [sflag:$0x3] =	stream.indirect_vreg.gather [hbm4b:s1+s0], $0x80, v3, vm0, $0xb8;
	[tilespmem:$0x1C000] =	vst v63  }
0x282: {  	s7 =	simm.s32 $0x18C00  }
0x283: {  	[tilespmem:s7], [sflag:$0x3] =	stream.indirect_vreg.gather [hbm4b:s3+s0], $0x80, v3, vm1, $0xb8;
	[tilespmem:$0x1C000] =	vst v63  }
0x284: {  	v3 =	vld [tilespmem:$0x2C0];
	_ =	sdelay $0x4  }
0x285: {  	v62 =	vshrl.u32 v3, $0x2  }
0x286: {  	v4 =	vmul.u32 $0xC, v62  }
0x287: {  	v3 =	vand.u32 $0x3, v3  }
0x288: {  	v3 =	vor.u32 v3, v4  }
0x289: {  	v4 =	vperm.xlane v3, v0;
	_ =	sdelay $0x1  }
0x28a: {  	v4 =	vadd.s32 v1, v4;
	_ =	sdelay $0x1  }
0x28b: {  	v3 =	vperm.xlane v3, v2;
	_ =	sdelay $0x1  }
0x28c: {  	s7 =	simm.s32 $0x19000;
	v3 =	vadd.s32 v1, v3  }
0x28d: {  	[tilespmem:s7], [sflag:$0x3] =	stream.indirect_vreg.gather [hbm4b:s1+s0], $0x80, v4, vm0, $0xb8;
	[tilespmem:$0x1C000] =	vst v63  }
0x28e: {  	s7 =	simm.s32 $0x19800  }
0x28f: {  	[tilespmem:s7], [sflag:$0x3] =	stream.indirect_vreg.gather [hbm4b:s3+s0], $0x80, v4, vm1, $0xb8;
	[tilespmem:$0x1C000] =	vst v63  }
0x290: {  	s7 =	simm.s32 $0x19C00  }
0x291: {  	[tilespmem:s7], [sflag:$0x3] =	stream.indirect_vreg.gather [hbm4b:s1+s0], $0x80, v3, vm0, $0xb8;
	[tilespmem:$0x1C000] =	vst v63  }
0x292: {  	s7 =	simm.s32 $0x1A400  }
0x293: {  	[tilespmem:s7], [sflag:$0x3] =	stream.indirect_vreg.gather [hbm4b:s3+s0], $0x80, v3, vm1, $0xb8;
	[tilespmem:$0x1C000] =	vst v63  }
0x294: {  	v3 =	vld [tilespmem:$0x2D0];
	_ =	sdelay $0x4  }
0x295: {  	v63 =	vshrl.u32 v3, $0x2  }
0x296: {  	v4 =	vmul.u32 $0xC, v63  }
0x297: {  	v3 =	vand.u32 $0x3, v3  }
0x298: {  	v3 =	vor.u32 v3, v4  }
0x299: {  	v4 =	vperm.xlane v3, v0;
	_ =	sdelay $0x1  }
0x29a: {  	v4 =	vadd.s32 v1, v4;
	_ =	sdelay $0x1  }
0x29b: {  	v3 =	vperm.xlane v3, v2;
	_ =	sdelay $0x1  }
0x29c: {  	s7 =	simm.s32 $0x1A800;
	v3 =	vadd.s32 v1, v3  }
0x29d: {  	[tilespmem:s7], [sflag:$0x3] =	stream.indirect_vreg.gather [hbm4b:s1+s0], $0x80, v4, vm0, $0xb8;
	[tilespmem:$0x1C000] =	vst v63  }
0x29e: {  	s7 =	simm.s32 $0x1B000  }
0x29f: {  	[tilespmem:s7], [sflag:$0x3] =	stream.indirect_vreg.gather [hbm4b:s3+s0], $0x80, v4, vm1, $0xb8;
	[tilespmem:$0x1C000] =	vst v63  }
0x2a0: {  	s7 =	simm.s32 $0x1B400  }
0x2a1: {  	[tilespmem:s7], [sflag:$0x3] =	stream.indirect_vreg.gather [hbm4b:s1+s0], $0x80, v3, vm0, $0xb8;
	[tilespmem:$0x1C000] =	vst v63  }
0x2a2: {  	s6 =	simm.s32 $0x1BC00;
	s7 =	simm.s32 $0x2  }
0x2a3: {  	[tilespmem:s6], [sflag:$0x3] =	stream.indirect_vreg.gather [hbm4b:s3+s0], $0x80, v3, vm1, $0xb8;
	[tilespmem:$0x1C000] =	vst v63  }
0x2a4: {  	_ =	swait.ge [sflag:s7], $0x9000  }
0x2a5: {  	[sflag:s7] =	ssyncset.done $0x0  }
0x2a6: {  	s1 =	simm.s32 $0xA000;
	s3 =	sadd.s32 $0x0, s10;
	[sflag:s7] =	ssyncadd.s32 $0xFFFF7000  }
0x2a7: {  	[hbm4b:s3+s4] =	stream.strided.scatter [tilespmem:s1], [sflag:$0x5], $0x400, s25, s4, $0x38;
	[tilespmem:$0x1C000] =	vst v63  }
0x2a8: {  	s6 =	simm.s32 $0xA400;
	s0 =	simm.s32 $0x180;
	s7 =	sadd.s32 $0x40, s3  }
0x2a9: {  	[hbm4b:s7+s4] =	stream.strided.scatter [tilespmem:s6], [sflag:$0x5], $0x400, s25, s4, $0x38;
	[tilespmem:$0x1C000] =	vst v63  }
0x2aa: {  	s1 =	simm.s32 $0xA800;
	s6 =	sadd.s32 $0x80, s3;
	s3 =	simm.s32 $0xAC00  }
.LBB2_10:
0x2ab: {  	[hbm4b:s6+s4] =	stream.strided.scatter [tilespmem:s1], [sflag:$0x5], $0x400, s25, s4, $0x38;
	[tilespmem:$0x1C000] =	vst v63  }
0x2ac: {  	p0 =	sne.s32 s0, $0x1080  }
.Ltmp4:
0x2ad: {  	s6 =	sadd.s32 s0, s10;
	(pc) =	sbr.rel @p0 .LBB2_10-.Ltmp4, $4  }
0x2ae: {  	[hbm4b:s6+s4] =	stream.strided.scatter [tilespmem:s3], [sflag:$0x5], $0x400, s25, s4, $0x38;
	[tilespmem:$0x1C000] =	vst v63  }
0x2af: {  	s1 =	sadd.s32 $0x400, s3;
	s0 =	sadd.s32 $0x180, s0;
	s7 =	sadd.s32 $0x40, s6  }
0x2b0: {  	[hbm4b:s7+s4] =	stream.strided.scatter [tilespmem:s1], [sflag:$0x5], $0x400, s25, s4, $0x38;
	[tilespmem:$0x1C000] =	vst v63  }
0x2b1: {  	s6 =	sadd.s32 $0x80, s6;
	s1 =	sadd.s32 $0x800, s3;
	s3 =	sadd.s32 $0xC00, s3  }
0x2b2: {  	[hbm4b:s6+s4] =	stream.strided.scatter [tilespmem:s1], [sflag:$0x5], $0x400, s25, s4, $0x38;
	[tilespmem:$0x1C000] =	vst v63  }
0x2b3: {  	s0 =	simm.s32 $0x4  }
0x2b4: {  	_ =	swait.ge [sflag:s0], $0x9000  }
0x2b5: {  	[sflag:s0] =	ssyncset.done $0x0  }
0x2b6: {  	[sflag:s0] =	ssyncadd.s32 $0xFFFF7000  }
0x2b7: {  	v3 =	vld [tilespmem:$0x300];
	_ =	sdelay $0x4  }
0x2b8: {  	v4 =	vshrl.u32 v3, $0x2  }
0x2b9: {  	v4 =	vmul.u32 $0xC, v4  }
0x2ba: {  	v3 =	vand.u32 $0x3, v3  }
0x2bb: {  	v3 =	vor.u32 v3, v4  }
0x2bc: {  	v4 =	vperm.xlane v3, v0;
	_ =	sdelay $0x1  }
0x2bd: {  	v4 =	vadd.s32 v1, v4;
	_ =	sdelay $0x1  }
0x2be: {  	v3 =	vperm.xlane v3, v2;
	_ =	sdelay $0x1  }
0x2bf: {  	s3 =	simm.s32 $0x1000;
	s0 =	simm.s32 $0x0;
	s1 =	rddreg [dreg:$0x0];
	v3 =	vadd.s32 v1, v3  }
0x2c0: {  	[tilespmem:s3], [sflag:$0x1] =	stream.indirect_vreg.gather [hbm4b:s1+s0], $0x80, v4, vm0, $0xb8;
	[tilespmem:$0x1C000] =	vst v63  }
0x2c1: {  	s7 =	simm.s32 $0x1800;
	s3 =	rddreg [dreg:$0x5]  }
0x2c2: {  	[tilespmem:s7], [sflag:$0x1] =	stream.indirect_vreg.gather [hbm4b:s3+s0], $0x80, v4, vm1, $0xb8;
	[tilespmem:$0x1C000] =	vst v63  }
0x2c3: {  	s7 =	simm.s32 $0x1C00  }
0x2c4: {  	[tilespmem:s7], [sflag:$0x1] =	stream.indirect_vreg.gather [hbm4b:s1+s0], $0x80, v3, vm0, $0xb8;
	[tilespmem:$0x1C000] =	vst v63  }
0x2c5: {  	s7 =	simm.s32 $0x2400  }
0x2c6: {  	[tilespmem:s7], [sflag:$0x1] =	stream.indirect_vreg.gather [hbm4b:s3+s0], $0x80, v3, vm1, $0xb8;
	[tilespmem:$0x1C000] =	vst v63  }
0x2c7: {  	v3 =	vld [tilespmem:$0x310];
	_ =	sdelay $0x4  }
0x2c8: {  	v59 =	vshrl.u32 v3, $0x2  }
0x2c9: {  	v4 =	vmul.u32 $0xC, v59  }
0x2ca: {  	v3 =	vand.u32 $0x3, v3  }
0x2cb: {  	v3 =	vor.u32 v3, v4  }
0x2cc: {  	v4 =	vperm.xlane v3, v0;
	_ =	sdelay $0x1  }
0x2cd: {  	v4 =	vadd.s32 v1, v4;
	_ =	sdelay $0x1  }
0x2ce: {  	v3 =	vperm.xlane v3, v2;
	_ =	sdelay $0x1  }
0x2cf: {  	s7 =	simm.s32 $0x2800;
	v3 =	vadd.s32 v1, v3  }
0x2d0: {  	[tilespmem:s7], [sflag:$0x1] =	stream.indirect_vreg.gather [hbm4b:s1+s0], $0x80, v4, vm0, $0xb8;
	[tilespmem:$0x1C000] =	vst v63  }
0x2d1: {  	s7 =	simm.s32 $0x3000  }
0x2d2: {  	[tilespmem:s7], [sflag:$0x1] =	stream.indirect_vreg.gather [hbm4b:s3+s0], $0x80, v4, vm1, $0xb8;
	[tilespmem:$0x1C000] =	vst v63  }
0x2d3: {  	s7 =	simm.s32 $0x3400  }
0x2d4: {  	[tilespmem:s7], [sflag:$0x1] =	stream.indirect_vreg.gather [hbm4b:s1+s0], $0x80, v3, vm0, $0xb8;
	[tilespmem:$0x1C000] =	vst v63  }
0x2d5: {  	s7 =	simm.s32 $0x3C00  }
0x2d6: {  	[tilespmem:s7], [sflag:$0x1] =	stream.indirect_vreg.gather [hbm4b:s3+s0], $0x80, v3, vm1, $0xb8;
	[tilespmem:$0x1C000] =	vst v63  }
0x2d7: {  	v3 =	vld [tilespmem:$0x320];
	_ =	sdelay $0x4  }
0x2d8: {  	v60 =	vshrl.u32 v3, $0x2  }
0x2d9: {  	v4 =	vmul.u32 $0xC, v60  }
0x2da: {  	v3 =	vand.u32 $0x3, v3  }
0x2db: {  	v3 =	vor.u32 v3, v4  }
0x2dc: {  	v4 =	vperm.xlane v3, v0;
	_ =	sdelay $0x1  }
0x2dd: {  	v4 =	vadd.s32 v1, v4;
	_ =	sdelay $0x1  }
0x2de: {  	v3 =	vperm.xlane v3, v2;
	_ =	sdelay $0x1  }
0x2df: {  	s7 =	simm.s32 $0x4000;
	v3 =	vadd.s32 v1, v3  }
0x2e0: {  	[tilespmem:s7], [sflag:$0x1] =	stream.indirect_vreg.gather [hbm4b:s1+s0], $0x80, v4, vm0, $0xb8;
	[tilespmem:$0x1C000] =	vst v63  }
0x2e1: {  	s7 =	simm.s32 $0x4800  }
0x2e2: {  	[tilespmem:s7], [sflag:$0x1] =	stream.indirect_vreg.gather [hbm4b:s3+s0], $0x80, v4, vm1, $0xb8;
	[tilespmem:$0x1C000] =	vst v63  }
0x2e3: {  	s7 =	simm.s32 $0x4C00  }
0x2e4: {  	[tilespmem:s7], [sflag:$0x1] =	stream.indirect_vreg.gather [hbm4b:s1+s0], $0x80, v3, vm0, $0xb8;
	[tilespmem:$0x1C000] =	vst v63  }
0x2e5: {  	s7 =	simm.s32 $0x5400  }
0x2e6: {  	[tilespmem:s7], [sflag:$0x1] =	stream.indirect_vreg.gather [hbm4b:s3+s0], $0x80, v3, vm1, $0xb8;
	[tilespmem:$0x1C000] =	vst v63  }
0x2e7: {  	v3 =	vld [tilespmem:$0x330];
	_ =	sdelay $0x4  }
0x2e8: {  	v61 =	vshrl.u32 v3, $0x2  }
0x2e9: {  	v4 =	vmul.u32 $0xC, v61  }
0x2ea: {  	v3 =	vand.u32 $0x3, v3  }
0x2eb: {  	v3 =	vor.u32 v3, v4  }
0x2ec: {  	v4 =	vperm.xlane v3, v0;
	_ =	sdelay $0x1  }
0x2ed: {  	v4 =	vadd.s32 v1, v4;
	_ =	sdelay $0x1  }
0x2ee: {  	v3 =	vperm.xlane v3, v2;
	_ =	sdelay $0x1  }
0x2ef: {  	s7 =	simm.s32 $0x5800;
	v3 =	vadd.s32 v1, v3  }
0x2f0: {  	[tilespmem:s7], [sflag:$0x1] =	stream.indirect_vreg.gather [hbm4b:s1+s0], $0x80, v4, vm0, $0xb8;
	[tilespmem:$0x1C000] =	vst v63  }
0x2f1: {  	s7 =	simm.s32 $0x6000  }
0x2f2: {  	[tilespmem:s7], [sflag:$0x1] =	stream.indirect_vreg.gather [hbm4b:s3+s0], $0x80, v4, vm1, $0xb8;
	[tilespmem:$0x1C000] =	vst v63  }
0x2f3: {  	s7 =	simm.s32 $0x6400  }
0x2f4: {  	[tilespmem:s7], [sflag:$0x1] =	stream.indirect_vreg.gather [hbm4b:s1+s0], $0x80, v3, vm0, $0xb8;
	[tilespmem:$0x1C000] =	vst v63  }
0x2f5: {  	s7 =	simm.s32 $0x6C00  }
0x2f6: {  	[tilespmem:s7], [sflag:$0x1] =	stream.indirect_vreg.gather [hbm4b:s3+s0], $0x80, v3, vm1, $0xb8;
	[tilespmem:$0x1C000] =	vst v63  }
0x2f7: {  	v3 =	vld [tilespmem:$0x340];
	_ =	sdelay $0x4  }
0x2f8: {  	v62 =	vshrl.u32 v3, $0x2  }
0x2f9: {  	v4 =	vmul.u32 $0xC, v62  }
0x2fa: {  	v3 =	vand.u32 $0x3, v3  }
0x2fb: {  	v3 =	vor.u32 v3, v4  }
0x2fc: {  	v4 =	vperm.xlane v3, v0;
	_ =	sdelay $0x1  }
0x2fd: {  	v4 =	vadd.s32 v1, v4;
	_ =	sdelay $0x1  }
0x2fe: {  	v3 =	vperm.xlane v3, v2;
	_ =	sdelay $0x1  }
0x2ff: {  	s7 =	simm.s32 $0x7000;
	v3 =	vadd.s32 v1, v3  }
0x300: {  	[tilespmem:s7], [sflag:$0x1] =	stream.indirect_vreg.gather [hbm4b:s1+s0], $0x80, v4, vm0, $0xb8;
	[tilespmem:$0x1C000] =	vst v63  }
0x301: {  	s7 =	simm.s32 $0x7800  }
0x302: {  	[tilespmem:s7], [sflag:$0x1] =	stream.indirect_vreg.gather [hbm4b:s3+s0], $0x80, v4, vm1, $0xb8;
	[tilespmem:$0x1C000] =	vst v63  }
0x303: {  	s7 =	simm.s32 $0x7C00  }
0x304: {  	[tilespmem:s7], [sflag:$0x1] =	stream.indirect_vreg.gather [hbm4b:s1+s0], $0x80, v3, vm0, $0xb8;
	[tilespmem:$0x1C000] =	vst v63  }
0x305: {  	s7 =	simm.s32 $0x8400  }
0x306: {  	[tilespmem:s7], [sflag:$0x1] =	stream.indirect_vreg.gather [hbm4b:s3+s0], $0x80, v3, vm1, $0xb8;
	[tilespmem:$0x1C000] =	vst v63  }
0x307: {  	v3 =	vld [tilespmem:$0x350];
	_ =	sdelay $0x4  }
0x308: {  	v63 =	vshrl.u32 v3, $0x2  }
0x309: {  	v4 =	vmul.u32 $0xC, v63  }
0x30a: {  	v3 =	vand.u32 $0x3, v3  }
0x30b: {  	v3 =	vor.u32 v3, v4  }
0x30c: {  	v4 =	vperm.xlane v3, v0;
	_ =	sdelay $0x1  }
0x30d: {  	v4 =	vadd.s32 v1, v4;
	_ =	sdelay $0x1  }
0x30e: {  	v3 =	vperm.xlane v3, v2;
	_ =	sdelay $0x1  }
0x30f: {  	s7 =	simm.s32 $0x8800;
	v3 =	vadd.s32 v1, v3  }
0x310: {  	[tilespmem:s7], [sflag:$0x1] =	stream.indirect_vreg.gather [hbm4b:s1+s0], $0x80, v4, vm0, $0xb8;
	[tilespmem:$0x1C000] =	vst v63  }
0x311: {  	s7 =	simm.s32 $0x9000  }
0x312: {  	[tilespmem:s7], [sflag:$0x1] =	stream.indirect_vreg.gather [hbm4b:s3+s0], $0x80, v4, vm1, $0xb8;
	[tilespmem:$0x1C000] =	vst v63  }
0x313: {  	s7 =	simm.s32 $0x9400  }
0x314: {  	[tilespmem:s7], [sflag:$0x1] =	stream.indirect_vreg.gather [hbm4b:s1+s0], $0x80, v3, vm0, $0xb8;
	[tilespmem:$0x1C000] =	vst v63  }
0x315: {  	s6 =	simm.s32 $0x9C00;
	s7 =	simm.s32 $0x3  }
0x316: {  	[tilespmem:s6], [sflag:$0x1] =	stream.indirect_vreg.gather [hbm4b:s3+s0], $0x80, v3, vm1, $0xb8;
	[tilespmem:$0x1C000] =	vst v63  }
0x317: {  	_ =	swait.ge [sflag:s7], $0x9000  }
0x318: {  	[sflag:s7] =	ssyncset.done $0x0  }
0x319: {  	s1 =	simm.s32 $0x13000;
	s3 =	sadd.s32 $0x0, s11;
	[sflag:s7] =	ssyncadd.s32 $0xFFFF7000  }
0x31a: {  	[hbm4b:s3+s4] =	stream.strided.scatter [tilespmem:s1], [sflag:$0x6], $0x400, s25, s4, $0x38;
	[tilespmem:$0x1C000] =	vst v63  }
0x31b: {  	s6 =	simm.s32 $0x13400;
	s0 =	simm.s32 $0x180;
	s7 =	sadd.s32 $0x40, s3  }
0x31c: {  	[hbm4b:s7+s4] =	stream.strided.scatter [tilespmem:s6], [sflag:$0x6], $0x400, s25, s4, $0x38;
	[tilespmem:$0x1C000] =	vst v63  }
0x31d: {  	s1 =	simm.s32 $0x13800;
	s6 =	sadd.s32 $0x80, s3;
	s3 =	simm.s32 $0x13C00  }
.LBB2_12:
0x31e: {  	[hbm4b:s6+s4] =	stream.strided.scatter [tilespmem:s1], [sflag:$0x6], $0x400, s25, s4, $0x38;
	[tilespmem:$0x1C000] =	vst v63  }
0x31f: {  	p0 =	sne.s32 s0, $0x1080  }
.Ltmp5:
0x320: {  	s6 =	sadd.s32 s0, s11;
	(pc) =	sbr.rel @p0 .LBB2_12-.Ltmp5, $4  }
0x321: {  	[hbm4b:s6+s4] =	stream.strided.scatter [tilespmem:s3], [sflag:$0x6], $0x400, s25, s4, $0x38;
	[tilespmem:$0x1C000] =	vst v63  }
0x322: {  	s1 =	sadd.s32 $0x400, s3;
	s0 =	sadd.s32 $0x180, s0;
	s7 =	sadd.s32 $0x40, s6  }
0x323: {  	[hbm4b:s7+s4] =	stream.strided.scatter [tilespmem:s1], [sflag:$0x6], $0x400, s25, s4, $0x38;
	[tilespmem:$0x1C000] =	vst v63  }
0x324: {  	s6 =	sadd.s32 $0x80, s6;
	s1 =	sadd.s32 $0x800, s3;
	s3 =	sadd.s32 $0xC00, s3  }
0x325: {  	[hbm4b:s6+s4] =	stream.strided.scatter [tilespmem:s1], [sflag:$0x6], $0x400, s25, s4, $0x38;
	[tilespmem:$0x1C000] =	vst v63  }
0x326: {  	s0 =	simm.s32 $0x5  }
0x327: {  	_ =	swait.ge [sflag:s0], $0x9000  }
0x328: {  	[sflag:s0] =	ssyncset.done $0x0  }
0x329: {  	[sflag:s0] =	ssyncadd.s32 $0xFFFF7000  }
0x32a: {  	v3 =	vld [tilespmem:$0x380];
	_ =	sdelay $0x4  }
0x32b: {  	v4 =	vshrl.u32 v3, $0x2  }
0x32c: {  	v4 =	vmul.u32 $0xC, v4  }
0x32d: {  	v3 =	vand.u32 $0x3, v3  }
0x32e: {  	v3 =	vor.u32 v3, v4  }
0x32f: {  	v4 =	vperm.xlane v3, v0;
	_ =	sdelay $0x1  }
0x330: {  	v4 =	vadd.s32 v1, v4;
	_ =	sdelay $0x1  }
0x331: {  	v3 =	vperm.xlane v3, v2;
	_ =	sdelay $0x1  }
0x332: {  	s3 =	simm.s32 $0xA000;
	s0 =	simm.s32 $0x0;
	s1 =	rddreg [dreg:$0x0];
	v3 =	vadd.s32 v1, v3  }
0x333: {  	[tilespmem:s3], [sflag:$0x2] =	stream.indirect_vreg.gather [hbm4b:s1+s0], $0x80, v4, vm0, $0xb8;
	[tilespmem:$0x1C000] =	vst v63  }
0x334: {  	s7 =	simm.s32 $0xA800;
	s3 =	rddreg [dreg:$0x5]  }
0x335: {  	[tilespmem:s7], [sflag:$0x2] =	stream.indirect_vreg.gather [hbm4b:s3+s0], $0x80, v4, vm1, $0xb8;
	[tilespmem:$0x1C000] =	vst v63  }
0x336: {  	s7 =	simm.s32 $0xAC00  }
0x337: {  	[tilespmem:s7], [sflag:$0x2] =	stream.indirect_vreg.gather [hbm4b:s1+s0], $0x80, v3, vm0, $0xb8;
	[tilespmem:$0x1C000] =	vst v63  }
0x338: {  	s7 =	simm.s32 $0xB400  }
0x339: {  	[tilespmem:s7], [sflag:$0x2] =	stream.indirect_vreg.gather [hbm4b:s3+s0], $0x80, v3, vm1, $0xb8;
	[tilespmem:$0x1C000] =	vst v63  }
0x33a: {  	v3 =	vld [tilespmem:$0x390];
	_ =	sdelay $0x4  }
0x33b: {  	v59 =	vshrl.u32 v3, $0x2  }
0x33c: {  	v4 =	vmul.u32 $0xC, v59  }
0x33d: {  	v3 =	vand.u32 $0x3, v3  }
0x33e: {  	v3 =	vor.u32 v3, v4  }
0x33f: {  	v4 =	vperm.xlane v3, v0;
	_ =	sdelay $0x1  }
0x340: {  	v4 =	vadd.s32 v1, v4;
	_ =	sdelay $0x1  }
0x341: {  	v3 =	vperm.xlane v3, v2;
	_ =	sdelay $0x1  }
0x342: {  	s7 =	simm.s32 $0xB800;
	v3 =	vadd.s32 v1, v3  }
0x343: {  	[tilespmem:s7], [sflag:$0x2] =	stream.indirect_vreg.gather [hbm4b:s1+s0], $0x80, v4, vm0, $0xb8;
	[tilespmem:$0x1C000] =	vst v63  }
0x344: {  	s7 =	simm.s32 $0xC000  }
0x345: {  	[tilespmem:s7], [sflag:$0x2] =	stream.indirect_vreg.gather [hbm4b:s3+s0], $0x80, v4, vm1, $0xb8;
	[tilespmem:$0x1C000] =	vst v63  }
0x346: {  	s7 =	simm.s32 $0xC400  }
0x347: {  	[tilespmem:s7], [sflag:$0x2] =	stream.indirect_vreg.gather [hbm4b:s1+s0], $0x80, v3, vm0, $0xb8;
	[tilespmem:$0x1C000] =	vst v63  }
0x348: {  	s7 =	simm.s32 $0xCC00  }
0x349: {  	[tilespmem:s7], [sflag:$0x2] =	stream.indirect_vreg.gather [hbm4b:s3+s0], $0x80, v3, vm1, $0xb8;
	[tilespmem:$0x1C000] =	vst v63  }
0x34a: {  	v3 =	vld [tilespmem:$0x3A0];
	_ =	sdelay $0x4  }
0x34b: {  	v60 =	vshrl.u32 v3, $0x2  }
0x34c: {  	v4 =	vmul.u32 $0xC, v60  }
0x34d: {  	v3 =	vand.u32 $0x3, v3  }
0x34e: {  	v3 =	vor.u32 v3, v4  }
0x34f: {  	v4 =	vperm.xlane v3, v0;
	_ =	sdelay $0x1  }
0x350: {  	v4 =	vadd.s32 v1, v4;
	_ =	sdelay $0x1  }
0x351: {  	v3 =	vperm.xlane v3, v2;
	_ =	sdelay $0x1  }
0x352: {  	s7 =	simm.s32 $0xD000;
	v3 =	vadd.s32 v1, v3  }
0x353: {  	[tilespmem:s7], [sflag:$0x2] =	stream.indirect_vreg.gather [hbm4b:s1+s0], $0x80, v4, vm0, $0xb8;
	[tilespmem:$0x1C000] =	vst v63  }
0x354: {  	s7 =	simm.s32 $0xD800  }
0x355: {  	[tilespmem:s7], [sflag:$0x2] =	stream.indirect_vreg.gather [hbm4b:s3+s0], $0x80, v4, vm1, $0xb8;
	[tilespmem:$0x1C000] =	vst v63  }
0x356: {  	s7 =	simm.s32 $0xDC00  }
0x357: {  	[tilespmem:s7], [sflag:$0x2] =	stream.indirect_vreg.gather [hbm4b:s1+s0], $0x80, v3, vm0, $0xb8;
	[tilespmem:$0x1C000] =	vst v63  }
0x358: {  	s7 =	simm.s32 $0xE400  }
0x359: {  	[tilespmem:s7], [sflag:$0x2] =	stream.indirect_vreg.gather [hbm4b:s3+s0], $0x80, v3, vm1, $0xb8;
	[tilespmem:$0x1C000] =	vst v63  }
0x35a: {  	v3 =	vld [tilespmem:$0x3B0];
	_ =	sdelay $0x4  }
0x35b: {  	v61 =	vshrl.u32 v3, $0x2  }
0x35c: {  	v4 =	vmul.u32 $0xC, v61  }
0x35d: {  	v3 =	vand.u32 $0x3, v3  }
0x35e: {  	v3 =	vor.u32 v3, v4  }
0x35f: {  	v4 =	vperm.xlane v3, v0;
	_ =	sdelay $0x1  }
0x360: {  	v4 =	vadd.s32 v1, v4;
	_ =	sdelay $0x1  }
0x361: {  	v3 =	vperm.xlane v3, v2;
	_ =	sdelay $0x1  }
0x362: {  	s7 =	simm.s32 $0xE800;
	v3 =	vadd.s32 v1, v3  }
0x363: {  	[tilespmem:s7], [sflag:$0x2] =	stream.indirect_vreg.gather [hbm4b:s1+s0], $0x80, v4, vm0, $0xb8;
	[tilespmem:$0x1C000] =	vst v63  }
0x364: {  	s7 =	simm.s32 $0xF000  }
0x365: {  	[tilespmem:s7], [sflag:$0x2] =	stream.indirect_vreg.gather [hbm4b:s3+s0], $0x80, v4, vm1, $0xb8;
	[tilespmem:$0x1C000] =	vst v63  }
0x366: {  	s7 =	simm.s32 $0xF400  }
0x367: {  	[tilespmem:s7], [sflag:$0x2] =	stream.indirect_vreg.gather [hbm4b:s1+s0], $0x80, v3, vm0, $0xb8;
	[tilespmem:$0x1C000] =	vst v63  }
0x368: {  	s7 =	simm.s32 $0xFC00  }
0x369: {  	[tilespmem:s7], [sflag:$0x2] =	stream.indirect_vreg.gather [hbm4b:s3+s0], $0x80, v3, vm1, $0xb8;
	[tilespmem:$0x1C000] =	vst v63  }
0x36a: {  	v3 =	vld [tilespmem:$0x3C0];
	_ =	sdelay $0x4  }
0x36b: {  	v62 =	vshrl.u32 v3, $0x2  }
0x36c: {  	v4 =	vmul.u32 $0xC, v62  }
0x36d: {  	v3 =	vand.u32 $0x3, v3  }
0x36e: {  	v3 =	vor.u32 v3, v4  }
0x36f: {  	v4 =	vperm.xlane v3, v0;
	_ =	sdelay $0x1  }
0x370: {  	v4 =	vadd.s32 v1, v4;
	_ =	sdelay $0x1  }
0x371: {  	v3 =	vperm.xlane v3, v2;
	_ =	sdelay $0x1  }
0x372: {  	s7 =	simm.s32 $0x10000;
	v3 =	vadd.s32 v1, v3  }
0x373: {  	[tilespmem:s7], [sflag:$0x2] =	stream.indirect_vreg.gather [hbm4b:s1+s0], $0x80, v4, vm0, $0xb8;
	[tilespmem:$0x1C000] =	vst v63  }
0x374: {  	s7 =	simm.s32 $0x10800  }
0x375: {  	[tilespmem:s7], [sflag:$0x2] =	stream.indirect_vreg.gather [hbm4b:s3+s0], $0x80, v4, vm1, $0xb8;
	[tilespmem:$0x1C000] =	vst v63  }
0x376: {  	s7 =	simm.s32 $0x10C00  }
0x377: {  	[tilespmem:s7], [sflag:$0x2] =	stream.indirect_vreg.gather [hbm4b:s1+s0], $0x80, v3, vm0, $0xb8;
	[tilespmem:$0x1C000] =	vst v63  }
0x378: {  	s7 =	simm.s32 $0x11400  }
0x379: {  	[tilespmem:s7], [sflag:$0x2] =	stream.indirect_vreg.gather [hbm4b:s3+s0], $0x80, v3, vm1, $0xb8;
	[tilespmem:$0x1C000] =	vst v63  }
0x37a: {  	v3 =	vld [tilespmem:$0x3D0];
	_ =	sdelay $0x4  }
0x37b: {  	v63 =	vshrl.u32 v3, $0x2  }
0x37c: {  	v4 =	vmul.u32 $0xC, v63  }
0x37d: {  	v3 =	vand.u32 $0x3, v3  }
0x37e: {  	v3 =	vor.u32 v3, v4  }
0x37f: {  	v4 =	vperm.xlane v3, v0;
	_ =	sdelay $0x1  }
0x380: {  	v4 =	vadd.s32 v1, v4;
	_ =	sdelay $0x1  }
0x381: {  	v3 =	vperm.xlane v3, v2;
	_ =	sdelay $0x1  }
0x382: {  	s7 =	simm.s32 $0x11800;
	v3 =	vadd.s32 v1, v3  }
0x383: {  	[tilespmem:s7], [sflag:$0x2] =	stream.indirect_vreg.gather [hbm4b:s1+s0], $0x80, v4, vm0, $0xb8;
	[tilespmem:$0x1C000] =	vst v63  }
0x384: {  	s7 =	simm.s32 $0x12000  }
0x385: {  	[tilespmem:s7], [sflag:$0x2] =	stream.indirect_vreg.gather [hbm4b:s3+s0], $0x80, v4, vm1, $0xb8;
	[tilespmem:$0x1C000] =	vst v63  }
0x386: {  	s7 =	simm.s32 $0x12400  }
0x387: {  	[tilespmem:s7], [sflag:$0x2] =	stream.indirect_vreg.gather [hbm4b:s1+s0], $0x80, v3, vm0, $0xb8;
	[tilespmem:$0x1C000] =	vst v63  }
0x388: {  	s6 =	simm.s32 $0x12C00;
	s7 =	simm.s32 $0x1  }
0x389: {  	[tilespmem:s6], [sflag:$0x2] =	stream.indirect_vreg.gather [hbm4b:s3+s0], $0x80, v3, vm1, $0xb8;
	[tilespmem:$0x1C000] =	vst v63  }
0x38a: {  	_ =	swait.ge [sflag:s7], $0x9000  }
0x38b: {  	[sflag:s7] =	ssyncset.done $0x0  }
0x38c: {  	s1 =	simm.s32 $0x1000;
	s3 =	sadd.s32 $0x0, s12;
	[sflag:s7] =	ssyncadd.s32 $0xFFFF7000  }
0x38d: {  	[hbm4b:s3+s4] =	stream.strided.scatter [tilespmem:s1], [sflag:$0x4], $0x400, s25, s4, $0x38;
	[tilespmem:$0x1C000] =	vst v63  }
0x38e: {  	s6 =	simm.s32 $0x1400;
	s0 =	simm.s32 $0x180;
	s7 =	sadd.s32 $0x40, s3  }
0x38f: {  	[hbm4b:s7+s4] =	stream.strided.scatter [tilespmem:s6], [sflag:$0x4], $0x400, s25, s4, $0x38;
	[tilespmem:$0x1C000] =	vst v63  }
0x390: {  	s1 =	simm.s32 $0x1800;
	s6 =	sadd.s32 $0x80, s3;
	s3 =	simm.s32 $0x1C00  }
.LBB2_14:
0x391: {  	[hbm4b:s6+s4] =	stream.strided.scatter [tilespmem:s1], [sflag:$0x4], $0x400, s25, s4, $0x38;
	[tilespmem:$0x1C000] =	vst v63  }
0x392: {  	p0 =	sne.s32 s0, $0x1080  }
.Ltmp6:
0x393: {  	s6 =	sadd.s32 s0, s12;
	(pc) =	sbr.rel @p0 .LBB2_14-.Ltmp6, $4  }
0x394: {  	[hbm4b:s6+s4] =	stream.strided.scatter [tilespmem:s3], [sflag:$0x4], $0x400, s25, s4, $0x38;
	[tilespmem:$0x1C000] =	vst v63  }
0x395: {  	s1 =	sadd.s32 $0x400, s3;
	s0 =	sadd.s32 $0x180, s0;
	s7 =	sadd.s32 $0x40, s6  }
0x396: {  	[hbm4b:s7+s4] =	stream.strided.scatter [tilespmem:s1], [sflag:$0x4], $0x400, s25, s4, $0x38;
	[tilespmem:$0x1C000] =	vst v63  }
0x397: {  	s6 =	sadd.s32 $0x80, s6;
	s1 =	sadd.s32 $0x800, s3;
	s3 =	sadd.s32 $0xC00, s3  }
0x398: {  	[hbm4b:s6+s4] =	stream.strided.scatter [tilespmem:s1], [sflag:$0x4], $0x400, s25, s4, $0x38;
	[tilespmem:$0x1C000] =	vst v63  }
0x399: {  	s0 =	simm.s32 $0x6  }
0x39a: {  	_ =	swait.ge [sflag:s0], $0x9000  }
0x39b: {  	[sflag:s0] =	ssyncset.done $0x0  }
0x39c: {  	[sflag:s0] =	ssyncadd.s32 $0xFFFF7000  }
0x39d: {  	v3 =	vld [tilespmem:$0x400];
	_ =	sdelay $0x4  }
0x39e: {  	v4 =	vshrl.u32 v3, $0x2  }
0x39f: {  	v4 =	vmul.u32 $0xC, v4  }
0x3a0: {  	v3 =	vand.u32 $0x3, v3  }
0x3a1: {  	v3 =	vor.u32 v3, v4  }
0x3a2: {  	v4 =	vperm.xlane v3, v0;
	_ =	sdelay $0x1  }
0x3a3: {  	v4 =	vadd.s32 v1, v4;
	_ =	sdelay $0x1  }
0x3a4: {  	v3 =	vperm.xlane v3, v2;
	_ =	sdelay $0x1  }
0x3a5: {  	s3 =	simm.s32 $0x13000;
	s0 =	simm.s32 $0x0;
	s1 =	rddreg [dreg:$0x0];
	v3 =	vadd.s32 v1, v3  }
0x3a6: {  	[tilespmem:s3], [sflag:$0x3] =	stream.indirect_vreg.gather [hbm4b:s1+s0], $0x80, v4, vm0, $0xb8;
	[tilespmem:$0x1C000] =	vst v63  }
0x3a7: {  	s7 =	simm.s32 $0x13800;
	s3 =	rddreg [dreg:$0x5]  }
0x3a8: {  	[tilespmem:s7], [sflag:$0x3] =	stream.indirect_vreg.gather [hbm4b:s3+s0], $0x80, v4, vm1, $0xb8;
	[tilespmem:$0x1C000] =	vst v63  }
0x3a9: {  	s7 =	simm.s32 $0x13C00  }
0x3aa: {  	[tilespmem:s7], [sflag:$0x3] =	stream.indirect_vreg.gather [hbm4b:s1+s0], $0x80, v3, vm0, $0xb8;
	[tilespmem:$0x1C000] =	vst v63  }
0x3ab: {  	s7 =	simm.s32 $0x14400  }
0x3ac: {  	[tilespmem:s7], [sflag:$0x3] =	stream.indirect_vreg.gather [hbm4b:s3+s0], $0x80, v3, vm1, $0xb8;
	[tilespmem:$0x1C000] =	vst v63  }
0x3ad: {  	v3 =	vld [tilespmem:$0x410];
	_ =	sdelay $0x4  }
0x3ae: {  	v59 =	vshrl.u32 v3, $0x2  }
0x3af: {  	v4 =	vmul.u32 $0xC, v59  }
0x3b0: {  	v3 =	vand.u32 $0x3, v3  }
0x3b1: {  	v3 =	vor.u32 v3, v4  }
0x3b2: {  	v4 =	vperm.xlane v3, v0;
	_ =	sdelay $0x1  }
0x3b3: {  	v4 =	vadd.s32 v1, v4;
	_ =	sdelay $0x1  }
0x3b4: {  	v3 =	vperm.xlane v3, v2;
	_ =	sdelay $0x1  }
0x3b5: {  	s7 =	simm.s32 $0x14800;
	v3 =	vadd.s32 v1, v3  }
0x3b6: {  	[tilespmem:s7], [sflag:$0x3] =	stream.indirect_vreg.gather [hbm4b:s1+s0], $0x80, v4, vm0, $0xb8;
	[tilespmem:$0x1C000] =	vst v63  }
0x3b7: {  	s7 =	simm.s32 $0x15000  }
0x3b8: {  	[tilespmem:s7], [sflag:$0x3] =	stream.indirect_vreg.gather [hbm4b:s3+s0], $0x80, v4, vm1, $0xb8;
	[tilespmem:$0x1C000] =	vst v63  }
0x3b9: {  	s7 =	simm.s32 $0x15400  }
0x3ba: {  	[tilespmem:s7], [sflag:$0x3] =	stream.indirect_vreg.gather [hbm4b:s1+s0], $0x80, v3, vm0, $0xb8;
	[tilespmem:$0x1C000] =	vst v63  }
0x3bb: {  	s7 =	simm.s32 $0x15C00  }
0x3bc: {  	[tilespmem:s7], [sflag:$0x3] =	stream.indirect_vreg.gather [hbm4b:s3+s0], $0x80, v3, vm1, $0xb8;
	[tilespmem:$0x1C000] =	vst v63  }
0x3bd: {  	v3 =	vld [tilespmem:$0x420];
	_ =	sdelay $0x4  }
0x3be: {  	v60 =	vshrl.u32 v3, $0x2  }
0x3bf: {  	v4 =	vmul.u32 $0xC, v60  }
0x3c0: {  	v3 =	vand.u32 $0x3, v3  }
0x3c1: {  	v3 =	vor.u32 v3, v4  }
0x3c2: {  	v4 =	vperm.xlane v3, v0;
	_ =	sdelay $0x1  }
0x3c3: {  	v4 =	vadd.s32 v1, v4;
	_ =	sdelay $0x1  }
0x3c4: {  	v3 =	vperm.xlane v3, v2;
	_ =	sdelay $0x1  }
0x3c5: {  	s7 =	simm.s32 $0x16000;
	v3 =	vadd.s32 v1, v3  }
0x3c6: {  	[tilespmem:s7], [sflag:$0x3] =	stream.indirect_vreg.gather [hbm4b:s1+s0], $0x80, v4, vm0, $0xb8;
	[tilespmem:$0x1C000] =	vst v63  }
0x3c7: {  	s7 =	simm.s32 $0x16800  }
0x3c8: {  	[tilespmem:s7], [sflag:$0x3] =	stream.indirect_vreg.gather [hbm4b:s3+s0], $0x80, v4, vm1, $0xb8;
	[tilespmem:$0x1C000] =	vst v63  }
0x3c9: {  	s7 =	simm.s32 $0x16C00  }
0x3ca: {  	[tilespmem:s7], [sflag:$0x3] =	stream.indirect_vreg.gather [hbm4b:s1+s0], $0x80, v3, vm0, $0xb8;
	[tilespmem:$0x1C000] =	vst v63  }
0x3cb: {  	s7 =	simm.s32 $0x17400  }
0x3cc: {  	[tilespmem:s7], [sflag:$0x3] =	stream.indirect_vreg.gather [hbm4b:s3+s0], $0x80, v3, vm1, $0xb8;
	[tilespmem:$0x1C000] =	vst v63  }
0x3cd: {  	v3 =	vld [tilespmem:$0x430];
	_ =	sdelay $0x4  }
0x3ce: {  	v61 =	vshrl.u32 v3, $0x2  }
0x3cf: {  	v4 =	vmul.u32 $0xC, v61  }
0x3d0: {  	v3 =	vand.u32 $0x3, v3  }
0x3d1: {  	v3 =	vor.u32 v3, v4  }
0x3d2: {  	v4 =	vperm.xlane v3, v0;
	_ =	sdelay $0x1  }
0x3d3: {  	v4 =	vadd.s32 v1, v4;
	_ =	sdelay $0x1  }
0x3d4: {  	v3 =	vperm.xlane v3, v2;
	_ =	sdelay $0x1  }
0x3d5: {  	s7 =	simm.s32 $0x17800;
	v3 =	vadd.s32 v1, v3  }
0x3d6: {  	[tilespmem:s7], [sflag:$0x3] =	stream.indirect_vreg.gather [hbm4b:s1+s0], $0x80, v4, vm0, $0xb8;
	[tilespmem:$0x1C000] =	vst v63  }
0x3d7: {  	s7 =	simm.s32 $0x18000  }
0x3d8: {  	[tilespmem:s7], [sflag:$0x3] =	stream.indirect_vreg.gather [hbm4b:s3+s0], $0x80, v4, vm1, $0xb8;
	[tilespmem:$0x1C000] =	vst v63  }
0x3d9: {  	s7 =	simm.s32 $0x18400  }
0x3da: {  	[tilespmem:s7], [sflag:$0x3] =	stream.indirect_vreg.gather [hbm4b:s1+s0], $0x80, v3, vm0, $0xb8;
	[tilespmem:$0x1C000] =	vst v63  }
0x3db: {  	s7 =	simm.s32 $0x18C00  }
0x3dc: {  	[tilespmem:s7], [sflag:$0x3] =	stream.indirect_vreg.gather [hbm4b:s3+s0], $0x80, v3, vm1, $0xb8;
	[tilespmem:$0x1C000] =	vst v63  }
0x3dd: {  	v3 =	vld [tilespmem:$0x440];
	_ =	sdelay $0x4  }
0x3de: {  	v62 =	vshrl.u32 v3, $0x2  }
0x3df: {  	v4 =	vmul.u32 $0xC, v62  }
0x3e0: {  	v3 =	vand.u32 $0x3, v3  }
0x3e1: {  	v3 =	vor.u32 v3, v4  }
0x3e2: {  	v4 =	vperm.xlane v3, v0;
	_ =	sdelay $0x1  }
0x3e3: {  	v4 =	vadd.s32 v1, v4;
	_ =	sdelay $0x1  }
0x3e4: {  	v3 =	vperm.xlane v3, v2;
	_ =	sdelay $0x1  }
0x3e5: {  	s7 =	simm.s32 $0x19000;
	v3 =	vadd.s32 v1, v3  }
0x3e6: {  	[tilespmem:s7], [sflag:$0x3] =	stream.indirect_vreg.gather [hbm4b:s1+s0], $0x80, v4, vm0, $0xb8;
	[tilespmem:$0x1C000] =	vst v63  }
0x3e7: {  	s7 =	simm.s32 $0x19800  }
0x3e8: {  	[tilespmem:s7], [sflag:$0x3] =	stream.indirect_vreg.gather [hbm4b:s3+s0], $0x80, v4, vm1, $0xb8;
	[tilespmem:$0x1C000] =	vst v63  }
0x3e9: {  	s7 =	simm.s32 $0x19C00  }
0x3ea: {  	[tilespmem:s7], [sflag:$0x3] =	stream.indirect_vreg.gather [hbm4b:s1+s0], $0x80, v3, vm0, $0xb8;
	[tilespmem:$0x1C000] =	vst v63  }
0x3eb: {  	s7 =	simm.s32 $0x1A400  }
0x3ec: {  	[tilespmem:s7], [sflag:$0x3] =	stream.indirect_vreg.gather [hbm4b:s3+s0], $0x80, v3, vm1, $0xb8;
	[tilespmem:$0x1C000] =	vst v63  }
0x3ed: {  	v3 =	vld [tilespmem:$0x450];
	_ =	sdelay $0x4  }
0x3ee: {  	v63 =	vshrl.u32 v3, $0x2  }
0x3ef: {  	v4 =	vmul.u32 $0xC, v63  }
0x3f0: {  	v3 =	vand.u32 $0x3, v3  }
0x3f1: {  	v3 =	vor.u32 v3, v4  }
0x3f2: {  	v4 =	vperm.xlane v3, v0;
	_ =	sdelay $0x1  }
0x3f3: {  	v4 =	vadd.s32 v1, v4;
	_ =	sdelay $0x1  }
0x3f4: {  	v3 =	vperm.xlane v3, v2;
	_ =	sdelay $0x1  }
0x3f5: {  	s7 =	simm.s32 $0x1A800;
	v3 =	vadd.s32 v1, v3  }
0x3f6: {  	[tilespmem:s7], [sflag:$0x3] =	stream.indirect_vreg.gather [hbm4b:s1+s0], $0x80, v4, vm0, $0xb8;
	[tilespmem:$0x1C000] =	vst v63  }
0x3f7: {  	s7 =	simm.s32 $0x1B000  }
0x3f8: {  	[tilespmem:s7], [sflag:$0x3] =	stream.indirect_vreg.gather [hbm4b:s3+s0], $0x80, v4, vm1, $0xb8;
	[tilespmem:$0x1C000] =	vst v63  }
0x3f9: {  	s7 =	simm.s32 $0x1B400  }
0x3fa: {  	[tilespmem:s7], [sflag:$0x3] =	stream.indirect_vreg.gather [hbm4b:s1+s0], $0x80, v3, vm0, $0xb8;
	[tilespmem:$0x1C000] =	vst v63  }
0x3fb: {  	s6 =	simm.s32 $0x1BC00;
	s7 =	simm.s32 $0x2  }
0x3fc: {  	[tilespmem:s6], [sflag:$0x3] =	stream.indirect_vreg.gather [hbm4b:s3+s0], $0x80, v3, vm1, $0xb8;
	[tilespmem:$0x1C000] =	vst v63  }
0x3fd: {  	_ =	swait.ge [sflag:s7], $0x9000  }
0x3fe: {  	[sflag:s7] =	ssyncset.done $0x0  }
0x3ff: {  	s1 =	simm.s32 $0xA000;
	s3 =	sadd.s32 $0x0, s13;
	[sflag:s7] =	ssyncadd.s32 $0xFFFF7000  }
0x400: {  	[hbm4b:s3+s4] =	stream.strided.scatter [tilespmem:s1], [sflag:$0x5], $0x400, s25, s4, $0x38;
	[tilespmem:$0x1C000] =	vst v63  }
0x401: {  	s6 =	simm.s32 $0xA400;
	s0 =	simm.s32 $0x180;
	s7 =	sadd.s32 $0x40, s3  }
0x402: {  	[hbm4b:s7+s4] =	stream.strided.scatter [tilespmem:s6], [sflag:$0x5], $0x400, s25, s4, $0x38;
	[tilespmem:$0x1C000] =	vst v63  }
0x403: {  	s1 =	simm.s32 $0xA800;
	s6 =	sadd.s32 $0x80, s3;
	s3 =	simm.s32 $0xAC00  }
.LBB2_16:
0x404: {  	[hbm4b:s6+s4] =	stream.strided.scatter [tilespmem:s1], [sflag:$0x5], $0x400, s25, s4, $0x38;
	[tilespmem:$0x1C000] =	vst v63  }
0x405: {  	p0 =	sne.s32 s0, $0x1080  }
.Ltmp7:
0x406: {  	s6 =	sadd.s32 s0, s13;
	(pc) =	sbr.rel @p0 .LBB2_16-.Ltmp7, $4  }
0x407: {  	[hbm4b:s6+s4] =	stream.strided.scatter [tilespmem:s3], [sflag:$0x5], $0x400, s25, s4, $0x38;
	[tilespmem:$0x1C000] =	vst v63  }
0x408: {  	s1 =	sadd.s32 $0x400, s3;
	s0 =	sadd.s32 $0x180, s0;
	s7 =	sadd.s32 $0x40, s6  }
0x409: {  	[hbm4b:s7+s4] =	stream.strided.scatter [tilespmem:s1], [sflag:$0x5], $0x400, s25, s4, $0x38;
	[tilespmem:$0x1C000] =	vst v63  }
0x40a: {  	s6 =	sadd.s32 $0x80, s6;
	s1 =	sadd.s32 $0x800, s3;
	s3 =	sadd.s32 $0xC00, s3  }
0x40b: {  	[hbm4b:s6+s4] =	stream.strided.scatter [tilespmem:s1], [sflag:$0x5], $0x400, s25, s4, $0x38;
	[tilespmem:$0x1C000] =	vst v63  }
0x40c: {  	s0 =	simm.s32 $0x4  }
0x40d: {  	_ =	swait.ge [sflag:s0], $0x9000  }
0x40e: {  	[sflag:s0] =	ssyncset.done $0x0  }
0x40f: {  	[sflag:s0] =	ssyncadd.s32 $0xFFFF7000  }
0x410: {  	v3 =	vld [tilespmem:$0x480];
	_ =	sdelay $0x4  }
0x411: {  	v4 =	vshrl.u32 v3, $0x2  }
0x412: {  	v4 =	vmul.u32 $0xC, v4  }
0x413: {  	v3 =	vand.u32 $0x3, v3  }
0x414: {  	v3 =	vor.u32 v3, v4  }
0x415: {  	v4 =	vperm.xlane v3, v0;
	_ =	sdelay $0x1  }
0x416: {  	v4 =	vadd.s32 v1, v4;
	_ =	sdelay $0x1  }
0x417: {  	v3 =	vperm.xlane v3, v2;
	_ =	sdelay $0x1  }
0x418: {  	s3 =	simm.s32 $0x1000;
	s0 =	simm.s32 $0x0;
	s1 =	rddreg [dreg:$0x0];
	v3 =	vadd.s32 v1, v3  }
0x419: {  	[tilespmem:s3], [sflag:$0x1] =	stream.indirect_vreg.gather [hbm4b:s1+s0], $0x80, v4, vm0, $0xb8;
	[tilespmem:$0x1C000] =	vst v63  }
0x41a: {  	s7 =	simm.s32 $0x1800;
	s3 =	rddreg [dreg:$0x5]  }
0x41b: {  	[tilespmem:s7], [sflag:$0x1] =	stream.indirect_vreg.gather [hbm4b:s3+s0], $0x80, v4, vm1, $0xb8;
	[tilespmem:$0x1C000] =	vst v63  }
0x41c: {  	s7 =	simm.s32 $0x1C00  }
0x41d: {  	[tilespmem:s7], [sflag:$0x1] =	stream.indirect_vreg.gather [hbm4b:s1+s0], $0x80, v3, vm0, $0xb8;
	[tilespmem:$0x1C000] =	vst v63  }
0x41e: {  	s7 =	simm.s32 $0x2400  }
0x41f: {  	[tilespmem:s7], [sflag:$0x1] =	stream.indirect_vreg.gather [hbm4b:s3+s0], $0x80, v3, vm1, $0xb8;
	[tilespmem:$0x1C000] =	vst v63  }
0x420: {  	v3 =	vld [tilespmem:$0x490];
	_ =	sdelay $0x4  }
0x421: {  	v59 =	vshrl.u32 v3, $0x2  }
0x422: {  	v4 =	vmul.u32 $0xC, v59  }
0x423: {  	v3 =	vand.u32 $0x3, v3  }
0x424: {  	v3 =	vor.u32 v3, v4  }
0x425: {  	v4 =	vperm.xlane v3, v0;
	_ =	sdelay $0x1  }
0x426: {  	v4 =	vadd.s32 v1, v4;
	_ =	sdelay $0x1  }
0x427: {  	v3 =	vperm.xlane v3, v2;
	_ =	sdelay $0x1  }
0x428: {  	s7 =	simm.s32 $0x2800;
	v3 =	vadd.s32 v1, v3  }
0x429: {  	[tilespmem:s7], [sflag:$0x1] =	stream.indirect_vreg.gather [hbm4b:s1+s0], $0x80, v4, vm0, $0xb8;
	[tilespmem:$0x1C000] =	vst v63  }
0x42a: {  	s7 =	simm.s32 $0x3000  }
0x42b: {  	[tilespmem:s7], [sflag:$0x1] =	stream.indirect_vreg.gather [hbm4b:s3+s0], $0x80, v4, vm1, $0xb8;
	[tilespmem:$0x1C000] =	vst v63  }
0x42c: {  	s7 =	simm.s32 $0x3400  }
0x42d: {  	[tilespmem:s7], [sflag:$0x1] =	stream.indirect_vreg.gather [hbm4b:s1+s0], $0x80, v3, vm0, $0xb8;
	[tilespmem:$0x1C000] =	vst v63  }
0x42e: {  	s7 =	simm.s32 $0x3C00  }
0x42f: {  	[tilespmem:s7], [sflag:$0x1] =	stream.indirect_vreg.gather [hbm4b:s3+s0], $0x80, v3, vm1, $0xb8;
	[tilespmem:$0x1C000] =	vst v63  }
0x430: {  	v3 =	vld [tilespmem:$0x4A0];
	_ =	sdelay $0x4  }
0x431: {  	v60 =	vshrl.u32 v3, $0x2  }
0x432: {  	v4 =	vmul.u32 $0xC, v60  }
0x433: {  	v3 =	vand.u32 $0x3, v3  }
0x434: {  	v3 =	vor.u32 v3, v4  }
0x435: {  	v4 =	vperm.xlane v3, v0;
	_ =	sdelay $0x1  }
0x436: {  	v4 =	vadd.s32 v1, v4;
	_ =	sdelay $0x1  }
0x437: {  	v3 =	vperm.xlane v3, v2;
	_ =	sdelay $0x1  }
0x438: {  	s7 =	simm.s32 $0x4000;
	v3 =	vadd.s32 v1, v3  }
0x439: {  	[tilespmem:s7], [sflag:$0x1] =	stream.indirect_vreg.gather [hbm4b:s1+s0], $0x80, v4, vm0, $0xb8;
	[tilespmem:$0x1C000] =	vst v63  }
0x43a: {  	s7 =	simm.s32 $0x4800  }
0x43b: {  	[tilespmem:s7], [sflag:$0x1] =	stream.indirect_vreg.gather [hbm4b:s3+s0], $0x80, v4, vm1, $0xb8;
	[tilespmem:$0x1C000] =	vst v63  }
0x43c: {  	s7 =	simm.s32 $0x4C00  }
0x43d: {  	[tilespmem:s7], [sflag:$0x1] =	stream.indirect_vreg.gather [hbm4b:s1+s0], $0x80, v3, vm0, $0xb8;
	[tilespmem:$0x1C000] =	vst v63  }
0x43e: {  	s7 =	simm.s32 $0x5400  }
0x43f: {  	[tilespmem:s7], [sflag:$0x1] =	stream.indirect_vreg.gather [hbm4b:s3+s0], $0x80, v3, vm1, $0xb8;
	[tilespmem:$0x1C000] =	vst v63  }
0x440: {  	v3 =	vld [tilespmem:$0x4B0];
	_ =	sdelay $0x4  }
0x441: {  	v61 =	vshrl.u32 v3, $0x2  }
0x442: {  	v4 =	vmul.u32 $0xC, v61  }
0x443: {  	v3 =	vand.u32 $0x3, v3  }
0x444: {  	v3 =	vor.u32 v3, v4  }
0x445: {  	v4 =	vperm.xlane v3, v0;
	_ =	sdelay $0x1  }
0x446: {  	v4 =	vadd.s32 v1, v4;
	_ =	sdelay $0x1  }
0x447: {  	v3 =	vperm.xlane v3, v2;
	_ =	sdelay $0x1  }
0x448: {  	s7 =	simm.s32 $0x5800;
	v3 =	vadd.s32 v1, v3  }
0x449: {  	[tilespmem:s7], [sflag:$0x1] =	stream.indirect_vreg.gather [hbm4b:s1+s0], $0x80, v4, vm0, $0xb8;
	[tilespmem:$0x1C000] =	vst v63  }
0x44a: {  	s7 =	simm.s32 $0x6000  }
0x44b: {  	[tilespmem:s7], [sflag:$0x1] =	stream.indirect_vreg.gather [hbm4b:s3+s0], $0x80, v4, vm1, $0xb8;
	[tilespmem:$0x1C000] =	vst v63  }
0x44c: {  	s7 =	simm.s32 $0x6400  }
0x44d: {  	[tilespmem:s7], [sflag:$0x1] =	stream.indirect_vreg.gather [hbm4b:s1+s0], $0x80, v3, vm0, $0xb8;
	[tilespmem:$0x1C000] =	vst v63  }
0x44e: {  	s7 =	simm.s32 $0x6C00  }
0x44f: {  	[tilespmem:s7], [sflag:$0x1] =	stream.indirect_vreg.gather [hbm4b:s3+s0], $0x80, v3, vm1, $0xb8;
	[tilespmem:$0x1C000] =	vst v63  }
0x450: {  	v3 =	vld [tilespmem:$0x4C0];
	_ =	sdelay $0x4  }
0x451: {  	v62 =	vshrl.u32 v3, $0x2  }
0x452: {  	v4 =	vmul.u32 $0xC, v62  }
0x453: {  	v3 =	vand.u32 $0x3, v3  }
0x454: {  	v3 =	vor.u32 v3, v4  }
0x455: {  	v4 =	vperm.xlane v3, v0;
	_ =	sdelay $0x1  }
0x456: {  	v4 =	vadd.s32 v1, v4;
	_ =	sdelay $0x1  }
0x457: {  	v3 =	vperm.xlane v3, v2;
	_ =	sdelay $0x1  }
0x458: {  	s7 =	simm.s32 $0x7000;
	v3 =	vadd.s32 v1, v3  }
0x459: {  	[tilespmem:s7], [sflag:$0x1] =	stream.indirect_vreg.gather [hbm4b:s1+s0], $0x80, v4, vm0, $0xb8;
	[tilespmem:$0x1C000] =	vst v63  }
0x45a: {  	s7 =	simm.s32 $0x7800  }
0x45b: {  	[tilespmem:s7], [sflag:$0x1] =	stream.indirect_vreg.gather [hbm4b:s3+s0], $0x80, v4, vm1, $0xb8;
	[tilespmem:$0x1C000] =	vst v63  }
0x45c: {  	s7 =	simm.s32 $0x7C00  }
0x45d: {  	[tilespmem:s7], [sflag:$0x1] =	stream.indirect_vreg.gather [hbm4b:s1+s0], $0x80, v3, vm0, $0xb8;
	[tilespmem:$0x1C000] =	vst v63  }
0x45e: {  	s7 =	simm.s32 $0x8400  }
0x45f: {  	[tilespmem:s7], [sflag:$0x1] =	stream.indirect_vreg.gather [hbm4b:s3+s0], $0x80, v3, vm1, $0xb8;
	[tilespmem:$0x1C000] =	vst v63  }
0x460: {  	v3 =	vld [tilespmem:$0x4D0];
	_ =	sdelay $0x4  }
0x461: {  	v63 =	vshrl.u32 v3, $0x2  }
0x462: {  	v4 =	vmul.u32 $0xC, v63  }
0x463: {  	v3 =	vand.u32 $0x3, v3  }
0x464: {  	v3 =	vor.u32 v3, v4  }
0x465: {  	v4 =	vperm.xlane v3, v0;
	_ =	sdelay $0x1  }
0x466: {  	v4 =	vadd.s32 v1, v4;
	_ =	sdelay $0x1  }
0x467: {  	v3 =	vperm.xlane v3, v2;
	_ =	sdelay $0x1  }
0x468: {  	s7 =	simm.s32 $0x8800;
	v3 =	vadd.s32 v1, v3  }
0x469: {  	[tilespmem:s7], [sflag:$0x1] =	stream.indirect_vreg.gather [hbm4b:s1+s0], $0x80, v4, vm0, $0xb8;
	[tilespmem:$0x1C000] =	vst v63  }
0x46a: {  	s7 =	simm.s32 $0x9000  }
0x46b: {  	[tilespmem:s7], [sflag:$0x1] =	stream.indirect_vreg.gather [hbm4b:s3+s0], $0x80, v4, vm1, $0xb8;
	[tilespmem:$0x1C000] =	vst v63  }
0x46c: {  	s7 =	simm.s32 $0x9400  }
0x46d: {  	[tilespmem:s7], [sflag:$0x1] =	stream.indirect_vreg.gather [hbm4b:s1+s0], $0x80, v3, vm0, $0xb8;
	[tilespmem:$0x1C000] =	vst v63  }
0x46e: {  	s6 =	simm.s32 $0x9C00;
	s7 =	simm.s32 $0x3  }
0x46f: {  	[tilespmem:s6], [sflag:$0x1] =	stream.indirect_vreg.gather [hbm4b:s3+s0], $0x80, v3, vm1, $0xb8;
	[tilespmem:$0x1C000] =	vst v63  }
0x470: {  	_ =	swait.ge [sflag:s7], $0x9000  }
0x471: {  	[sflag:s7] =	ssyncset.done $0x0  }
0x472: {  	s1 =	simm.s32 $0x13000;
	s3 =	sadd.s32 $0x0, s14;
	[sflag:s7] =	ssyncadd.s32 $0xFFFF7000  }
0x473: {  	[hbm4b:s3+s4] =	stream.strided.scatter [tilespmem:s1], [sflag:$0x6], $0x400, s25, s4, $0x38;
	[tilespmem:$0x1C000] =	vst v63  }
0x474: {  	s6 =	simm.s32 $0x13400;
	s0 =	simm.s32 $0x180;
	s7 =	sadd.s32 $0x40, s3  }
0x475: {  	[hbm4b:s7+s4] =	stream.strided.scatter [tilespmem:s6], [sflag:$0x6], $0x400, s25, s4, $0x38;
	[tilespmem:$0x1C000] =	vst v63  }
0x476: {  	s1 =	simm.s32 $0x13800;
	s6 =	sadd.s32 $0x80, s3;
	s3 =	simm.s32 $0x13C00  }
.LBB2_18:
0x477: {  	[hbm4b:s6+s4] =	stream.strided.scatter [tilespmem:s1], [sflag:$0x6], $0x400, s25, s4, $0x38;
	[tilespmem:$0x1C000] =	vst v63  }
0x478: {  	p0 =	sne.s32 s0, $0x1080  }
.Ltmp8:
0x479: {  	s6 =	sadd.s32 s0, s14;
	(pc) =	sbr.rel @p0 .LBB2_18-.Ltmp8, $4  }
0x47a: {  	[hbm4b:s6+s4] =	stream.strided.scatter [tilespmem:s3], [sflag:$0x6], $0x400, s25, s4, $0x38;
	[tilespmem:$0x1C000] =	vst v63  }
0x47b: {  	s1 =	sadd.s32 $0x400, s3;
	s0 =	sadd.s32 $0x180, s0;
	s7 =	sadd.s32 $0x40, s6  }
0x47c: {  	[hbm4b:s7+s4] =	stream.strided.scatter [tilespmem:s1], [sflag:$0x6], $0x400, s25, s4, $0x38;
	[tilespmem:$0x1C000] =	vst v63  }
0x47d: {  	s6 =	sadd.s32 $0x80, s6;
	s1 =	sadd.s32 $0x800, s3;
	s3 =	sadd.s32 $0xC00, s3  }
0x47e: {  	[hbm4b:s6+s4] =	stream.strided.scatter [tilespmem:s1], [sflag:$0x6], $0x400, s25, s4, $0x38;
	[tilespmem:$0x1C000] =	vst v63  }
0x47f: {  	s0 =	simm.s32 $0x5  }
0x480: {  	_ =	swait.ge [sflag:s0], $0x9000  }
0x481: {  	[sflag:s0] =	ssyncset.done $0x0  }
0x482: {  	[sflag:s0] =	ssyncadd.s32 $0xFFFF7000  }
0x483: {  	v3 =	vld [tilespmem:$0x500];
	_ =	sdelay $0x4  }
0x484: {  	v4 =	vshrl.u32 v3, $0x2  }
0x485: {  	v4 =	vmul.u32 $0xC, v4  }
0x486: {  	v3 =	vand.u32 $0x3, v3  }
0x487: {  	v3 =	vor.u32 v3, v4  }
0x488: {  	v4 =	vperm.xlane v3, v0;
	_ =	sdelay $0x1  }
0x489: {  	v4 =	vadd.s32 v1, v4;
	_ =	sdelay $0x1  }
0x48a: {  	v3 =	vperm.xlane v3, v2;
	_ =	sdelay $0x1  }
0x48b: {  	s3 =	simm.s32 $0xA000;
	s0 =	simm.s32 $0x0;
	s1 =	rddreg [dreg:$0x0];
	v3 =	vadd.s32 v1, v3  }
0x48c: {  	[tilespmem:s3], [sflag:$0x2] =	stream.indirect_vreg.gather [hbm4b:s1+s0], $0x80, v4, vm0, $0xb8;
	[tilespmem:$0x1C000] =	vst v63  }
0x48d: {  	s7 =	simm.s32 $0xA800;
	s3 =	rddreg [dreg:$0x5]  }
0x48e: {  	[tilespmem:s7], [sflag:$0x2] =	stream.indirect_vreg.gather [hbm4b:s3+s0], $0x80, v4, vm1, $0xb8;
	[tilespmem:$0x1C000] =	vst v63  }
0x48f: {  	s7 =	simm.s32 $0xAC00  }
0x490: {  	[tilespmem:s7], [sflag:$0x2] =	stream.indirect_vreg.gather [hbm4b:s1+s0], $0x80, v3, vm0, $0xb8;
	[tilespmem:$0x1C000] =	vst v63  }
0x491: {  	s7 =	simm.s32 $0xB400  }
0x492: {  	[tilespmem:s7], [sflag:$0x2] =	stream.indirect_vreg.gather [hbm4b:s3+s0], $0x80, v3, vm1, $0xb8;
	[tilespmem:$0x1C000] =	vst v63  }
0x493: {  	v3 =	vld [tilespmem:$0x510];
	_ =	sdelay $0x4  }
0x494: {  	v59 =	vshrl.u32 v3, $0x2  }
0x495: {  	v4 =	vmul.u32 $0xC, v59  }
0x496: {  	v3 =	vand.u32 $0x3, v3  }
0x497: {  	v3 =	vor.u32 v3, v4  }
0x498: {  	v4 =	vperm.xlane v3, v0;
	_ =	sdelay $0x1  }
0x499: {  	v4 =	vadd.s32 v1, v4;
	_ =	sdelay $0x1  }
0x49a: {  	v3 =	vperm.xlane v3, v2;
	_ =	sdelay $0x1  }
0x49b: {  	s7 =	simm.s32 $0xB800;
	v3 =	vadd.s32 v1, v3  }
0x49c: {  	[tilespmem:s7], [sflag:$0x2] =	stream.indirect_vreg.gather [hbm4b:s1+s0], $0x80, v4, vm0, $0xb8;
	[tilespmem:$0x1C000] =	vst v63  }
0x49d: {  	s7 =	simm.s32 $0xC000  }
0x49e: {  	[tilespmem:s7], [sflag:$0x2] =	stream.indirect_vreg.gather [hbm4b:s3+s0], $0x80, v4, vm1, $0xb8;
	[tilespmem:$0x1C000] =	vst v63  }
0x49f: {  	s7 =	simm.s32 $0xC400  }
0x4a0: {  	[tilespmem:s7], [sflag:$0x2] =	stream.indirect_vreg.gather [hbm4b:s1+s0], $0x80, v3, vm0, $0xb8;
	[tilespmem:$0x1C000] =	vst v63  }
0x4a1: {  	s7 =	simm.s32 $0xCC00  }
0x4a2: {  	[tilespmem:s7], [sflag:$0x2] =	stream.indirect_vreg.gather [hbm4b:s3+s0], $0x80, v3, vm1, $0xb8;
	[tilespmem:$0x1C000] =	vst v63  }
0x4a3: {  	v3 =	vld [tilespmem:$0x520];
	_ =	sdelay $0x4  }
0x4a4: {  	v60 =	vshrl.u32 v3, $0x2  }
0x4a5: {  	v4 =	vmul.u32 $0xC, v60  }
0x4a6: {  	v3 =	vand.u32 $0x3, v3  }
0x4a7: {  	v3 =	vor.u32 v3, v4  }
0x4a8: {  	v4 =	vperm.xlane v3, v0;
	_ =	sdelay $0x1  }
0x4a9: {  	v4 =	vadd.s32 v1, v4;
	_ =	sdelay $0x1  }
0x4aa: {  	v3 =	vperm.xlane v3, v2;
	_ =	sdelay $0x1  }
0x4ab: {  	s7 =	simm.s32 $0xD000;
	v3 =	vadd.s32 v1, v3  }
0x4ac: {  	[tilespmem:s7], [sflag:$0x2] =	stream.indirect_vreg.gather [hbm4b:s1+s0], $0x80, v4, vm0, $0xb8;
	[tilespmem:$0x1C000] =	vst v63  }
0x4ad: {  	s7 =	simm.s32 $0xD800  }
0x4ae: {  	[tilespmem:s7], [sflag:$0x2] =	stream.indirect_vreg.gather [hbm4b:s3+s0], $0x80, v4, vm1, $0xb8;
	[tilespmem:$0x1C000] =	vst v63  }
0x4af: {  	s7 =	simm.s32 $0xDC00  }
0x4b0: {  	[tilespmem:s7], [sflag:$0x2] =	stream.indirect_vreg.gather [hbm4b:s1+s0], $0x80, v3, vm0, $0xb8;
	[tilespmem:$0x1C000] =	vst v63  }
0x4b1: {  	s7 =	simm.s32 $0xE400  }
0x4b2: {  	[tilespmem:s7], [sflag:$0x2] =	stream.indirect_vreg.gather [hbm4b:s3+s0], $0x80, v3, vm1, $0xb8;
	[tilespmem:$0x1C000] =	vst v63  }
0x4b3: {  	v3 =	vld [tilespmem:$0x530];
	_ =	sdelay $0x4  }
0x4b4: {  	v61 =	vshrl.u32 v3, $0x2  }
0x4b5: {  	v4 =	vmul.u32 $0xC, v61  }
0x4b6: {  	v3 =	vand.u32 $0x3, v3  }
0x4b7: {  	v3 =	vor.u32 v3, v4  }
0x4b8: {  	v4 =	vperm.xlane v3, v0;
	_ =	sdelay $0x1  }
0x4b9: {  	v4 =	vadd.s32 v1, v4;
	_ =	sdelay $0x1  }
0x4ba: {  	v3 =	vperm.xlane v3, v2;
	_ =	sdelay $0x1  }
0x4bb: {  	s7 =	simm.s32 $0xE800;
	v3 =	vadd.s32 v1, v3  }
0x4bc: {  	[tilespmem:s7], [sflag:$0x2] =	stream.indirect_vreg.gather [hbm4b:s1+s0], $0x80, v4, vm0, $0xb8;
	[tilespmem:$0x1C000] =	vst v63  }
0x4bd: {  	s7 =	simm.s32 $0xF000  }
0x4be: {  	[tilespmem:s7], [sflag:$0x2] =	stream.indirect_vreg.gather [hbm4b:s3+s0], $0x80, v4, vm1, $0xb8;
	[tilespmem:$0x1C000] =	vst v63  }
0x4bf: {  	s7 =	simm.s32 $0xF400  }
0x4c0: {  	[tilespmem:s7], [sflag:$0x2] =	stream.indirect_vreg.gather [hbm4b:s1+s0], $0x80, v3, vm0, $0xb8;
	[tilespmem:$0x1C000] =	vst v63  }
0x4c1: {  	s7 =	simm.s32 $0xFC00  }
0x4c2: {  	[tilespmem:s7], [sflag:$0x2] =	stream.indirect_vreg.gather [hbm4b:s3+s0], $0x80, v3, vm1, $0xb8;
	[tilespmem:$0x1C000] =	vst v63  }
0x4c3: {  	v3 =	vld [tilespmem:$0x540];
	_ =	sdelay $0x4  }
0x4c4: {  	v62 =	vshrl.u32 v3, $0x2  }
0x4c5: {  	v4 =	vmul.u32 $0xC, v62  }
0x4c6: {  	v3 =	vand.u32 $0x3, v3  }
0x4c7: {  	v3 =	vor.u32 v3, v4  }
0x4c8: {  	v4 =	vperm.xlane v3, v0;
	_ =	sdelay $0x1  }
0x4c9: {  	v4 =	vadd.s32 v1, v4;
	_ =	sdelay $0x1  }
0x4ca: {  	v3 =	vperm.xlane v3, v2;
	_ =	sdelay $0x1  }
0x4cb: {  	s7 =	simm.s32 $0x10000;
	v3 =	vadd.s32 v1, v3  }
0x4cc: {  	[tilespmem:s7], [sflag:$0x2] =	stream.indirect_vreg.gather [hbm4b:s1+s0], $0x80, v4, vm0, $0xb8;
	[tilespmem:$0x1C000] =	vst v63  }
0x4cd: {  	s7 =	simm.s32 $0x10800  }
0x4ce: {  	[tilespmem:s7], [sflag:$0x2] =	stream.indirect_vreg.gather [hbm4b:s3+s0], $0x80, v4, vm1, $0xb8;
	[tilespmem:$0x1C000] =	vst v63  }
0x4cf: {  	s7 =	simm.s32 $0x10C00  }
0x4d0: {  	[tilespmem:s7], [sflag:$0x2] =	stream.indirect_vreg.gather [hbm4b:s1+s0], $0x80, v3, vm0, $0xb8;
	[tilespmem:$0x1C000] =	vst v63  }
0x4d1: {  	s7 =	simm.s32 $0x11400  }
0x4d2: {  	[tilespmem:s7], [sflag:$0x2] =	stream.indirect_vreg.gather [hbm4b:s3+s0], $0x80, v3, vm1, $0xb8;
	[tilespmem:$0x1C000] =	vst v63  }
0x4d3: {  	v3 =	vld [tilespmem:$0x550];
	_ =	sdelay $0x4  }
0x4d4: {  	v63 =	vshrl.u32 v3, $0x2  }
0x4d5: {  	v4 =	vmul.u32 $0xC, v63  }
0x4d6: {  	v3 =	vand.u32 $0x3, v3  }
0x4d7: {  	v3 =	vor.u32 v3, v4  }
0x4d8: {  	v4 =	vperm.xlane v3, v0;
	_ =	sdelay $0x1  }
0x4d9: {  	v4 =	vadd.s32 v1, v4;
	_ =	sdelay $0x1  }
0x4da: {  	v3 =	vperm.xlane v3, v2;
	_ =	sdelay $0x1  }
0x4db: {  	s7 =	simm.s32 $0x11800;
	v3 =	vadd.s32 v1, v3  }
0x4dc: {  	[tilespmem:s7], [sflag:$0x2] =	stream.indirect_vreg.gather [hbm4b:s1+s0], $0x80, v4, vm0, $0xb8;
	[tilespmem:$0x1C000] =	vst v63  }
0x4dd: {  	s7 =	simm.s32 $0x12000  }
0x4de: {  	[tilespmem:s7], [sflag:$0x2] =	stream.indirect_vreg.gather [hbm4b:s3+s0], $0x80, v4, vm1, $0xb8;
	[tilespmem:$0x1C000] =	vst v63  }
0x4df: {  	s7 =	simm.s32 $0x12400  }
0x4e0: {  	[tilespmem:s7], [sflag:$0x2] =	stream.indirect_vreg.gather [hbm4b:s1+s0], $0x80, v3, vm0, $0xb8;
	[tilespmem:$0x1C000] =	vst v63  }
0x4e1: {  	s6 =	simm.s32 $0x12C00;
	s7 =	simm.s32 $0x1  }
0x4e2: {  	[tilespmem:s6], [sflag:$0x2] =	stream.indirect_vreg.gather [hbm4b:s3+s0], $0x80, v3, vm1, $0xb8;
	[tilespmem:$0x1C000] =	vst v63  }
0x4e3: {  	_ =	swait.ge [sflag:s7], $0x9000  }
0x4e4: {  	[sflag:s7] =	ssyncset.done $0x0  }
0x4e5: {  	s1 =	simm.s32 $0x1000;
	s3 =	sadd.s32 $0x0, s15;
	[sflag:s7] =	ssyncadd.s32 $0xFFFF7000  }
0x4e6: {  	[hbm4b:s3+s4] =	stream.strided.scatter [tilespmem:s1], [sflag:$0x4], $0x400, s25, s4, $0x38;
	[tilespmem:$0x1C000] =	vst v63  }
0x4e7: {  	s6 =	simm.s32 $0x1400;
	s0 =	simm.s32 $0x180;
	s7 =	sadd.s32 $0x40, s3  }
0x4e8: {  	[hbm4b:s7+s4] =	stream.strided.scatter [tilespmem:s6], [sflag:$0x4], $0x400, s25, s4, $0x38;
	[tilespmem:$0x1C000] =	vst v63  }
0x4e9: {  	s1 =	simm.s32 $0x1800;
	s6 =	sadd.s32 $0x80, s3;
	s3 =	simm.s32 $0x1C00  }
.LBB2_20:
0x4ea: {  	[hbm4b:s6+s4] =	stream.strided.scatter [tilespmem:s1], [sflag:$0x4], $0x400, s25, s4, $0x38;
	[tilespmem:$0x1C000] =	vst v63  }
0x4eb: {  	p0 =	sne.s32 s0, $0x1080  }
.Ltmp9:
0x4ec: {  	s6 =	sadd.s32 s0, s15;
	(pc) =	sbr.rel @p0 .LBB2_20-.Ltmp9, $4  }
0x4ed: {  	[hbm4b:s6+s4] =	stream.strided.scatter [tilespmem:s3], [sflag:$0x4], $0x400, s25, s4, $0x38;
	[tilespmem:$0x1C000] =	vst v63  }
0x4ee: {  	s1 =	sadd.s32 $0x400, s3;
	s0 =	sadd.s32 $0x180, s0;
	s7 =	sadd.s32 $0x40, s6  }
0x4ef: {  	[hbm4b:s7+s4] =	stream.strided.scatter [tilespmem:s1], [sflag:$0x4], $0x400, s25, s4, $0x38;
	[tilespmem:$0x1C000] =	vst v63  }
0x4f0: {  	s6 =	sadd.s32 $0x80, s6;
	s1 =	sadd.s32 $0x800, s3;
	s3 =	sadd.s32 $0xC00, s3  }
0x4f1: {  	[hbm4b:s6+s4] =	stream.strided.scatter [tilespmem:s1], [sflag:$0x4], $0x400, s25, s4, $0x38;
	[tilespmem:$0x1C000] =	vst v63  }
0x4f2: {  	s0 =	simm.s32 $0x6  }
0x4f3: {  	_ =	swait.ge [sflag:s0], $0x9000  }
0x4f4: {  	[sflag:s0] =	ssyncset.done $0x0  }
0x4f5: {  	[sflag:s0] =	ssyncadd.s32 $0xFFFF7000  }
0x4f6: {  	v3 =	vld [tilespmem:$0x580];
	_ =	sdelay $0x4  }
0x4f7: {  	v4 =	vshrl.u32 v3, $0x2  }
0x4f8: {  	v4 =	vmul.u32 $0xC, v4  }
0x4f9: {  	v3 =	vand.u32 $0x3, v3  }
0x4fa: {  	v3 =	vor.u32 v3, v4  }
0x4fb: {  	v4 =	vperm.xlane v3, v0;
	_ =	sdelay $0x1  }
0x4fc: {  	v4 =	vadd.s32 v1, v4;
	_ =	sdelay $0x1  }
0x4fd: {  	v3 =	vperm.xlane v3, v2;
	_ =	sdelay $0x1  }
0x4fe: {  	s3 =	simm.s32 $0x13000;
	s0 =	simm.s32 $0x0;
	s1 =	rddreg [dreg:$0x0];
	v3 =	vadd.s32 v1, v3  }
0x4ff: {  	[tilespmem:s3], [sflag:$0x3] =	stream.indirect_vreg.gather [hbm4b:s1+s0], $0x80, v4, vm0, $0xb8;
	[tilespmem:$0x1C000] =	vst v63  }
0x500: {  	s7 =	simm.s32 $0x13800;
	s3 =	rddreg [dreg:$0x5]  }
0x501: {  	[tilespmem:s7], [sflag:$0x3] =	stream.indirect_vreg.gather [hbm4b:s3+s0], $0x80, v4, vm1, $0xb8;
	[tilespmem:$0x1C000] =	vst v63  }
0x502: {  	s7 =	simm.s32 $0x13C00  }
0x503: {  	[tilespmem:s7], [sflag:$0x3] =	stream.indirect_vreg.gather [hbm4b:s1+s0], $0x80, v3, vm0, $0xb8;
	[tilespmem:$0x1C000] =	vst v63  }
0x504: {  	s7 =	simm.s32 $0x14400  }
0x505: {  	[tilespmem:s7], [sflag:$0x3] =	stream.indirect_vreg.gather [hbm4b:s3+s0], $0x80, v3, vm1, $0xb8;
	[tilespmem:$0x1C000] =	vst v63  }
0x506: {  	v3 =	vld [tilespmem:$0x590];
	_ =	sdelay $0x4  }
0x507: {  	v59 =	vshrl.u32 v3, $0x2  }
0x508: {  	v4 =	vmul.u32 $0xC, v59  }
0x509: {  	v3 =	vand.u32 $0x3, v3  }
0x50a: {  	v3 =	vor.u32 v3, v4  }
0x50b: {  	v4 =	vperm.xlane v3, v0;
	_ =	sdelay $0x1  }
0x50c: {  	v4 =	vadd.s32 v1, v4;
	_ =	sdelay $0x1  }
0x50d: {  	v3 =	vperm.xlane v3, v2;
	_ =	sdelay $0x1  }
0x50e: {  	s7 =	simm.s32 $0x14800;
	v3 =	vadd.s32 v1, v3  }
0x50f: {  	[tilespmem:s7], [sflag:$0x3] =	stream.indirect_vreg.gather [hbm4b:s1+s0], $0x80, v4, vm0, $0xb8;
	[tilespmem:$0x1C000] =	vst v63  }
0x510: {  	s7 =	simm.s32 $0x15000  }
0x511: {  	[tilespmem:s7], [sflag:$0x3] =	stream.indirect_vreg.gather [hbm4b:s3+s0], $0x80, v4, vm1, $0xb8;
	[tilespmem:$0x1C000] =	vst v63  }
0x512: {  	s7 =	simm.s32 $0x15400  }
0x513: {  	[tilespmem:s7], [sflag:$0x3] =	stream.indirect_vreg.gather [hbm4b:s1+s0], $0x80, v3, vm0, $0xb8;
	[tilespmem:$0x1C000] =	vst v63  }
0x514: {  	s7 =	simm.s32 $0x15C00  }
0x515: {  	[tilespmem:s7], [sflag:$0x3] =	stream.indirect_vreg.gather [hbm4b:s3+s0], $0x80, v3, vm1, $0xb8;
	[tilespmem:$0x1C000] =	vst v63  }
0x516: {  	v3 =	vld [tilespmem:$0x5A0];
	_ =	sdelay $0x4  }
0x517: {  	v60 =	vshrl.u32 v3, $0x2  }
0x518: {  	v4 =	vmul.u32 $0xC, v60  }
0x519: {  	v3 =	vand.u32 $0x3, v3  }
0x51a: {  	v3 =	vor.u32 v3, v4  }
0x51b: {  	v4 =	vperm.xlane v3, v0;
	_ =	sdelay $0x1  }
0x51c: {  	v4 =	vadd.s32 v1, v4;
	_ =	sdelay $0x1  }
0x51d: {  	v3 =	vperm.xlane v3, v2;
	_ =	sdelay $0x1  }
0x51e: {  	s7 =	simm.s32 $0x16000;
	v3 =	vadd.s32 v1, v3  }
0x51f: {  	[tilespmem:s7], [sflag:$0x3] =	stream.indirect_vreg.gather [hbm4b:s1+s0], $0x80, v4, vm0, $0xb8;
	[tilespmem:$0x1C000] =	vst v63  }
0x520: {  	s7 =	simm.s32 $0x16800  }
0x521: {  	[tilespmem:s7], [sflag:$0x3] =	stream.indirect_vreg.gather [hbm4b:s3+s0], $0x80, v4, vm1, $0xb8;
	[tilespmem:$0x1C000] =	vst v63  }
0x522: {  	s7 =	simm.s32 $0x16C00  }
0x523: {  	[tilespmem:s7], [sflag:$0x3] =	stream.indirect_vreg.gather [hbm4b:s1+s0], $0x80, v3, vm0, $0xb8;
	[tilespmem:$0x1C000] =	vst v63  }
0x524: {  	s7 =	simm.s32 $0x17400  }
0x525: {  	[tilespmem:s7], [sflag:$0x3] =	stream.indirect_vreg.gather [hbm4b:s3+s0], $0x80, v3, vm1, $0xb8;
	[tilespmem:$0x1C000] =	vst v63  }
0x526: {  	v3 =	vld [tilespmem:$0x5B0];
	_ =	sdelay $0x4  }
0x527: {  	v61 =	vshrl.u32 v3, $0x2  }
0x528: {  	v4 =	vmul.u32 $0xC, v61  }
0x529: {  	v3 =	vand.u32 $0x3, v3  }
0x52a: {  	v3 =	vor.u32 v3, v4  }
0x52b: {  	v4 =	vperm.xlane v3, v0;
	_ =	sdelay $0x1  }
0x52c: {  	v4 =	vadd.s32 v1, v4;
	_ =	sdelay $0x1  }
0x52d: {  	v3 =	vperm.xlane v3, v2;
	_ =	sdelay $0x1  }
0x52e: {  	s7 =	simm.s32 $0x17800;
	v3 =	vadd.s32 v1, v3  }
0x52f: {  	[tilespmem:s7], [sflag:$0x3] =	stream.indirect_vreg.gather [hbm4b:s1+s0], $0x80, v4, vm0, $0xb8;
	[tilespmem:$0x1C000] =	vst v63  }
0x530: {  	s7 =	simm.s32 $0x18000  }
0x531: {  	[tilespmem:s7], [sflag:$0x3] =	stream.indirect_vreg.gather [hbm4b:s3+s0], $0x80, v4, vm1, $0xb8;
	[tilespmem:$0x1C000] =	vst v63  }
0x532: {  	s7 =	simm.s32 $0x18400  }
0x533: {  	[tilespmem:s7], [sflag:$0x3] =	stream.indirect_vreg.gather [hbm4b:s1+s0], $0x80, v3, vm0, $0xb8;
	[tilespmem:$0x1C000] =	vst v63  }
0x534: {  	s7 =	simm.s32 $0x18C00  }
0x535: {  	[tilespmem:s7], [sflag:$0x3] =	stream.indirect_vreg.gather [hbm4b:s3+s0], $0x80, v3, vm1, $0xb8;
	[tilespmem:$0x1C000] =	vst v63  }
0x536: {  	v3 =	vld [tilespmem:$0x5C0];
	_ =	sdelay $0x4  }
0x537: {  	v62 =	vshrl.u32 v3, $0x2  }
0x538: {  	v4 =	vmul.u32 $0xC, v62  }
0x539: {  	v3 =	vand.u32 $0x3, v3  }
0x53a: {  	v3 =	vor.u32 v3, v4  }
0x53b: {  	v4 =	vperm.xlane v3, v0;
	_ =	sdelay $0x1  }
0x53c: {  	v4 =	vadd.s32 v1, v4;
	_ =	sdelay $0x1  }
0x53d: {  	v3 =	vperm.xlane v3, v2;
	_ =	sdelay $0x1  }
0x53e: {  	s7 =	simm.s32 $0x19000;
	v3 =	vadd.s32 v1, v3  }
0x53f: {  	[tilespmem:s7], [sflag:$0x3] =	stream.indirect_vreg.gather [hbm4b:s1+s0], $0x80, v4, vm0, $0xb8;
	[tilespmem:$0x1C000] =	vst v63  }
0x540: {  	s7 =	simm.s32 $0x19800  }
0x541: {  	[tilespmem:s7], [sflag:$0x3] =	stream.indirect_vreg.gather [hbm4b:s3+s0], $0x80, v4, vm1, $0xb8;
	[tilespmem:$0x1C000] =	vst v63  }
0x542: {  	s7 =	simm.s32 $0x19C00  }
0x543: {  	[tilespmem:s7], [sflag:$0x3] =	stream.indirect_vreg.gather [hbm4b:s1+s0], $0x80, v3, vm0, $0xb8;
	[tilespmem:$0x1C000] =	vst v63  }
0x544: {  	s7 =	simm.s32 $0x1A400  }
0x545: {  	[tilespmem:s7], [sflag:$0x3] =	stream.indirect_vreg.gather [hbm4b:s3+s0], $0x80, v3, vm1, $0xb8;
	[tilespmem:$0x1C000] =	vst v63  }
0x546: {  	v3 =	vld [tilespmem:$0x5D0];
	_ =	sdelay $0x4  }
0x547: {  	v63 =	vshrl.u32 v3, $0x2  }
0x548: {  	v4 =	vmul.u32 $0xC, v63  }
0x549: {  	v3 =	vand.u32 $0x3, v3  }
0x54a: {  	v3 =	vor.u32 v3, v4  }
0x54b: {  	v4 =	vperm.xlane v3, v0;
	_ =	sdelay $0x1  }
0x54c: {  	v4 =	vadd.s32 v1, v4;
	_ =	sdelay $0x1  }
0x54d: {  	v3 =	vperm.xlane v3, v2;
	_ =	sdelay $0x1  }
0x54e: {  	s7 =	simm.s32 $0x1A800;
	v3 =	vadd.s32 v1, v3  }
0x54f: {  	[tilespmem:s7], [sflag:$0x3] =	stream.indirect_vreg.gather [hbm4b:s1+s0], $0x80, v4, vm0, $0xb8;
	[tilespmem:$0x1C000] =	vst v63  }
0x550: {  	s7 =	simm.s32 $0x1B000  }
0x551: {  	[tilespmem:s7], [sflag:$0x3] =	stream.indirect_vreg.gather [hbm4b:s3+s0], $0x80, v4, vm1, $0xb8;
	[tilespmem:$0x1C000] =	vst v63  }
0x552: {  	s7 =	simm.s32 $0x1B400  }
0x553: {  	[tilespmem:s7], [sflag:$0x3] =	stream.indirect_vreg.gather [hbm4b:s1+s0], $0x80, v3, vm0, $0xb8;
	[tilespmem:$0x1C000] =	vst v63  }
0x554: {  	s6 =	simm.s32 $0x1BC00;
	s7 =	simm.s32 $0x2  }
0x555: {  	[tilespmem:s6], [sflag:$0x3] =	stream.indirect_vreg.gather [hbm4b:s3+s0], $0x80, v3, vm1, $0xb8;
	[tilespmem:$0x1C000] =	vst v63  }
0x556: {  	_ =	swait.ge [sflag:s7], $0x9000  }
0x557: {  	[sflag:s7] =	ssyncset.done $0x0  }
0x558: {  	s1 =	simm.s32 $0xA000;
	s3 =	sadd.s32 $0x0, s16;
	[sflag:s7] =	ssyncadd.s32 $0xFFFF7000  }
0x559: {  	[hbm4b:s3+s4] =	stream.strided.scatter [tilespmem:s1], [sflag:$0x5], $0x400, s25, s4, $0x38;
	[tilespmem:$0x1C000] =	vst v63  }
0x55a: {  	s6 =	simm.s32 $0xA400;
	s0 =	simm.s32 $0x180;
	s7 =	sadd.s32 $0x40, s3  }
0x55b: {  	[hbm4b:s7+s4] =	stream.strided.scatter [tilespmem:s6], [sflag:$0x5], $0x400, s25, s4, $0x38;
	[tilespmem:$0x1C000] =	vst v63  }
0x55c: {  	s1 =	simm.s32 $0xA800;
	s6 =	sadd.s32 $0x80, s3;
	s3 =	simm.s32 $0xAC00  }
.LBB2_22:
0x55d: {  	[hbm4b:s6+s4] =	stream.strided.scatter [tilespmem:s1], [sflag:$0x5], $0x400, s25, s4, $0x38;
	[tilespmem:$0x1C000] =	vst v63  }
0x55e: {  	p0 =	sne.s32 s0, $0x1080  }
.Ltmp10:
0x55f: {  	s6 =	sadd.s32 s0, s16;
	(pc) =	sbr.rel @p0 .LBB2_22-.Ltmp10, $4  }
0x560: {  	[hbm4b:s6+s4] =	stream.strided.scatter [tilespmem:s3], [sflag:$0x5], $0x400, s25, s4, $0x38;
	[tilespmem:$0x1C000] =	vst v63  }
0x561: {  	s1 =	sadd.s32 $0x400, s3;
	s0 =	sadd.s32 $0x180, s0;
	s7 =	sadd.s32 $0x40, s6  }
0x562: {  	[hbm4b:s7+s4] =	stream.strided.scatter [tilespmem:s1], [sflag:$0x5], $0x400, s25, s4, $0x38;
	[tilespmem:$0x1C000] =	vst v63  }
0x563: {  	s6 =	sadd.s32 $0x80, s6;
	s1 =	sadd.s32 $0x800, s3;
	s3 =	sadd.s32 $0xC00, s3  }
0x564: {  	[hbm4b:s6+s4] =	stream.strided.scatter [tilespmem:s1], [sflag:$0x5], $0x400, s25, s4, $0x38;
	[tilespmem:$0x1C000] =	vst v63  }
0x565: {  	s0 =	simm.s32 $0x4  }
0x566: {  	_ =	swait.ge [sflag:s0], $0x9000  }
0x567: {  	[sflag:s0] =	ssyncset.done $0x0  }
0x568: {  	[sflag:s0] =	ssyncadd.s32 $0xFFFF7000  }
0x569: {  	v3 =	vld [tilespmem:$0x600];
	_ =	sdelay $0x4  }
0x56a: {  	v4 =	vshrl.u32 v3, $0x2  }
0x56b: {  	v4 =	vmul.u32 $0xC, v4  }
0x56c: {  	v3 =	vand.u32 $0x3, v3  }
0x56d: {  	v3 =	vor.u32 v3, v4  }
0x56e: {  	v4 =	vperm.xlane v3, v0;
	_ =	sdelay $0x1  }
0x56f: {  	v4 =	vadd.s32 v1, v4;
	_ =	sdelay $0x1  }
0x570: {  	v3 =	vperm.xlane v3, v2;
	_ =	sdelay $0x1  }
0x571: {  	s3 =	simm.s32 $0x1000;
	s0 =	simm.s32 $0x0;
	s1 =	rddreg [dreg:$0x0];
	v3 =	vadd.s32 v1, v3  }
0x572: {  	[tilespmem:s3], [sflag:$0x1] =	stream.indirect_vreg.gather [hbm4b:s1+s0], $0x80, v4, vm0, $0xb8;
	[tilespmem:$0x1C000] =	vst v63  }
0x573: {  	s7 =	simm.s32 $0x1800;
	s3 =	rddreg [dreg:$0x5]  }
0x574: {  	[tilespmem:s7], [sflag:$0x1] =	stream.indirect_vreg.gather [hbm4b:s3+s0], $0x80, v4, vm1, $0xb8;
	[tilespmem:$0x1C000] =	vst v63  }
0x575: {  	s7 =	simm.s32 $0x1C00  }
0x576: {  	[tilespmem:s7], [sflag:$0x1] =	stream.indirect_vreg.gather [hbm4b:s1+s0], $0x80, v3, vm0, $0xb8;
	[tilespmem:$0x1C000] =	vst v63  }
0x577: {  	s7 =	simm.s32 $0x2400  }
0x578: {  	[tilespmem:s7], [sflag:$0x1] =	stream.indirect_vreg.gather [hbm4b:s3+s0], $0x80, v3, vm1, $0xb8;
	[tilespmem:$0x1C000] =	vst v63  }
0x579: {  	v3 =	vld [tilespmem:$0x610];
	_ =	sdelay $0x4  }
0x57a: {  	v59 =	vshrl.u32 v3, $0x2  }
0x57b: {  	v4 =	vmul.u32 $0xC, v59  }
0x57c: {  	v3 =	vand.u32 $0x3, v3  }
0x57d: {  	v3 =	vor.u32 v3, v4  }
0x57e: {  	v4 =	vperm.xlane v3, v0;
	_ =	sdelay $0x1  }
0x57f: {  	v4 =	vadd.s32 v1, v4;
	_ =	sdelay $0x1  }
0x580: {  	v3 =	vperm.xlane v3, v2;
	_ =	sdelay $0x1  }
0x581: {  	s7 =	simm.s32 $0x2800;
	v3 =	vadd.s32 v1, v3  }
0x582: {  	[tilespmem:s7], [sflag:$0x1] =	stream.indirect_vreg.gather [hbm4b:s1+s0], $0x80, v4, vm0, $0xb8;
	[tilespmem:$0x1C000] =	vst v63  }
0x583: {  	s7 =	simm.s32 $0x3000  }
0x584: {  	[tilespmem:s7], [sflag:$0x1] =	stream.indirect_vreg.gather [hbm4b:s3+s0], $0x80, v4, vm1, $0xb8;
	[tilespmem:$0x1C000] =	vst v63  }
0x585: {  	s7 =	simm.s32 $0x3400  }
0x586: {  	[tilespmem:s7], [sflag:$0x1] =	stream.indirect_vreg.gather [hbm4b:s1+s0], $0x80, v3, vm0, $0xb8;
	[tilespmem:$0x1C000] =	vst v63  }
0x587: {  	s7 =	simm.s32 $0x3C00  }
0x588: {  	[tilespmem:s7], [sflag:$0x1] =	stream.indirect_vreg.gather [hbm4b:s3+s0], $0x80, v3, vm1, $0xb8;
	[tilespmem:$0x1C000] =	vst v63  }
0x589: {  	v3 =	vld [tilespmem:$0x620];
	_ =	sdelay $0x4  }
0x58a: {  	v60 =	vshrl.u32 v3, $0x2  }
0x58b: {  	v4 =	vmul.u32 $0xC, v60  }
0x58c: {  	v3 =	vand.u32 $0x3, v3  }
0x58d: {  	v3 =	vor.u32 v3, v4  }
0x58e: {  	v4 =	vperm.xlane v3, v0;
	_ =	sdelay $0x1  }
0x58f: {  	v4 =	vadd.s32 v1, v4;
	_ =	sdelay $0x1  }
0x590: {  	v3 =	vperm.xlane v3, v2;
	_ =	sdelay $0x1  }
0x591: {  	s7 =	simm.s32 $0x4000;
	v3 =	vadd.s32 v1, v3  }
0x592: {  	[tilespmem:s7], [sflag:$0x1] =	stream.indirect_vreg.gather [hbm4b:s1+s0], $0x80, v4, vm0, $0xb8;
	[tilespmem:$0x1C000] =	vst v63  }
0x593: {  	s7 =	simm.s32 $0x4800  }
0x594: {  	[tilespmem:s7], [sflag:$0x1] =	stream.indirect_vreg.gather [hbm4b:s3+s0], $0x80, v4, vm1, $0xb8;
	[tilespmem:$0x1C000] =	vst v63  }
0x595: {  	s7 =	simm.s32 $0x4C00  }
0x596: {  	[tilespmem:s7], [sflag:$0x1] =	stream.indirect_vreg.gather [hbm4b:s1+s0], $0x80, v3, vm0, $0xb8;
	[tilespmem:$0x1C000] =	vst v63  }
0x597: {  	s7 =	simm.s32 $0x5400  }
0x598: {  	[tilespmem:s7], [sflag:$0x1] =	stream.indirect_vreg.gather [hbm4b:s3+s0], $0x80, v3, vm1, $0xb8;
	[tilespmem:$0x1C000] =	vst v63  }
0x599: {  	v3 =	vld [tilespmem:$0x630];
	_ =	sdelay $0x4  }
0x59a: {  	v61 =	vshrl.u32 v3, $0x2  }
0x59b: {  	v4 =	vmul.u32 $0xC, v61  }
0x59c: {  	v3 =	vand.u32 $0x3, v3  }
0x59d: {  	v3 =	vor.u32 v3, v4  }
0x59e: {  	v4 =	vperm.xlane v3, v0;
	_ =	sdelay $0x1  }
0x59f: {  	v4 =	vadd.s32 v1, v4;
	_ =	sdelay $0x1  }
0x5a0: {  	v3 =	vperm.xlane v3, v2;
	_ =	sdelay $0x1  }
0x5a1: {  	s7 =	simm.s32 $0x5800;
	v3 =	vadd.s32 v1, v3  }
0x5a2: {  	[tilespmem:s7], [sflag:$0x1] =	stream.indirect_vreg.gather [hbm4b:s1+s0], $0x80, v4, vm0, $0xb8;
	[tilespmem:$0x1C000] =	vst v63  }
0x5a3: {  	s7 =	simm.s32 $0x6000  }
0x5a4: {  	[tilespmem:s7], [sflag:$0x1] =	stream.indirect_vreg.gather [hbm4b:s3+s0], $0x80, v4, vm1, $0xb8;
	[tilespmem:$0x1C000] =	vst v63  }
0x5a5: {  	s7 =	simm.s32 $0x6400  }
0x5a6: {  	[tilespmem:s7], [sflag:$0x1] =	stream.indirect_vreg.gather [hbm4b:s1+s0], $0x80, v3, vm0, $0xb8;
	[tilespmem:$0x1C000] =	vst v63  }
0x5a7: {  	s7 =	simm.s32 $0x6C00  }
0x5a8: {  	[tilespmem:s7], [sflag:$0x1] =	stream.indirect_vreg.gather [hbm4b:s3+s0], $0x80, v3, vm1, $0xb8;
	[tilespmem:$0x1C000] =	vst v63  }
0x5a9: {  	v3 =	vld [tilespmem:$0x640];
	_ =	sdelay $0x4  }
0x5aa: {  	v62 =	vshrl.u32 v3, $0x2  }
0x5ab: {  	v4 =	vmul.u32 $0xC, v62  }
0x5ac: {  	v3 =	vand.u32 $0x3, v3  }
0x5ad: {  	v3 =	vor.u32 v3, v4  }
0x5ae: {  	v4 =	vperm.xlane v3, v0;
	_ =	sdelay $0x1  }
0x5af: {  	v4 =	vadd.s32 v1, v4;
	_ =	sdelay $0x1  }
0x5b0: {  	v3 =	vperm.xlane v3, v2;
	_ =	sdelay $0x1  }
0x5b1: {  	s7 =	simm.s32 $0x7000;
	v3 =	vadd.s32 v1, v3  }
0x5b2: {  	[tilespmem:s7], [sflag:$0x1] =	stream.indirect_vreg.gather [hbm4b:s1+s0], $0x80, v4, vm0, $0xb8;
	[tilespmem:$0x1C000] =	vst v63  }
0x5b3: {  	s7 =	simm.s32 $0x7800  }
0x5b4: {  	[tilespmem:s7], [sflag:$0x1] =	stream.indirect_vreg.gather [hbm4b:s3+s0], $0x80, v4, vm1, $0xb8;
	[tilespmem:$0x1C000] =	vst v63  }
0x5b5: {  	s7 =	simm.s32 $0x7C00  }
0x5b6: {  	[tilespmem:s7], [sflag:$0x1] =	stream.indirect_vreg.gather [hbm4b:s1+s0], $0x80, v3, vm0, $0xb8;
	[tilespmem:$0x1C000] =	vst v63  }
0x5b7: {  	s7 =	simm.s32 $0x8400  }
0x5b8: {  	[tilespmem:s7], [sflag:$0x1] =	stream.indirect_vreg.gather [hbm4b:s3+s0], $0x80, v3, vm1, $0xb8;
	[tilespmem:$0x1C000] =	vst v63  }
0x5b9: {  	v3 =	vld [tilespmem:$0x650];
	_ =	sdelay $0x4  }
0x5ba: {  	v63 =	vshrl.u32 v3, $0x2  }
0x5bb: {  	v4 =	vmul.u32 $0xC, v63  }
0x5bc: {  	v3 =	vand.u32 $0x3, v3  }
0x5bd: {  	v3 =	vor.u32 v3, v4  }
0x5be: {  	v4 =	vperm.xlane v3, v0;
	_ =	sdelay $0x1  }
0x5bf: {  	v4 =	vadd.s32 v1, v4;
	_ =	sdelay $0x1  }
0x5c0: {  	v3 =	vperm.xlane v3, v2;
	_ =	sdelay $0x1  }
0x5c1: {  	s7 =	simm.s32 $0x8800;
	v3 =	vadd.s32 v1, v3  }
0x5c2: {  	[tilespmem:s7], [sflag:$0x1] =	stream.indirect_vreg.gather [hbm4b:s1+s0], $0x80, v4, vm0, $0xb8;
	[tilespmem:$0x1C000] =	vst v63  }
0x5c3: {  	s7 =	simm.s32 $0x9000  }
0x5c4: {  	[tilespmem:s7], [sflag:$0x1] =	stream.indirect_vreg.gather [hbm4b:s3+s0], $0x80, v4, vm1, $0xb8;
	[tilespmem:$0x1C000] =	vst v63  }
0x5c5: {  	s7 =	simm.s32 $0x9400  }
0x5c6: {  	[tilespmem:s7], [sflag:$0x1] =	stream.indirect_vreg.gather [hbm4b:s1+s0], $0x80, v3, vm0, $0xb8;
	[tilespmem:$0x1C000] =	vst v63  }
0x5c7: {  	s6 =	simm.s32 $0x9C00;
	s7 =	simm.s32 $0x3  }
0x5c8: {  	[tilespmem:s6], [sflag:$0x1] =	stream.indirect_vreg.gather [hbm4b:s3+s0], $0x80, v3, vm1, $0xb8;
	[tilespmem:$0x1C000] =	vst v63  }
0x5c9: {  	_ =	swait.ge [sflag:s7], $0x9000  }
0x5ca: {  	[sflag:s7] =	ssyncset.done $0x0  }
0x5cb: {  	s1 =	simm.s32 $0x13000;
	s3 =	sadd.s32 $0x0, s17;
	[sflag:s7] =	ssyncadd.s32 $0xFFFF7000  }
0x5cc: {  	[hbm4b:s3+s4] =	stream.strided.scatter [tilespmem:s1], [sflag:$0x6], $0x400, s25, s4, $0x38;
	[tilespmem:$0x1C000] =	vst v63  }
0x5cd: {  	s6 =	simm.s32 $0x13400;
	s0 =	simm.s32 $0x180;
	s7 =	sadd.s32 $0x40, s3  }
0x5ce: {  	[hbm4b:s7+s4] =	stream.strided.scatter [tilespmem:s6], [sflag:$0x6], $0x400, s25, s4, $0x38;
	[tilespmem:$0x1C000] =	vst v63  }
0x5cf: {  	s1 =	simm.s32 $0x13800;
	s6 =	sadd.s32 $0x80, s3;
	s3 =	simm.s32 $0x13C00  }
.LBB2_24:
0x5d0: {  	[hbm4b:s6+s4] =	stream.strided.scatter [tilespmem:s1], [sflag:$0x6], $0x400, s25, s4, $0x38;
	[tilespmem:$0x1C000] =	vst v63  }
0x5d1: {  	p0 =	sne.s32 s0, $0x1080  }
.Ltmp11:
0x5d2: {  	s6 =	sadd.s32 s0, s17;
	(pc) =	sbr.rel @p0 .LBB2_24-.Ltmp11, $4  }
0x5d3: {  	[hbm4b:s6+s4] =	stream.strided.scatter [tilespmem:s3], [sflag:$0x6], $0x400, s25, s4, $0x38;
	[tilespmem:$0x1C000] =	vst v63  }
0x5d4: {  	s1 =	sadd.s32 $0x400, s3;
	s0 =	sadd.s32 $0x180, s0;
	s7 =	sadd.s32 $0x40, s6  }
0x5d5: {  	[hbm4b:s7+s4] =	stream.strided.scatter [tilespmem:s1], [sflag:$0x6], $0x400, s25, s4, $0x38;
	[tilespmem:$0x1C000] =	vst v63  }
0x5d6: {  	s6 =	sadd.s32 $0x80, s6;
	s1 =	sadd.s32 $0x800, s3;
	s3 =	sadd.s32 $0xC00, s3  }
0x5d7: {  	[hbm4b:s6+s4] =	stream.strided.scatter [tilespmem:s1], [sflag:$0x6], $0x400, s25, s4, $0x38;
	[tilespmem:$0x1C000] =	vst v63  }
0x5d8: {  	s0 =	simm.s32 $0x5  }
0x5d9: {  	_ =	swait.ge [sflag:s0], $0x9000  }
0x5da: {  	[sflag:s0] =	ssyncset.done $0x0  }
0x5db: {  	[sflag:s0] =	ssyncadd.s32 $0xFFFF7000  }
0x5dc: {  	v3 =	vld [tilespmem:$0x680];
	_ =	sdelay $0x4  }
0x5dd: {  	v4 =	vshrl.u32 v3, $0x2  }
0x5de: {  	v4 =	vmul.u32 $0xC, v4  }
0x5df: {  	v3 =	vand.u32 $0x3, v3  }
0x5e0: {  	v3 =	vor.u32 v3, v4  }
0x5e1: {  	v4 =	vperm.xlane v3, v0;
	_ =	sdelay $0x1  }
0x5e2: {  	v4 =	vadd.s32 v1, v4;
	_ =	sdelay $0x1  }
0x5e3: {  	v3 =	vperm.xlane v3, v2;
	_ =	sdelay $0x1  }
0x5e4: {  	s3 =	simm.s32 $0xA000;
	s0 =	simm.s32 $0x0;
	s1 =	rddreg [dreg:$0x0];
	v3 =	vadd.s32 v1, v3  }
0x5e5: {  	[tilespmem:s3], [sflag:$0x2] =	stream.indirect_vreg.gather [hbm4b:s1+s0], $0x80, v4, vm0, $0xb8;
	[tilespmem:$0x1C000] =	vst v63  }
0x5e6: {  	s7 =	simm.s32 $0xA800;
	s3 =	rddreg [dreg:$0x5]  }
0x5e7: {  	[tilespmem:s7], [sflag:$0x2] =	stream.indirect_vreg.gather [hbm4b:s3+s0], $0x80, v4, vm1, $0xb8;
	[tilespmem:$0x1C000] =	vst v63  }
0x5e8: {  	s7 =	simm.s32 $0xAC00  }
0x5e9: {  	[tilespmem:s7], [sflag:$0x2] =	stream.indirect_vreg.gather [hbm4b:s1+s0], $0x80, v3, vm0, $0xb8;
	[tilespmem:$0x1C000] =	vst v63  }
0x5ea: {  	s7 =	simm.s32 $0xB400  }
0x5eb: {  	[tilespmem:s7], [sflag:$0x2] =	stream.indirect_vreg.gather [hbm4b:s3+s0], $0x80, v3, vm1, $0xb8;
	[tilespmem:$0x1C000] =	vst v63  }
0x5ec: {  	v3 =	vld [tilespmem:$0x690];
	_ =	sdelay $0x4  }
0x5ed: {  	v59 =	vshrl.u32 v3, $0x2  }
0x5ee: {  	v4 =	vmul.u32 $0xC, v59  }
0x5ef: {  	v3 =	vand.u32 $0x3, v3  }
0x5f0: {  	v3 =	vor.u32 v3, v4  }
0x5f1: {  	v4 =	vperm.xlane v3, v0;
	_ =	sdelay $0x1  }
0x5f2: {  	v4 =	vadd.s32 v1, v4;
	_ =	sdelay $0x1  }
0x5f3: {  	v3 =	vperm.xlane v3, v2;
	_ =	sdelay $0x1  }
0x5f4: {  	s7 =	simm.s32 $0xB800;
	v3 =	vadd.s32 v1, v3  }
0x5f5: {  	[tilespmem:s7], [sflag:$0x2] =	stream.indirect_vreg.gather [hbm4b:s1+s0], $0x80, v4, vm0, $0xb8;
	[tilespmem:$0x1C000] =	vst v63  }
0x5f6: {  	s7 =	simm.s32 $0xC000  }
0x5f7: {  	[tilespmem:s7], [sflag:$0x2] =	stream.indirect_vreg.gather [hbm4b:s3+s0], $0x80, v4, vm1, $0xb8;
	[tilespmem:$0x1C000] =	vst v63  }
0x5f8: {  	s7 =	simm.s32 $0xC400  }
0x5f9: {  	[tilespmem:s7], [sflag:$0x2] =	stream.indirect_vreg.gather [hbm4b:s1+s0], $0x80, v3, vm0, $0xb8;
	[tilespmem:$0x1C000] =	vst v63  }
0x5fa: {  	s7 =	simm.s32 $0xCC00  }
0x5fb: {  	[tilespmem:s7], [sflag:$0x2] =	stream.indirect_vreg.gather [hbm4b:s3+s0], $0x80, v3, vm1, $0xb8;
	[tilespmem:$0x1C000] =	vst v63  }
0x5fc: {  	v3 =	vld [tilespmem:$0x6A0];
	_ =	sdelay $0x4  }
0x5fd: {  	v60 =	vshrl.u32 v3, $0x2  }
0x5fe: {  	v4 =	vmul.u32 $0xC, v60  }
0x5ff: {  	v3 =	vand.u32 $0x3, v3  }
0x600: {  	v3 =	vor.u32 v3, v4  }
0x601: {  	v4 =	vperm.xlane v3, v0;
	_ =	sdelay $0x1  }
0x602: {  	v4 =	vadd.s32 v1, v4;
	_ =	sdelay $0x1  }
0x603: {  	v3 =	vperm.xlane v3, v2;
	_ =	sdelay $0x1  }
0x604: {  	s7 =	simm.s32 $0xD000;
	v3 =	vadd.s32 v1, v3  }
0x605: {  	[tilespmem:s7], [sflag:$0x2] =	stream.indirect_vreg.gather [hbm4b:s1+s0], $0x80, v4, vm0, $0xb8;
	[tilespmem:$0x1C000] =	vst v63  }
0x606: {  	s7 =	simm.s32 $0xD800  }
0x607: {  	[tilespmem:s7], [sflag:$0x2] =	stream.indirect_vreg.gather [hbm4b:s3+s0], $0x80, v4, vm1, $0xb8;
	[tilespmem:$0x1C000] =	vst v63  }
0x608: {  	s7 =	simm.s32 $0xDC00  }
0x609: {  	[tilespmem:s7], [sflag:$0x2] =	stream.indirect_vreg.gather [hbm4b:s1+s0], $0x80, v3, vm0, $0xb8;
	[tilespmem:$0x1C000] =	vst v63  }
0x60a: {  	s7 =	simm.s32 $0xE400  }
0x60b: {  	[tilespmem:s7], [sflag:$0x2] =	stream.indirect_vreg.gather [hbm4b:s3+s0], $0x80, v3, vm1, $0xb8;
	[tilespmem:$0x1C000] =	vst v63  }
0x60c: {  	v3 =	vld [tilespmem:$0x6B0];
	_ =	sdelay $0x4  }
0x60d: {  	v61 =	vshrl.u32 v3, $0x2  }
0x60e: {  	v4 =	vmul.u32 $0xC, v61  }
0x60f: {  	v3 =	vand.u32 $0x3, v3  }
0x610: {  	v3 =	vor.u32 v3, v4  }
0x611: {  	v4 =	vperm.xlane v3, v0;
	_ =	sdelay $0x1  }
0x612: {  	v4 =	vadd.s32 v1, v4;
	_ =	sdelay $0x1  }
0x613: {  	v3 =	vperm.xlane v3, v2;
	_ =	sdelay $0x1  }
0x614: {  	s7 =	simm.s32 $0xE800;
	v3 =	vadd.s32 v1, v3  }
0x615: {  	[tilespmem:s7], [sflag:$0x2] =	stream.indirect_vreg.gather [hbm4b:s1+s0], $0x80, v4, vm0, $0xb8;
	[tilespmem:$0x1C000] =	vst v63  }
0x616: {  	s7 =	simm.s32 $0xF000  }
0x617: {  	[tilespmem:s7], [sflag:$0x2] =	stream.indirect_vreg.gather [hbm4b:s3+s0], $0x80, v4, vm1, $0xb8;
	[tilespmem:$0x1C000] =	vst v63  }
0x618: {  	s7 =	simm.s32 $0xF400  }
0x619: {  	[tilespmem:s7], [sflag:$0x2] =	stream.indirect_vreg.gather [hbm4b:s1+s0], $0x80, v3, vm0, $0xb8;
	[tilespmem:$0x1C000] =	vst v63  }
0x61a: {  	s7 =	simm.s32 $0xFC00  }
0x61b: {  	[tilespmem:s7], [sflag:$0x2] =	stream.indirect_vreg.gather [hbm4b:s3+s0], $0x80, v3, vm1, $0xb8;
	[tilespmem:$0x1C000] =	vst v63  }
0x61c: {  	v3 =	vld [tilespmem:$0x6C0];
	_ =	sdelay $0x4  }
0x61d: {  	v62 =	vshrl.u32 v3, $0x2  }
0x61e: {  	v4 =	vmul.u32 $0xC, v62  }
0x61f: {  	v3 =	vand.u32 $0x3, v3  }
0x620: {  	v3 =	vor.u32 v3, v4  }
0x621: {  	v4 =	vperm.xlane v3, v0;
	_ =	sdelay $0x1  }
0x622: {  	v4 =	vadd.s32 v1, v4;
	_ =	sdelay $0x1  }
0x623: {  	v3 =	vperm.xlane v3, v2;
	_ =	sdelay $0x1  }
0x624: {  	s7 =	simm.s32 $0x10000;
	v3 =	vadd.s32 v1, v3  }
0x625: {  	[tilespmem:s7], [sflag:$0x2] =	stream.indirect_vreg.gather [hbm4b:s1+s0], $0x80, v4, vm0, $0xb8;
	[tilespmem:$0x1C000] =	vst v63  }
0x626: {  	s7 =	simm.s32 $0x10800  }
0x627: {  	[tilespmem:s7], [sflag:$0x2] =	stream.indirect_vreg.gather [hbm4b:s3+s0], $0x80, v4, vm1, $0xb8;
	[tilespmem:$0x1C000] =	vst v63  }
0x628: {  	s7 =	simm.s32 $0x10C00  }
0x629: {  	[tilespmem:s7], [sflag:$0x2] =	stream.indirect_vreg.gather [hbm4b:s1+s0], $0x80, v3, vm0, $0xb8;
	[tilespmem:$0x1C000] =	vst v63  }
0x62a: {  	s7 =	simm.s32 $0x11400  }
0x62b: {  	[tilespmem:s7], [sflag:$0x2] =	stream.indirect_vreg.gather [hbm4b:s3+s0], $0x80, v3, vm1, $0xb8;
	[tilespmem:$0x1C000] =	vst v63  }
0x62c: {  	v3 =	vld [tilespmem:$0x6D0];
	_ =	sdelay $0x4  }
0x62d: {  	v63 =	vshrl.u32 v3, $0x2  }
0x62e: {  	v4 =	vmul.u32 $0xC, v63  }
0x62f: {  	v3 =	vand.u32 $0x3, v3  }
0x630: {  	v3 =	vor.u32 v3, v4  }
0x631: {  	v4 =	vperm.xlane v3, v0;
	_ =	sdelay $0x1  }
0x632: {  	v4 =	vadd.s32 v1, v4;
	_ =	sdelay $0x1  }
0x633: {  	v3 =	vperm.xlane v3, v2;
	_ =	sdelay $0x1  }
0x634: {  	s7 =	simm.s32 $0x11800;
	v3 =	vadd.s32 v1, v3  }
0x635: {  	[tilespmem:s7], [sflag:$0x2] =	stream.indirect_vreg.gather [hbm4b:s1+s0], $0x80, v4, vm0, $0xb8;
	[tilespmem:$0x1C000] =	vst v63  }
0x636: {  	s7 =	simm.s32 $0x12000  }
0x637: {  	[tilespmem:s7], [sflag:$0x2] =	stream.indirect_vreg.gather [hbm4b:s3+s0], $0x80, v4, vm1, $0xb8;
	[tilespmem:$0x1C000] =	vst v63  }
0x638: {  	s7 =	simm.s32 $0x12400  }
0x639: {  	[tilespmem:s7], [sflag:$0x2] =	stream.indirect_vreg.gather [hbm4b:s1+s0], $0x80, v3, vm0, $0xb8;
	[tilespmem:$0x1C000] =	vst v63  }
0x63a: {  	s6 =	simm.s32 $0x12C00;
	s7 =	simm.s32 $0x1  }
0x63b: {  	[tilespmem:s6], [sflag:$0x2] =	stream.indirect_vreg.gather [hbm4b:s3+s0], $0x80, v3, vm1, $0xb8;
	[tilespmem:$0x1C000] =	vst v63  }
0x63c: {  	_ =	swait.ge [sflag:s7], $0x9000  }
0x63d: {  	[sflag:s7] =	ssyncset.done $0x0  }
0x63e: {  	s1 =	simm.s32 $0x1000;
	s3 =	sadd.s32 $0x0, s18;
	[sflag:s7] =	ssyncadd.s32 $0xFFFF7000  }
0x63f: {  	[hbm4b:s3+s4] =	stream.strided.scatter [tilespmem:s1], [sflag:$0x4], $0x400, s25, s4, $0x38;
	[tilespmem:$0x1C000] =	vst v63  }
0x640: {  	s6 =	simm.s32 $0x1400;
	s0 =	simm.s32 $0x180;
	s7 =	sadd.s32 $0x40, s3  }
0x641: {  	[hbm4b:s7+s4] =	stream.strided.scatter [tilespmem:s6], [sflag:$0x4], $0x400, s25, s4, $0x38;
	[tilespmem:$0x1C000] =	vst v63  }
0x642: {  	s1 =	simm.s32 $0x1800;
	s6 =	sadd.s32 $0x80, s3;
	s3 =	simm.s32 $0x1C00  }
.LBB2_26:
0x643: {  	[hbm4b:s6+s4] =	stream.strided.scatter [tilespmem:s1], [sflag:$0x4], $0x400, s25, s4, $0x38;
	[tilespmem:$0x1C000] =	vst v63  }
0x644: {  	p0 =	sne.s32 s0, $0x1080  }
.Ltmp12:
0x645: {  	s6 =	sadd.s32 s0, s18;
	(pc) =	sbr.rel @p0 .LBB2_26-.Ltmp12, $4  }
0x646: {  	[hbm4b:s6+s4] =	stream.strided.scatter [tilespmem:s3], [sflag:$0x4], $0x400, s25, s4, $0x38;
	[tilespmem:$0x1C000] =	vst v63  }
0x647: {  	s1 =	sadd.s32 $0x400, s3;
	s0 =	sadd.s32 $0x180, s0;
	s7 =	sadd.s32 $0x40, s6  }
0x648: {  	[hbm4b:s7+s4] =	stream.strided.scatter [tilespmem:s1], [sflag:$0x4], $0x400, s25, s4, $0x38;
	[tilespmem:$0x1C000] =	vst v63  }
0x649: {  	s6 =	sadd.s32 $0x80, s6;
	s1 =	sadd.s32 $0x800, s3;
	s3 =	sadd.s32 $0xC00, s3  }
0x64a: {  	[hbm4b:s6+s4] =	stream.strided.scatter [tilespmem:s1], [sflag:$0x4], $0x400, s25, s4, $0x38;
	[tilespmem:$0x1C000] =	vst v63  }
0x64b: {  	s0 =	simm.s32 $0x6  }
0x64c: {  	_ =	swait.ge [sflag:s0], $0x9000  }
0x64d: {  	[sflag:s0] =	ssyncset.done $0x0  }
0x64e: {  	[sflag:s0] =	ssyncadd.s32 $0xFFFF7000  }
0x64f: {  	v3 =	vld [tilespmem:$0x700];
	_ =	sdelay $0x4  }
0x650: {  	v4 =	vshrl.u32 v3, $0x2  }
0x651: {  	v4 =	vmul.u32 $0xC, v4  }
0x652: {  	v3 =	vand.u32 $0x3, v3  }
0x653: {  	v3 =	vor.u32 v3, v4  }
0x654: {  	v4 =	vperm.xlane v3, v0;
	_ =	sdelay $0x1  }
0x655: {  	v4 =	vadd.s32 v1, v4;
	_ =	sdelay $0x1  }
0x656: {  	v3 =	vperm.xlane v3, v2;
	_ =	sdelay $0x1  }
0x657: {  	s3 =	simm.s32 $0x13000;
	s0 =	simm.s32 $0x0;
	s1 =	rddreg [dreg:$0x0];
	v3 =	vadd.s32 v1, v3  }
0x658: {  	[tilespmem:s3], [sflag:$0x3] =	stream.indirect_vreg.gather [hbm4b:s1+s0], $0x80, v4, vm0, $0xb8;
	[tilespmem:$0x1C000] =	vst v63  }
0x659: {  	s7 =	simm.s32 $0x13800;
	s3 =	rddreg [dreg:$0x5]  }
0x65a: {  	[tilespmem:s7], [sflag:$0x3] =	stream.indirect_vreg.gather [hbm4b:s3+s0], $0x80, v4, vm1, $0xb8;
	[tilespmem:$0x1C000] =	vst v63  }
0x65b: {  	s7 =	simm.s32 $0x13C00  }
0x65c: {  	[tilespmem:s7], [sflag:$0x3] =	stream.indirect_vreg.gather [hbm4b:s1+s0], $0x80, v3, vm0, $0xb8;
	[tilespmem:$0x1C000] =	vst v63  }
0x65d: {  	s7 =	simm.s32 $0x14400  }
0x65e: {  	[tilespmem:s7], [sflag:$0x3] =	stream.indirect_vreg.gather [hbm4b:s3+s0], $0x80, v3, vm1, $0xb8;
	[tilespmem:$0x1C000] =	vst v63  }
0x65f: {  	v3 =	vld [tilespmem:$0x710];
	_ =	sdelay $0x4  }
0x660: {  	v59 =	vshrl.u32 v3, $0x2  }
0x661: {  	v4 =	vmul.u32 $0xC, v59  }
0x662: {  	v3 =	vand.u32 $0x3, v3  }
0x663: {  	v3 =	vor.u32 v3, v4  }
0x664: {  	v4 =	vperm.xlane v3, v0;
	_ =	sdelay $0x1  }
0x665: {  	v4 =	vadd.s32 v1, v4;
	_ =	sdelay $0x1  }
0x666: {  	v3 =	vperm.xlane v3, v2;
	_ =	sdelay $0x1  }
0x667: {  	s7 =	simm.s32 $0x14800;
	v3 =	vadd.s32 v1, v3  }
0x668: {  	[tilespmem:s7], [sflag:$0x3] =	stream.indirect_vreg.gather [hbm4b:s1+s0], $0x80, v4, vm0, $0xb8;
	[tilespmem:$0x1C000] =	vst v63  }
0x669: {  	s7 =	simm.s32 $0x15000  }
0x66a: {  	[tilespmem:s7], [sflag:$0x3] =	stream.indirect_vreg.gather [hbm4b:s3+s0], $0x80, v4, vm1, $0xb8;
	[tilespmem:$0x1C000] =	vst v63  }
0x66b: {  	s7 =	simm.s32 $0x15400  }
0x66c: {  	[tilespmem:s7], [sflag:$0x3] =	stream.indirect_vreg.gather [hbm4b:s1+s0], $0x80, v3, vm0, $0xb8;
	[tilespmem:$0x1C000] =	vst v63  }
0x66d: {  	s7 =	simm.s32 $0x15C00  }
0x66e: {  	[tilespmem:s7], [sflag:$0x3] =	stream.indirect_vreg.gather [hbm4b:s3+s0], $0x80, v3, vm1, $0xb8;
	[tilespmem:$0x1C000] =	vst v63  }
0x66f: {  	v3 =	vld [tilespmem:$0x720];
	_ =	sdelay $0x4  }
0x670: {  	v60 =	vshrl.u32 v3, $0x2  }
0x671: {  	v4 =	vmul.u32 $0xC, v60  }
0x672: {  	v3 =	vand.u32 $0x3, v3  }
0x673: {  	v3 =	vor.u32 v3, v4  }
0x674: {  	v4 =	vperm.xlane v3, v0;
	_ =	sdelay $0x1  }
0x675: {  	v4 =	vadd.s32 v1, v4;
	_ =	sdelay $0x1  }
0x676: {  	v3 =	vperm.xlane v3, v2;
	_ =	sdelay $0x1  }
0x677: {  	s7 =	simm.s32 $0x16000;
	v3 =	vadd.s32 v1, v3  }
0x678: {  	[tilespmem:s7], [sflag:$0x3] =	stream.indirect_vreg.gather [hbm4b:s1+s0], $0x80, v4, vm0, $0xb8;
	[tilespmem:$0x1C000] =	vst v63  }
0x679: {  	s7 =	simm.s32 $0x16800  }
0x67a: {  	[tilespmem:s7], [sflag:$0x3] =	stream.indirect_vreg.gather [hbm4b:s3+s0], $0x80, v4, vm1, $0xb8;
	[tilespmem:$0x1C000] =	vst v63  }
0x67b: {  	s7 =	simm.s32 $0x16C00  }
0x67c: {  	[tilespmem:s7], [sflag:$0x3] =	stream.indirect_vreg.gather [hbm4b:s1+s0], $0x80, v3, vm0, $0xb8;
	[tilespmem:$0x1C000] =	vst v63  }
0x67d: {  	s7 =	simm.s32 $0x17400  }
0x67e: {  	[tilespmem:s7], [sflag:$0x3] =	stream.indirect_vreg.gather [hbm4b:s3+s0], $0x80, v3, vm1, $0xb8;
	[tilespmem:$0x1C000] =	vst v63  }
0x67f: {  	v3 =	vld [tilespmem:$0x730];
	_ =	sdelay $0x4  }
0x680: {  	v61 =	vshrl.u32 v3, $0x2  }
0x681: {  	v4 =	vmul.u32 $0xC, v61  }
0x682: {  	v3 =	vand.u32 $0x3, v3  }
0x683: {  	v3 =	vor.u32 v3, v4  }
0x684: {  	v4 =	vperm.xlane v3, v0;
	_ =	sdelay $0x1  }
0x685: {  	v4 =	vadd.s32 v1, v4;
	_ =	sdelay $0x1  }
0x686: {  	v3 =	vperm.xlane v3, v2;
	_ =	sdelay $0x1  }
0x687: {  	s7 =	simm.s32 $0x17800;
	v3 =	vadd.s32 v1, v3  }
0x688: {  	[tilespmem:s7], [sflag:$0x3] =	stream.indirect_vreg.gather [hbm4b:s1+s0], $0x80, v4, vm0, $0xb8;
	[tilespmem:$0x1C000] =	vst v63  }
0x689: {  	s7 =	simm.s32 $0x18000  }
0x68a: {  	[tilespmem:s7], [sflag:$0x3] =	stream.indirect_vreg.gather [hbm4b:s3+s0], $0x80, v4, vm1, $0xb8;
	[tilespmem:$0x1C000] =	vst v63  }
0x68b: {  	s7 =	simm.s32 $0x18400  }
0x68c: {  	[tilespmem:s7], [sflag:$0x3] =	stream.indirect_vreg.gather [hbm4b:s1+s0], $0x80, v3, vm0, $0xb8;
	[tilespmem:$0x1C000] =	vst v63  }
0x68d: {  	s7 =	simm.s32 $0x18C00  }
0x68e: {  	[tilespmem:s7], [sflag:$0x3] =	stream.indirect_vreg.gather [hbm4b:s3+s0], $0x80, v3, vm1, $0xb8;
	[tilespmem:$0x1C000] =	vst v63  }
0x68f: {  	v3 =	vld [tilespmem:$0x740];
	_ =	sdelay $0x4  }
0x690: {  	v62 =	vshrl.u32 v3, $0x2  }
0x691: {  	v4 =	vmul.u32 $0xC, v62  }
0x692: {  	v3 =	vand.u32 $0x3, v3  }
0x693: {  	v3 =	vor.u32 v3, v4  }
0x694: {  	v4 =	vperm.xlane v3, v0;
	_ =	sdelay $0x1  }
0x695: {  	v4 =	vadd.s32 v1, v4;
	_ =	sdelay $0x1  }
0x696: {  	v3 =	vperm.xlane v3, v2;
	_ =	sdelay $0x1  }
0x697: {  	s7 =	simm.s32 $0x19000;
	v3 =	vadd.s32 v1, v3  }
0x698: {  	[tilespmem:s7], [sflag:$0x3] =	stream.indirect_vreg.gather [hbm4b:s1+s0], $0x80, v4, vm0, $0xb8;
	[tilespmem:$0x1C000] =	vst v63  }
0x699: {  	s7 =	simm.s32 $0x19800  }
0x69a: {  	[tilespmem:s7], [sflag:$0x3] =	stream.indirect_vreg.gather [hbm4b:s3+s0], $0x80, v4, vm1, $0xb8;
	[tilespmem:$0x1C000] =	vst v63  }
0x69b: {  	s7 =	simm.s32 $0x19C00  }
0x69c: {  	[tilespmem:s7], [sflag:$0x3] =	stream.indirect_vreg.gather [hbm4b:s1+s0], $0x80, v3, vm0, $0xb8;
	[tilespmem:$0x1C000] =	vst v63  }
0x69d: {  	s7 =	simm.s32 $0x1A400  }
0x69e: {  	[tilespmem:s7], [sflag:$0x3] =	stream.indirect_vreg.gather [hbm4b:s3+s0], $0x80, v3, vm1, $0xb8;
	[tilespmem:$0x1C000] =	vst v63  }
0x69f: {  	v3 =	vld [tilespmem:$0x750];
	_ =	sdelay $0x4  }
0x6a0: {  	v63 =	vshrl.u32 v3, $0x2  }
0x6a1: {  	v4 =	vmul.u32 $0xC, v63  }
0x6a2: {  	v3 =	vand.u32 $0x3, v3  }
0x6a3: {  	v3 =	vor.u32 v3, v4  }
0x6a4: {  	v4 =	vperm.xlane v3, v0;
	_ =	sdelay $0x1  }
0x6a5: {  	v4 =	vadd.s32 v1, v4;
	_ =	sdelay $0x1  }
0x6a6: {  	v3 =	vperm.xlane v3, v2;
	_ =	sdelay $0x1  }
0x6a7: {  	s7 =	simm.s32 $0x1A800;
	v3 =	vadd.s32 v1, v3  }
0x6a8: {  	[tilespmem:s7], [sflag:$0x3] =	stream.indirect_vreg.gather [hbm4b:s1+s0], $0x80, v4, vm0, $0xb8;
	[tilespmem:$0x1C000] =	vst v63  }
0x6a9: {  	s7 =	simm.s32 $0x1B000  }
0x6aa: {  	[tilespmem:s7], [sflag:$0x3] =	stream.indirect_vreg.gather [hbm4b:s3+s0], $0x80, v4, vm1, $0xb8;
	[tilespmem:$0x1C000] =	vst v63  }
0x6ab: {  	s7 =	simm.s32 $0x1B400  }
0x6ac: {  	[tilespmem:s7], [sflag:$0x3] =	stream.indirect_vreg.gather [hbm4b:s1+s0], $0x80, v3, vm0, $0xb8;
	[tilespmem:$0x1C000] =	vst v63  }
0x6ad: {  	s6 =	simm.s32 $0x1BC00;
	s7 =	simm.s32 $0x2  }
0x6ae: {  	[tilespmem:s6], [sflag:$0x3] =	stream.indirect_vreg.gather [hbm4b:s3+s0], $0x80, v3, vm1, $0xb8;
	[tilespmem:$0x1C000] =	vst v63  }
0x6af: {  	_ =	swait.ge [sflag:s7], $0x9000  }
0x6b0: {  	[sflag:s7] =	ssyncset.done $0x0  }
0x6b1: {  	s1 =	simm.s32 $0xA000;
	s3 =	sadd.s32 $0x0, s19;
	[sflag:s7] =	ssyncadd.s32 $0xFFFF7000  }
0x6b2: {  	[hbm4b:s3+s4] =	stream.strided.scatter [tilespmem:s1], [sflag:$0x5], $0x400, s25, s4, $0x38;
	[tilespmem:$0x1C000] =	vst v63  }
0x6b3: {  	s6 =	simm.s32 $0xA400;
	s0 =	simm.s32 $0x180;
	s7 =	sadd.s32 $0x40, s3  }
0x6b4: {  	[hbm4b:s7+s4] =	stream.strided.scatter [tilespmem:s6], [sflag:$0x5], $0x400, s25, s4, $0x38;
	[tilespmem:$0x1C000] =	vst v63  }
0x6b5: {  	s1 =	simm.s32 $0xA800;
	s6 =	sadd.s32 $0x80, s3;
	s3 =	simm.s32 $0xAC00  }
.LBB2_28:
0x6b6: {  	[hbm4b:s6+s4] =	stream.strided.scatter [tilespmem:s1], [sflag:$0x5], $0x400, s25, s4, $0x38;
	[tilespmem:$0x1C000] =	vst v63  }
0x6b7: {  	p0 =	sne.s32 s0, $0x1080  }
.Ltmp13:
0x6b8: {  	s6 =	sadd.s32 s0, s19;
	(pc) =	sbr.rel @p0 .LBB2_28-.Ltmp13, $4  }
0x6b9: {  	[hbm4b:s6+s4] =	stream.strided.scatter [tilespmem:s3], [sflag:$0x5], $0x400, s25, s4, $0x38;
	[tilespmem:$0x1C000] =	vst v63  }
0x6ba: {  	s1 =	sadd.s32 $0x400, s3;
	s0 =	sadd.s32 $0x180, s0;
	s7 =	sadd.s32 $0x40, s6  }
0x6bb: {  	[hbm4b:s7+s4] =	stream.strided.scatter [tilespmem:s1], [sflag:$0x5], $0x400, s25, s4, $0x38;
	[tilespmem:$0x1C000] =	vst v63  }
0x6bc: {  	s6 =	sadd.s32 $0x80, s6;
	s1 =	sadd.s32 $0x800, s3;
	s3 =	sadd.s32 $0xC00, s3  }
0x6bd: {  	[hbm4b:s6+s4] =	stream.strided.scatter [tilespmem:s1], [sflag:$0x5], $0x400, s25, s4, $0x38;
	[tilespmem:$0x1C000] =	vst v63  }
0x6be: {  	s0 =	simm.s32 $0x4  }
0x6bf: {  	_ =	swait.ge [sflag:s0], $0x9000  }
0x6c0: {  	[sflag:s0] =	ssyncset.done $0x0  }
0x6c1: {  	[sflag:s0] =	ssyncadd.s32 $0xFFFF7000  }
0x6c2: {  	v3 =	vld [tilespmem:$0x780];
	_ =	sdelay $0x4  }
0x6c3: {  	v4 =	vshrl.u32 v3, $0x2  }
0x6c4: {  	v4 =	vmul.u32 $0xC, v4  }
0x6c5: {  	v3 =	vand.u32 $0x3, v3  }
0x6c6: {  	v3 =	vor.u32 v3, v4  }
0x6c7: {  	v4 =	vperm.xlane v3, v0;
	_ =	sdelay $0x1  }
0x6c8: {  	v4 =	vadd.s32 v1, v4;
	_ =	sdelay $0x1  }
0x6c9: {  	v3 =	vperm.xlane v3, v2;
	_ =	sdelay $0x1  }
0x6ca: {  	s3 =	simm.s32 $0x1000;
	s0 =	simm.s32 $0x0;
	s1 =	rddreg [dreg:$0x0];
	v3 =	vadd.s32 v1, v3  }
0x6cb: {  	[tilespmem:s3], [sflag:$0x1] =	stream.indirect_vreg.gather [hbm4b:s1+s0], $0x80, v4, vm0, $0xb8;
	[tilespmem:$0x1C000] =	vst v63  }
0x6cc: {  	s7 =	simm.s32 $0x1800;
	s3 =	rddreg [dreg:$0x5]  }
0x6cd: {  	[tilespmem:s7], [sflag:$0x1] =	stream.indirect_vreg.gather [hbm4b:s3+s0], $0x80, v4, vm1, $0xb8;
	[tilespmem:$0x1C000] =	vst v63  }
0x6ce: {  	s7 =	simm.s32 $0x1C00  }
0x6cf: {  	[tilespmem:s7], [sflag:$0x1] =	stream.indirect_vreg.gather [hbm4b:s1+s0], $0x80, v3, vm0, $0xb8;
	[tilespmem:$0x1C000] =	vst v63  }
0x6d0: {  	s7 =	simm.s32 $0x2400  }
0x6d1: {  	[tilespmem:s7], [sflag:$0x1] =	stream.indirect_vreg.gather [hbm4b:s3+s0], $0x80, v3, vm1, $0xb8;
	[tilespmem:$0x1C000] =	vst v63  }
0x6d2: {  	v3 =	vld [tilespmem:$0x790];
	_ =	sdelay $0x4  }
0x6d3: {  	v59 =	vshrl.u32 v3, $0x2  }
0x6d4: {  	v4 =	vmul.u32 $0xC, v59  }
0x6d5: {  	v3 =	vand.u32 $0x3, v3  }
0x6d6: {  	v3 =	vor.u32 v3, v4  }
0x6d7: {  	v4 =	vperm.xlane v3, v0;
	_ =	sdelay $0x1  }
0x6d8: {  	v4 =	vadd.s32 v1, v4;
	_ =	sdelay $0x1  }
0x6d9: {  	v3 =	vperm.xlane v3, v2;
	_ =	sdelay $0x1  }
0x6da: {  	s7 =	simm.s32 $0x2800;
	v3 =	vadd.s32 v1, v3  }
0x6db: {  	[tilespmem:s7], [sflag:$0x1] =	stream.indirect_vreg.gather [hbm4b:s1+s0], $0x80, v4, vm0, $0xb8;
	[tilespmem:$0x1C000] =	vst v63  }
0x6dc: {  	s7 =	simm.s32 $0x3000  }
0x6dd: {  	[tilespmem:s7], [sflag:$0x1] =	stream.indirect_vreg.gather [hbm4b:s3+s0], $0x80, v4, vm1, $0xb8;
	[tilespmem:$0x1C000] =	vst v63  }
0x6de: {  	s7 =	simm.s32 $0x3400  }
0x6df: {  	[tilespmem:s7], [sflag:$0x1] =	stream.indirect_vreg.gather [hbm4b:s1+s0], $0x80, v3, vm0, $0xb8;
	[tilespmem:$0x1C000] =	vst v63  }
0x6e0: {  	s7 =	simm.s32 $0x3C00  }
0x6e1: {  	[tilespmem:s7], [sflag:$0x1] =	stream.indirect_vreg.gather [hbm4b:s3+s0], $0x80, v3, vm1, $0xb8;
	[tilespmem:$0x1C000] =	vst v63  }
0x6e2: {  	v3 =	vld [tilespmem:$0x7A0];
	_ =	sdelay $0x4  }
0x6e3: {  	v60 =	vshrl.u32 v3, $0x2  }
0x6e4: {  	v4 =	vmul.u32 $0xC, v60  }
0x6e5: {  	v3 =	vand.u32 $0x3, v3  }
0x6e6: {  	v3 =	vor.u32 v3, v4  }
0x6e7: {  	v4 =	vperm.xlane v3, v0;
	_ =	sdelay $0x1  }
0x6e8: {  	v4 =	vadd.s32 v1, v4;
	_ =	sdelay $0x1  }
0x6e9: {  	v3 =	vperm.xlane v3, v2;
	_ =	sdelay $0x1  }
0x6ea: {  	s7 =	simm.s32 $0x4000;
	v3 =	vadd.s32 v1, v3  }
0x6eb: {  	[tilespmem:s7], [sflag:$0x1] =	stream.indirect_vreg.gather [hbm4b:s1+s0], $0x80, v4, vm0, $0xb8;
	[tilespmem:$0x1C000] =	vst v63  }
0x6ec: {  	s7 =	simm.s32 $0x4800  }
0x6ed: {  	[tilespmem:s7], [sflag:$0x1] =	stream.indirect_vreg.gather [hbm4b:s3+s0], $0x80, v4, vm1, $0xb8;
	[tilespmem:$0x1C000] =	vst v63  }
0x6ee: {  	s7 =	simm.s32 $0x4C00  }
0x6ef: {  	[tilespmem:s7], [sflag:$0x1] =	stream.indirect_vreg.gather [hbm4b:s1+s0], $0x80, v3, vm0, $0xb8;
	[tilespmem:$0x1C000] =	vst v63  }
0x6f0: {  	s7 =	simm.s32 $0x5400  }
0x6f1: {  	[tilespmem:s7], [sflag:$0x1] =	stream.indirect_vreg.gather [hbm4b:s3+s0], $0x80, v3, vm1, $0xb8;
	[tilespmem:$0x1C000] =	vst v63  }
0x6f2: {  	v3 =	vld [tilespmem:$0x7B0];
	_ =	sdelay $0x4  }
0x6f3: {  	v61 =	vshrl.u32 v3, $0x2  }
0x6f4: {  	v4 =	vmul.u32 $0xC, v61  }
0x6f5: {  	v3 =	vand.u32 $0x3, v3  }
0x6f6: {  	v3 =	vor.u32 v3, v4  }
0x6f7: {  	v4 =	vperm.xlane v3, v0;
	_ =	sdelay $0x1  }
0x6f8: {  	v4 =	vadd.s32 v1, v4;
	_ =	sdelay $0x1  }
0x6f9: {  	v3 =	vperm.xlane v3, v2;
	_ =	sdelay $0x1  }
0x6fa: {  	s7 =	simm.s32 $0x5800;
	v3 =	vadd.s32 v1, v3  }
0x6fb: {  	[tilespmem:s7], [sflag:$0x1] =	stream.indirect_vreg.gather [hbm4b:s1+s0], $0x80, v4, vm0, $0xb8;
	[tilespmem:$0x1C000] =	vst v63  }
0x6fc: {  	s7 =	simm.s32 $0x6000  }
0x6fd: {  	[tilespmem:s7], [sflag:$0x1] =	stream.indirect_vreg.gather [hbm4b:s3+s0], $0x80, v4, vm1, $0xb8;
	[tilespmem:$0x1C000] =	vst v63  }
0x6fe: {  	s7 =	simm.s32 $0x6400  }
0x6ff: {  	[tilespmem:s7], [sflag:$0x1] =	stream.indirect_vreg.gather [hbm4b:s1+s0], $0x80, v3, vm0, $0xb8;
	[tilespmem:$0x1C000] =	vst v63  }
0x700: {  	s7 =	simm.s32 $0x6C00  }
0x701: {  	[tilespmem:s7], [sflag:$0x1] =	stream.indirect_vreg.gather [hbm4b:s3+s0], $0x80, v3, vm1, $0xb8;
	[tilespmem:$0x1C000] =	vst v63  }
0x702: {  	v3 =	vld [tilespmem:$0x7C0];
	_ =	sdelay $0x4  }
0x703: {  	v62 =	vshrl.u32 v3, $0x2  }
0x704: {  	v4 =	vmul.u32 $0xC, v62  }
0x705: {  	v3 =	vand.u32 $0x3, v3  }
0x706: {  	v3 =	vor.u32 v3, v4  }
0x707: {  	v4 =	vperm.xlane v3, v0;
	_ =	sdelay $0x1  }
0x708: {  	v4 =	vadd.s32 v1, v4;
	_ =	sdelay $0x1  }
0x709: {  	v3 =	vperm.xlane v3, v2;
	_ =	sdelay $0x1  }
0x70a: {  	s7 =	simm.s32 $0x7000;
	v3 =	vadd.s32 v1, v3  }
0x70b: {  	[tilespmem:s7], [sflag:$0x1] =	stream.indirect_vreg.gather [hbm4b:s1+s0], $0x80, v4, vm0, $0xb8;
	[tilespmem:$0x1C000] =	vst v63  }
0x70c: {  	s7 =	simm.s32 $0x7800  }
0x70d: {  	[tilespmem:s7], [sflag:$0x1] =	stream.indirect_vreg.gather [hbm4b:s3+s0], $0x80, v4, vm1, $0xb8;
	[tilespmem:$0x1C000] =	vst v63  }
0x70e: {  	s7 =	simm.s32 $0x7C00  }
0x70f: {  	[tilespmem:s7], [sflag:$0x1] =	stream.indirect_vreg.gather [hbm4b:s1+s0], $0x80, v3, vm0, $0xb8;
	[tilespmem:$0x1C000] =	vst v63  }
0x710: {  	s7 =	simm.s32 $0x8400  }
0x711: {  	[tilespmem:s7], [sflag:$0x1] =	stream.indirect_vreg.gather [hbm4b:s3+s0], $0x80, v3, vm1, $0xb8;
	[tilespmem:$0x1C000] =	vst v63  }
0x712: {  	v3 =	vld [tilespmem:$0x7D0];
	_ =	sdelay $0x4  }
0x713: {  	v63 =	vshrl.u32 v3, $0x2  }
0x714: {  	v4 =	vmul.u32 $0xC, v63  }
0x715: {  	v3 =	vand.u32 $0x3, v3  }
0x716: {  	v3 =	vor.u32 v3, v4  }
0x717: {  	v4 =	vperm.xlane v3, v0;
	_ =	sdelay $0x1  }
0x718: {  	v4 =	vadd.s32 v1, v4;
	_ =	sdelay $0x1  }
0x719: {  	v3 =	vperm.xlane v3, v2;
	_ =	sdelay $0x1  }
0x71a: {  	s7 =	simm.s32 $0x8800;
	v3 =	vadd.s32 v1, v3  }
0x71b: {  	[tilespmem:s7], [sflag:$0x1] =	stream.indirect_vreg.gather [hbm4b:s1+s0], $0x80, v4, vm0, $0xb8;
	[tilespmem:$0x1C000] =	vst v63  }
0x71c: {  	s7 =	simm.s32 $0x9000  }
0x71d: {  	[tilespmem:s7], [sflag:$0x1] =	stream.indirect_vreg.gather [hbm4b:s3+s0], $0x80, v4, vm1, $0xb8;
	[tilespmem:$0x1C000] =	vst v63  }
0x71e: {  	s7 =	simm.s32 $0x9400  }
0x71f: {  	[tilespmem:s7], [sflag:$0x1] =	stream.indirect_vreg.gather [hbm4b:s1+s0], $0x80, v3, vm0, $0xb8;
	[tilespmem:$0x1C000] =	vst v63  }
0x720: {  	s6 =	simm.s32 $0x9C00;
	s7 =	simm.s32 $0x3  }
0x721: {  	[tilespmem:s6], [sflag:$0x1] =	stream.indirect_vreg.gather [hbm4b:s3+s0], $0x80, v3, vm1, $0xb8;
	[tilespmem:$0x1C000] =	vst v63  }
0x722: {  	_ =	swait.ge [sflag:s7], $0x9000  }
0x723: {  	[sflag:s7] =	ssyncset.done $0x0  }
0x724: {  	s1 =	simm.s32 $0x13000;
	s3 =	sadd.s32 $0x0, s20;
	[sflag:s7] =	ssyncadd.s32 $0xFFFF7000  }
0x725: {  	[hbm4b:s3+s4] =	stream.strided.scatter [tilespmem:s1], [sflag:$0x6], $0x400, s25, s4, $0x38;
	[tilespmem:$0x1C000] =	vst v63  }
0x726: {  	s6 =	simm.s32 $0x13400;
	s0 =	simm.s32 $0x180;
	s7 =	sadd.s32 $0x40, s3  }
0x727: {  	[hbm4b:s7+s4] =	stream.strided.scatter [tilespmem:s6], [sflag:$0x6], $0x400, s25, s4, $0x38;
	[tilespmem:$0x1C000] =	vst v63  }
0x728: {  	s1 =	simm.s32 $0x13800;
	s6 =	sadd.s32 $0x80, s3;
	s3 =	simm.s32 $0x13C00  }
.LBB2_30:
0x729: {  	[hbm4b:s6+s4] =	stream.strided.scatter [tilespmem:s1], [sflag:$0x6], $0x400, s25, s4, $0x38;
	[tilespmem:$0x1C000] =	vst v63  }
0x72a: {  	p0 =	sne.s32 s0, $0x1080  }
.Ltmp14:
0x72b: {  	s6 =	sadd.s32 s0, s20;
	(pc) =	sbr.rel @p0 .LBB2_30-.Ltmp14, $4  }
0x72c: {  	[hbm4b:s6+s4] =	stream.strided.scatter [tilespmem:s3], [sflag:$0x6], $0x400, s25, s4, $0x38;
	[tilespmem:$0x1C000] =	vst v63  }
0x72d: {  	s1 =	sadd.s32 $0x400, s3;
	s0 =	sadd.s32 $0x180, s0;
	s7 =	sadd.s32 $0x40, s6  }
0x72e: {  	[hbm4b:s7+s4] =	stream.strided.scatter [tilespmem:s1], [sflag:$0x6], $0x400, s25, s4, $0x38;
	[tilespmem:$0x1C000] =	vst v63  }
0x72f: {  	s6 =	sadd.s32 $0x80, s6;
	s1 =	sadd.s32 $0x800, s3;
	s3 =	sadd.s32 $0xC00, s3  }
0x730: {  	[hbm4b:s6+s4] =	stream.strided.scatter [tilespmem:s1], [sflag:$0x6], $0x400, s25, s4, $0x38;
	[tilespmem:$0x1C000] =	vst v63  }
0x731: {  	s0 =	simm.s32 $0x5  }
0x732: {  	_ =	swait.ge [sflag:s0], $0x9000  }
0x733: {  	[sflag:s0] =	ssyncset.done $0x0  }
0x734: {  	[sflag:s0] =	ssyncadd.s32 $0xFFFF7000  }
0x735: {  	v3 =	vld [tilespmem:$0x800];
	_ =	sdelay $0x4  }
0x736: {  	v4 =	vshrl.u32 v3, $0x2  }
0x737: {  	v4 =	vmul.u32 $0xC, v4  }
0x738: {  	v3 =	vand.u32 $0x3, v3  }
0x739: {  	v3 =	vor.u32 v3, v4  }
0x73a: {  	v4 =	vperm.xlane v3, v0;
	_ =	sdelay $0x1  }
0x73b: {  	v4 =	vadd.s32 v1, v4;
	_ =	sdelay $0x1  }
0x73c: {  	v3 =	vperm.xlane v3, v2;
	_ =	sdelay $0x1  }
0x73d: {  	s3 =	simm.s32 $0xA000;
	s0 =	simm.s32 $0x0;
	s1 =	rddreg [dreg:$0x0];
	v3 =	vadd.s32 v1, v3  }
0x73e: {  	[tilespmem:s3], [sflag:$0x2] =	stream.indirect_vreg.gather [hbm4b:s1+s0], $0x80, v4, vm0, $0xb8;
	[tilespmem:$0x1C000] =	vst v63  }
0x73f: {  	s7 =	simm.s32 $0xA800;
	s3 =	rddreg [dreg:$0x5]  }
0x740: {  	[tilespmem:s7], [sflag:$0x2] =	stream.indirect_vreg.gather [hbm4b:s3+s0], $0x80, v4, vm1, $0xb8;
	[tilespmem:$0x1C000] =	vst v63  }
0x741: {  	s7 =	simm.s32 $0xAC00  }
0x742: {  	[tilespmem:s7], [sflag:$0x2] =	stream.indirect_vreg.gather [hbm4b:s1+s0], $0x80, v3, vm0, $0xb8;
	[tilespmem:$0x1C000] =	vst v63  }
0x743: {  	s7 =	simm.s32 $0xB400  }
0x744: {  	[tilespmem:s7], [sflag:$0x2] =	stream.indirect_vreg.gather [hbm4b:s3+s0], $0x80, v3, vm1, $0xb8;
	[tilespmem:$0x1C000] =	vst v63  }
0x745: {  	v3 =	vld [tilespmem:$0x810];
	_ =	sdelay $0x4  }
0x746: {  	v59 =	vshrl.u32 v3, $0x2  }
0x747: {  	v4 =	vmul.u32 $0xC, v59  }
0x748: {  	v3 =	vand.u32 $0x3, v3  }
0x749: {  	v3 =	vor.u32 v3, v4  }
0x74a: {  	v4 =	vperm.xlane v3, v0;
	_ =	sdelay $0x1  }
0x74b: {  	v4 =	vadd.s32 v1, v4;
	_ =	sdelay $0x1  }
0x74c: {  	v3 =	vperm.xlane v3, v2;
	_ =	sdelay $0x1  }
0x74d: {  	s7 =	simm.s32 $0xB800;
	v3 =	vadd.s32 v1, v3  }
0x74e: {  	[tilespmem:s7], [sflag:$0x2] =	stream.indirect_vreg.gather [hbm4b:s1+s0], $0x80, v4, vm0, $0xb8;
	[tilespmem:$0x1C000] =	vst v63  }
0x74f: {  	s7 =	simm.s32 $0xC000  }
0x750: {  	[tilespmem:s7], [sflag:$0x2] =	stream.indirect_vreg.gather [hbm4b:s3+s0], $0x80, v4, vm1, $0xb8;
	[tilespmem:$0x1C000] =	vst v63  }
0x751: {  	s7 =	simm.s32 $0xC400  }
0x752: {  	[tilespmem:s7], [sflag:$0x2] =	stream.indirect_vreg.gather [hbm4b:s1+s0], $0x80, v3, vm0, $0xb8;
	[tilespmem:$0x1C000] =	vst v63  }
0x753: {  	s7 =	simm.s32 $0xCC00  }
0x754: {  	[tilespmem:s7], [sflag:$0x2] =	stream.indirect_vreg.gather [hbm4b:s3+s0], $0x80, v3, vm1, $0xb8;
	[tilespmem:$0x1C000] =	vst v63  }
0x755: {  	v3 =	vld [tilespmem:$0x820];
	_ =	sdelay $0x4  }
0x756: {  	v60 =	vshrl.u32 v3, $0x2  }
0x757: {  	v4 =	vmul.u32 $0xC, v60  }
0x758: {  	v3 =	vand.u32 $0x3, v3  }
0x759: {  	v3 =	vor.u32 v3, v4  }
0x75a: {  	v4 =	vperm.xlane v3, v0;
	_ =	sdelay $0x1  }
0x75b: {  	v4 =	vadd.s32 v1, v4;
	_ =	sdelay $0x1  }
0x75c: {  	v3 =	vperm.xlane v3, v2;
	_ =	sdelay $0x1  }
0x75d: {  	s7 =	simm.s32 $0xD000;
	v3 =	vadd.s32 v1, v3  }
0x75e: {  	[tilespmem:s7], [sflag:$0x2] =	stream.indirect_vreg.gather [hbm4b:s1+s0], $0x80, v4, vm0, $0xb8;
	[tilespmem:$0x1C000] =	vst v63  }
0x75f: {  	s7 =	simm.s32 $0xD800  }
0x760: {  	[tilespmem:s7], [sflag:$0x2] =	stream.indirect_vreg.gather [hbm4b:s3+s0], $0x80, v4, vm1, $0xb8;
	[tilespmem:$0x1C000] =	vst v63  }
0x761: {  	s7 =	simm.s32 $0xDC00  }
0x762: {  	[tilespmem:s7], [sflag:$0x2] =	stream.indirect_vreg.gather [hbm4b:s1+s0], $0x80, v3, vm0, $0xb8;
	[tilespmem:$0x1C000] =	vst v63  }
0x763: {  	s7 =	simm.s32 $0xE400  }
0x764: {  	[tilespmem:s7], [sflag:$0x2] =	stream.indirect_vreg.gather [hbm4b:s3+s0], $0x80, v3, vm1, $0xb8;
	[tilespmem:$0x1C000] =	vst v63  }
0x765: {  	v3 =	vld [tilespmem:$0x830];
	_ =	sdelay $0x4  }
0x766: {  	v61 =	vshrl.u32 v3, $0x2  }
0x767: {  	v4 =	vmul.u32 $0xC, v61  }
0x768: {  	v3 =	vand.u32 $0x3, v3  }
0x769: {  	v3 =	vor.u32 v3, v4  }
0x76a: {  	v4 =	vperm.xlane v3, v0;
	_ =	sdelay $0x1  }
0x76b: {  	v4 =	vadd.s32 v1, v4;
	_ =	sdelay $0x1  }
0x76c: {  	v3 =	vperm.xlane v3, v2;
	_ =	sdelay $0x1  }
0x76d: {  	s7 =	simm.s32 $0xE800;
	v3 =	vadd.s32 v1, v3  }
0x76e: {  	[tilespmem:s7], [sflag:$0x2] =	stream.indirect_vreg.gather [hbm4b:s1+s0], $0x80, v4, vm0, $0xb8;
	[tilespmem:$0x1C000] =	vst v63  }
0x76f: {  	s7 =	simm.s32 $0xF000  }
0x770: {  	[tilespmem:s7], [sflag:$0x2] =	stream.indirect_vreg.gather [hbm4b:s3+s0], $0x80, v4, vm1, $0xb8;
	[tilespmem:$0x1C000] =	vst v63  }
0x771: {  	s7 =	simm.s32 $0xF400  }
0x772: {  	[tilespmem:s7], [sflag:$0x2] =	stream.indirect_vreg.gather [hbm4b:s1+s0], $0x80, v3, vm0, $0xb8;
	[tilespmem:$0x1C000] =	vst v63  }
0x773: {  	s7 =	simm.s32 $0xFC00  }
0x774: {  	[tilespmem:s7], [sflag:$0x2] =	stream.indirect_vreg.gather [hbm4b:s3+s0], $0x80, v3, vm1, $0xb8;
	[tilespmem:$0x1C000] =	vst v63  }
0x775: {  	v3 =	vld [tilespmem:$0x840];
	_ =	sdelay $0x4  }
0x776: {  	v62 =	vshrl.u32 v3, $0x2  }
0x777: {  	v4 =	vmul.u32 $0xC, v62  }
0x778: {  	v3 =	vand.u32 $0x3, v3  }
0x779: {  	v3 =	vor.u32 v3, v4  }
0x77a: {  	v4 =	vperm.xlane v3, v0;
	_ =	sdelay $0x1  }
0x77b: {  	v4 =	vadd.s32 v1, v4;
	_ =	sdelay $0x1  }
0x77c: {  	v3 =	vperm.xlane v3, v2;
	_ =	sdelay $0x1  }
0x77d: {  	s7 =	simm.s32 $0x10000;
	v3 =	vadd.s32 v1, v3  }
0x77e: {  	[tilespmem:s7], [sflag:$0x2] =	stream.indirect_vreg.gather [hbm4b:s1+s0], $0x80, v4, vm0, $0xb8;
	[tilespmem:$0x1C000] =	vst v63  }
0x77f: {  	s7 =	simm.s32 $0x10800  }
0x780: {  	[tilespmem:s7], [sflag:$0x2] =	stream.indirect_vreg.gather [hbm4b:s3+s0], $0x80, v4, vm1, $0xb8;
	[tilespmem:$0x1C000] =	vst v63  }
0x781: {  	s7 =	simm.s32 $0x10C00  }
0x782: {  	[tilespmem:s7], [sflag:$0x2] =	stream.indirect_vreg.gather [hbm4b:s1+s0], $0x80, v3, vm0, $0xb8;
	[tilespmem:$0x1C000] =	vst v63  }
0x783: {  	s7 =	simm.s32 $0x11400  }
0x784: {  	[tilespmem:s7], [sflag:$0x2] =	stream.indirect_vreg.gather [hbm4b:s3+s0], $0x80, v3, vm1, $0xb8;
	[tilespmem:$0x1C000] =	vst v63  }
0x785: {  	v3 =	vld [tilespmem:$0x850];
	_ =	sdelay $0x4  }
0x786: {  	v63 =	vshrl.u32 v3, $0x2  }
0x787: {  	v4 =	vmul.u32 $0xC, v63  }
0x788: {  	v3 =	vand.u32 $0x3, v3  }
0x789: {  	v3 =	vor.u32 v3, v4  }
0x78a: {  	v4 =	vperm.xlane v3, v0;
	_ =	sdelay $0x1  }
0x78b: {  	v4 =	vadd.s32 v1, v4;
	_ =	sdelay $0x1  }
0x78c: {  	v3 =	vperm.xlane v3, v2;
	_ =	sdelay $0x1  }
0x78d: {  	s7 =	simm.s32 $0x11800;
	v3 =	vadd.s32 v1, v3  }
0x78e: {  	[tilespmem:s7], [sflag:$0x2] =	stream.indirect_vreg.gather [hbm4b:s1+s0], $0x80, v4, vm0, $0xb8;
	[tilespmem:$0x1C000] =	vst v63  }
0x78f: {  	s7 =	simm.s32 $0x12000  }
0x790: {  	[tilespmem:s7], [sflag:$0x2] =	stream.indirect_vreg.gather [hbm4b:s3+s0], $0x80, v4, vm1, $0xb8;
	[tilespmem:$0x1C000] =	vst v63  }
0x791: {  	s7 =	simm.s32 $0x12400  }
0x792: {  	[tilespmem:s7], [sflag:$0x2] =	stream.indirect_vreg.gather [hbm4b:s1+s0], $0x80, v3, vm0, $0xb8;
	[tilespmem:$0x1C000] =	vst v63  }
0x793: {  	s6 =	simm.s32 $0x12C00;
	s7 =	simm.s32 $0x1  }
0x794: {  	[tilespmem:s6], [sflag:$0x2] =	stream.indirect_vreg.gather [hbm4b:s3+s0], $0x80, v3, vm1, $0xb8;
	[tilespmem:$0x1C000] =	vst v63  }
0x795: {  	_ =	swait.ge [sflag:s7], $0x9000  }
0x796: {  	[sflag:s7] =	ssyncset.done $0x0  }
0x797: {  	s1 =	simm.s32 $0x1000;
	s3 =	sadd.s32 $0x0, s21;
	[sflag:s7] =	ssyncadd.s32 $0xFFFF7000  }
0x798: {  	[hbm4b:s3+s4] =	stream.strided.scatter [tilespmem:s1], [sflag:$0x4], $0x400, s25, s4, $0x38;
	[tilespmem:$0x1C000] =	vst v63  }
0x799: {  	s6 =	simm.s32 $0x1400;
	s0 =	simm.s32 $0x180;
	s7 =	sadd.s32 $0x40, s3  }
0x79a: {  	[hbm4b:s7+s4] =	stream.strided.scatter [tilespmem:s6], [sflag:$0x4], $0x400, s25, s4, $0x38;
	[tilespmem:$0x1C000] =	vst v63  }
0x79b: {  	s1 =	simm.s32 $0x1800;
	s6 =	sadd.s32 $0x80, s3;
	s3 =	simm.s32 $0x1C00  }
.LBB2_32:
0x79c: {  	[hbm4b:s6+s4] =	stream.strided.scatter [tilespmem:s1], [sflag:$0x4], $0x400, s25, s4, $0x38;
	[tilespmem:$0x1C000] =	vst v63  }
0x79d: {  	p0 =	sne.s32 s0, $0x1080  }
.Ltmp15:
0x79e: {  	s6 =	sadd.s32 s0, s21;
	(pc) =	sbr.rel @p0 .LBB2_32-.Ltmp15, $4  }
0x79f: {  	[hbm4b:s6+s4] =	stream.strided.scatter [tilespmem:s3], [sflag:$0x4], $0x400, s25, s4, $0x38;
	[tilespmem:$0x1C000] =	vst v63  }
0x7a0: {  	s1 =	sadd.s32 $0x400, s3;
	s0 =	sadd.s32 $0x180, s0;
	s7 =	sadd.s32 $0x40, s6  }
0x7a1: {  	[hbm4b:s7+s4] =	stream.strided.scatter [tilespmem:s1], [sflag:$0x4], $0x400, s25, s4, $0x38;
	[tilespmem:$0x1C000] =	vst v63  }
0x7a2: {  	s6 =	sadd.s32 $0x80, s6;
	s1 =	sadd.s32 $0x800, s3;
	s3 =	sadd.s32 $0xC00, s3  }
0x7a3: {  	[hbm4b:s6+s4] =	stream.strided.scatter [tilespmem:s1], [sflag:$0x4], $0x400, s25, s4, $0x38;
	[tilespmem:$0x1C000] =	vst v63  }
0x7a4: {  	s0 =	simm.s32 $0x6  }
0x7a5: {  	_ =	swait.ge [sflag:s0], $0x9000  }
0x7a6: {  	[sflag:s0] =	ssyncset.done $0x0  }
0x7a7: {  	[sflag:s0] =	ssyncadd.s32 $0xFFFF7000  }
0x7a8: {  	v3 =	vld [tilespmem:$0x880];
	_ =	sdelay $0x4  }
0x7a9: {  	v4 =	vshrl.u32 v3, $0x2  }
0x7aa: {  	v4 =	vmul.u32 $0xC, v4  }
0x7ab: {  	v3 =	vand.u32 $0x3, v3  }
0x7ac: {  	v3 =	vor.u32 v3, v4  }
0x7ad: {  	v4 =	vperm.xlane v3, v0;
	_ =	sdelay $0x1  }
0x7ae: {  	v4 =	vadd.s32 v1, v4;
	_ =	sdelay $0x1  }
0x7af: {  	v3 =	vperm.xlane v3, v2;
	_ =	sdelay $0x1  }
0x7b0: {  	s3 =	simm.s32 $0x13000;
	s0 =	simm.s32 $0x0;
	s1 =	rddreg [dreg:$0x0];
	v3 =	vadd.s32 v1, v3  }
0x7b1: {  	[tilespmem:s3], [sflag:$0x3] =	stream.indirect_vreg.gather [hbm4b:s1+s0], $0x80, v4, vm0, $0xb8;
	[tilespmem:$0x1C000] =	vst v63  }
0x7b2: {  	s7 =	simm.s32 $0x13800;
	s3 =	rddreg [dreg:$0x5]  }
0x7b3: {  	[tilespmem:s7], [sflag:$0x3] =	stream.indirect_vreg.gather [hbm4b:s3+s0], $0x80, v4, vm1, $0xb8;
	[tilespmem:$0x1C000] =	vst v63  }
0x7b4: {  	s7 =	simm.s32 $0x13C00  }
0x7b5: {  	[tilespmem:s7], [sflag:$0x3] =	stream.indirect_vreg.gather [hbm4b:s1+s0], $0x80, v3, vm0, $0xb8;
	[tilespmem:$0x1C000] =	vst v63  }
0x7b6: {  	s7 =	simm.s32 $0x14400  }
0x7b7: {  	[tilespmem:s7], [sflag:$0x3] =	stream.indirect_vreg.gather [hbm4b:s3+s0], $0x80, v3, vm1, $0xb8;
	[tilespmem:$0x1C000] =	vst v63  }
0x7b8: {  	v3 =	vld [tilespmem:$0x890];
	_ =	sdelay $0x4  }
0x7b9: {  	v59 =	vshrl.u32 v3, $0x2  }
0x7ba: {  	v4 =	vmul.u32 $0xC, v59  }
0x7bb: {  	v3 =	vand.u32 $0x3, v3  }
0x7bc: {  	v3 =	vor.u32 v3, v4  }
0x7bd: {  	v4 =	vperm.xlane v3, v0;
	_ =	sdelay $0x1  }
0x7be: {  	v4 =	vadd.s32 v1, v4;
	_ =	sdelay $0x1  }
0x7bf: {  	v3 =	vperm.xlane v3, v2;
	_ =	sdelay $0x1  }
0x7c0: {  	s7 =	simm.s32 $0x14800;
	v3 =	vadd.s32 v1, v3  }
0x7c1: {  	[tilespmem:s7], [sflag:$0x3] =	stream.indirect_vreg.gather [hbm4b:s1+s0], $0x80, v4, vm0, $0xb8;
	[tilespmem:$0x1C000] =	vst v63  }
0x7c2: {  	s7 =	simm.s32 $0x15000  }
0x7c3: {  	[tilespmem:s7], [sflag:$0x3] =	stream.indirect_vreg.gather [hbm4b:s3+s0], $0x80, v4, vm1, $0xb8;
	[tilespmem:$0x1C000] =	vst v63  }
0x7c4: {  	s7 =	simm.s32 $0x15400  }
0x7c5: {  	[tilespmem:s7], [sflag:$0x3] =	stream.indirect_vreg.gather [hbm4b:s1+s0], $0x80, v3, vm0, $0xb8;
	[tilespmem:$0x1C000] =	vst v63  }
0x7c6: {  	s7 =	simm.s32 $0x15C00  }
0x7c7: {  	[tilespmem:s7], [sflag:$0x3] =	stream.indirect_vreg.gather [hbm4b:s3+s0], $0x80, v3, vm1, $0xb8;
	[tilespmem:$0x1C000] =	vst v63  }
0x7c8: {  	v3 =	vld [tilespmem:$0x8A0];
	_ =	sdelay $0x4  }
0x7c9: {  	v60 =	vshrl.u32 v3, $0x2  }
0x7ca: {  	v4 =	vmul.u32 $0xC, v60  }
0x7cb: {  	v3 =	vand.u32 $0x3, v3  }
0x7cc: {  	v3 =	vor.u32 v3, v4  }
0x7cd: {  	v4 =	vperm.xlane v3, v0;
	_ =	sdelay $0x1  }
0x7ce: {  	v4 =	vadd.s32 v1, v4;
	_ =	sdelay $0x1  }
0x7cf: {  	v3 =	vperm.xlane v3, v2;
	_ =	sdelay $0x1  }
0x7d0: {  	s7 =	simm.s32 $0x16000;
	v3 =	vadd.s32 v1, v3  }
0x7d1: {  	[tilespmem:s7], [sflag:$0x3] =	stream.indirect_vreg.gather [hbm4b:s1+s0], $0x80, v4, vm0, $0xb8;
	[tilespmem:$0x1C000] =	vst v63  }
0x7d2: {  	s7 =	simm.s32 $0x16800  }
0x7d3: {  	[tilespmem:s7], [sflag:$0x3] =	stream.indirect_vreg.gather [hbm4b:s3+s0], $0x80, v4, vm1, $0xb8;
	[tilespmem:$0x1C000] =	vst v63  }
0x7d4: {  	s7 =	simm.s32 $0x16C00  }
0x7d5: {  	[tilespmem:s7], [sflag:$0x3] =	stream.indirect_vreg.gather [hbm4b:s1+s0], $0x80, v3, vm0, $0xb8;
	[tilespmem:$0x1C000] =	vst v63  }
0x7d6: {  	s7 =	simm.s32 $0x17400  }
0x7d7: {  	[tilespmem:s7], [sflag:$0x3] =	stream.indirect_vreg.gather [hbm4b:s3+s0], $0x80, v3, vm1, $0xb8;
	[tilespmem:$0x1C000] =	vst v63  }
0x7d8: {  	v3 =	vld [tilespmem:$0x8B0];
	_ =	sdelay $0x4  }
0x7d9: {  	v61 =	vshrl.u32 v3, $0x2  }
0x7da: {  	v4 =	vmul.u32 $0xC, v61  }
0x7db: {  	v3 =	vand.u32 $0x3, v3  }
0x7dc: {  	v3 =	vor.u32 v3, v4  }
0x7dd: {  	v4 =	vperm.xlane v3, v0;
	_ =	sdelay $0x1  }
0x7de: {  	v4 =	vadd.s32 v1, v4;
	_ =	sdelay $0x1  }
0x7df: {  	v3 =	vperm.xlane v3, v2;
	_ =	sdelay $0x1  }
0x7e0: {  	s7 =	simm.s32 $0x17800;
	v3 =	vadd.s32 v1, v3  }
0x7e1: {  	[tilespmem:s7], [sflag:$0x3] =	stream.indirect_vreg.gather [hbm4b:s1+s0], $0x80, v4, vm0, $0xb8;
	[tilespmem:$0x1C000] =	vst v63  }
0x7e2: {  	s7 =	simm.s32 $0x18000  }
0x7e3: {  	[tilespmem:s7], [sflag:$0x3] =	stream.indirect_vreg.gather [hbm4b:s3+s0], $0x80, v4, vm1, $0xb8;
	[tilespmem:$0x1C000] =	vst v63  }
0x7e4: {  	s7 =	simm.s32 $0x18400  }
0x7e5: {  	[tilespmem:s7], [sflag:$0x3] =	stream.indirect_vreg.gather [hbm4b:s1+s0], $0x80, v3, vm0, $0xb8;
	[tilespmem:$0x1C000] =	vst v63  }
0x7e6: {  	s7 =	simm.s32 $0x18C00  }
0x7e7: {  	[tilespmem:s7], [sflag:$0x3] =	stream.indirect_vreg.gather [hbm4b:s3+s0], $0x80, v3, vm1, $0xb8;
	[tilespmem:$0x1C000] =	vst v63  }
0x7e8: {  	v3 =	vld [tilespmem:$0x8C0];
	_ =	sdelay $0x4  }
0x7e9: {  	v62 =	vshrl.u32 v3, $0x2  }
0x7ea: {  	v4 =	vmul.u32 $0xC, v62  }
0x7eb: {  	v3 =	vand.u32 $0x3, v3  }
0x7ec: {  	v3 =	vor.u32 v3, v4  }
0x7ed: {  	v4 =	vperm.xlane v3, v0;
	_ =	sdelay $0x1  }
0x7ee: {  	v4 =	vadd.s32 v1, v4;
	_ =	sdelay $0x1  }
0x7ef: {  	v3 =	vperm.xlane v3, v2;
	_ =	sdelay $0x1  }
0x7f0: {  	s7 =	simm.s32 $0x19000;
	v3 =	vadd.s32 v1, v3  }
0x7f1: {  	[tilespmem:s7], [sflag:$0x3] =	stream.indirect_vreg.gather [hbm4b:s1+s0], $0x80, v4, vm0, $0xb8;
	[tilespmem:$0x1C000] =	vst v63  }
0x7f2: {  	s7 =	simm.s32 $0x19800  }
0x7f3: {  	[tilespmem:s7], [sflag:$0x3] =	stream.indirect_vreg.gather [hbm4b:s3+s0], $0x80, v4, vm1, $0xb8;
	[tilespmem:$0x1C000] =	vst v63  }
0x7f4: {  	s7 =	simm.s32 $0x19C00  }
0x7f5: {  	[tilespmem:s7], [sflag:$0x3] =	stream.indirect_vreg.gather [hbm4b:s1+s0], $0x80, v3, vm0, $0xb8;
	[tilespmem:$0x1C000] =	vst v63  }
0x7f6: {  	s7 =	simm.s32 $0x1A400  }
0x7f7: {  	[tilespmem:s7], [sflag:$0x3] =	stream.indirect_vreg.gather [hbm4b:s3+s0], $0x80, v3, vm1, $0xb8;
	[tilespmem:$0x1C000] =	vst v63  }
0x7f8: {  	v3 =	vld [tilespmem:$0x8D0];
	_ =	sdelay $0x4  }
0x7f9: {  	v63 =	vshrl.u32 v3, $0x2  }
0x7fa: {  	v4 =	vmul.u32 $0xC, v63  }
0x7fb: {  	v3 =	vand.u32 $0x3, v3  }
0x7fc: {  	v3 =	vor.u32 v3, v4  }
0x7fd: {  	v4 =	vperm.xlane v3, v0;
	_ =	sdelay $0x1  }
0x7fe: {  	v4 =	vadd.s32 v1, v4;
	_ =	sdelay $0x1  }
0x7ff: {  	v3 =	vperm.xlane v3, v2;
	_ =	sdelay $0x1  }
0x800: {  	s7 =	simm.s32 $0x1A800;
	v3 =	vadd.s32 v1, v3  }
0x801: {  	[tilespmem:s7], [sflag:$0x3] =	stream.indirect_vreg.gather [hbm4b:s1+s0], $0x80, v4, vm0, $0xb8;
	[tilespmem:$0x1C000] =	vst v63  }
0x802: {  	s7 =	simm.s32 $0x1B000  }
0x803: {  	[tilespmem:s7], [sflag:$0x3] =	stream.indirect_vreg.gather [hbm4b:s3+s0], $0x80, v4, vm1, $0xb8;
	[tilespmem:$0x1C000] =	vst v63  }
0x804: {  	s7 =	simm.s32 $0x1B400  }
0x805: {  	[tilespmem:s7], [sflag:$0x3] =	stream.indirect_vreg.gather [hbm4b:s1+s0], $0x80, v3, vm0, $0xb8;
	[tilespmem:$0x1C000] =	vst v63  }
0x806: {  	s6 =	simm.s32 $0x1BC00;
	s7 =	simm.s32 $0x2  }
0x807: {  	[tilespmem:s6], [sflag:$0x3] =	stream.indirect_vreg.gather [hbm4b:s3+s0], $0x80, v3, vm1, $0xb8;
	[tilespmem:$0x1C000] =	vst v63  }
0x808: {  	_ =	swait.ge [sflag:s7], $0x9000  }
0x809: {  	[sflag:s7] =	ssyncset.done $0x0  }
0x80a: {  	s1 =	simm.s32 $0xA000;
	s3 =	sadd.s32 $0x0, s22;
	[sflag:s7] =	ssyncadd.s32 $0xFFFF7000  }
0x80b: {  	[hbm4b:s3+s4] =	stream.strided.scatter [tilespmem:s1], [sflag:$0x5], $0x400, s25, s4, $0x38;
	[tilespmem:$0x1C000] =	vst v63  }
0x80c: {  	s6 =	simm.s32 $0xA400;
	s0 =	simm.s32 $0x180;
	s7 =	sadd.s32 $0x40, s3  }
0x80d: {  	[hbm4b:s7+s4] =	stream.strided.scatter [tilespmem:s6], [sflag:$0x5], $0x400, s25, s4, $0x38;
	[tilespmem:$0x1C000] =	vst v63  }
0x80e: {  	s1 =	simm.s32 $0xA800;
	s6 =	sadd.s32 $0x80, s3;
	s3 =	simm.s32 $0xAC00  }
.LBB2_34:
0x80f: {  	[hbm4b:s6+s4] =	stream.strided.scatter [tilespmem:s1], [sflag:$0x5], $0x400, s25, s4, $0x38;
	[tilespmem:$0x1C000] =	vst v63  }
0x810: {  	p0 =	sne.s32 s0, $0x1080  }
.Ltmp16:
0x811: {  	s6 =	sadd.s32 s0, s22;
	(pc) =	sbr.rel @p0 .LBB2_34-.Ltmp16, $4  }
0x812: {  	[hbm4b:s6+s4] =	stream.strided.scatter [tilespmem:s3], [sflag:$0x5], $0x400, s25, s4, $0x38;
	[tilespmem:$0x1C000] =	vst v63  }
0x813: {  	s1 =	sadd.s32 $0x400, s3;
	s0 =	sadd.s32 $0x180, s0;
	s7 =	sadd.s32 $0x40, s6  }
0x814: {  	[hbm4b:s7+s4] =	stream.strided.scatter [tilespmem:s1], [sflag:$0x5], $0x400, s25, s4, $0x38;
	[tilespmem:$0x1C000] =	vst v63  }
0x815: {  	s6 =	sadd.s32 $0x80, s6;
	s1 =	sadd.s32 $0x800, s3;
	s3 =	sadd.s32 $0xC00, s3  }
0x816: {  	[hbm4b:s6+s4] =	stream.strided.scatter [tilespmem:s1], [sflag:$0x5], $0x400, s25, s4, $0x38;
	[tilespmem:$0x1C000] =	vst v63  }
0x817: {  	s0 =	simm.s32 $0x4  }
0x818: {  	_ =	swait.ge [sflag:s0], $0x9000  }
0x819: {  	[sflag:s0] =	ssyncset.done $0x0  }
0x81a: {  	[sflag:s0] =	ssyncadd.s32 $0xFFFF7000  }
0x81b: {  	v3 =	vld [tilespmem:$0x900];
	_ =	sdelay $0x4  }
0x81c: {  	v4 =	vshrl.u32 v3, $0x2  }
0x81d: {  	v4 =	vmul.u32 $0xC, v4  }
0x81e: {  	v3 =	vand.u32 $0x3, v3  }
0x81f: {  	v3 =	vor.u32 v3, v4  }
0x820: {  	v4 =	vperm.xlane v3, v0;
	_ =	sdelay $0x1  }
0x821: {  	v4 =	vadd.s32 v1, v4;
	_ =	sdelay $0x1  }
0x822: {  	v3 =	vperm.xlane v3, v2;
	_ =	sdelay $0x1  }
0x823: {  	s3 =	simm.s32 $0x1000;
	s0 =	simm.s32 $0x0;
	s1 =	rddreg [dreg:$0x0];
	v3 =	vadd.s32 v1, v3  }
0x824: {  	[tilespmem:s3], [sflag:$0x1] =	stream.indirect_vreg.gather [hbm4b:s1+s0], $0x80, v4, vm0, $0xb8;
	[tilespmem:$0x1C000] =	vst v63  }
0x825: {  	s7 =	simm.s32 $0x1800;
	s3 =	rddreg [dreg:$0x5]  }
0x826: {  	[tilespmem:s7], [sflag:$0x1] =	stream.indirect_vreg.gather [hbm4b:s3+s0], $0x80, v4, vm1, $0xb8;
	[tilespmem:$0x1C000] =	vst v63  }
0x827: {  	s7 =	simm.s32 $0x1C00  }
0x828: {  	[tilespmem:s7], [sflag:$0x1] =	stream.indirect_vreg.gather [hbm4b:s1+s0], $0x80, v3, vm0, $0xb8;
	[tilespmem:$0x1C000] =	vst v63  }
0x829: {  	s7 =	simm.s32 $0x2400  }
0x82a: {  	[tilespmem:s7], [sflag:$0x1] =	stream.indirect_vreg.gather [hbm4b:s3+s0], $0x80, v3, vm1, $0xb8;
	[tilespmem:$0x1C000] =	vst v63  }
0x82b: {  	v3 =	vld [tilespmem:$0x910];
	_ =	sdelay $0x4  }
0x82c: {  	v59 =	vshrl.u32 v3, $0x2  }
0x82d: {  	v4 =	vmul.u32 $0xC, v59  }
0x82e: {  	v3 =	vand.u32 $0x3, v3  }
0x82f: {  	v3 =	vor.u32 v3, v4  }
0x830: {  	v4 =	vperm.xlane v3, v0;
	_ =	sdelay $0x1  }
0x831: {  	v4 =	vadd.s32 v1, v4;
	_ =	sdelay $0x1  }
0x832: {  	v3 =	vperm.xlane v3, v2;
	_ =	sdelay $0x1  }
0x833: {  	s7 =	simm.s32 $0x2800;
	v3 =	vadd.s32 v1, v3  }
0x834: {  	[tilespmem:s7], [sflag:$0x1] =	stream.indirect_vreg.gather [hbm4b:s1+s0], $0x80, v4, vm0, $0xb8;
	[tilespmem:$0x1C000] =	vst v63  }
0x835: {  	s7 =	simm.s32 $0x3000  }
0x836: {  	[tilespmem:s7], [sflag:$0x1] =	stream.indirect_vreg.gather [hbm4b:s3+s0], $0x80, v4, vm1, $0xb8;
	[tilespmem:$0x1C000] =	vst v63  }
0x837: {  	s7 =	simm.s32 $0x3400  }
0x838: {  	[tilespmem:s7], [sflag:$0x1] =	stream.indirect_vreg.gather [hbm4b:s1+s0], $0x80, v3, vm0, $0xb8;
	[tilespmem:$0x1C000] =	vst v63  }
0x839: {  	s7 =	simm.s32 $0x3C00  }
0x83a: {  	[tilespmem:s7], [sflag:$0x1] =	stream.indirect_vreg.gather [hbm4b:s3+s0], $0x80, v3, vm1, $0xb8;
	[tilespmem:$0x1C000] =	vst v63  }
0x83b: {  	v3 =	vld [tilespmem:$0x920];
	_ =	sdelay $0x4  }
0x83c: {  	v60 =	vshrl.u32 v3, $0x2  }
0x83d: {  	v4 =	vmul.u32 $0xC, v60  }
0x83e: {  	v3 =	vand.u32 $0x3, v3  }
0x83f: {  	v3 =	vor.u32 v3, v4  }
0x840: {  	v4 =	vperm.xlane v3, v0;
	_ =	sdelay $0x1  }
0x841: {  	v4 =	vadd.s32 v1, v4;
	_ =	sdelay $0x1  }
0x842: {  	v3 =	vperm.xlane v3, v2;
	_ =	sdelay $0x1  }
0x843: {  	s7 =	simm.s32 $0x4000;
	v3 =	vadd.s32 v1, v3  }
0x844: {  	[tilespmem:s7], [sflag:$0x1] =	stream.indirect_vreg.gather [hbm4b:s1+s0], $0x80, v4, vm0, $0xb8;
	[tilespmem:$0x1C000] =	vst v63  }
0x845: {  	s7 =	simm.s32 $0x4800  }
0x846: {  	[tilespmem:s7], [sflag:$0x1] =	stream.indirect_vreg.gather [hbm4b:s3+s0], $0x80, v4, vm1, $0xb8;
	[tilespmem:$0x1C000] =	vst v63  }
0x847: {  	s7 =	simm.s32 $0x4C00  }
0x848: {  	[tilespmem:s7], [sflag:$0x1] =	stream.indirect_vreg.gather [hbm4b:s1+s0], $0x80, v3, vm0, $0xb8;
	[tilespmem:$0x1C000] =	vst v63  }
0x849: {  	s7 =	simm.s32 $0x5400  }
0x84a: {  	[tilespmem:s7], [sflag:$0x1] =	stream.indirect_vreg.gather [hbm4b:s3+s0], $0x80, v3, vm1, $0xb8;
	[tilespmem:$0x1C000] =	vst v63  }
0x84b: {  	v3 =	vld [tilespmem:$0x930];
	_ =	sdelay $0x4  }
0x84c: {  	v61 =	vshrl.u32 v3, $0x2  }
0x84d: {  	v4 =	vmul.u32 $0xC, v61  }
0x84e: {  	v3 =	vand.u32 $0x3, v3  }
0x84f: {  	v3 =	vor.u32 v3, v4  }
0x850: {  	v4 =	vperm.xlane v3, v0;
	_ =	sdelay $0x1  }
0x851: {  	v4 =	vadd.s32 v1, v4;
	_ =	sdelay $0x1  }
0x852: {  	v3 =	vperm.xlane v3, v2;
	_ =	sdelay $0x1  }
0x853: {  	s7 =	simm.s32 $0x5800;
	v3 =	vadd.s32 v1, v3  }
0x854: {  	[tilespmem:s7], [sflag:$0x1] =	stream.indirect_vreg.gather [hbm4b:s1+s0], $0x80, v4, vm0, $0xb8;
	[tilespmem:$0x1C000] =	vst v63  }
0x855: {  	s7 =	simm.s32 $0x6000  }
0x856: {  	[tilespmem:s7], [sflag:$0x1] =	stream.indirect_vreg.gather [hbm4b:s3+s0], $0x80, v4, vm1, $0xb8;
	[tilespmem:$0x1C000] =	vst v63  }
0x857: {  	s7 =	simm.s32 $0x6400  }
0x858: {  	[tilespmem:s7], [sflag:$0x1] =	stream.indirect_vreg.gather [hbm4b:s1+s0], $0x80, v3, vm0, $0xb8;
	[tilespmem:$0x1C000] =	vst v63  }
0x859: {  	s7 =	simm.s32 $0x6C00  }
0x85a: {  	[tilespmem:s7], [sflag:$0x1] =	stream.indirect_vreg.gather [hbm4b:s3+s0], $0x80, v3, vm1, $0xb8;
	[tilespmem:$0x1C000] =	vst v63  }
0x85b: {  	v3 =	vld [tilespmem:$0x940];
	_ =	sdelay $0x4  }
0x85c: {  	v62 =	vshrl.u32 v3, $0x2  }
0x85d: {  	v4 =	vmul.u32 $0xC, v62  }
0x85e: {  	v3 =	vand.u32 $0x3, v3  }
0x85f: {  	v3 =	vor.u32 v3, v4  }
0x860: {  	v4 =	vperm.xlane v3, v0;
	_ =	sdelay $0x1  }
0x861: {  	v4 =	vadd.s32 v1, v4;
	_ =	sdelay $0x1  }
0x862: {  	v3 =	vperm.xlane v3, v2;
	_ =	sdelay $0x1  }
0x863: {  	s7 =	simm.s32 $0x7000;
	v3 =	vadd.s32 v1, v3  }
0x864: {  	[tilespmem:s7], [sflag:$0x1] =	stream.indirect_vreg.gather [hbm4b:s1+s0], $0x80, v4, vm0, $0xb8;
	[tilespmem:$0x1C000] =	vst v63  }
0x865: {  	s7 =	simm.s32 $0x7800  }
0x866: {  	[tilespmem:s7], [sflag:$0x1] =	stream.indirect_vreg.gather [hbm4b:s3+s0], $0x80, v4, vm1, $0xb8;
	[tilespmem:$0x1C000] =	vst v63  }
0x867: {  	s7 =	simm.s32 $0x7C00  }
0x868: {  	[tilespmem:s7], [sflag:$0x1] =	stream.indirect_vreg.gather [hbm4b:s1+s0], $0x80, v3, vm0, $0xb8;
	[tilespmem:$0x1C000] =	vst v63  }
0x869: {  	s7 =	simm.s32 $0x8400  }
0x86a: {  	[tilespmem:s7], [sflag:$0x1] =	stream.indirect_vreg.gather [hbm4b:s3+s0], $0x80, v3, vm1, $0xb8;
	[tilespmem:$0x1C000] =	vst v63  }
0x86b: {  	v3 =	vld [tilespmem:$0x950];
	_ =	sdelay $0x4  }
0x86c: {  	v63 =	vshrl.u32 v3, $0x2  }
0x86d: {  	v4 =	vmul.u32 $0xC, v63  }
0x86e: {  	v3 =	vand.u32 $0x3, v3  }
0x86f: {  	v3 =	vor.u32 v3, v4  }
0x870: {  	v4 =	vperm.xlane v3, v0;
	_ =	sdelay $0x1  }
0x871: {  	v4 =	vadd.s32 v1, v4;
	_ =	sdelay $0x1  }
0x872: {  	v3 =	vperm.xlane v3, v2;
	_ =	sdelay $0x1  }
0x873: {  	s7 =	simm.s32 $0x8800;
	v3 =	vadd.s32 v1, v3  }
0x874: {  	[tilespmem:s7], [sflag:$0x1] =	stream.indirect_vreg.gather [hbm4b:s1+s0], $0x80, v4, vm0, $0xb8;
	[tilespmem:$0x1C000] =	vst v63  }
0x875: {  	s7 =	simm.s32 $0x9000  }
0x876: {  	[tilespmem:s7], [sflag:$0x1] =	stream.indirect_vreg.gather [hbm4b:s3+s0], $0x80, v4, vm1, $0xb8;
	[tilespmem:$0x1C000] =	vst v63  }
0x877: {  	s7 =	simm.s32 $0x9400  }
0x878: {  	[tilespmem:s7], [sflag:$0x1] =	stream.indirect_vreg.gather [hbm4b:s1+s0], $0x80, v3, vm0, $0xb8;
	[tilespmem:$0x1C000] =	vst v63  }
0x879: {  	s6 =	simm.s32 $0x9C00;
	s7 =	simm.s32 $0x3  }
0x87a: {  	[tilespmem:s6], [sflag:$0x1] =	stream.indirect_vreg.gather [hbm4b:s3+s0], $0x80, v3, vm1, $0xb8;
	[tilespmem:$0x1C000] =	vst v63  }
0x87b: {  	_ =	swait.ge [sflag:s7], $0x9000  }
0x87c: {  	[sflag:s7] =	ssyncset.done $0x0  }
0x87d: {  	s1 =	simm.s32 $0x13000;
	s3 =	sadd.s32 $0x0, s23;
	[sflag:s7] =	ssyncadd.s32 $0xFFFF7000  }
0x87e: {  	[hbm4b:s3+s4] =	stream.strided.scatter [tilespmem:s1], [sflag:$0x6], $0x400, s25, s4, $0x38;
	[tilespmem:$0x1C000] =	vst v63  }
0x87f: {  	s6 =	simm.s32 $0x13400;
	s0 =	simm.s32 $0x180;
	s7 =	sadd.s32 $0x40, s3  }
0x880: {  	[hbm4b:s7+s4] =	stream.strided.scatter [tilespmem:s6], [sflag:$0x6], $0x400, s25, s4, $0x38;
	[tilespmem:$0x1C000] =	vst v63  }
0x881: {  	s1 =	simm.s32 $0x13800;
	s6 =	sadd.s32 $0x80, s3;
	s3 =	simm.s32 $0x13C00  }
.LBB2_36:
0x882: {  	[hbm4b:s6+s4] =	stream.strided.scatter [tilespmem:s1], [sflag:$0x6], $0x400, s25, s4, $0x38;
	[tilespmem:$0x1C000] =	vst v63  }
0x883: {  	p0 =	sne.s32 s0, $0x1080  }
.Ltmp17:
0x884: {  	s6 =	sadd.s32 s0, s23;
	(pc) =	sbr.rel @p0 .LBB2_36-.Ltmp17, $4  }
0x885: {  	[hbm4b:s6+s4] =	stream.strided.scatter [tilespmem:s3], [sflag:$0x6], $0x400, s25, s4, $0x38;
	[tilespmem:$0x1C000] =	vst v63  }
0x886: {  	s1 =	sadd.s32 $0x400, s3;
	s0 =	sadd.s32 $0x180, s0;
	s7 =	sadd.s32 $0x40, s6  }
0x887: {  	[hbm4b:s7+s4] =	stream.strided.scatter [tilespmem:s1], [sflag:$0x6], $0x400, s25, s4, $0x38;
	[tilespmem:$0x1C000] =	vst v63  }
0x888: {  	s6 =	sadd.s32 $0x80, s6;
	s1 =	sadd.s32 $0x800, s3;
	s3 =	sadd.s32 $0xC00, s3  }
0x889: {  	[hbm4b:s6+s4] =	stream.strided.scatter [tilespmem:s1], [sflag:$0x6], $0x400, s25, s4, $0x38;
	[tilespmem:$0x1C000] =	vst v63  }
0x88a: {  	s0 =	simm.s32 $0x5  }
0x88b: {  	_ =	swait.ge [sflag:s0], $0x9000  }
0x88c: {  	[sflag:s0] =	ssyncset.done $0x0  }
0x88d: {  	[sflag:s0] =	ssyncadd.s32 $0xFFFF7000  }
0x88e: {  	v3 =	vld [tilespmem:$0x980];
	_ =	sdelay $0x4  }
0x88f: {  	v4 =	vshrl.u32 v3, $0x2  }
0x890: {  	v4 =	vmul.u32 $0xC, v4  }
0x891: {  	v3 =	vand.u32 $0x3, v3  }
0x892: {  	v3 =	vor.u32 v3, v4  }
0x893: {  	v4 =	vperm.xlane v3, v0;
	_ =	sdelay $0x1  }
0x894: {  	v4 =	vadd.s32 v1, v4;
	_ =	sdelay $0x1  }
0x895: {  	v3 =	vperm.xlane v3, v2;
	_ =	sdelay $0x1  }
0x896: {  	s3 =	simm.s32 $0xA000;
	s0 =	simm.s32 $0x0;
	s1 =	rddreg [dreg:$0x0];
	v3 =	vadd.s32 v1, v3  }
0x897: {  	[tilespmem:s3], [sflag:$0x2] =	stream.indirect_vreg.gather [hbm4b:s1+s0], $0x80, v4, vm0, $0xb8;
	[tilespmem:$0x1C000] =	vst v63  }
0x898: {  	s7 =	simm.s32 $0xA800;
	s3 =	rddreg [dreg:$0x5]  }
0x899: {  	[tilespmem:s7], [sflag:$0x2] =	stream.indirect_vreg.gather [hbm4b:s3+s0], $0x80, v4, vm1, $0xb8;
	[tilespmem:$0x1C000] =	vst v63  }
0x89a: {  	s7 =	simm.s32 $0xAC00  }
0x89b: {  	[tilespmem:s7], [sflag:$0x2] =	stream.indirect_vreg.gather [hbm4b:s1+s0], $0x80, v3, vm0, $0xb8;
	[tilespmem:$0x1C000] =	vst v63  }
0x89c: {  	s7 =	simm.s32 $0xB400  }
0x89d: {  	[tilespmem:s7], [sflag:$0x2] =	stream.indirect_vreg.gather [hbm4b:s3+s0], $0x80, v3, vm1, $0xb8;
	[tilespmem:$0x1C000] =	vst v63  }
0x89e: {  	v3 =	vld [tilespmem:$0x990];
	_ =	sdelay $0x4  }
0x89f: {  	v59 =	vshrl.u32 v3, $0x2  }
0x8a0: {  	v4 =	vmul.u32 $0xC, v59  }
0x8a1: {  	v3 =	vand.u32 $0x3, v3  }
0x8a2: {  	v3 =	vor.u32 v3, v4  }
0x8a3: {  	v4 =	vperm.xlane v3, v0;
	_ =	sdelay $0x1  }
0x8a4: {  	v4 =	vadd.s32 v1, v4;
	_ =	sdelay $0x1  }
0x8a5: {  	v3 =	vperm.xlane v3, v2;
	_ =	sdelay $0x1  }
0x8a6: {  	s7 =	simm.s32 $0xB800;
	v3 =	vadd.s32 v1, v3  }
0x8a7: {  	[tilespmem:s7], [sflag:$0x2] =	stream.indirect_vreg.gather [hbm4b:s1+s0], $0x80, v4, vm0, $0xb8;
	[tilespmem:$0x1C000] =	vst v63  }
0x8a8: {  	s7 =	simm.s32 $0xC000  }
0x8a9: {  	[tilespmem:s7], [sflag:$0x2] =	stream.indirect_vreg.gather [hbm4b:s3+s0], $0x80, v4, vm1, $0xb8;
	[tilespmem:$0x1C000] =	vst v63  }
0x8aa: {  	s7 =	simm.s32 $0xC400  }
0x8ab: {  	[tilespmem:s7], [sflag:$0x2] =	stream.indirect_vreg.gather [hbm4b:s1+s0], $0x80, v3, vm0, $0xb8;
	[tilespmem:$0x1C000] =	vst v63  }
0x8ac: {  	s7 =	simm.s32 $0xCC00  }
0x8ad: {  	[tilespmem:s7], [sflag:$0x2] =	stream.indirect_vreg.gather [hbm4b:s3+s0], $0x80, v3, vm1, $0xb8;
	[tilespmem:$0x1C000] =	vst v63  }
0x8ae: {  	v3 =	vld [tilespmem:$0x9A0];
	_ =	sdelay $0x4  }
0x8af: {  	v60 =	vshrl.u32 v3, $0x2  }
0x8b0: {  	v4 =	vmul.u32 $0xC, v60  }
0x8b1: {  	v3 =	vand.u32 $0x3, v3  }
0x8b2: {  	v3 =	vor.u32 v3, v4  }
0x8b3: {  	v4 =	vperm.xlane v3, v0;
	_ =	sdelay $0x1  }
0x8b4: {  	v4 =	vadd.s32 v1, v4;
	_ =	sdelay $0x1  }
0x8b5: {  	v3 =	vperm.xlane v3, v2;
	_ =	sdelay $0x1  }
0x8b6: {  	s7 =	simm.s32 $0xD000;
	v3 =	vadd.s32 v1, v3  }
0x8b7: {  	[tilespmem:s7], [sflag:$0x2] =	stream.indirect_vreg.gather [hbm4b:s1+s0], $0x80, v4, vm0, $0xb8;
	[tilespmem:$0x1C000] =	vst v63  }
0x8b8: {  	s7 =	simm.s32 $0xD800  }
0x8b9: {  	[tilespmem:s7], [sflag:$0x2] =	stream.indirect_vreg.gather [hbm4b:s3+s0], $0x80, v4, vm1, $0xb8;
	[tilespmem:$0x1C000] =	vst v63  }
0x8ba: {  	s7 =	simm.s32 $0xDC00  }
0x8bb: {  	[tilespmem:s7], [sflag:$0x2] =	stream.indirect_vreg.gather [hbm4b:s1+s0], $0x80, v3, vm0, $0xb8;
	[tilespmem:$0x1C000] =	vst v63  }
0x8bc: {  	s7 =	simm.s32 $0xE400  }
0x8bd: {  	[tilespmem:s7], [sflag:$0x2] =	stream.indirect_vreg.gather [hbm4b:s3+s0], $0x80, v3, vm1, $0xb8;
	[tilespmem:$0x1C000] =	vst v63  }
0x8be: {  	v3 =	vld [tilespmem:$0x9B0];
	_ =	sdelay $0x4  }
0x8bf: {  	v61 =	vshrl.u32 v3, $0x2  }
0x8c0: {  	v4 =	vmul.u32 $0xC, v61  }
0x8c1: {  	v3 =	vand.u32 $0x3, v3  }
0x8c2: {  	v3 =	vor.u32 v3, v4  }
0x8c3: {  	v4 =	vperm.xlane v3, v0;
	_ =	sdelay $0x1  }
0x8c4: {  	v4 =	vadd.s32 v1, v4;
	_ =	sdelay $0x1  }
0x8c5: {  	v3 =	vperm.xlane v3, v2;
	_ =	sdelay $0x1  }
0x8c6: {  	s7 =	simm.s32 $0xE800;
	v3 =	vadd.s32 v1, v3  }
0x8c7: {  	[tilespmem:s7], [sflag:$0x2] =	stream.indirect_vreg.gather [hbm4b:s1+s0], $0x80, v4, vm0, $0xb8;
	[tilespmem:$0x1C000] =	vst v63  }
0x8c8: {  	s7 =	simm.s32 $0xF000  }
0x8c9: {  	[tilespmem:s7], [sflag:$0x2] =	stream.indirect_vreg.gather [hbm4b:s3+s0], $0x80, v4, vm1, $0xb8;
	[tilespmem:$0x1C000] =	vst v63  }
0x8ca: {  	s7 =	simm.s32 $0xF400  }
0x8cb: {  	[tilespmem:s7], [sflag:$0x2] =	stream.indirect_vreg.gather [hbm4b:s1+s0], $0x80, v3, vm0, $0xb8;
	[tilespmem:$0x1C000] =	vst v63  }
0x8cc: {  	s7 =	simm.s32 $0xFC00  }
0x8cd: {  	[tilespmem:s7], [sflag:$0x2] =	stream.indirect_vreg.gather [hbm4b:s3+s0], $0x80, v3, vm1, $0xb8;
	[tilespmem:$0x1C000] =	vst v63  }
0x8ce: {  	v3 =	vld [tilespmem:$0x9C0];
	_ =	sdelay $0x4  }
0x8cf: {  	v62 =	vshrl.u32 v3, $0x2  }
0x8d0: {  	v4 =	vmul.u32 $0xC, v62  }
0x8d1: {  	v3 =	vand.u32 $0x3, v3  }
0x8d2: {  	v3 =	vor.u32 v3, v4  }
0x8d3: {  	v4 =	vperm.xlane v3, v0;
	_ =	sdelay $0x1  }
0x8d4: {  	v4 =	vadd.s32 v1, v4;
	_ =	sdelay $0x1  }
0x8d5: {  	v3 =	vperm.xlane v3, v2;
	_ =	sdelay $0x1  }
0x8d6: {  	s7 =	simm.s32 $0x10000;
	v3 =	vadd.s32 v1, v3  }
0x8d7: {  	[tilespmem:s7], [sflag:$0x2] =	stream.indirect_vreg.gather [hbm4b:s1+s0], $0x80, v4, vm0, $0xb8;
	[tilespmem:$0x1C000] =	vst v63  }
0x8d8: {  	s7 =	simm.s32 $0x10800  }
0x8d9: {  	[tilespmem:s7], [sflag:$0x2] =	stream.indirect_vreg.gather [hbm4b:s3+s0], $0x80, v4, vm1, $0xb8;
	[tilespmem:$0x1C000] =	vst v63  }
0x8da: {  	s7 =	simm.s32 $0x10C00  }
0x8db: {  	[tilespmem:s7], [sflag:$0x2] =	stream.indirect_vreg.gather [hbm4b:s1+s0], $0x80, v3, vm0, $0xb8;
	[tilespmem:$0x1C000] =	vst v63  }
0x8dc: {  	s7 =	simm.s32 $0x11400  }
0x8dd: {  	[tilespmem:s7], [sflag:$0x2] =	stream.indirect_vreg.gather [hbm4b:s3+s0], $0x80, v3, vm1, $0xb8;
	[tilespmem:$0x1C000] =	vst v63  }
0x8de: {  	v3 =	vld [tilespmem:$0x9D0];
	_ =	sdelay $0x4  }
0x8df: {  	v63 =	vshrl.u32 v3, $0x2  }
0x8e0: {  	v4 =	vmul.u32 $0xC, v63  }
0x8e1: {  	v3 =	vand.u32 $0x3, v3  }
0x8e2: {  	v3 =	vor.u32 v3, v4  }
0x8e3: {  	v4 =	vperm.xlane v3, v0;
	_ =	sdelay $0x1  }
0x8e4: {  	v4 =	vadd.s32 v1, v4;
	_ =	sdelay $0x1  }
0x8e5: {  	v3 =	vperm.xlane v3, v2;
	_ =	sdelay $0x1  }
0x8e6: {  	s7 =	simm.s32 $0x11800;
	v3 =	vadd.s32 v1, v3  }
0x8e7: {  	[tilespmem:s7], [sflag:$0x2] =	stream.indirect_vreg.gather [hbm4b:s1+s0], $0x80, v4, vm0, $0xb8;
	[tilespmem:$0x1C000] =	vst v63  }
0x8e8: {  	s7 =	simm.s32 $0x12000  }
0x8e9: {  	[tilespmem:s7], [sflag:$0x2] =	stream.indirect_vreg.gather [hbm4b:s3+s0], $0x80, v4, vm1, $0xb8;
	[tilespmem:$0x1C000] =	vst v63  }
0x8ea: {  	s7 =	simm.s32 $0x12400  }
0x8eb: {  	[tilespmem:s7], [sflag:$0x2] =	stream.indirect_vreg.gather [hbm4b:s1+s0], $0x80, v3, vm0, $0xb8;
	[tilespmem:$0x1C000] =	vst v63  }
0x8ec: {  	s6 =	simm.s32 $0x12C00;
	s7 =	simm.s32 $0x1  }
0x8ed: {  	[tilespmem:s6], [sflag:$0x2] =	stream.indirect_vreg.gather [hbm4b:s3+s0], $0x80, v3, vm1, $0xb8;
	[tilespmem:$0x1C000] =	vst v63  }
0x8ee: {  	_ =	swait.ge [sflag:s7], $0x9000  }
0x8ef: {  	[sflag:s7] =	ssyncset.done $0x0  }
0x8f0: {  	s1 =	simm.s32 $0x1000;
	s3 =	sadd.s32 $0x0, s24;
	[sflag:s7] =	ssyncadd.s32 $0xFFFF7000  }
0x8f1: {  	[hbm4b:s3+s4] =	stream.strided.scatter [tilespmem:s1], [sflag:$0x4], $0x400, s25, s4, $0x38;
	[tilespmem:$0x1C000] =	vst v63  }
0x8f2: {  	s6 =	simm.s32 $0x1400;
	s0 =	simm.s32 $0x180;
	s7 =	sadd.s32 $0x40, s3  }
0x8f3: {  	[hbm4b:s7+s4] =	stream.strided.scatter [tilespmem:s6], [sflag:$0x4], $0x400, s25, s4, $0x38;
	[tilespmem:$0x1C000] =	vst v63  }
0x8f4: {  	s1 =	simm.s32 $0x1800;
	s6 =	sadd.s32 $0x80, s3;
	s3 =	simm.s32 $0x1C00  }
.LBB2_38:
0x8f5: {  	[hbm4b:s6+s4] =	stream.strided.scatter [tilespmem:s1], [sflag:$0x4], $0x400, s25, s4, $0x38;
	[tilespmem:$0x1C000] =	vst v63  }
0x8f6: {  	p0 =	sne.s32 s0, $0x1080  }
.Ltmp18:
0x8f7: {  	s6 =	sadd.s32 s0, s24;
	(pc) =	sbr.rel @p0 .LBB2_38-.Ltmp18, $4  }
0x8f8: {  	[hbm4b:s6+s4] =	stream.strided.scatter [tilespmem:s3], [sflag:$0x4], $0x400, s25, s4, $0x38;
	[tilespmem:$0x1C000] =	vst v63  }
0x8f9: {  	s1 =	sadd.s32 $0x400, s3;
	s0 =	sadd.s32 $0x180, s0;
	s7 =	sadd.s32 $0x40, s6  }
0x8fa: {  	[hbm4b:s7+s4] =	stream.strided.scatter [tilespmem:s1], [sflag:$0x4], $0x400, s25, s4, $0x38;
	[tilespmem:$0x1C000] =	vst v63  }
0x8fb: {  	s6 =	sadd.s32 $0x80, s6;
	s1 =	sadd.s32 $0x800, s3;
	s3 =	sadd.s32 $0xC00, s3  }
0x8fc: {  	[hbm4b:s6+s4] =	stream.strided.scatter [tilespmem:s1], [sflag:$0x4], $0x400, s25, s4, $0x38;
	[tilespmem:$0x1C000] =	vst v63  }
0x8fd: {  	s0 =	simm.s32 $0x6  }
0x8fe: {  	_ =	swait.ge [sflag:s0], $0x9000  }
0x8ff: {  	[sflag:s0] =	ssyncset.done $0x0  }
0x900: {  	[sflag:s0] =	ssyncadd.s32 $0xFFFF7000  }
0x901: {  	v3 =	vld [tilespmem:$0xA00];
	_ =	sdelay $0x4  }
0x902: {  	v4 =	vshrl.u32 v3, $0x2  }
0x903: {  	v4 =	vmul.u32 $0xC, v4  }
0x904: {  	v3 =	vand.u32 $0x3, v3  }
0x905: {  	v3 =	vor.u32 v3, v4  }
0x906: {  	v4 =	vperm.xlane v3, v0;
	_ =	sdelay $0x1  }
0x907: {  	v4 =	vadd.s32 v1, v4;
	_ =	sdelay $0x1  }
0x908: {  	v3 =	vperm.xlane v3, v2;
	_ =	sdelay $0x1  }
0x909: {  	s3 =	simm.s32 $0x13000;
	s0 =	simm.s32 $0x0;
	s1 =	rddreg [dreg:$0x0];
	v3 =	vadd.s32 v1, v3  }
0x90a: {  	[tilespmem:s3], [sflag:$0x3] =	stream.indirect_vreg.gather [hbm4b:s1+s0], $0x80, v4, vm0, $0xb8;
	[tilespmem:$0x1C000] =	vst v63  }
0x90b: {  	s7 =	simm.s32 $0x13800;
	s3 =	rddreg [dreg:$0x5]  }
0x90c: {  	[tilespmem:s7], [sflag:$0x3] =	stream.indirect_vreg.gather [hbm4b:s3+s0], $0x80, v4, vm1, $0xb8;
	[tilespmem:$0x1C000] =	vst v63  }
0x90d: {  	s7 =	simm.s32 $0x13C00  }
0x90e: {  	[tilespmem:s7], [sflag:$0x3] =	stream.indirect_vreg.gather [hbm4b:s1+s0], $0x80, v3, vm0, $0xb8;
	[tilespmem:$0x1C000] =	vst v63  }
0x90f: {  	s7 =	simm.s32 $0x14400  }
0x910: {  	[tilespmem:s7], [sflag:$0x3] =	stream.indirect_vreg.gather [hbm4b:s3+s0], $0x80, v3, vm1, $0xb8;
	[tilespmem:$0x1C000] =	vst v63  }
0x911: {  	v3 =	vld [tilespmem:$0xA10];
	_ =	sdelay $0x4  }
0x912: {  	v59 =	vshrl.u32 v3, $0x2  }
0x913: {  	v4 =	vmul.u32 $0xC, v59  }
0x914: {  	v3 =	vand.u32 $0x3, v3  }
0x915: {  	v3 =	vor.u32 v3, v4  }
0x916: {  	v4 =	vperm.xlane v3, v0;
	_ =	sdelay $0x1  }
0x917: {  	v4 =	vadd.s32 v1, v4;
	_ =	sdelay $0x1  }
0x918: {  	v3 =	vperm.xlane v3, v2;
	_ =	sdelay $0x1  }
0x919: {  	s7 =	simm.s32 $0x14800;
	v3 =	vadd.s32 v1, v3  }
0x91a: {  	[tilespmem:s7], [sflag:$0x3] =	stream.indirect_vreg.gather [hbm4b:s1+s0], $0x80, v4, vm0, $0xb8;
	[tilespmem:$0x1C000] =	vst v63  }
0x91b: {  	s7 =	simm.s32 $0x15000  }
0x91c: {  	[tilespmem:s7], [sflag:$0x3] =	stream.indirect_vreg.gather [hbm4b:s3+s0], $0x80, v4, vm1, $0xb8;
	[tilespmem:$0x1C000] =	vst v63  }
0x91d: {  	s7 =	simm.s32 $0x15400  }
0x91e: {  	[tilespmem:s7], [sflag:$0x3] =	stream.indirect_vreg.gather [hbm4b:s1+s0], $0x80, v3, vm0, $0xb8;
	[tilespmem:$0x1C000] =	vst v63  }
0x91f: {  	s7 =	simm.s32 $0x15C00  }
0x920: {  	[tilespmem:s7], [sflag:$0x3] =	stream.indirect_vreg.gather [hbm4b:s3+s0], $0x80, v3, vm1, $0xb8;
	[tilespmem:$0x1C000] =	vst v63  }
0x921: {  	v3 =	vld [tilespmem:$0xA20];
	_ =	sdelay $0x4  }
0x922: {  	v60 =	vshrl.u32 v3, $0x2  }
0x923: {  	v4 =	vmul.u32 $0xC, v60  }
0x924: {  	v3 =	vand.u32 $0x3, v3  }
0x925: {  	v3 =	vor.u32 v3, v4  }
0x926: {  	v4 =	vperm.xlane v3, v0;
	_ =	sdelay $0x1  }
0x927: {  	v4 =	vadd.s32 v1, v4;
	_ =	sdelay $0x1  }
0x928: {  	v3 =	vperm.xlane v3, v2;
	_ =	sdelay $0x1  }
0x929: {  	s7 =	simm.s32 $0x16000;
	v3 =	vadd.s32 v1, v3  }
0x92a: {  	[tilespmem:s7], [sflag:$0x3] =	stream.indirect_vreg.gather [hbm4b:s1+s0], $0x80, v4, vm0, $0xb8;
	[tilespmem:$0x1C000] =	vst v63  }
0x92b: {  	s7 =	simm.s32 $0x16800  }
0x92c: {  	[tilespmem:s7], [sflag:$0x3] =	stream.indirect_vreg.gather [hbm4b:s3+s0], $0x80, v4, vm1, $0xb8;
	[tilespmem:$0x1C000] =	vst v63  }
0x92d: {  	s7 =	simm.s32 $0x16C00  }
0x92e: {  	[tilespmem:s7], [sflag:$0x3] =	stream.indirect_vreg.gather [hbm4b:s1+s0], $0x80, v3, vm0, $0xb8;
	[tilespmem:$0x1C000] =	vst v63  }
0x92f: {  	s7 =	simm.s32 $0x17400  }
0x930: {  	[tilespmem:s7], [sflag:$0x3] =	stream.indirect_vreg.gather [hbm4b:s3+s0], $0x80, v3, vm1, $0xb8;
	[tilespmem:$0x1C000] =	vst v63  }
0x931: {  	v3 =	vld [tilespmem:$0xA30];
	_ =	sdelay $0x4  }
0x932: {  	v61 =	vshrl.u32 v3, $0x2  }
0x933: {  	v4 =	vmul.u32 $0xC, v61  }
0x934: {  	v3 =	vand.u32 $0x3, v3  }
0x935: {  	v3 =	vor.u32 v3, v4  }
0x936: {  	v4 =	vperm.xlane v3, v0;
	_ =	sdelay $0x1  }
0x937: {  	v4 =	vadd.s32 v1, v4;
	_ =	sdelay $0x1  }
0x938: {  	v3 =	vperm.xlane v3, v2;
	_ =	sdelay $0x1  }
0x939: {  	s7 =	simm.s32 $0x17800;
	v3 =	vadd.s32 v1, v3  }
0x93a: {  	[tilespmem:s7], [sflag:$0x3] =	stream.indirect_vreg.gather [hbm4b:s1+s0], $0x80, v4, vm0, $0xb8;
	[tilespmem:$0x1C000] =	vst v63  }
0x93b: {  	s7 =	simm.s32 $0x18000  }
0x93c: {  	[tilespmem:s7], [sflag:$0x3] =	stream.indirect_vreg.gather [hbm4b:s3+s0], $0x80, v4, vm1, $0xb8;
	[tilespmem:$0x1C000] =	vst v63  }
0x93d: {  	s7 =	simm.s32 $0x18400  }
0x93e: {  	[tilespmem:s7], [sflag:$0x3] =	stream.indirect_vreg.gather [hbm4b:s1+s0], $0x80, v3, vm0, $0xb8;
	[tilespmem:$0x1C000] =	vst v63  }
0x93f: {  	s7 =	simm.s32 $0x18C00  }
0x940: {  	[tilespmem:s7], [sflag:$0x3] =	stream.indirect_vreg.gather [hbm4b:s3+s0], $0x80, v3, vm1, $0xb8;
	[tilespmem:$0x1C000] =	vst v63  }
0x941: {  	v3 =	vld [tilespmem:$0xA40];
	_ =	sdelay $0x4  }
0x942: {  	v62 =	vshrl.u32 v3, $0x2  }
0x943: {  	v4 =	vmul.u32 $0xC, v62  }
0x944: {  	v3 =	vand.u32 $0x3, v3  }
0x945: {  	v3 =	vor.u32 v3, v4  }
0x946: {  	v4 =	vperm.xlane v3, v0;
	_ =	sdelay $0x1  }
0x947: {  	v4 =	vadd.s32 v1, v4;
	_ =	sdelay $0x1  }
0x948: {  	v3 =	vperm.xlane v3, v2;
	_ =	sdelay $0x1  }
0x949: {  	s7 =	simm.s32 $0x19000;
	v3 =	vadd.s32 v1, v3  }
0x94a: {  	[tilespmem:s7], [sflag:$0x3] =	stream.indirect_vreg.gather [hbm4b:s1+s0], $0x80, v4, vm0, $0xb8;
	[tilespmem:$0x1C000] =	vst v63  }
0x94b: {  	s7 =	simm.s32 $0x19800  }
0x94c: {  	[tilespmem:s7], [sflag:$0x3] =	stream.indirect_vreg.gather [hbm4b:s3+s0], $0x80, v4, vm1, $0xb8;
	[tilespmem:$0x1C000] =	vst v63  }
0x94d: {  	s7 =	simm.s32 $0x19C00  }
0x94e: {  	[tilespmem:s7], [sflag:$0x3] =	stream.indirect_vreg.gather [hbm4b:s1+s0], $0x80, v3, vm0, $0xb8;
	[tilespmem:$0x1C000] =	vst v63  }
0x94f: {  	s7 =	simm.s32 $0x1A400  }
0x950: {  	[tilespmem:s7], [sflag:$0x3] =	stream.indirect_vreg.gather [hbm4b:s3+s0], $0x80, v3, vm1, $0xb8;
	[tilespmem:$0x1C000] =	vst v63  }
0x951: {  	v3 =	vld [tilespmem:$0xA50];
	_ =	sdelay $0x4  }
0x952: {  	v63 =	vshrl.u32 v3, $0x2  }
0x953: {  	v4 =	vmul.u32 $0xC, v63  }
0x954: {  	v3 =	vand.u32 $0x3, v3  }
0x955: {  	v3 =	vor.u32 v3, v4  }
0x956: {  	v4 =	vperm.xlane v3, v0;
	_ =	sdelay $0x1  }
0x957: {  	v4 =	vadd.s32 v1, v4;
	_ =	sdelay $0x1  }
0x958: {  	v3 =	vperm.xlane v3, v2;
	_ =	sdelay $0x1  }
0x959: {  	s7 =	simm.s32 $0x1A800;
	v3 =	vadd.s32 v1, v3  }
0x95a: {  	[tilespmem:s7], [sflag:$0x3] =	stream.indirect_vreg.gather [hbm4b:s1+s0], $0x80, v4, vm0, $0xb8;
	[tilespmem:$0x1C000] =	vst v63  }
0x95b: {  	s7 =	simm.s32 $0x1B000  }
0x95c: {  	[tilespmem:s7], [sflag:$0x3] =	stream.indirect_vreg.gather [hbm4b:s3+s0], $0x80, v4, vm1, $0xb8;
	[tilespmem:$0x1C000] =	vst v63  }
0x95d: {  	s7 =	simm.s32 $0x1B400  }
0x95e: {  	[tilespmem:s7], [sflag:$0x3] =	stream.indirect_vreg.gather [hbm4b:s1+s0], $0x80, v3, vm0, $0xb8;
	[tilespmem:$0x1C000] =	vst v63  }
0x95f: {  	s6 =	simm.s32 $0x1BC00;
	s7 =	simm.s32 $0x2  }
0x960: {  	[tilespmem:s6], [sflag:$0x3] =	stream.indirect_vreg.gather [hbm4b:s3+s0], $0x80, v3, vm1, $0xb8;
	[tilespmem:$0x1C000] =	vst v63  }
0x961: {  	_ =	swait.ge [sflag:s7], $0x9000  }
0x962: {  	[sflag:s7] =	ssyncset.done $0x0  }
0x963: {  	s1 =	simm.s32 $0xA000;
	s3 =	sadd.s32 $0x0, s26;
	[sflag:s7] =	ssyncadd.s32 $0xFFFF7000  }
0x964: {  	[hbm4b:s3+s4] =	stream.strided.scatter [tilespmem:s1], [sflag:$0x5], $0x400, s25, s4, $0x38;
	[tilespmem:$0x1C000] =	vst v63  }
0x965: {  	s6 =	simm.s32 $0xA400;
	s0 =	simm.s32 $0x180;
	s7 =	sadd.s32 $0x40, s3  }
0x966: {  	[hbm4b:s7+s4] =	stream.strided.scatter [tilespmem:s6], [sflag:$0x5], $0x400, s25, s4, $0x38;
	[tilespmem:$0x1C000] =	vst v63  }
0x967: {  	s1 =	simm.s32 $0xA800;
	s6 =	sadd.s32 $0x80, s3;
	s3 =	simm.s32 $0xAC00  }
.LBB2_40:
0x968: {  	[hbm4b:s6+s4] =	stream.strided.scatter [tilespmem:s1], [sflag:$0x5], $0x400, s25, s4, $0x38;
	[tilespmem:$0x1C000] =	vst v63  }
0x969: {  	p0 =	sne.s32 s0, $0x1080  }
.Ltmp19:
0x96a: {  	s6 =	sadd.s32 s0, s26;
	(pc) =	sbr.rel @p0 .LBB2_40-.Ltmp19, $4  }
0x96b: {  	[hbm4b:s6+s4] =	stream.strided.scatter [tilespmem:s3], [sflag:$0x5], $0x400, s25, s4, $0x38;
	[tilespmem:$0x1C000] =	vst v63  }
0x96c: {  	s1 =	sadd.s32 $0x400, s3;
	s0 =	sadd.s32 $0x180, s0;
	s7 =	sadd.s32 $0x40, s6  }
0x96d: {  	[hbm4b:s7+s4] =	stream.strided.scatter [tilespmem:s1], [sflag:$0x5], $0x400, s25, s4, $0x38;
	[tilespmem:$0x1C000] =	vst v63  }
0x96e: {  	s6 =	sadd.s32 $0x80, s6;
	s1 =	sadd.s32 $0x800, s3;
	s3 =	sadd.s32 $0xC00, s3  }
0x96f: {  	[hbm4b:s6+s4] =	stream.strided.scatter [tilespmem:s1], [sflag:$0x5], $0x400, s25, s4, $0x38;
	[tilespmem:$0x1C000] =	vst v63  }
0x970: {  	s0 =	simm.s32 $0x4  }
0x971: {  	_ =	swait.ge [sflag:s0], $0x9000  }
0x972: {  	[sflag:s0] =	ssyncset.done $0x0  }
0x973: {  	[sflag:s0] =	ssyncadd.s32 $0xFFFF7000  }
0x974: {  	v3 =	vld [tilespmem:$0xA80];
	_ =	sdelay $0x4  }
0x975: {  	v4 =	vshrl.u32 v3, $0x2  }
0x976: {  	v4 =	vmul.u32 $0xC, v4  }
0x977: {  	v3 =	vand.u32 $0x3, v3  }
0x978: {  	v3 =	vor.u32 v3, v4  }
0x979: {  	v4 =	vperm.xlane v3, v0;
	_ =	sdelay $0x1  }
0x97a: {  	v4 =	vadd.s32 v1, v4;
	_ =	sdelay $0x1  }
0x97b: {  	v3 =	vperm.xlane v3, v2;
	_ =	sdelay $0x1  }
0x97c: {  	s3 =	simm.s32 $0x1000;
	s0 =	simm.s32 $0x0;
	s1 =	rddreg [dreg:$0x0];
	v3 =	vadd.s32 v1, v3  }
0x97d: {  	[tilespmem:s3], [sflag:$0x1] =	stream.indirect_vreg.gather [hbm4b:s1+s0], $0x80, v4, vm0, $0xb8;
	[tilespmem:$0x1C000] =	vst v63  }
0x97e: {  	s7 =	simm.s32 $0x1800;
	s3 =	rddreg [dreg:$0x5]  }
0x97f: {  	[tilespmem:s7], [sflag:$0x1] =	stream.indirect_vreg.gather [hbm4b:s3+s0], $0x80, v4, vm1, $0xb8;
	[tilespmem:$0x1C000] =	vst v63  }
0x980: {  	s7 =	simm.s32 $0x1C00  }
0x981: {  	[tilespmem:s7], [sflag:$0x1] =	stream.indirect_vreg.gather [hbm4b:s1+s0], $0x80, v3, vm0, $0xb8;
	[tilespmem:$0x1C000] =	vst v63  }
0x982: {  	s7 =	simm.s32 $0x2400  }
0x983: {  	[tilespmem:s7], [sflag:$0x1] =	stream.indirect_vreg.gather [hbm4b:s3+s0], $0x80, v3, vm1, $0xb8;
	[tilespmem:$0x1C000] =	vst v63  }
0x984: {  	v3 =	vld [tilespmem:$0xA90];
	_ =	sdelay $0x4  }
0x985: {  	v59 =	vshrl.u32 v3, $0x2  }
0x986: {  	v4 =	vmul.u32 $0xC, v59  }
0x987: {  	v3 =	vand.u32 $0x3, v3  }
0x988: {  	v3 =	vor.u32 v3, v4  }
0x989: {  	v4 =	vperm.xlane v3, v0;
	_ =	sdelay $0x1  }
0x98a: {  	v4 =	vadd.s32 v1, v4;
	_ =	sdelay $0x1  }
0x98b: {  	v3 =	vperm.xlane v3, v2;
	_ =	sdelay $0x1  }
0x98c: {  	s7 =	simm.s32 $0x2800;
	v3 =	vadd.s32 v1, v3  }
0x98d: {  	[tilespmem:s7], [sflag:$0x1] =	stream.indirect_vreg.gather [hbm4b:s1+s0], $0x80, v4, vm0, $0xb8;
	[tilespmem:$0x1C000] =	vst v63  }
0x98e: {  	s7 =	simm.s32 $0x3000  }
0x98f: {  	[tilespmem:s7], [sflag:$0x1] =	stream.indirect_vreg.gather [hbm4b:s3+s0], $0x80, v4, vm1, $0xb8;
	[tilespmem:$0x1C000] =	vst v63  }
0x990: {  	s7 =	simm.s32 $0x3400  }
0x991: {  	[tilespmem:s7], [sflag:$0x1] =	stream.indirect_vreg.gather [hbm4b:s1+s0], $0x80, v3, vm0, $0xb8;
	[tilespmem:$0x1C000] =	vst v63  }
0x992: {  	s7 =	simm.s32 $0x3C00  }
0x993: {  	[tilespmem:s7], [sflag:$0x1] =	stream.indirect_vreg.gather [hbm4b:s3+s0], $0x80, v3, vm1, $0xb8;
	[tilespmem:$0x1C000] =	vst v63  }
0x994: {  	v3 =	vld [tilespmem:$0xAA0];
	_ =	sdelay $0x4  }
0x995: {  	v60 =	vshrl.u32 v3, $0x2  }
0x996: {  	v4 =	vmul.u32 $0xC, v60  }
0x997: {  	v3 =	vand.u32 $0x3, v3  }
0x998: {  	v3 =	vor.u32 v3, v4  }
0x999: {  	v4 =	vperm.xlane v3, v0;
	_ =	sdelay $0x1  }
0x99a: {  	v4 =	vadd.s32 v1, v4;
	_ =	sdelay $0x1  }
0x99b: {  	v3 =	vperm.xlane v3, v2;
	_ =	sdelay $0x1  }
0x99c: {  	s7 =	simm.s32 $0x4000;
	v3 =	vadd.s32 v1, v3  }
0x99d: {  	[tilespmem:s7], [sflag:$0x1] =	stream.indirect_vreg.gather [hbm4b:s1+s0], $0x80, v4, vm0, $0xb8;
	[tilespmem:$0x1C000] =	vst v63  }
0x99e: {  	s7 =	simm.s32 $0x4800  }
0x99f: {  	[tilespmem:s7], [sflag:$0x1] =	stream.indirect_vreg.gather [hbm4b:s3+s0], $0x80, v4, vm1, $0xb8;
	[tilespmem:$0x1C000] =	vst v63  }
0x9a0: {  	s7 =	simm.s32 $0x4C00  }
0x9a1: {  	[tilespmem:s7], [sflag:$0x1] =	stream.indirect_vreg.gather [hbm4b:s1+s0], $0x80, v3, vm0, $0xb8;
	[tilespmem:$0x1C000] =	vst v63  }
0x9a2: {  	s7 =	simm.s32 $0x5400  }
0x9a3: {  	[tilespmem:s7], [sflag:$0x1] =	stream.indirect_vreg.gather [hbm4b:s3+s0], $0x80, v3, vm1, $0xb8;
	[tilespmem:$0x1C000] =	vst v63  }
0x9a4: {  	v3 =	vld [tilespmem:$0xAB0];
	_ =	sdelay $0x4  }
0x9a5: {  	v61 =	vshrl.u32 v3, $0x2  }
0x9a6: {  	v4 =	vmul.u32 $0xC, v61  }
0x9a7: {  	v3 =	vand.u32 $0x3, v3  }
0x9a8: {  	v3 =	vor.u32 v3, v4  }
0x9a9: {  	v4 =	vperm.xlane v3, v0;
	_ =	sdelay $0x1  }
0x9aa: {  	v4 =	vadd.s32 v1, v4;
	_ =	sdelay $0x1  }
0x9ab: {  	v3 =	vperm.xlane v3, v2;
	_ =	sdelay $0x1  }
0x9ac: {  	s7 =	simm.s32 $0x5800;
	v3 =	vadd.s32 v1, v3  }
0x9ad: {  	[tilespmem:s7], [sflag:$0x1] =	stream.indirect_vreg.gather [hbm4b:s1+s0], $0x80, v4, vm0, $0xb8;
	[tilespmem:$0x1C000] =	vst v63  }
0x9ae: {  	s7 =	simm.s32 $0x6000  }
0x9af: {  	[tilespmem:s7], [sflag:$0x1] =	stream.indirect_vreg.gather [hbm4b:s3+s0], $0x80, v4, vm1, $0xb8;
	[tilespmem:$0x1C000] =	vst v63  }
0x9b0: {  	s7 =	simm.s32 $0x6400  }
0x9b1: {  	[tilespmem:s7], [sflag:$0x1] =	stream.indirect_vreg.gather [hbm4b:s1+s0], $0x80, v3, vm0, $0xb8;
	[tilespmem:$0x1C000] =	vst v63  }
0x9b2: {  	s7 =	simm.s32 $0x6C00  }
0x9b3: {  	[tilespmem:s7], [sflag:$0x1] =	stream.indirect_vreg.gather [hbm4b:s3+s0], $0x80, v3, vm1, $0xb8;
	[tilespmem:$0x1C000] =	vst v63  }
0x9b4: {  	v3 =	vld [tilespmem:$0xAC0];
	_ =	sdelay $0x4  }
0x9b5: {  	v62 =	vshrl.u32 v3, $0x2  }
0x9b6: {  	v4 =	vmul.u32 $0xC, v62  }
0x9b7: {  	v3 =	vand.u32 $0x3, v3  }
0x9b8: {  	v3 =	vor.u32 v3, v4  }
0x9b9: {  	v4 =	vperm.xlane v3, v0;
	_ =	sdelay $0x1  }
0x9ba: {  	v4 =	vadd.s32 v1, v4;
	_ =	sdelay $0x1  }
0x9bb: {  	v3 =	vperm.xlane v3, v2;
	_ =	sdelay $0x1  }
0x9bc: {  	s7 =	simm.s32 $0x7000;
	v3 =	vadd.s32 v1, v3  }
0x9bd: {  	[tilespmem:s7], [sflag:$0x1] =	stream.indirect_vreg.gather [hbm4b:s1+s0], $0x80, v4, vm0, $0xb8;
	[tilespmem:$0x1C000] =	vst v63  }
0x9be: {  	s7 =	simm.s32 $0x7800  }
0x9bf: {  	[tilespmem:s7], [sflag:$0x1] =	stream.indirect_vreg.gather [hbm4b:s3+s0], $0x80, v4, vm1, $0xb8;
	[tilespmem:$0x1C000] =	vst v63  }
0x9c0: {  	s7 =	simm.s32 $0x7C00  }
0x9c1: {  	[tilespmem:s7], [sflag:$0x1] =	stream.indirect_vreg.gather [hbm4b:s1+s0], $0x80, v3, vm0, $0xb8;
	[tilespmem:$0x1C000] =	vst v63  }
0x9c2: {  	s7 =	simm.s32 $0x8400  }
0x9c3: {  	[tilespmem:s7], [sflag:$0x1] =	stream.indirect_vreg.gather [hbm4b:s3+s0], $0x80, v3, vm1, $0xb8;
	[tilespmem:$0x1C000] =	vst v63  }
0x9c4: {  	v3 =	vld [tilespmem:$0xAD0];
	_ =	sdelay $0x4  }
0x9c5: {  	v63 =	vshrl.u32 v3, $0x2  }
0x9c6: {  	v4 =	vmul.u32 $0xC, v63  }
0x9c7: {  	v3 =	vand.u32 $0x3, v3  }
0x9c8: {  	v3 =	vor.u32 v3, v4  }
0x9c9: {  	v4 =	vperm.xlane v3, v0;
	_ =	sdelay $0x1  }
0x9ca: {  	v4 =	vadd.s32 v1, v4;
	_ =	sdelay $0x1  }
0x9cb: {  	v3 =	vperm.xlane v3, v2;
	_ =	sdelay $0x1  }
0x9cc: {  	s7 =	simm.s32 $0x8800;
	v3 =	vadd.s32 v1, v3  }
0x9cd: {  	[tilespmem:s7], [sflag:$0x1] =	stream.indirect_vreg.gather [hbm4b:s1+s0], $0x80, v4, vm0, $0xb8;
	[tilespmem:$0x1C000] =	vst v63  }
0x9ce: {  	s7 =	simm.s32 $0x9000  }
0x9cf: {  	[tilespmem:s7], [sflag:$0x1] =	stream.indirect_vreg.gather [hbm4b:s3+s0], $0x80, v4, vm1, $0xb8;
	[tilespmem:$0x1C000] =	vst v63  }
0x9d0: {  	s7 =	simm.s32 $0x9400  }
0x9d1: {  	[tilespmem:s7], [sflag:$0x1] =	stream.indirect_vreg.gather [hbm4b:s1+s0], $0x80, v3, vm0, $0xb8;
	[tilespmem:$0x1C000] =	vst v63  }
0x9d2: {  	s6 =	simm.s32 $0x9C00;
	s7 =	simm.s32 $0x3  }
0x9d3: {  	[tilespmem:s6], [sflag:$0x1] =	stream.indirect_vreg.gather [hbm4b:s3+s0], $0x80, v3, vm1, $0xb8;
	[tilespmem:$0x1C000] =	vst v63  }
0x9d4: {  	_ =	swait.ge [sflag:s7], $0x9000  }
0x9d5: {  	[sflag:s7] =	ssyncset.done $0x0  }
0x9d6: {  	s1 =	simm.s32 $0x13000;
	s3 =	sadd.s32 $0x0, s28;
	[sflag:s7] =	ssyncadd.s32 $0xFFFF7000  }
0x9d7: {  	[hbm4b:s3+s4] =	stream.strided.scatter [tilespmem:s1], [sflag:$0x6], $0x400, s25, s4, $0x38;
	[tilespmem:$0x1C000] =	vst v63  }
0x9d8: {  	s6 =	simm.s32 $0x13400;
	s0 =	simm.s32 $0x180;
	s7 =	sadd.s32 $0x40, s3  }
0x9d9: {  	[hbm4b:s7+s4] =	stream.strided.scatter [tilespmem:s6], [sflag:$0x6], $0x400, s25, s4, $0x38;
	[tilespmem:$0x1C000] =	vst v63  }
0x9da: {  	s1 =	simm.s32 $0x13800;
	s6 =	sadd.s32 $0x80, s3;
	s3 =	simm.s32 $0x13C00  }
.LBB2_42:
0x9db: {  	[hbm4b:s6+s4] =	stream.strided.scatter [tilespmem:s1], [sflag:$0x6], $0x400, s25, s4, $0x38;
	[tilespmem:$0x1C000] =	vst v63  }
0x9dc: {  	p0 =	sne.s32 s0, $0x1080  }
.Ltmp20:
0x9dd: {  	s6 =	sadd.s32 s0, s28;
	(pc) =	sbr.rel @p0 .LBB2_42-.Ltmp20, $4  }
0x9de: {  	[hbm4b:s6+s4] =	stream.strided.scatter [tilespmem:s3], [sflag:$0x6], $0x400, s25, s4, $0x38;
	[tilespmem:$0x1C000] =	vst v63  }
0x9df: {  	s1 =	sadd.s32 $0x400, s3;
	s0 =	sadd.s32 $0x180, s0;
	s7 =	sadd.s32 $0x40, s6  }
0x9e0: {  	[hbm4b:s7+s4] =	stream.strided.scatter [tilespmem:s1], [sflag:$0x6], $0x400, s25, s4, $0x38;
	[tilespmem:$0x1C000] =	vst v63  }
0x9e1: {  	s6 =	sadd.s32 $0x80, s6;
	s1 =	sadd.s32 $0x800, s3;
	s3 =	sadd.s32 $0xC00, s3  }
0x9e2: {  	[hbm4b:s6+s4] =	stream.strided.scatter [tilespmem:s1], [sflag:$0x6], $0x400, s25, s4, $0x38;
	[tilespmem:$0x1C000] =	vst v63  }
0x9e3: {  	s0 =	simm.s32 $0x5  }
0x9e4: {  	_ =	swait.ge [sflag:s0], $0x9000  }
0x9e5: {  	[sflag:s0] =	ssyncset.done $0x0  }
0x9e6: {  	[sflag:s0] =	ssyncadd.s32 $0xFFFF7000  }
0x9e7: {  	v3 =	vld [tilespmem:$0xB00];
	_ =	sdelay $0x4  }
0x9e8: {  	v4 =	vshrl.u32 v3, $0x2  }
0x9e9: {  	v4 =	vmul.u32 $0xC, v4  }
0x9ea: {  	v3 =	vand.u32 $0x3, v3  }
0x9eb: {  	v3 =	vor.u32 v3, v4  }
0x9ec: {  	v4 =	vperm.xlane v3, v0;
	_ =	sdelay $0x1  }
0x9ed: {  	v4 =	vadd.s32 v1, v4;
	_ =	sdelay $0x1  }
0x9ee: {  	v3 =	vperm.xlane v3, v2;
	_ =	sdelay $0x1  }
0x9ef: {  	s3 =	simm.s32 $0xA000;
	s0 =	simm.s32 $0x0;
	s1 =	rddreg [dreg:$0x0];
	v3 =	vadd.s32 v1, v3  }
0x9f0: {  	[tilespmem:s3], [sflag:$0x2] =	stream.indirect_vreg.gather [hbm4b:s1+s0], $0x80, v4, vm0, $0xb8;
	[tilespmem:$0x1C000] =	vst v63  }
0x9f1: {  	s7 =	simm.s32 $0xA800;
	s3 =	rddreg [dreg:$0x5]  }
0x9f2: {  	[tilespmem:s7], [sflag:$0x2] =	stream.indirect_vreg.gather [hbm4b:s3+s0], $0x80, v4, vm1, $0xb8;
	[tilespmem:$0x1C000] =	vst v63  }
0x9f3: {  	s7 =	simm.s32 $0xAC00  }
0x9f4: {  	[tilespmem:s7], [sflag:$0x2] =	stream.indirect_vreg.gather [hbm4b:s1+s0], $0x80, v3, vm0, $0xb8;
	[tilespmem:$0x1C000] =	vst v63  }
0x9f5: {  	s7 =	simm.s32 $0xB400  }
0x9f6: {  	[tilespmem:s7], [sflag:$0x2] =	stream.indirect_vreg.gather [hbm4b:s3+s0], $0x80, v3, vm1, $0xb8;
	[tilespmem:$0x1C000] =	vst v63  }
0x9f7: {  	v3 =	vld [tilespmem:$0xB10];
	_ =	sdelay $0x4  }
0x9f8: {  	v59 =	vshrl.u32 v3, $0x2  }
0x9f9: {  	v4 =	vmul.u32 $0xC, v59  }
0x9fa: {  	v3 =	vand.u32 $0x3, v3  }
0x9fb: {  	v3 =	vor.u32 v3, v4  }
0x9fc: {  	v4 =	vperm.xlane v3, v0;
	_ =	sdelay $0x1  }
0x9fd: {  	v4 =	vadd.s32 v1, v4;
	_ =	sdelay $0x1  }
0x9fe: {  	v3 =	vperm.xlane v3, v2;
	_ =	sdelay $0x1  }
0x9ff: {  	s7 =	simm.s32 $0xB800;
	v3 =	vadd.s32 v1, v3  }
0xa00: {  	[tilespmem:s7], [sflag:$0x2] =	stream.indirect_vreg.gather [hbm4b:s1+s0], $0x80, v4, vm0, $0xb8;
	[tilespmem:$0x1C000] =	vst v63  }
0xa01: {  	s7 =	simm.s32 $0xC000  }
0xa02: {  	[tilespmem:s7], [sflag:$0x2] =	stream.indirect_vreg.gather [hbm4b:s3+s0], $0x80, v4, vm1, $0xb8;
	[tilespmem:$0x1C000] =	vst v63  }
0xa03: {  	s7 =	simm.s32 $0xC400  }
0xa04: {  	[tilespmem:s7], [sflag:$0x2] =	stream.indirect_vreg.gather [hbm4b:s1+s0], $0x80, v3, vm0, $0xb8;
	[tilespmem:$0x1C000] =	vst v63  }
0xa05: {  	s7 =	simm.s32 $0xCC00  }
0xa06: {  	[tilespmem:s7], [sflag:$0x2] =	stream.indirect_vreg.gather [hbm4b:s3+s0], $0x80, v3, vm1, $0xb8;
	[tilespmem:$0x1C000] =	vst v63  }
0xa07: {  	v3 =	vld [tilespmem:$0xB20];
	_ =	sdelay $0x4  }
0xa08: {  	v60 =	vshrl.u32 v3, $0x2  }
0xa09: {  	v4 =	vmul.u32 $0xC, v60  }
0xa0a: {  	v3 =	vand.u32 $0x3, v3  }
0xa0b: {  	v3 =	vor.u32 v3, v4  }
0xa0c: {  	v4 =	vperm.xlane v3, v0;
	_ =	sdelay $0x1  }
0xa0d: {  	v4 =	vadd.s32 v1, v4;
	_ =	sdelay $0x1  }
0xa0e: {  	v3 =	vperm.xlane v3, v2;
	_ =	sdelay $0x1  }
0xa0f: {  	s7 =	simm.s32 $0xD000;
	v3 =	vadd.s32 v1, v3  }
0xa10: {  	[tilespmem:s7], [sflag:$0x2] =	stream.indirect_vreg.gather [hbm4b:s1+s0], $0x80, v4, vm0, $0xb8;
	[tilespmem:$0x1C000] =	vst v63  }
0xa11: {  	s7 =	simm.s32 $0xD800  }
0xa12: {  	[tilespmem:s7], [sflag:$0x2] =	stream.indirect_vreg.gather [hbm4b:s3+s0], $0x80, v4, vm1, $0xb8;
	[tilespmem:$0x1C000] =	vst v63  }
0xa13: {  	s7 =	simm.s32 $0xDC00  }
0xa14: {  	[tilespmem:s7], [sflag:$0x2] =	stream.indirect_vreg.gather [hbm4b:s1+s0], $0x80, v3, vm0, $0xb8;
	[tilespmem:$0x1C000] =	vst v63  }
0xa15: {  	s7 =	simm.s32 $0xE400  }
0xa16: {  	[tilespmem:s7], [sflag:$0x2] =	stream.indirect_vreg.gather [hbm4b:s3+s0], $0x80, v3, vm1, $0xb8;
	[tilespmem:$0x1C000] =	vst v63  }
0xa17: {  	v3 =	vld [tilespmem:$0xB30];
	_ =	sdelay $0x4  }
0xa18: {  	v61 =	vshrl.u32 v3, $0x2  }
0xa19: {  	v4 =	vmul.u32 $0xC, v61  }
0xa1a: {  	v3 =	vand.u32 $0x3, v3  }
0xa1b: {  	v3 =	vor.u32 v3, v4  }
0xa1c: {  	v4 =	vperm.xlane v3, v0;
	_ =	sdelay $0x1  }
0xa1d: {  	v4 =	vadd.s32 v1, v4;
	_ =	sdelay $0x1  }
0xa1e: {  	v3 =	vperm.xlane v3, v2;
	_ =	sdelay $0x1  }
0xa1f: {  	s7 =	simm.s32 $0xE800;
	v3 =	vadd.s32 v1, v3  }
0xa20: {  	[tilespmem:s7], [sflag:$0x2] =	stream.indirect_vreg.gather [hbm4b:s1+s0], $0x80, v4, vm0, $0xb8;
	[tilespmem:$0x1C000] =	vst v63  }
0xa21: {  	s7 =	simm.s32 $0xF000  }
0xa22: {  	[tilespmem:s7], [sflag:$0x2] =	stream.indirect_vreg.gather [hbm4b:s3+s0], $0x80, v4, vm1, $0xb8;
	[tilespmem:$0x1C000] =	vst v63  }
0xa23: {  	s7 =	simm.s32 $0xF400  }
0xa24: {  	[tilespmem:s7], [sflag:$0x2] =	stream.indirect_vreg.gather [hbm4b:s1+s0], $0x80, v3, vm0, $0xb8;
	[tilespmem:$0x1C000] =	vst v63  }
0xa25: {  	s7 =	simm.s32 $0xFC00  }
0xa26: {  	[tilespmem:s7], [sflag:$0x2] =	stream.indirect_vreg.gather [hbm4b:s3+s0], $0x80, v3, vm1, $0xb8;
	[tilespmem:$0x1C000] =	vst v63  }
0xa27: {  	v3 =	vld [tilespmem:$0xB40];
	_ =	sdelay $0x4  }
0xa28: {  	v62 =	vshrl.u32 v3, $0x2  }
0xa29: {  	v4 =	vmul.u32 $0xC, v62  }
0xa2a: {  	v3 =	vand.u32 $0x3, v3  }
0xa2b: {  	v3 =	vor.u32 v3, v4  }
0xa2c: {  	v4 =	vperm.xlane v3, v0;
	_ =	sdelay $0x1  }
0xa2d: {  	v4 =	vadd.s32 v1, v4;
	_ =	sdelay $0x1  }
0xa2e: {  	v3 =	vperm.xlane v3, v2;
	_ =	sdelay $0x1  }
0xa2f: {  	s7 =	simm.s32 $0x10000;
	v3 =	vadd.s32 v1, v3  }
0xa30: {  	[tilespmem:s7], [sflag:$0x2] =	stream.indirect_vreg.gather [hbm4b:s1+s0], $0x80, v4, vm0, $0xb8;
	[tilespmem:$0x1C000] =	vst v63  }
0xa31: {  	s7 =	simm.s32 $0x10800  }
0xa32: {  	[tilespmem:s7], [sflag:$0x2] =	stream.indirect_vreg.gather [hbm4b:s3+s0], $0x80, v4, vm1, $0xb8;
	[tilespmem:$0x1C000] =	vst v63  }
0xa33: {  	s7 =	simm.s32 $0x10C00  }
0xa34: {  	[tilespmem:s7], [sflag:$0x2] =	stream.indirect_vreg.gather [hbm4b:s1+s0], $0x80, v3, vm0, $0xb8;
	[tilespmem:$0x1C000] =	vst v63  }
0xa35: {  	s7 =	simm.s32 $0x11400  }
0xa36: {  	[tilespmem:s7], [sflag:$0x2] =	stream.indirect_vreg.gather [hbm4b:s3+s0], $0x80, v3, vm1, $0xb8;
	[tilespmem:$0x1C000] =	vst v63  }
0xa37: {  	v3 =	vld [tilespmem:$0xB50];
	_ =	sdelay $0x4  }
0xa38: {  	v63 =	vshrl.u32 v3, $0x2  }
0xa39: {  	v4 =	vmul.u32 $0xC, v63  }
0xa3a: {  	v3 =	vand.u32 $0x3, v3  }
0xa3b: {  	v3 =	vor.u32 v3, v4  }
0xa3c: {  	v4 =	vperm.xlane v3, v0;
	_ =	sdelay $0x1  }
0xa3d: {  	v4 =	vadd.s32 v1, v4;
	_ =	sdelay $0x1  }
0xa3e: {  	v3 =	vperm.xlane v3, v2;
	_ =	sdelay $0x1  }
0xa3f: {  	s7 =	simm.s32 $0x11800;
	v3 =	vadd.s32 v1, v3  }
0xa40: {  	[tilespmem:s7], [sflag:$0x2] =	stream.indirect_vreg.gather [hbm4b:s1+s0], $0x80, v4, vm0, $0xb8;
	[tilespmem:$0x1C000] =	vst v63  }
0xa41: {  	s7 =	simm.s32 $0x12000  }
0xa42: {  	[tilespmem:s7], [sflag:$0x2] =	stream.indirect_vreg.gather [hbm4b:s3+s0], $0x80, v4, vm1, $0xb8;
	[tilespmem:$0x1C000] =	vst v63  }
0xa43: {  	s7 =	simm.s32 $0x12400  }
0xa44: {  	[tilespmem:s7], [sflag:$0x2] =	stream.indirect_vreg.gather [hbm4b:s1+s0], $0x80, v3, vm0, $0xb8;
	[tilespmem:$0x1C000] =	vst v63  }
0xa45: {  	s6 =	simm.s32 $0x12C00;
	s7 =	simm.s32 $0x1  }
0xa46: {  	[tilespmem:s6], [sflag:$0x2] =	stream.indirect_vreg.gather [hbm4b:s3+s0], $0x80, v3, vm1, $0xb8;
	[tilespmem:$0x1C000] =	vst v63  }
0xa47: {  	_ =	swait.ge [sflag:s7], $0x9000  }
0xa48: {  	[sflag:s7] =	ssyncset.done $0x0  }
0xa49: {  	s1 =	simm.s32 $0x1000;
	s3 =	sadd.s32 $0x0, s29;
	[sflag:s7] =	ssyncadd.s32 $0xFFFF7000  }
0xa4a: {  	[hbm4b:s3+s4] =	stream.strided.scatter [tilespmem:s1], [sflag:$0x4], $0x400, s25, s4, $0x38;
	[tilespmem:$0x1C000] =	vst v63  }
0xa4b: {  	s6 =	simm.s32 $0x1400;
	s0 =	simm.s32 $0x180;
	s7 =	sadd.s32 $0x40, s3  }
0xa4c: {  	[hbm4b:s7+s4] =	stream.strided.scatter [tilespmem:s6], [sflag:$0x4], $0x400, s25, s4, $0x38;
	[tilespmem:$0x1C000] =	vst v63  }
0xa4d: {  	s1 =	simm.s32 $0x1800;
	s6 =	sadd.s32 $0x80, s3;
	s3 =	simm.s32 $0x1C00  }
.LBB2_44:
0xa4e: {  	[hbm4b:s6+s4] =	stream.strided.scatter [tilespmem:s1], [sflag:$0x4], $0x400, s25, s4, $0x38;
	[tilespmem:$0x1C000] =	vst v63  }
0xa4f: {  	p0 =	sne.s32 s0, $0x1080  }
.Ltmp21:
0xa50: {  	s6 =	sadd.s32 s0, s29;
	(pc) =	sbr.rel @p0 .LBB2_44-.Ltmp21, $4  }
0xa51: {  	[hbm4b:s6+s4] =	stream.strided.scatter [tilespmem:s3], [sflag:$0x4], $0x400, s25, s4, $0x38;
	[tilespmem:$0x1C000] =	vst v63  }
0xa52: {  	s1 =	sadd.s32 $0x400, s3;
	s0 =	sadd.s32 $0x180, s0;
	s7 =	sadd.s32 $0x40, s6  }
0xa53: {  	[hbm4b:s7+s4] =	stream.strided.scatter [tilespmem:s1], [sflag:$0x4], $0x400, s25, s4, $0x38;
	[tilespmem:$0x1C000] =	vst v63  }
0xa54: {  	s6 =	sadd.s32 $0x80, s6;
	s1 =	sadd.s32 $0x800, s3;
	s3 =	sadd.s32 $0xC00, s3  }
0xa55: {  	[hbm4b:s6+s4] =	stream.strided.scatter [tilespmem:s1], [sflag:$0x4], $0x400, s25, s4, $0x38;
	[tilespmem:$0x1C000] =	vst v63  }
0xa56: {  	s0 =	simm.s32 $0x6  }
0xa57: {  	_ =	swait.ge [sflag:s0], $0x9000  }
0xa58: {  	[sflag:s0] =	ssyncset.done $0x0  }
0xa59: {  	[sflag:s0] =	ssyncadd.s32 $0xFFFF7000  }
0xa5a: {  	v3 =	vld [tilespmem:$0xB80];
	_ =	sdelay $0x4  }
0xa5b: {  	v4 =	vshrl.u32 v3, $0x2  }
0xa5c: {  	v4 =	vmul.u32 $0xC, v4  }
0xa5d: {  	v3 =	vand.u32 $0x3, v3  }
0xa5e: {  	v3 =	vor.u32 v3, v4  }
0xa5f: {  	v4 =	vperm.xlane v3, v0;
	_ =	sdelay $0x1  }
0xa60: {  	v4 =	vadd.s32 v1, v4;
	_ =	sdelay $0x1  }
0xa61: {  	v3 =	vperm.xlane v3, v2;
	_ =	sdelay $0x1  }
0xa62: {  	s3 =	simm.s32 $0x13000;
	s0 =	simm.s32 $0x0;
	s1 =	rddreg [dreg:$0x0];
	v3 =	vadd.s32 v1, v3  }
0xa63: {  	[tilespmem:s3], [sflag:$0x3] =	stream.indirect_vreg.gather [hbm4b:s1+s0], $0x80, v4, vm0, $0xb8;
	[tilespmem:$0x1C000] =	vst v63  }
0xa64: {  	s7 =	simm.s32 $0x13800;
	s3 =	rddreg [dreg:$0x5]  }
0xa65: {  	[tilespmem:s7], [sflag:$0x3] =	stream.indirect_vreg.gather [hbm4b:s3+s0], $0x80, v4, vm1, $0xb8;
	[tilespmem:$0x1C000] =	vst v63  }
0xa66: {  	s7 =	simm.s32 $0x13C00  }
0xa67: {  	[tilespmem:s7], [sflag:$0x3] =	stream.indirect_vreg.gather [hbm4b:s1+s0], $0x80, v3, vm0, $0xb8;
	[tilespmem:$0x1C000] =	vst v63  }
0xa68: {  	s7 =	simm.s32 $0x14400  }
0xa69: {  	[tilespmem:s7], [sflag:$0x3] =	stream.indirect_vreg.gather [hbm4b:s3+s0], $0x80, v3, vm1, $0xb8;
	[tilespmem:$0x1C000] =	vst v63  }
0xa6a: {  	v3 =	vld [tilespmem:$0xB90];
	_ =	sdelay $0x4  }
0xa6b: {  	v59 =	vshrl.u32 v3, $0x2  }
0xa6c: {  	v4 =	vmul.u32 $0xC, v59  }
0xa6d: {  	v3 =	vand.u32 $0x3, v3  }
0xa6e: {  	v3 =	vor.u32 v3, v4  }
0xa6f: {  	v4 =	vperm.xlane v3, v0;
	_ =	sdelay $0x1  }
0xa70: {  	v4 =	vadd.s32 v1, v4;
	_ =	sdelay $0x1  }
0xa71: {  	v3 =	vperm.xlane v3, v2;
	_ =	sdelay $0x1  }
0xa72: {  	s7 =	simm.s32 $0x14800;
	v3 =	vadd.s32 v1, v3  }
0xa73: {  	[tilespmem:s7], [sflag:$0x3] =	stream.indirect_vreg.gather [hbm4b:s1+s0], $0x80, v4, vm0, $0xb8;
	[tilespmem:$0x1C000] =	vst v63  }
0xa74: {  	s7 =	simm.s32 $0x15000  }
0xa75: {  	[tilespmem:s7], [sflag:$0x3] =	stream.indirect_vreg.gather [hbm4b:s3+s0], $0x80, v4, vm1, $0xb8;
	[tilespmem:$0x1C000] =	vst v63  }
0xa76: {  	s7 =	simm.s32 $0x15400  }
0xa77: {  	[tilespmem:s7], [sflag:$0x3] =	stream.indirect_vreg.gather [hbm4b:s1+s0], $0x80, v3, vm0, $0xb8;
	[tilespmem:$0x1C000] =	vst v63  }
0xa78: {  	s7 =	simm.s32 $0x15C00  }
0xa79: {  	[tilespmem:s7], [sflag:$0x3] =	stream.indirect_vreg.gather [hbm4b:s3+s0], $0x80, v3, vm1, $0xb8;
	[tilespmem:$0x1C000] =	vst v63  }
0xa7a: {  	v3 =	vld [tilespmem:$0xBA0];
	_ =	sdelay $0x4  }
0xa7b: {  	v60 =	vshrl.u32 v3, $0x2  }
0xa7c: {  	v4 =	vmul.u32 $0xC, v60  }
0xa7d: {  	v3 =	vand.u32 $0x3, v3  }
0xa7e: {  	v3 =	vor.u32 v3, v4  }
0xa7f: {  	v4 =	vperm.xlane v3, v0;
	_ =	sdelay $0x1  }
0xa80: {  	v4 =	vadd.s32 v1, v4;
	_ =	sdelay $0x1  }
0xa81: {  	v3 =	vperm.xlane v3, v2;
	_ =	sdelay $0x1  }
0xa82: {  	s7 =	simm.s32 $0x16000;
	v3 =	vadd.s32 v1, v3  }
0xa83: {  	[tilespmem:s7], [sflag:$0x3] =	stream.indirect_vreg.gather [hbm4b:s1+s0], $0x80, v4, vm0, $0xb8;
	[tilespmem:$0x1C000] =	vst v63  }
0xa84: {  	s7 =	simm.s32 $0x16800  }
0xa85: {  	[tilespmem:s7], [sflag:$0x3] =	stream.indirect_vreg.gather [hbm4b:s3+s0], $0x80, v4, vm1, $0xb8;
	[tilespmem:$0x1C000] =	vst v63  }
0xa86: {  	s7 =	simm.s32 $0x16C00  }
0xa87: {  	[tilespmem:s7], [sflag:$0x3] =	stream.indirect_vreg.gather [hbm4b:s1+s0], $0x80, v3, vm0, $0xb8;
	[tilespmem:$0x1C000] =	vst v63  }
0xa88: {  	s7 =	simm.s32 $0x17400  }
0xa89: {  	[tilespmem:s7], [sflag:$0x3] =	stream.indirect_vreg.gather [hbm4b:s3+s0], $0x80, v3, vm1, $0xb8;
	[tilespmem:$0x1C000] =	vst v63  }
0xa8a: {  	v3 =	vld [tilespmem:$0xBB0];
	_ =	sdelay $0x4  }
0xa8b: {  	v61 =	vshrl.u32 v3, $0x2  }
0xa8c: {  	v4 =	vmul.u32 $0xC, v61  }
0xa8d: {  	v3 =	vand.u32 $0x3, v3  }
0xa8e: {  	v3 =	vor.u32 v3, v4  }
0xa8f: {  	v4 =	vperm.xlane v3, v0;
	_ =	sdelay $0x1  }
0xa90: {  	v4 =	vadd.s32 v1, v4;
	_ =	sdelay $0x1  }
0xa91: {  	v3 =	vperm.xlane v3, v2;
	_ =	sdelay $0x1  }
0xa92: {  	s7 =	simm.s32 $0x17800;
	v3 =	vadd.s32 v1, v3  }
0xa93: {  	[tilespmem:s7], [sflag:$0x3] =	stream.indirect_vreg.gather [hbm4b:s1+s0], $0x80, v4, vm0, $0xb8;
	[tilespmem:$0x1C000] =	vst v63  }
0xa94: {  	s7 =	simm.s32 $0x18000  }
0xa95: {  	[tilespmem:s7], [sflag:$0x3] =	stream.indirect_vreg.gather [hbm4b:s3+s0], $0x80, v4, vm1, $0xb8;
	[tilespmem:$0x1C000] =	vst v63  }
0xa96: {  	s7 =	simm.s32 $0x18400  }
0xa97: {  	[tilespmem:s7], [sflag:$0x3] =	stream.indirect_vreg.gather [hbm4b:s1+s0], $0x80, v3, vm0, $0xb8;
	[tilespmem:$0x1C000] =	vst v63  }
0xa98: {  	s7 =	simm.s32 $0x18C00  }
0xa99: {  	[tilespmem:s7], [sflag:$0x3] =	stream.indirect_vreg.gather [hbm4b:s3+s0], $0x80, v3, vm1, $0xb8;
	[tilespmem:$0x1C000] =	vst v63  }
0xa9a: {  	v3 =	vld [tilespmem:$0xBC0];
	_ =	sdelay $0x4  }
0xa9b: {  	v62 =	vshrl.u32 v3, $0x2  }
0xa9c: {  	v4 =	vmul.u32 $0xC, v62  }
0xa9d: {  	v3 =	vand.u32 $0x3, v3  }
0xa9e: {  	v3 =	vor.u32 v3, v4  }
0xa9f: {  	v4 =	vperm.xlane v3, v0;
	_ =	sdelay $0x1  }
0xaa0: {  	v4 =	vadd.s32 v1, v4;
	_ =	sdelay $0x1  }
0xaa1: {  	v3 =	vperm.xlane v3, v2;
	_ =	sdelay $0x1  }
0xaa2: {  	s7 =	simm.s32 $0x19000;
	v3 =	vadd.s32 v1, v3  }
0xaa3: {  	[tilespmem:s7], [sflag:$0x3] =	stream.indirect_vreg.gather [hbm4b:s1+s0], $0x80, v4, vm0, $0xb8;
	[tilespmem:$0x1C000] =	vst v63  }
0xaa4: {  	s7 =	simm.s32 $0x19800  }
0xaa5: {  	[tilespmem:s7], [sflag:$0x3] =	stream.indirect_vreg.gather [hbm4b:s3+s0], $0x80, v4, vm1, $0xb8;
	[tilespmem:$0x1C000] =	vst v63  }
0xaa6: {  	s7 =	simm.s32 $0x19C00  }
0xaa7: {  	[tilespmem:s7], [sflag:$0x3] =	stream.indirect_vreg.gather [hbm4b:s1+s0], $0x80, v3, vm0, $0xb8;
	[tilespmem:$0x1C000] =	vst v63  }
0xaa8: {  	s7 =	simm.s32 $0x1A400  }
0xaa9: {  	[tilespmem:s7], [sflag:$0x3] =	stream.indirect_vreg.gather [hbm4b:s3+s0], $0x80, v3, vm1, $0xb8;
	[tilespmem:$0x1C000] =	vst v63  }
0xaaa: {  	v3 =	vld [tilespmem:$0xBD0];
	_ =	sdelay $0x4  }
0xaab: {  	v63 =	vshrl.u32 v3, $0x2  }
0xaac: {  	v4 =	vmul.u32 $0xC, v63  }
0xaad: {  	v3 =	vand.u32 $0x3, v3  }
0xaae: {  	v3 =	vor.u32 v3, v4  }
0xaaf: {  	v4 =	vperm.xlane v3, v0;
	_ =	sdelay $0x1  }
0xab0: {  	v4 =	vadd.s32 v1, v4;
	_ =	sdelay $0x1  }
0xab1: {  	v3 =	vperm.xlane v3, v2;
	_ =	sdelay $0x1  }
0xab2: {  	s7 =	simm.s32 $0x1A800;
	v3 =	vadd.s32 v1, v3  }
0xab3: {  	[tilespmem:s7], [sflag:$0x3] =	stream.indirect_vreg.gather [hbm4b:s1+s0], $0x80, v4, vm0, $0xb8;
	[tilespmem:$0x1C000] =	vst v63  }
0xab4: {  	s7 =	simm.s32 $0x1B000  }
0xab5: {  	[tilespmem:s7], [sflag:$0x3] =	stream.indirect_vreg.gather [hbm4b:s3+s0], $0x80, v4, vm1, $0xb8;
	[tilespmem:$0x1C000] =	vst v63  }
0xab6: {  	s7 =	simm.s32 $0x1B400  }
0xab7: {  	[tilespmem:s7], [sflag:$0x3] =	stream.indirect_vreg.gather [hbm4b:s1+s0], $0x80, v3, vm0, $0xb8;
	[tilespmem:$0x1C000] =	vst v63  }
0xab8: {  	s6 =	simm.s32 $0x1BC00;
	s7 =	simm.s32 $0x2  }
0xab9: {  	[tilespmem:s6], [sflag:$0x3] =	stream.indirect_vreg.gather [hbm4b:s3+s0], $0x80, v3, vm1, $0xb8;
	[tilespmem:$0x1C000] =	vst v63  }
0xaba: {  	_ =	swait.ge [sflag:s7], $0x9000  }
0xabb: {  	[sflag:s7] =	ssyncset.done $0x0  }
0xabc: {  	s1 =	simm.s32 $0xA000;
	s3 =	sadd.s32 $0x0, s30;
	[sflag:s7] =	ssyncadd.s32 $0xFFFF7000  }
0xabd: {  	[hbm4b:s3+s4] =	stream.strided.scatter [tilespmem:s1], [sflag:$0x5], $0x400, s25, s4, $0x38;
	[tilespmem:$0x1C000] =	vst v63  }
0xabe: {  	s6 =	simm.s32 $0xA400;
	s0 =	simm.s32 $0x180;
	s7 =	sadd.s32 $0x40, s3  }
0xabf: {  	[hbm4b:s7+s4] =	stream.strided.scatter [tilespmem:s6], [sflag:$0x5], $0x400, s25, s4, $0x38;
	[tilespmem:$0x1C000] =	vst v63  }
0xac0: {  	s1 =	simm.s32 $0xA800;
	s6 =	sadd.s32 $0x80, s3;
	s3 =	simm.s32 $0xAC00  }
.LBB2_46:
0xac1: {  	[hbm4b:s6+s4] =	stream.strided.scatter [tilespmem:s1], [sflag:$0x5], $0x400, s25, s4, $0x38;
	[tilespmem:$0x1C000] =	vst v63  }
0xac2: {  	p0 =	sne.s32 s0, $0x1080  }
.Ltmp22:
0xac3: {  	s6 =	sadd.s32 s0, s30;
	(pc) =	sbr.rel @p0 .LBB2_46-.Ltmp22, $4  }
0xac4: {  	[hbm4b:s6+s4] =	stream.strided.scatter [tilespmem:s3], [sflag:$0x5], $0x400, s25, s4, $0x38;
	[tilespmem:$0x1C000] =	vst v63  }
0xac5: {  	s1 =	sadd.s32 $0x400, s3;
	s0 =	sadd.s32 $0x180, s0;
	s7 =	sadd.s32 $0x40, s6  }
0xac6: {  	[hbm4b:s7+s4] =	stream.strided.scatter [tilespmem:s1], [sflag:$0x5], $0x400, s25, s4, $0x38;
	[tilespmem:$0x1C000] =	vst v63  }
0xac7: {  	s6 =	sadd.s32 $0x80, s6;
	s1 =	sadd.s32 $0x800, s3;
	s3 =	sadd.s32 $0xC00, s3  }
0xac8: {  	[hbm4b:s6+s4] =	stream.strided.scatter [tilespmem:s1], [sflag:$0x5], $0x400, s25, s4, $0x38;
	[tilespmem:$0x1C000] =	vst v63  }
0xac9: {  	s0 =	simm.s32 $0x4  }
0xaca: {  	_ =	swait.ge [sflag:s0], $0x9000  }
0xacb: {  	[sflag:s0] =	ssyncset.done $0x0  }
0xacc: {  	[sflag:s0] =	ssyncadd.s32 $0xFFFF7000  }
0xacd: {  	v3 =	vld [tilespmem:$0xC00];
	_ =	sdelay $0x4  }
0xace: {  	v4 =	vshrl.u32 v3, $0x2  }
0xacf: {  	v4 =	vmul.u32 $0xC, v4  }
0xad0: {  	v3 =	vand.u32 $0x3, v3  }
0xad1: {  	v3 =	vor.u32 v3, v4  }
0xad2: {  	v4 =	vperm.xlane v3, v0;
	_ =	sdelay $0x1  }
0xad3: {  	v4 =	vadd.s32 v1, v4;
	_ =	sdelay $0x1  }
0xad4: {  	v3 =	vperm.xlane v3, v2;
	_ =	sdelay $0x1  }
0xad5: {  	s3 =	simm.s32 $0x1000;
	s0 =	simm.s32 $0x0;
	s1 =	rddreg [dreg:$0x0];
	v3 =	vadd.s32 v1, v3  }
0xad6: {  	[tilespmem:s3], [sflag:$0x1] =	stream.indirect_vreg.gather [hbm4b:s1+s0], $0x80, v4, vm0, $0xb8;
	[tilespmem:$0x1C000] =	vst v63  }
0xad7: {  	s7 =	simm.s32 $0x1800;
	s3 =	rddreg [dreg:$0x5]  }
0xad8: {  	[tilespmem:s7], [sflag:$0x1] =	stream.indirect_vreg.gather [hbm4b:s3+s0], $0x80, v4, vm1, $0xb8;
	[tilespmem:$0x1C000] =	vst v63  }
0xad9: {  	s7 =	simm.s32 $0x1C00  }
0xada: {  	[tilespmem:s7], [sflag:$0x1] =	stream.indirect_vreg.gather [hbm4b:s1+s0], $0x80, v3, vm0, $0xb8;
	[tilespmem:$0x1C000] =	vst v63  }
0xadb: {  	s7 =	simm.s32 $0x2400  }
0xadc: {  	[tilespmem:s7], [sflag:$0x1] =	stream.indirect_vreg.gather [hbm4b:s3+s0], $0x80, v3, vm1, $0xb8;
	[tilespmem:$0x1C000] =	vst v63  }
0xadd: {  	v3 =	vld [tilespmem:$0xC10];
	_ =	sdelay $0x4  }
0xade: {  	v59 =	vshrl.u32 v3, $0x2  }
0xadf: {  	v4 =	vmul.u32 $0xC, v59  }
0xae0: {  	v3 =	vand.u32 $0x3, v3  }
0xae1: {  	v3 =	vor.u32 v3, v4  }
0xae2: {  	v4 =	vperm.xlane v3, v0;
	_ =	sdelay $0x1  }
0xae3: {  	v4 =	vadd.s32 v1, v4;
	_ =	sdelay $0x1  }
0xae4: {  	v3 =	vperm.xlane v3, v2;
	_ =	sdelay $0x1  }
0xae5: {  	s7 =	simm.s32 $0x2800;
	v3 =	vadd.s32 v1, v3  }
0xae6: {  	[tilespmem:s7], [sflag:$0x1] =	stream.indirect_vreg.gather [hbm4b:s1+s0], $0x80, v4, vm0, $0xb8;
	[tilespmem:$0x1C000] =	vst v63  }
0xae7: {  	s7 =	simm.s32 $0x3000  }
0xae8: {  	[tilespmem:s7], [sflag:$0x1] =	stream.indirect_vreg.gather [hbm4b:s3+s0], $0x80, v4, vm1, $0xb8;
	[tilespmem:$0x1C000] =	vst v63  }
0xae9: {  	s7 =	simm.s32 $0x3400  }
0xaea: {  	[tilespmem:s7], [sflag:$0x1] =	stream.indirect_vreg.gather [hbm4b:s1+s0], $0x80, v3, vm0, $0xb8;
	[tilespmem:$0x1C000] =	vst v63  }
0xaeb: {  	s7 =	simm.s32 $0x3C00  }
0xaec: {  	[tilespmem:s7], [sflag:$0x1] =	stream.indirect_vreg.gather [hbm4b:s3+s0], $0x80, v3, vm1, $0xb8;
	[tilespmem:$0x1C000] =	vst v63  }
0xaed: {  	v3 =	vld [tilespmem:$0xC20];
	_ =	sdelay $0x4  }
0xaee: {  	v60 =	vshrl.u32 v3, $0x2  }
0xaef: {  	v4 =	vmul.u32 $0xC, v60  }
0xaf0: {  	v3 =	vand.u32 $0x3, v3  }
0xaf1: {  	v3 =	vor.u32 v3, v4  }
0xaf2: {  	v4 =	vperm.xlane v3, v0;
	_ =	sdelay $0x1  }
0xaf3: {  	v4 =	vadd.s32 v1, v4;
	_ =	sdelay $0x1  }
0xaf4: {  	v3 =	vperm.xlane v3, v2;
	_ =	sdelay $0x1  }
0xaf5: {  	s7 =	simm.s32 $0x4000;
	v3 =	vadd.s32 v1, v3  }
0xaf6: {  	[tilespmem:s7], [sflag:$0x1] =	stream.indirect_vreg.gather [hbm4b:s1+s0], $0x80, v4, vm0, $0xb8;
	[tilespmem:$0x1C000] =	vst v63  }
0xaf7: {  	s7 =	simm.s32 $0x4800  }
0xaf8: {  	[tilespmem:s7], [sflag:$0x1] =	stream.indirect_vreg.gather [hbm4b:s3+s0], $0x80, v4, vm1, $0xb8;
	[tilespmem:$0x1C000] =	vst v63  }
0xaf9: {  	s7 =	simm.s32 $0x4C00  }
0xafa: {  	[tilespmem:s7], [sflag:$0x1] =	stream.indirect_vreg.gather [hbm4b:s1+s0], $0x80, v3, vm0, $0xb8;
	[tilespmem:$0x1C000] =	vst v63  }
0xafb: {  	s7 =	simm.s32 $0x5400  }
0xafc: {  	[tilespmem:s7], [sflag:$0x1] =	stream.indirect_vreg.gather [hbm4b:s3+s0], $0x80, v3, vm1, $0xb8;
	[tilespmem:$0x1C000] =	vst v63  }
0xafd: {  	v3 =	vld [tilespmem:$0xC30];
	_ =	sdelay $0x4  }
0xafe: {  	v61 =	vshrl.u32 v3, $0x2  }
0xaff: {  	v4 =	vmul.u32 $0xC, v61  }
0xb00: {  	v3 =	vand.u32 $0x3, v3  }
0xb01: {  	v3 =	vor.u32 v3, v4  }
0xb02: {  	v4 =	vperm.xlane v3, v0;
	_ =	sdelay $0x1  }
0xb03: {  	v4 =	vadd.s32 v1, v4;
	_ =	sdelay $0x1  }
0xb04: {  	v3 =	vperm.xlane v3, v2;
	_ =	sdelay $0x1  }
0xb05: {  	s7 =	simm.s32 $0x5800;
	v3 =	vadd.s32 v1, v3  }
0xb06: {  	[tilespmem:s7], [sflag:$0x1] =	stream.indirect_vreg.gather [hbm4b:s1+s0], $0x80, v4, vm0, $0xb8;
	[tilespmem:$0x1C000] =	vst v63  }
0xb07: {  	s7 =	simm.s32 $0x6000  }
0xb08: {  	[tilespmem:s7], [sflag:$0x1] =	stream.indirect_vreg.gather [hbm4b:s3+s0], $0x80, v4, vm1, $0xb8;
	[tilespmem:$0x1C000] =	vst v63  }
0xb09: {  	s7 =	simm.s32 $0x6400  }
0xb0a: {  	[tilespmem:s7], [sflag:$0x1] =	stream.indirect_vreg.gather [hbm4b:s1+s0], $0x80, v3, vm0, $0xb8;
	[tilespmem:$0x1C000] =	vst v63  }
0xb0b: {  	s7 =	simm.s32 $0x6C00  }
0xb0c: {  	[tilespmem:s7], [sflag:$0x1] =	stream.indirect_vreg.gather [hbm4b:s3+s0], $0x80, v3, vm1, $0xb8;
	[tilespmem:$0x1C000] =	vst v63  }
0xb0d: {  	v3 =	vld [tilespmem:$0xC40];
	_ =	sdelay $0x4  }
0xb0e: {  	v62 =	vshrl.u32 v3, $0x2  }
0xb0f: {  	v4 =	vmul.u32 $0xC, v62  }
0xb10: {  	v3 =	vand.u32 $0x3, v3  }
0xb11: {  	v3 =	vor.u32 v3, v4  }
0xb12: {  	v4 =	vperm.xlane v3, v0;
	_ =	sdelay $0x1  }
0xb13: {  	v4 =	vadd.s32 v1, v4;
	_ =	sdelay $0x1  }
0xb14: {  	v3 =	vperm.xlane v3, v2;
	_ =	sdelay $0x1  }
0xb15: {  	s7 =	simm.s32 $0x7000;
	v3 =	vadd.s32 v1, v3  }
0xb16: {  	[tilespmem:s7], [sflag:$0x1] =	stream.indirect_vreg.gather [hbm4b:s1+s0], $0x80, v4, vm0, $0xb8;
	[tilespmem:$0x1C000] =	vst v63  }
0xb17: {  	s7 =	simm.s32 $0x7800  }
0xb18: {  	[tilespmem:s7], [sflag:$0x1] =	stream.indirect_vreg.gather [hbm4b:s3+s0], $0x80, v4, vm1, $0xb8;
	[tilespmem:$0x1C000] =	vst v63  }
0xb19: {  	s7 =	simm.s32 $0x7C00  }
0xb1a: {  	[tilespmem:s7], [sflag:$0x1] =	stream.indirect_vreg.gather [hbm4b:s1+s0], $0x80, v3, vm0, $0xb8;
	[tilespmem:$0x1C000] =	vst v63  }
0xb1b: {  	s7 =	simm.s32 $0x8400  }
0xb1c: {  	[tilespmem:s7], [sflag:$0x1] =	stream.indirect_vreg.gather [hbm4b:s3+s0], $0x80, v3, vm1, $0xb8;
	[tilespmem:$0x1C000] =	vst v63  }
0xb1d: {  	v3 =	vld [tilespmem:$0xC50];
	_ =	sdelay $0x4  }
0xb1e: {  	v63 =	vshrl.u32 v3, $0x2  }
0xb1f: {  	v4 =	vmul.u32 $0xC, v63  }
0xb20: {  	v3 =	vand.u32 $0x3, v3  }
0xb21: {  	v3 =	vor.u32 v3, v4  }
0xb22: {  	v4 =	vperm.xlane v3, v0;
	_ =	sdelay $0x1  }
0xb23: {  	v4 =	vadd.s32 v1, v4;
	_ =	sdelay $0x1  }
0xb24: {  	v3 =	vperm.xlane v3, v2;
	_ =	sdelay $0x1  }
0xb25: {  	s7 =	simm.s32 $0x8800;
	v3 =	vadd.s32 v1, v3  }
0xb26: {  	[tilespmem:s7], [sflag:$0x1] =	stream.indirect_vreg.gather [hbm4b:s1+s0], $0x80, v4, vm0, $0xb8;
	[tilespmem:$0x1C000] =	vst v63  }
0xb27: {  	s7 =	simm.s32 $0x9000  }
0xb28: {  	[tilespmem:s7], [sflag:$0x1] =	stream.indirect_vreg.gather [hbm4b:s3+s0], $0x80, v4, vm1, $0xb8;
	[tilespmem:$0x1C000] =	vst v63  }
0xb29: {  	s7 =	simm.s32 $0x9400  }
0xb2a: {  	[tilespmem:s7], [sflag:$0x1] =	stream.indirect_vreg.gather [hbm4b:s1+s0], $0x80, v3, vm0, $0xb8;
	[tilespmem:$0x1C000] =	vst v63  }
0xb2b: {  	s6 =	simm.s32 $0x9C00;
	s7 =	simm.s32 $0x3  }
0xb2c: {  	[tilespmem:s6], [sflag:$0x1] =	stream.indirect_vreg.gather [hbm4b:s3+s0], $0x80, v3, vm1, $0xb8;
	[tilespmem:$0x1C000] =	vst v63  }
0xb2d: {  	_ =	swait.ge [sflag:s7], $0x9000  }
0xb2e: {  	[sflag:s7] =	ssyncset.done $0x0  }
0xb2f: {  	s1 =	simm.s32 $0x13000;
	s3 =	sadd.s32 $0x0, s31;
	[sflag:s7] =	ssyncadd.s32 $0xFFFF7000  }
0xb30: {  	[hbm4b:s3+s4] =	stream.strided.scatter [tilespmem:s1], [sflag:$0x6], $0x400, s25, s4, $0x38;
	[tilespmem:$0x1C000] =	vst v63  }
0xb31: {  	s6 =	simm.s32 $0x13400;
	s0 =	simm.s32 $0x180;
	s7 =	sadd.s32 $0x40, s3  }
0xb32: {  	[hbm4b:s7+s4] =	stream.strided.scatter [tilespmem:s6], [sflag:$0x6], $0x400, s25, s4, $0x38;
	[tilespmem:$0x1C000] =	vst v63  }
0xb33: {  	s1 =	simm.s32 $0x13800;
	s6 =	sadd.s32 $0x80, s3;
	s3 =	simm.s32 $0x13C00  }
.LBB2_48:
0xb34: {  	[hbm4b:s6+s4] =	stream.strided.scatter [tilespmem:s1], [sflag:$0x6], $0x400, s25, s4, $0x38;
	[tilespmem:$0x1C000] =	vst v63  }
0xb35: {  	p0 =	sne.s32 s0, $0x1080  }
.Ltmp23:
0xb36: {  	s6 =	sadd.s32 s0, s31;
	(pc) =	sbr.rel @p0 .LBB2_48-.Ltmp23, $4  }
0xb37: {  	[hbm4b:s6+s4] =	stream.strided.scatter [tilespmem:s3], [sflag:$0x6], $0x400, s25, s4, $0x38;
	[tilespmem:$0x1C000] =	vst v63  }
0xb38: {  	s1 =	sadd.s32 $0x400, s3;
	s0 =	sadd.s32 $0x180, s0;
	s7 =	sadd.s32 $0x40, s6  }
0xb39: {  	[hbm4b:s7+s4] =	stream.strided.scatter [tilespmem:s1], [sflag:$0x6], $0x400, s25, s4, $0x38;
	[tilespmem:$0x1C000] =	vst v63  }
0xb3a: {  	s6 =	sadd.s32 $0x80, s6;
	s1 =	sadd.s32 $0x800, s3;
	s3 =	sadd.s32 $0xC00, s3  }
0xb3b: {  	[hbm4b:s6+s4] =	stream.strided.scatter [tilespmem:s1], [sflag:$0x6], $0x400, s25, s4, $0x38;
	[tilespmem:$0x1C000] =	vst v63  }
0xb3c: {  	s0 =	simm.s32 $0x1  }
0xb3d: {  	_ =	swait.ge [sflag:s0], $0x9000  }
0xb3e: {  	[sflag:s0] =	ssyncset.done $0x0  }
0xb3f: {  	s1 =	simm.s32 $0x1000;
	s3 =	sadd.s32 $0x0, s2;
	[sflag:s0] =	ssyncadd.s32 $0xFFFF7000  }
0xb40: {  	[hbm4b:s3+s4] =	stream.strided.scatter [tilespmem:s1], [sflag:$0x4], $0x400, s25, s4, $0x38;
	[tilespmem:$0x1C000] =	vst v63  }
0xb41: {  	s6 =	simm.s32 $0x1400;
	s7 =	sadd.s32 $0x40, s3;
	s0 =	simm.s32 $0x180  }
0xb42: {  	[hbm4b:s7+s4] =	stream.strided.scatter [tilespmem:s6], [sflag:$0x4], $0x400, s25, s4, $0x38;
	[tilespmem:$0x1C000] =	vst v63  }
0xb43: {  	s1 =	simm.s32 $0x1800;
	s6 =	sadd.s32 $0x80, s3;
	s3 =	simm.s32 $0x1C00  }
.LBB2_50:
0xb44: {  	[hbm4b:s6+s4] =	stream.strided.scatter [tilespmem:s1], [sflag:$0x4], $0x400, s25, s4, $0x38;
	[tilespmem:$0x1C000] =	vst v63  }
0xb45: {  	p0 =	sne.s32 s0, $0x1080  }
.Ltmp24:
0xb46: {  	s6 =	sadd.s32 s0, s2;
	(pc) =	sbr.rel @p0 .LBB2_50-.Ltmp24, $4  }
0xb47: {  	[hbm4b:s6+s4] =	stream.strided.scatter [tilespmem:s3], [sflag:$0x4], $0x400, s25, s4, $0x38;
	[tilespmem:$0x1C000] =	vst v63  }
0xb48: {  	s1 =	sadd.s32 $0x400, s3;
	s0 =	sadd.s32 $0x180, s0;
	s7 =	sadd.s32 $0x40, s6  }
0xb49: {  	[hbm4b:s7+s4] =	stream.strided.scatter [tilespmem:s1], [sflag:$0x4], $0x400, s25, s4, $0x38;
	[tilespmem:$0x1C000] =	vst v63  }
0xb4a: {  	s6 =	sadd.s32 $0x80, s6;
	s1 =	sadd.s32 $0x800, s3;
	s3 =	sadd.s32 $0xC00, s3  }
0xb4b: {  	[hbm4b:s6+s4] =	stream.strided.scatter [tilespmem:s1], [sflag:$0x4], $0x400, s25, s4, $0x38;
	[tilespmem:$0x1C000] =	vst v63  }
0xb4c: {  	s0 =	simm.s32 $0x5  }
0xb4d: {  	_ =	swait.ge [sflag:s0], $0x9000  }
0xb4e: {  	[sflag:s0] =	ssyncset.done $0x0  }
0xb4f: {  	s3 =	simm.s32 $0x6;
	[sflag:s0] =	ssyncadd.s32 $0xFFFF7000  }
0xb50: {  	_ =	swait.ge [sflag:s3], $0x9000  }
0xb51: {  	[sflag:s3] =	ssyncset.done $0x0  }
0xb52: {  	s6 =	simm.s32 $0x4;
	[sflag:s3] =	ssyncadd.s32 $0xFFFF7000  }
0xb53: {  	_ =	swait.ge [sflag:s6], $0x9000  }
0xb54: {  	s3 =	rddreg [dreg:$0x9]  }
0xb55: {  	s7 =	rddreg [dreg:$0x8];
	s3 =	sadd.s32 $0x1, s3  }
0xb56: {  	p0 =	sne.s32 s3, s7  }
.Ltmp25:
0xb57: {  	_ = 	snop;
	(pc) =	sbr.rel @p0 .LBB2_1-.Ltmp25, $3  }
0xb58: {  	_ =	sdelay $0x1  }
0xb59: {  	[sflag:s6] =	ssyncset.done $0x0  }
0xb5a: {  	[sflag:s6] =	ssyncadd.s32 $0xFFFF7000  }
0xb5b: {  	_ =	sfence.sel $0x180000  }
0xb5c: {  	[bflag:$0x0] =	sbarrier.arrive $0xFFFF  }
0xb5d: {  	_ =	strace $0x90000047  }
0xb5e: {  	s0 =	stileid.u32;
	[bflag:$0x2] =	sbarrier.arrive $0xFFFF  }
0xb5f: {  	p0 =	sne.s32 s0, $0x0;
	s0 =	rddreg [dreg:$0x3]  }
0xb60: {  	s0 =	sadd.s32 @!p0 $0x100000, s0  }
0xb61: {  	[sflag:s0] =	ssyncadd.tile.s32 @!p0 $0x1;
	_ =	shalt  }
.Lfunc_end2:
_tile_overlayer_lowered:
.L_overlay_start_2:
0xb62: {  	(tag) =	ssettag $0x2  }
0xb63: {  	s0 =	rddreg [dreg:$0x0];
	s2 =	stileid.u32  }
0xb64: {  	s1 =	rddreg [dreg:$0x1];
	p0 =	sne.s32 s2, $0x0  }
0xb65: {  	s3 =	rddreg [dreg:$0x2];
	[bflag:$0x3] =	sbarrier.arrive $0xFFFF;
	s2 =	simm.s32 @!p0 $0x1C07  }
0xb66: {  	[timem:s3], [sflag:s2] =	dma.local @!p0 [hbm:s0], s1  }
0xb67: {  	s0 =	simm.s32 @!p0 $0x7  }
0xb68: {  	_ =	swait.ge @!p0 [sflag:s0], s1  }
0xb69: {  	s1 =	ssub.s32 @!p0 $0x0, s1;
	[sflag:s0] =	ssyncset.done @!p0 $0x0  }
0xb6a: {  	[sflag:s0] =	ssyncadd.s32 @!p0 s1  }
0xb6b: {  	[bflag:$0x3] =	sbarrier.arrive $0xFFFF  }
0xb6c: {  	_ =	shalt  }

</sc_bundles>
